<compile_context>
chip_gen: v7x
topology: tpu7x:2x2x1
jax: 0.10.2.dev20260603
libtpu: 0.0.44.dev20260713+nightly
codegen_flags: <defaults>
</compile_context>

<pallas_src>
import functools

import jax
import jax.numpy as jnp
from jax import lax
from jax.experimental import pallas as pl
from jax.experimental.pallas import tpu as pltpu
from jax.experimental.pallas import tpu_sc as plsc

D_MODEL = 1024
CAP = 64
BATCH = 4096
BMA = 512
NBA = BATCH // BMA
BM = 256
NB = BATCH // BM
SB = 512
NSB = BATCH // SB
L = 16
NV = CAP // L

NEG = float(jnp.finfo(jnp.float32).min)
HIGHEST = jax.lax.Precision.HIGHEST


def _imp_kernel(x_ref, wimp_ref, bimp_ref, p_ref):
    z = jax.lax.dot_general(wimp_ref[...], x_ref[...], (((1,), (1,)), ((), ())),
                            preferred_element_type=jnp.float32,
                            precision=HIGHEST)
    p = jax.nn.sigmoid(z + bimp_ref[0, 0])
    p_ref[...] = p.reshape(1, 1, BMA)


def _stage_p(x, W_imp, b_imp, interpret=False):
    return pl.pallas_call(
        _imp_kernel,
        grid=(NBA,),
        in_specs=[
            pl.BlockSpec((BMA, D_MODEL), lambda b: (b, 0)),
            pl.BlockSpec((1, D_MODEL), lambda b: (0, 0)),
            pl.BlockSpec(memory_space=pltpu.SMEM),
        ],
        out_specs=pl.BlockSpec((1, 1, BMA), lambda b: (b, 0, 0)),
        out_shape=jax.ShapeDtypeStruct((NBA, 1, BMA), jnp.float32),
        interpret=interpret,
    )(x, W_imp, b_imp.reshape(1, 1))


def _up_kernel(x_ref, wup_ref, bup_ref, u_ref):
    u = jax.lax.dot_general(x_ref[...], wup_ref[...], (((1,), (1,)), ((), ())),
                            preferred_element_type=jnp.float32,
                            precision=HIGHEST)
    u_ref[...] = u + bup_ref[...]


def _stage_u(x, W_up, b_up, interpret=False):
    return pl.pallas_call(
        _up_kernel,
        grid=(NBA,),
        in_specs=[
            pl.BlockSpec((BMA, D_MODEL), lambda b: (b, 0)),
            pl.BlockSpec((D_MODEL, D_MODEL), lambda b: (0, 0)),
            pl.BlockSpec((1, D_MODEL), lambda b: (0, 0)),
        ],
        out_specs=pl.BlockSpec((BMA, D_MODEL), lambda b: (b, 0)),
        out_shape=jax.ShapeDtypeStruct((BATCH, D_MODEL), jnp.float32),
        interpret=interpret,
    )(x, W_up, b_up.reshape(1, D_MODEL))



def _sc_recurrence(P):
    mesh = plsc.VectorSubcoreMesh(core_axis_name="c", subcore_axis_name="s")

    @functools.partial(
        pl.kernel,
        mesh=mesh,
        out_type=[
            jax.ShapeDtypeStruct((BATCH * CAP,), jnp.float32),
            jax.ShapeDtypeStruct((BATCH * CAP,), jnp.float32),
        ],
        scratch_types=[
            pltpu.VMEM((BATCH,), jnp.float32),
            pltpu.VMEM((SB * CAP,), jnp.float32),
            pltpu.VMEM((SB * CAP,), jnp.float32),
        ],
    )
    def run(p_hbm, imp_hbm, lw_hbm, p_v, impbuf, lwbuf):
        cid = lax.axis_index("c")
        sid = lax.axis_index("s")

        def gath(x, idx):
            return lax.gather(
                x, idx.reshape(L, 1),
                lax.GatherDimensionNumbers(
                    offset_dims=(), collapsed_slice_dims=(0,),
                    start_index_map=(0,)),
                slice_sizes=(1,),
                mode=lax.GatherScatterMode.PROMISE_IN_BOUNDS)

        def lane_min_splat(x):
            iota = lax.broadcasted_iota(jnp.int32, (L,), 0)
            for k in range(4):
                x = jnp.minimum(x, gath(x, iota ^ (1 << k)))
            return x

        @pl.when(jnp.logical_and(cid == 0, sid == 0))
        def _():
            pltpu.sync_copy(p_hbm, p_v)
            lanes = [
                lax.broadcasted_iota(jnp.int32, (L,), 0) + L * k
                for k in range(NV)
            ]
            zero = jnp.zeros((L,), jnp.float32)

            def step_in_chunk(bk, i, carry):
                imp = carry[0:NV]
                ages = carry[NV:2 * NV]
                lw = carry[2 * NV:3 * NV]
                t = bk * SB + i
                t_f = t.astype(jnp.float32)
                cb = (t // L) * L
                chunk = p_v[pl.ds(cb, L)]
                p_s = lax.gather(
                    chunk,
                    jnp.full((L, 1), t - cb, jnp.int32),
                    lax.GatherDimensionNumbers(
                        offset_dims=(),
                        collapsed_slice_dims=(0,),
                        start_index_map=(0,)),
                    slice_sizes=(1,),
                    mode=lax.GatherScatterMode.PROMISE_IN_BOUNDS)
                m = jnp.minimum(jnp.minimum(imp[0], imp[1]),
                                jnp.minimum(imp[2], imp[3]))
                m_s = lane_min_splat(m)
                cand = [jnp.where(imp[k] == m_s, lanes[k], CAP)
                        for k in range(NV)]
                c = jnp.minimum(jnp.minimum(cand[0], cand[1]),
                                jnp.minimum(cand[2], cand[3]))
                idx_s = lane_min_splat(c)
                one_i = jnp.ones((L,), jnp.int32)
                zero_i = jnp.zeros((L,), jnp.int32)
                should_i = jnp.maximum(
                    jnp.where(p_s > 0.1, one_i, zero_i),
                    jnp.where(m_s <= 0.0, one_i, zero_i))
                newimp = jnp.maximum(p_s, 0.1)
                out = []
                base = i * CAP
                for k in range(NV):
                    sel_i = jnp.where(lanes[k] == idx_s,
                                      one_i, zero_i) * should_i
                    ik = jnp.where(sel_i == 1, newimp, imp[k])
                    ak = jnp.where(sel_i >= 1, zero, ages[k]) + 1.0
                    ik = jnp.where(ak > 50.0, ik * 0.9, ik)
                    wk = jnp.where(sel_i > 0, jnp.full((L,), t_f), lw[k])
                    impbuf[pl.ds(base + L * k, L)] = ik
                    lwbuf[pl.ds(base + L * k, L)] = wk
                    out.append((ik, ak, wk))
                return tuple([o[0] for o in out] + [o[1] for o in out]
                             + [o[2] for o in out])

            carry = tuple([jnp.zeros((L,), jnp.float32)] * (2 * NV)
                          + [jnp.full((L,), -1.0)] * NV)
            for bk in range(NSB):
                carry = lax.fori_loop(
                    0, SB, functools.partial(step_in_chunk, bk), carry)
                pltpu.sync_copy(
                    impbuf, imp_hbm.at[pl.ds(bk * SB * CAP, SB * CAP)])
                pltpu.sync_copy(
                    lwbuf, lw_hbm.at[pl.ds(bk * SB * CAP, SB * CAP)])

    impf, lwf = run(P)
    return impf.reshape(BATCH, CAP), lwf.reshape(BATCH, CAP)



def _combine_kernel(imp_ref, lw_ref, u_ref, out_ref, slots_ref):
    b = pl.program_id(0)
    t0 = b * BM

    @pl.when(b == 0)
    def _init():
        slots_ref[...] = jnp.zeros((CAP, D_MODEL), jnp.float32)

    IMP = imp_ref[...]
    LW = lw_ref[...]
    occ = LW >= 0.0
    logits = jnp.where(occ, IMP, NEG)
    mx = jnp.max(logits, axis=1, keepdims=True)
    e = jnp.exp(logits - mx)
    w = e / jnp.sum(e, axis=1, keepdims=True)

    LWi = LW.astype(jnp.int32)
    in_blk = LWi >= t0
    M1 = jnp.where(in_blk, 0.0, w)
    srow = jax.lax.broadcasted_iota(jnp.int32, (BM, CAP), 0) + t0
    H_T = (LWi == srow).astype(jnp.float32)
    WG = jax.lax.dot_general(w, H_T, (((1,), (1,)), ((), ())),
                             preferred_element_type=jnp.float32,
                             precision=HIGHEST)
    LG = jax.lax.dot_general(LW, H_T, (((1,), (1,)), ((), ())),
                             preferred_element_type=jnp.float32,
                             precision=HIGHEST)
    krow = (jax.lax.broadcasted_iota(jnp.int32, (BM, BM), 1)
            + t0).astype(jnp.float32)
    M2 = jnp.where(jnp.abs(LG - krow) < 0.5, WG, 0.0)
    U = u_ref[...]
    out = jax.lax.dot_general(M1, slots_ref[...], (((1,), (0,)), ((), ())),
                              preferred_element_type=jnp.float32)
    out = out + jax.lax.dot_general(M2, U, (((1,), (0,)), ((), ())),
                                    preferred_element_type=jnp.float32)
    out_ref[...] = out

    lwi_last = LWi[BM - 1:BM, :]
    ST = (lwi_last == (jax.lax.broadcasted_iota(jnp.int32, (BM, CAP), 0)
                       + t0)).astype(jnp.float32)
    G = jax.lax.dot_general(ST, U, (((0,), (0,)), ((), ())),
                            preferred_element_type=jnp.float32)
    kcol = jnp.transpose((lwi_last < t0).astype(jnp.float32))
    slots_ref[...] = G + slots_ref[...] * kcol


def _stage_c(IMP, LW, U, interpret=False):
    return pl.pallas_call(
        _combine_kernel,
        grid=(NB,),
        in_specs=[
            pl.BlockSpec((BM, CAP), lambda b: (b, 0)),
            pl.BlockSpec((BM, CAP), lambda b: (b, 0)),
            pl.BlockSpec((BM, D_MODEL), lambda b: (b, 0)),
        ],
        out_specs=pl.BlockSpec((BM, D_MODEL), lambda b: (b, 0)),
        out_shape=jax.ShapeDtypeStruct((BATCH, D_MODEL), jnp.float32),
        scratch_shapes=[
            pltpu.VMEM((CAP, D_MODEL), jnp.float32),
        ],
        interpret=interpret,
    )(IMP, LW, U)


def kernel(x, W_up, b_up, W_imp, b_imp):
    P = _stage_p(x, W_imp, b_imp)
    IMP, LW = _sc_recurrence(P.reshape(BATCH))
    U = _stage_u(x, W_up, b_up)
    return _stage_c(IMP, LW, U)

# --- scband reference (transcript-rebuilt; emitter-appended) ---
"""Pipeline reference for scband-human-like-working-memory-66529043415105 (READ-ONLY COPY).

The authoritative reference and input builder live on the scoring server;
editing this copy changes nothing except your own understanding.
"""

import jax, jax.numpy as jnp
import numpy as np

D_MODEL = 1024
CAPACITY = 64
BATCH = 4096


def setup_inputs(seed: int = 0) -> dict:
    key = jax.random.key(seed)
    k1, k2, k3, k4, k5 = jax.random.split(key, 5)
    x = jax.random.normal(k1, (BATCH, D_MODEL), dtype=jnp.float32)
    s = 1.0 / np.sqrt(D_MODEL)
    W_up = jax.random.uniform(k2, (D_MODEL, D_MODEL), minval=-s, maxval=s, dtype=jnp.float32)
    b_up = jax.random.uniform(k3, (D_MODEL,), minval=-s, maxval=s, dtype=jnp.float32)
    W_imp = jax.random.uniform(k4, (1, D_MODEL), minval=-s, maxval=s, dtype=jnp.float32)
    b_imp = jax.random.uniform(k5, (1,), minval=-s, maxval=s, dtype=jnp.float32)
    return {"x": x, "W_up": W_up, "b_up": b_up, "W_imp": W_imp, "b_imp": b_imp}


def _forward(x, W_up, b_up, W_imp, b_imp):
    slots0 = jnp.zeros((CAPACITY, D_MODEL), dtype=jnp.float32)
    ages0 = jnp.zeros((CAPACITY,), dtype=jnp.float32)
    imp0 = jnp.zeros((CAPACITY,), dtype=jnp.float32)
    occ0 = jnp.zeros((CAPACITY,), dtype=bool)

    def step(state, xb):
        slots, ages, imp, occ = state
        # importance = sigmoid(importance_net(x))  (scalar)
        importance = jax.nn.sigmoid(xb @ W_imp.T + b_imp)[0]
        # updated_content = update_gate(x)
        updated = xb @ W_up.T + b_up
        # slot selection: first empty slot, else argmin importance
        empty = ~occ
        any_empty = jnp.any(empty)
        idx = jnp.where(any_empty, jnp.argmax(empty), jnp.argmin(imp))
        should = any_empty | (importance > 0.1)
        # torch writes detached values into buffers under no_grad
        new_content = jax.lax.stop_gradient(updated)
        imp_val = jax.lax.stop_gradient(jnp.maximum(0.1, importance))
        slots = jnp.where(should, slots.at[idx].set(new_content), slots)
        occ = jnp.where(should, occ.at[idx].set(True), occ)
        ages = jnp.where(should, ages.at[idx].set(0.0), ages)
        imp = jnp.where(should, imp.at[idx].set(imp_val), imp)
        # aging + decay
        ages = ages + 1.0
        decay = ages > 50.0
        imp = jnp.where(decay, imp * 0.9, imp)
        # readout: softmax over occupied slot importances, weighted sum of slots
        any_occ = jnp.any(occ)
        neg = jnp.finfo(jnp.float32).min
        logits = jnp.where(occ, imp, neg)
        sm = jax.nn.softmax(logits)
        sm = jnp.where(occ, sm, 0.0)
        result_sm = jnp.sum(sm[:, None] * slots, axis=0)
        wsum = jnp.sum(jnp.where(occ, imp, 0.0))
        first_active = jnp.argmax(occ)
        result_first = slots[first_active]
        result = jnp.where(wsum > 0.0, result_sm, result_first)
        result = jnp.where(any_occ, result, jnp.zeros_like(result))
        return (slots, ages, imp, occ), result

    _, outs = jax.lax.scan(step, (slots0, ages0, imp0, occ0), x)
    return outs


def reference(x, W_up, b_up, W_imp, b_imp):
    return _forward(x, W_up, b_up, W_imp, b_imp)

if __name__ == "__main__":
    import jax
    _d = setup_inputs()
    print(jax.jit(kernel)(*tuple(_d.values())))

</pallas_src>

<mosaic_0001>
#map = affine_map<(d0, d1) -> (0)>
module attributes {stable_mosaic.version = 14 : i64} {
  func.func @run(%arg0: i32, %arg1: i32, %arg2: memref<4096xf32, #tpu.memory_space<hbm>>, %arg3: memref<262144xf32, #tpu.memory_space<hbm>>, %arg4: memref<262144xf32, #tpu.memory_space<hbm>>, %arg5: memref<4096xf32, #tpu.memory_space<vmem>>, %arg6: memref<32768xf32, #tpu.memory_space<vmem>>, %arg7: memref<32768xf32, #tpu.memory_space<vmem>>) attributes {dimension_semantics = [#tpu.dimension_semantics<core_parallel>, #tpu.dimension_semantics<subcore_parallel>], iteration_bounds = array<i64: 2, 16>, scalar_prefetch = 0 : i64, scratch_operands = 3 : i64, tpu.core_type = #tpu.core_type<sc_vector_subcore>, window_params = [{transform_indices = #map}, {transform_indices = #map}, {transform_indices = #map}]} {
    %eq3A = arith.constant 0 : i32
    %eq3A_0 = arith.cmpi eq, %arg0, %eq3A : i32
    %eq3A_1 = arith.constant 0 : i32
    %eq3A_2 = arith.cmpi eq, %arg1, %eq3A_1 : i32
    %and3A = arith.andi %eq3A_0, %eq3A_2 : i1
    %convert_element_type3A = arith.extui %and3A : i1 to i32
    %cond3A = arith.constant 0 : i32
    %cond3A_3 = arith.cmpi ne, %convert_element_type3A, %cond3A : i32
    scf.if %cond3A_3 {
      "tpu.region"() ({
        %run_scoped3A = tpu.sem_alloc : memref<!tpu.dma_semaphore, #tpu.memory_space<semaphore_mem>>
        tpu.enqueue_dma source(%arg2 : memref<4096xf32, #tpu.memory_space<hbm>>) target(%arg5 : memref<4096xf32, #tpu.memory_space<vmem>>) target_semaphore(%run_scoped3A : memref<!tpu.dma_semaphore, #tpu.memory_space<semaphore_mem>>)
        tpu.wait_dma2 semaphore(%run_scoped3A : memref<!tpu.dma_semaphore, #tpu.memory_space<semaphore_mem>>) src(%arg2 : memref<4096xf32, #tpu.memory_space<hbm>>) dst(%arg5 : memref<4096xf32, #tpu.memory_space<vmem>>)
        tpu.yield
      }) : () -> ()
      %iota3A = tpu.iota {dimensions = array<i32: 0>} : vector<16xi32>
      %add3A = arith.constant 0 : i32
      %add3A_4 = vector.broadcast %add3A : i32 to vector<16xi32>
      %add3A_5 = arith.addi %iota3A, %add3A_4 : vector<16xi32>
      %iota3A_6 = tpu.iota {dimensions = array<i32: 0>} : vector<16xi32>
      %add3A_7 = arith.constant 16 : i32
      %add3A_8 = vector.broadcast %add3A_7 : i32 to vector<16xi32>
      %add3A_9 = arith.addi %iota3A_6, %add3A_8 : vector<16xi32>
      %iota3A_10 = tpu.iota {dimensions = array<i32: 0>} : vector<16xi32>
      %add3A_11 = arith.constant 32 : i32
      %add3A_12 = vector.broadcast %add3A_11 : i32 to vector<16xi32>
      %add3A_13 = arith.addi %iota3A_10, %add3A_12 : vector<16xi32>
      %iota3A_14 = tpu.iota {dimensions = array<i32: 0>} : vector<16xi32>
      %add3A_15 = arith.constant 48 : i32
      %add3A_16 = vector.broadcast %add3A_15 : i32 to vector<16xi32>
      %add3A_17 = arith.addi %iota3A_14, %add3A_16 : vector<16xi32>
      %broadcast_in_dim3A = arith.constant 0.000000e+00 : f32
      %broadcast_in_dim3A_18 = vector.broadcast %broadcast_in_dim3A : f32 to vector<16xf32>
      %broadcast_in_dim3A_19 = arith.constant 0.000000e+00 : f32
      %broadcast_in_dim3A_20 = vector.broadcast %broadcast_in_dim3A_19 : f32 to vector<16xf32>
      %broadcast_in_dim3A_21 = arith.constant -1.000000e+00 : f32
      %broadcast_in_dim3A_22 = vector.broadcast %broadcast_in_dim3A_21 : f32 to vector<16xf32>
      %scan3A = arith.constant 0 : i32
      %scan3A_23 = arith.constant 512 : i32
      %scan3A_24 = arith.addi %scan3A, %scan3A_23 : i32
      %scan3A_25 = arith.constant 1 : i32
      %scan3A_26:12 = scf.for %scan3A_70 = %scan3A to %scan3A_24 step %scan3A_25 iter_args(%scan3A_71 = %broadcast_in_dim3A_20, %scan3A_72 = %broadcast_in_dim3A_20, %scan3A_73 = %broadcast_in_dim3A_20, %scan3A_74 = %broadcast_in_dim3A_20, %scan3A_75 = %broadcast_in_dim3A_20, %scan3A_76 = %broadcast_in_dim3A_20, %scan3A_77 = %broadcast_in_dim3A_20, %scan3A_78 = %broadcast_in_dim3A_20, %scan3A_79 = %broadcast_in_dim3A_22, %scan3A_80 = %broadcast_in_dim3A_22, %scan3A_81 = %broadcast_in_dim3A_22, %scan3A_82 = %broadcast_in_dim3A_22) -> (vector<16xf32>, vector<16xf32>, vector<16xf32>, vector<16xf32>, vector<16xf32>, vector<16xf32>, vector<16xf32>, vector<16xf32>, vector<16xf32>, vector<16xf32>, vector<16xf32>, vector<16xf32>)  : i32 {
        %add3A_83 = arith.constant 0 : i32
        %add3A_84 = arith.addi %add3A_83, %scan3A_70 : i32
        %convert_element_type3A_85 = arith.sitofp %add3A_84 : i32 to f32
        %jit3A = arith.constant 16 : i32
        %div3A = arith.divsi %add3A_84, %jit3A : i32
        %sign3A = arith.constant 0 : i32
        %sign3A_86 = arith.cmpi sgt, %add3A_84, %sign3A : i32
        %sign3A_87 = arith.extui %sign3A_86 : i1 to i32
        %sign3A_88 = arith.constant 0 : i32
        %sign3A_89 = arith.cmpi slt, %add3A_84, %sign3A_88 : i32
        %sign3A_90 = arith.extui %sign3A_89 : i1 to i32
        %sign3A_91 = arith.subi %sign3A_87, %sign3A_90 : i32
        %sign3A_92 = arith.constant 0 : i32
        %sign3A_93 = arith.cmpi sgt, %jit3A, %sign3A_92 : i32
        %sign3A_94 = arith.extui %sign3A_93 : i1 to i32
        %sign3A_95 = arith.constant 0 : i32
        %sign3A_96 = arith.cmpi slt, %jit3A, %sign3A_95 : i32
        %sign3A_97 = arith.extui %sign3A_96 : i1 to i32
        %sign3A_98 = arith.subi %sign3A_94, %sign3A_97 : i32
        %ne3A = arith.cmpi ne, %sign3A_91, %sign3A_98 : i32
        %rem3A = arith.remsi %add3A_84, %jit3A : i32
        %ne3A_99 = arith.constant 0 : i32
        %ne3A_100 = arith.cmpi ne, %rem3A, %ne3A_99 : i32
        %and3A_101 = arith.andi %ne3A, %ne3A_100 : i1
        %sub3A = arith.constant 1 : i32
        %sub3A_102 = arith.subi %div3A, %sub3A : i32
        %select_n3A = arith.select %and3A_101, %sub3A_102, %div3A : i32
        %mul3A = arith.constant 16 : i32
        %mul3A_103 = arith.muli %select_n3A, %mul3A : i32
        %get3A = arith.index_cast %mul3A_103 : i32 to index
        %get3A_104 = tpu.vector_load %arg5[%get3A] {strides = array<i32>} : memref<4096xf32, #tpu.memory_space<vmem>>, vector<16xf32>,
        %get3A_105 = vector.shape_cast %get3A_104 : vector<16xf32> to vector<16xf32>
        %sub3A_106 = arith.subi %add3A_84, %mul3A_103 : i32
        %broadcast_in_dim3A_107 = vector.broadcast %sub3A_106 : i32 to vector<16x1xi32>
        %gather3A = vector.shape_cast %broadcast_in_dim3A_107 : vector<16x1xi32> to vector<16xi32>
        %gather3A_108 = tpu.dynamic_gather %get3A_105[%gather3A] in [0] : vector<16xf32>, vector<16xi32> -> vector<16xf32>
        %min3A = arith.minimumf %scan3A_71, %scan3A_72 : vector<16xf32>
        %min3A_109 = arith.minimumf %scan3A_73, %scan3A_74 : vector<16xf32>
        %min3A_110 = arith.minimumf %min3A, %min3A_109 : vector<16xf32>
        %iota3A_111 = tpu.iota {dimensions = array<i32: 0>} : vector<16xi32>
        %xor3A = arith.constant 1 : i32
        %xor3A_112 = vector.broadcast %xor3A : i32 to vector<16xi32>
        %xor3A_113 = arith.xori %iota3A_111, %xor3A_112 : vector<16xi32>
        %reshape3A = vector.shape_cast %xor3A_113 : vector<16xi32> to vector<16x1xi32>
        %gather3A_114 = vector.shape_cast %reshape3A : vector<16x1xi32> to vector<16xi32>
        %gather3A_115 = tpu.dynamic_gather %min3A_110[%gather3A_114] in [0] : vector<16xf32>, vector<16xi32> -> vector<16xf32>
        %min3A_116 = arith.minimumf %min3A_110, %gather3A_115 : vector<16xf32>
        %xor3A_117 = arith.constant 2 : i32
        %xor3A_118 = vector.broadcast %xor3A_117 : i32 to vector<16xi32>
        %xor3A_119 = arith.xori %iota3A_111, %xor3A_118 : vector<16xi32>
        %reshape3A_120 = vector.shape_cast %xor3A_119 : vector<16xi32> to vector<16x1xi32>
        %gather3A_121 = vector.shape_cast %reshape3A_120 : vector<16x1xi32> to vector<16xi32>
        %gather3A_122 = tpu.dynamic_gather %min3A_116[%gather3A_121] in [0] : vector<16xf32>, vector<16xi32> -> vector<16xf32>
        %min3A_123 = arith.minimumf %min3A_116, %gather3A_122 : vector<16xf32>
        %xor3A_124 = arith.constant 4 : i32
        %xor3A_125 = vector.broadcast %xor3A_124 : i32 to vector<16xi32>
        %xor3A_126 = arith.xori %iota3A_111, %xor3A_125 : vector<16xi32>
        %reshape3A_127 = vector.shape_cast %xor3A_126 : vector<16xi32> to vector<16x1xi32>
        %gather3A_128 = vector.shape_cast %reshape3A_127 : vector<16x1xi32> to vector<16xi32>
        %gather3A_129 = tpu.dynamic_gather %min3A_123[%gather3A_128] in [0] : vector<16xf32>, vector<16xi32> -> vector<16xf32>
        %min3A_130 = arith.minimumf %min3A_123, %gather3A_129 : vector<16xf32>
        %xor3A_131 = arith.constant 8 : i32
        %xor3A_132 = vector.broadcast %xor3A_131 : i32 to vector<16xi32>
        %xor3A_133 = arith.xori %iota3A_111, %xor3A_132 : vector<16xi32>
        %reshape3A_134 = vector.shape_cast %xor3A_133 : vector<16xi32> to vector<16x1xi32>
        %gather3A_135 = vector.shape_cast %reshape3A_134 : vector<16x1xi32> to vector<16xi32>
        %gather3A_136 = tpu.dynamic_gather %min3A_130[%gather3A_135] in [0] : vector<16xf32>, vector<16xi32> -> vector<16xf32>
        %min3A_137 = arith.minimumf %min3A_130, %gather3A_136 : vector<16xf32>
        %eq3A_138 = arith.cmpf oeq, %scan3A_71, %min3A_137 : vector<16xf32>
        %jit3A_139 = arith.constant 64 : i32
        %broadcast_in_dim3A_140 = vector.broadcast %jit3A_139 : i32 to vector<16xi32>
        %select_n3A_141 = arith.select %eq3A_138, %add3A_5, %broadcast_in_dim3A_140 : vector<16xi1>, vector<16xi32>
        %eq3A_142 = arith.cmpf oeq, %scan3A_72, %min3A_137 : vector<16xf32>
        %jit3A_143 = arith.constant 64 : i32
        %broadcast_in_dim3A_144 = vector.broadcast %jit3A_143 : i32 to vector<16xi32>
        %select_n3A_145 = arith.select %eq3A_142, %add3A_9, %broadcast_in_dim3A_144 : vector<16xi1>, vector<16xi32>
        %eq3A_146 = arith.cmpf oeq, %scan3A_73, %min3A_137 : vector<16xf32>
        %jit3A_147 = arith.constant 64 : i32
        %broadcast_in_dim3A_148 = vector.broadcast %jit3A_147 : i32 to vector<16xi32>
        %select_n3A_149 = arith.select %eq3A_146, %add3A_13, %broadcast_in_dim3A_148 : vector<16xi1>, vector<16xi32>
        %eq3A_150 = arith.cmpf oeq, %scan3A_74, %min3A_137 : vector<16xf32>
        %jit3A_151 = arith.constant 64 : i32
        %broadcast_in_dim3A_152 = vector.broadcast %jit3A_151 : i32 to vector<16xi32>
        %select_n3A_153 = arith.select %eq3A_150, %add3A_17, %broadcast_in_dim3A_152 : vector<16xi1>, vector<16xi32>
        %min3A_154 = arith.minsi %select_n3A_141, %select_n3A_145 : vector<16xi32>
        %min3A_155 = arith.minsi %select_n3A_149, %select_n3A_153 : vector<16xi32>
        %min3A_156 = arith.minsi %min3A_154, %min3A_155 : vector<16xi32>
        %iota3A_157 = tpu.iota {dimensions = array<i32: 0>} : vector<16xi32>
        %xor3A_158 = arith.constant 1 : i32
        %xor3A_159 = vector.broadcast %xor3A_158 : i32 to vector<16xi32>
        %xor3A_160 = arith.xori %iota3A_157, %xor3A_159 : vector<16xi32>
        %reshape3A_161 = vector.shape_cast %xor3A_160 : vector<16xi32> to vector<16x1xi32>
        %gather3A_162 = vector.shape_cast %reshape3A_161 : vector<16x1xi32> to vector<16xi32>
        %gather3A_163 = tpu.dynamic_gather %min3A_156[%gather3A_162] in [0] : vector<16xi32>, vector<16xi32> -> vector<16xi32>
        %min3A_164 = arith.minsi %min3A_156, %gather3A_163 : vector<16xi32>
        %xor3A_165 = arith.constant 2 : i32
        %xor3A_166 = vector.broadcast %xor3A_165 : i32 to vector<16xi32>
        %xor3A_167 = arith.xori %iota3A_157, %xor3A_166 : vector<16xi32>
        %reshape3A_168 = vector.shape_cast %xor3A_167 : vector<16xi32> to vector<16x1xi32>
        %gather3A_169 = vector.shape_cast %reshape3A_168 : vector<16x1xi32> to vector<16xi32>
        %gather3A_170 = tpu.dynamic_gather %min3A_164[%gather3A_169] in [0] : vector<16xi32>, vector<16xi32> -> vector<16xi32>
        %min3A_171 = arith.minsi %min3A_164, %gather3A_170 : vector<16xi32>
        %xor3A_172 = arith.constant 4 : i32
        %xor3A_173 = vector.broadcast %xor3A_172 : i32 to vector<16xi32>
        %xor3A_174 = arith.xori %iota3A_157, %xor3A_173 : vector<16xi32>
        %reshape3A_175 = vector.shape_cast %xor3A_174 : vector<16xi32> to vector<16x1xi32>
        %gather3A_176 = vector.shape_cast %reshape3A_175 : vector<16x1xi32> to vector<16xi32>
        %gather3A_177 = tpu.dynamic_gather %min3A_171[%gather3A_176] in [0] : vector<16xi32>, vector<16xi32> -> vector<16xi32>
        %min3A_178 = arith.minsi %min3A_171, %gather3A_177 : vector<16xi32>
        %xor3A_179 = arith.constant 8 : i32
        %xor3A_180 = vector.broadcast %xor3A_179 : i32 to vector<16xi32>
        %xor3A_181 = arith.xori %iota3A_157, %xor3A_180 : vector<16xi32>
        %reshape3A_182 = vector.shape_cast %xor3A_181 : vector<16xi32> to vector<16x1xi32>
        %gather3A_183 = vector.shape_cast %reshape3A_182 : vector<16x1xi32> to vector<16xi32>
        %gather3A_184 = tpu.dynamic_gather %min3A_178[%gather3A_183] in [0] : vector<16xi32>, vector<16xi32> -> vector<16xi32>
        %min3A_185 = arith.minsi %min3A_178, %gather3A_184 : vector<16xi32>
        %broadcast_in_dim3A_186 = arith.constant 1 : i32
        %broadcast_in_dim3A_187 = vector.broadcast %broadcast_in_dim3A_186 : i32 to vector<16xi32>
        %broadcast_in_dim3A_188 = arith.constant 0 : i32
        %broadcast_in_dim3A_189 = vector.broadcast %broadcast_in_dim3A_188 : i32 to vector<16xi32>
        %gt3A = arith.constant 1.000000e-01 : f32
        %gt3A_190 = vector.broadcast %gt3A : f32 to vector<16xf32>
        %gt3A_191 = arith.cmpf ogt, %gather3A_108, %gt3A_190 : vector<16xf32>
        %select_n3A_192 = arith.select %gt3A_191, %broadcast_in_dim3A_187, %broadcast_in_dim3A_189 : vector<16xi1>, vector<16xi32>
        %le3A = arith.constant 0.000000e+00 : f32
        %le3A_193 = vector.broadcast %le3A : f32 to vector<16xf32>
        %le3A_194 = arith.cmpf ole, %min3A_137, %le3A_193 : vector<16xf32>
        %select_n3A_195 = arith.select %le3A_194, %broadcast_in_dim3A_187, %broadcast_in_dim3A_189 : vector<16xi1>, vector<16xi32>
        %max3A = arith.maxsi %select_n3A_192, %select_n3A_195 : vector<16xi32>
        %max3A_196 = arith.constant 1.000000e-01 : f32
        %max3A_197 = vector.broadcast %max3A_196 : f32 to vector<16xf32>
        %max3A_198 = arith.maximumf %gather3A_108, %max3A_197 : vector<16xf32>
        %mul3A_199 = arith.constant 64 : i32
        %mul3A_200 = arith.muli %scan3A_70, %mul3A_199 : i32
        %eq3A_201 = arith.cmpi eq, %add3A_5, %min3A_185 : vector<16xi32>
        %select_n3A_202 = arith.select %eq3A_201, %broadcast_in_dim3A_187, %broadcast_in_dim3A_189 : vector<16xi1>, vector<16xi32>
        %mul3A_203 = arith.muli %select_n3A_202, %max3A : vector<16xi32>
        %eq3A_204 = arith.constant 1 : i32
        %eq3A_205 = vector.broadcast %eq3A_204 : i32 to vector<16xi32>
        %eq3A_206 = arith.cmpi eq, %mul3A_203, %eq3A_205 : vector<16xi32>
        %select_n3A_207 = arith.select %eq3A_206, %max3A_198, %scan3A_71 : vector<16xi1>, vector<16xf32>
        %ge3A = arith.constant 1 : i32
        %ge3A_208 = vector.broadcast %ge3A : i32 to vector<16xi32>
        %ge3A_209 = arith.cmpi sge, %mul3A_203, %ge3A_208 : vector<16xi32>
        %select_n3A_210 = arith.select %ge3A_209, %broadcast_in_dim3A_18, %scan3A_75 : vector<16xi1>, vector<16xf32>
        %add3A_211 = arith.constant 1.000000e+00 : f32
        %add3A_212 = vector.broadcast %add3A_211 : f32 to vector<16xf32>
        %add3A_213 = arith.addf %select_n3A_210, %add3A_212 : vector<16xf32>
        %gt3A_214 = arith.constant 5.000000e+01 : f32
        %gt3A_215 = vector.broadcast %gt3A_214 : f32 to vector<16xf32>
        %gt3A_216 = arith.cmpf ogt, %add3A_213, %gt3A_215 : vector<16xf32>
        %mul3A_217 = arith.constant 0.899999976 : f32
        %mul3A_218 = vector.broadcast %mul3A_217 : f32 to vector<16xf32>
        %mul3A_219 = arith.mulf %select_n3A_207, %mul3A_218 : vector<16xf32>
        %select_n3A_220 = arith.select %gt3A_216, %mul3A_219, %select_n3A_207 : vector<16xi1>, vector<16xf32>
        %gt3A_221 = arith.constant 0 : i32
        %gt3A_222 = vector.broadcast %gt3A_221 : i32 to vector<16xi32>
        %gt3A_223 = arith.cmpi sgt, %mul3A_203, %gt3A_222 : vector<16xi32>
        %broadcast_in_dim3A_224 = vector.broadcast %convert_element_type3A_85 : f32 to vector<16xf32>
        %select_n3A_225 = arith.select %gt3A_223, %broadcast_in_dim3A_224, %scan3A_79 : vector<16xi1>, vector<16xf32>
        %add3A_226 = arith.constant 0 : i32
        %add3A_227 = arith.addi %mul3A_200, %add3A_226 : i32
        %swap3A = arith.index_cast %add3A_227 : i32 to index
        %swap3A_228 = tpu.vector_load %arg6[%swap3A] {strides = array<i32>} : memref<32768xf32, #tpu.memory_space<vmem>>, vector<16xf32>,
        %swap3A_229 = vector.shape_cast %swap3A_228 : vector<16xf32> to vector<16xf32>
        %swap3A_230 = vector.shape_cast %select_n3A_220 : vector<16xf32> to vector<16xf32>
        tpu.vector_store %arg6[%swap3A], %swap3A_230 {strides = array<i32>} : memref<32768xf32, #tpu.memory_space<vmem>>, vector<16xf32>,
        %add3A_231 = arith.constant 0 : i32
        %add3A_232 = arith.addi %mul3A_200, %add3A_231 : i32
        %swap3A_233 = arith.index_cast %add3A_232 : i32 to index
        %swap3A_234 = tpu.vector_load %arg7[%swap3A_233] {strides = array<i32>} : memref<32768xf32, #tpu.memory_space<vmem>>, vector<16xf32>,
        %swap3A_235 = vector.shape_cast %swap3A_234 : vector<16xf32> to vector<16xf32>
        %swap3A_236 = vector.shape_cast %select_n3A_225 : vector<16xf32> to vector<16xf32>
        tpu.vector_store %arg7[%swap3A_233], %swap3A_236 {strides = array<i32>} : memref<32768xf32, #tpu.memory_space<vmem>>, vector<16xf32>,
        %eq3A_237 = arith.cmpi eq, %add3A_9, %min3A_185 : vector<16xi32>
        %select_n3A_238 = arith.select %eq3A_237, %broadcast_in_dim3A_187, %broadcast_in_dim3A_189 : vector<16xi1>, vector<16xi32>
        %mul3A_239 = arith.muli %select_n3A_238, %max3A : vector<16xi32>
        %eq3A_240 = arith.constant 1 : i32
        %eq3A_241 = vector.broadcast %eq3A_240 : i32 to vector<16xi32>
        %eq3A_242 = arith.cmpi eq, %mul3A_239, %eq3A_241 : vector<16xi32>
        %select_n3A_243 = arith.select %eq3A_242, %max3A_198, %scan3A_72 : vector<16xi1>, vector<16xf32>
        %ge3A_244 = arith.constant 1 : i32
        %ge3A_245 = vector.broadcast %ge3A_244 : i32 to vector<16xi32>
        %ge3A_246 = arith.cmpi sge, %mul3A_239, %ge3A_245 : vector<16xi32>
        %select_n3A_247 = arith.select %ge3A_246, %broadcast_in_dim3A_18, %scan3A_76 : vector<16xi1>, vector<16xf32>
        %add3A_248 = arith.constant 1.000000e+00 : f32
        %add3A_249 = vector.broadcast %add3A_248 : f32 to vector<16xf32>
        %add3A_250 = arith.addf %select_n3A_247, %add3A_249 : vector<16xf32>
        %gt3A_251 = arith.constant 5.000000e+01 : f32
        %gt3A_252 = vector.broadcast %gt3A_251 : f32 to vector<16xf32>
        %gt3A_253 = arith.cmpf ogt, %add3A_250, %gt3A_252 : vector<16xf32>
        %mul3A_254 = arith.constant 0.899999976 : f32
        %mul3A_255 = vector.broadcast %mul3A_254 : f32 to vector<16xf32>
        %mul3A_256 = arith.mulf %select_n3A_243, %mul3A_255 : vector<16xf32>
        %select_n3A_257 = arith.select %gt3A_253, %mul3A_256, %select_n3A_243 : vector<16xi1>, vector<16xf32>
        %gt3A_258 = arith.constant 0 : i32
        %gt3A_259 = vector.broadcast %gt3A_258 : i32 to vector<16xi32>
        %gt3A_260 = arith.cmpi sgt, %mul3A_239, %gt3A_259 : vector<16xi32>
        %broadcast_in_dim3A_261 = vector.broadcast %convert_element_type3A_85 : f32 to vector<16xf32>
        %select_n3A_262 = arith.select %gt3A_260, %broadcast_in_dim3A_261, %scan3A_80 : vector<16xi1>, vector<16xf32>
        %add3A_263 = arith.constant 16 : i32
        %add3A_264 = arith.addi %mul3A_200, %add3A_263 : i32
        %swap3A_265 = arith.index_cast %add3A_264 : i32 to index
        %swap3A_266 = tpu.vector_load %arg6[%swap3A_265] {strides = array<i32>} : memref<32768xf32, #tpu.memory_space<vmem>>, vector<16xf32>,
        %swap3A_267 = vector.shape_cast %swap3A_266 : vector<16xf32> to vector<16xf32>
        %swap3A_268 = vector.shape_cast %select_n3A_257 : vector<16xf32> to vector<16xf32>
        tpu.vector_store %arg6[%swap3A_265], %swap3A_268 {strides = array<i32>} : memref<32768xf32, #tpu.memory_space<vmem>>, vector<16xf32>,
        %add3A_269 = arith.constant 16 : i32
        %add3A_270 = arith.addi %mul3A_200, %add3A_269 : i32
        %swap3A_271 = arith.index_cast %add3A_270 : i32 to index
        %swap3A_272 = tpu.vector_load %arg7[%swap3A_271] {strides = array<i32>} : memref<32768xf32, #tpu.memory_space<vmem>>, vector<16xf32>,
        %swap3A_273 = vector.shape_cast %swap3A_272 : vector<16xf32> to vector<16xf32>
        %swap3A_274 = vector.shape_cast %select_n3A_262 : vector<16xf32> to vector<16xf32>
        tpu.vector_store %arg7[%swap3A_271], %swap3A_274 {strides = array<i32>} : memref<32768xf32, #tpu.memory_space<vmem>>, vector<16xf32>,
        %eq3A_275 = arith.cmpi eq, %add3A_13, %min3A_185 : vector<16xi32>
        %select_n3A_276 = arith.select %eq3A_275, %broadcast_in_dim3A_187, %broadcast_in_dim3A_189 : vector<16xi1>, vector<16xi32>
        %mul3A_277 = arith.muli %select_n3A_276, %max3A : vector<16xi32>
        %eq3A_278 = arith.constant 1 : i32
        %eq3A_279 = vector.broadcast %eq3A_278 : i32 to vector<16xi32>
        %eq3A_280 = arith.cmpi eq, %mul3A_277, %eq3A_279 : vector<16xi32>
        %select_n3A_281 = arith.select %eq3A_280, %max3A_198, %scan3A_73 : vector<16xi1>, vector<16xf32>
        %ge3A_282 = arith.constant 1 : i32
        %ge3A_283 = vector.broadcast %ge3A_282 : i32 to vector<16xi32>
        %ge3A_284 = arith.cmpi sge, %mul3A_277, %ge3A_283 : vector<16xi32>
        %select_n3A_285 = arith.select %ge3A_284, %broadcast_in_dim3A_18, %scan3A_77 : vector<16xi1>, vector<16xf32>
        %add3A_286 = arith.constant 1.000000e+00 : f32
        %add3A_287 = vector.broadcast %add3A_286 : f32 to vector<16xf32>
        %add3A_288 = arith.addf %select_n3A_285, %add3A_287 : vector<16xf32>
        %gt3A_289 = arith.constant 5.000000e+01 : f32
        %gt3A_290 = vector.broadcast %gt3A_289 : f32 to vector<16xf32>
        %gt3A_291 = arith.cmpf ogt, %add3A_288, %gt3A_290 : vector<16xf32>
        %mul3A_292 = arith.constant 0.899999976 : f32
        %mul3A_293 = vector.broadcast %mul3A_292 : f32 to vector<16xf32>
        %mul3A_294 = arith.mulf %select_n3A_281, %mul3A_293 : vector<16xf32>
        %select_n3A_295 = arith.select %gt3A_291, %mul3A_294, %select_n3A_281 : vector<16xi1>, vector<16xf32>
        %gt3A_296 = arith.constant 0 : i32
        %gt3A_297 = vector.broadcast %gt3A_296 : i32 to vector<16xi32>
        %gt3A_298 = arith.cmpi sgt, %mul3A_277, %gt3A_297 : vector<16xi32>
        %broadcast_in_dim3A_299 = vector.broadcast %convert_element_type3A_85 : f32 to vector<16xf32>
        %select_n3A_300 = arith.select %gt3A_298, %broadcast_in_dim3A_299, %scan3A_81 : vector<16xi1>, vector<16xf32>
        %add3A_301 = arith.constant 32 : i32
        %add3A_302 = arith.addi %mul3A_200, %add3A_301 : i32
        %swap3A_303 = arith.index_cast %add3A_302 : i32 to index
        %swap3A_304 = tpu.vector_load %arg6[%swap3A_303] {strides = array<i32>} : memref<32768xf32, #tpu.memory_space<vmem>>, vector<16xf32>,
        %swap3A_305 = vector.shape_cast %swap3A_304 : vector<16xf32> to vector<16xf32>
        %swap3A_306 = vector.shape_cast %select_n3A_295 : vector<16xf32> to vector<16xf32>
        tpu.vector_store %arg6[%swap3A_303], %swap3A_306 {strides = array<i32>} : memref<32768xf32, #tpu.memory_space<vmem>>, vector<16xf32>,
        %add3A_307 = arith.constant 32 : i32
        %add3A_308 = arith.addi %mul3A_200, %add3A_307 : i32
        %swap3A_309 = arith.index_cast %add3A_308 : i32 to index
        %swap3A_310 = tpu.vector_load %arg7[%swap3A_309] {strides = array<i32>} : memref<32768xf32, #tpu.memory_space<vmem>>, vector<16xf32>,
        %swap3A_311 = vector.shape_cast %swap3A_310 : vector<16xf32> to vector<16xf32>
        %swap3A_312 = vector.shape_cast %select_n3A_300 : vector<16xf32> to vector<16xf32>
        tpu.vector_store %arg7[%swap3A_309], %swap3A_312 {strides = array<i32>} : memref<32768xf32, #tpu.memory_space<vmem>>, vector<16xf32>,
        %eq3A_313 = arith.cmpi eq, %add3A_17, %min3A_185 : vector<16xi32>
        %select_n3A_314 = arith.select %eq3A_313, %broadcast_in_dim3A_187, %broadcast_in_dim3A_189 : vector<16xi1>, vector<16xi32>
        %mul3A_315 = arith.muli %select_n3A_314, %max3A : vector<16xi32>
        %eq3A_316 = arith.constant 1 : i32
        %eq3A_317 = vector.broadcast %eq3A_316 : i32 to vector<16xi32>
        %eq3A_318 = arith.cmpi eq, %mul3A_315, %eq3A_317 : vector<16xi32>
        %select_n3A_319 = arith.select %eq3A_318, %max3A_198, %scan3A_74 : vector<16xi1>, vector<16xf32>
        %ge3A_320 = arith.constant 1 : i32
        %ge3A_321 = vector.broadcast %ge3A_320 : i32 to vector<16xi32>
        %ge3A_322 = arith.cmpi sge, %mul3A_315, %ge3A_321 : vector<16xi32>
        %select_n3A_323 = arith.select %ge3A_322, %broadcast_in_dim3A_18, %scan3A_78 : vector<16xi1>, vector<16xf32>
        %add3A_324 = arith.constant 1.000000e+00 : f32
        %add3A_325 = vector.broadcast %add3A_324 : f32 to vector<16xf32>
        %add3A_326 = arith.addf %select_n3A_323, %add3A_325 : vector<16xf32>
        %gt3A_327 = arith.constant 5.000000e+01 : f32
        %gt3A_328 = vector.broadcast %gt3A_327 : f32 to vector<16xf32>
        %gt3A_329 = arith.cmpf ogt, %add3A_326, %gt3A_328 : vector<16xf32>
        %mul3A_330 = arith.constant 0.899999976 : f32
        %mul3A_331 = vector.broadcast %mul3A_330 : f32 to vector<16xf32>
        %mul3A_332 = arith.mulf %select_n3A_319, %mul3A_331 : vector<16xf32>
        %select_n3A_333 = arith.select %gt3A_329, %mul3A_332, %select_n3A_319 : vector<16xi1>, vector<16xf32>
        %gt3A_334 = arith.constant 0 : i32
        %gt3A_335 = vector.broadcast %gt3A_334 : i32 to vector<16xi32>
        %gt3A_336 = arith.cmpi sgt, %mul3A_315, %gt3A_335 : vector<16xi32>
        %broadcast_in_dim3A_337 = vector.broadcast %convert_element_type3A_85 : f32 to vector<16xf32>
        %select_n3A_338 = arith.select %gt3A_336, %broadcast_in_dim3A_337, %scan3A_82 : vector<16xi1>, vector<16xf32>
        %add3A_339 = arith.constant 48 : i32
        %add3A_340 = arith.addi %mul3A_200, %add3A_339 : i32
        %swap3A_341 = arith.index_cast %add3A_340 : i32 to index
        %swap3A_342 = tpu.vector_load %arg6[%swap3A_341] {strides = array<i32>} : memref<32768xf32, #tpu.memory_space<vmem>>, vector<16xf32>,
        %swap3A_343 = vector.shape_cast %swap3A_342 : vector<16xf32> to vector<16xf32>
        %swap3A_344 = vector.shape_cast %select_n3A_333 : vector<16xf32> to vector<16xf32>
        tpu.vector_store %arg6[%swap3A_341], %swap3A_344 {strides = array<i32>} : memref<32768xf32, #tpu.memory_space<vmem>>, vector<16xf32>,
        %add3A_345 = arith.constant 48 : i32
        %add3A_346 = arith.addi %mul3A_200, %add3A_345 : i32
        %swap3A_347 = arith.index_cast %add3A_346 : i32 to index
        %swap3A_348 = tpu.vector_load %arg7[%swap3A_347] {strides = array<i32>} : memref<32768xf32, #tpu.memory_space<vmem>>, vector<16xf32>,
        %swap3A_349 = vector.shape_cast %swap3A_348 : vector<16xf32> to vector<16xf32>
        %swap3A_350 = vector.shape_cast %select_n3A_338 : vector<16xf32> to vector<16xf32>
        tpu.vector_store %arg7[%swap3A_347], %swap3A_350 {strides = array<i32>} : memref<32768xf32, #tpu.memory_space<vmem>>, vector<16xf32>,
        scf.yield %select_n3A_220, %select_n3A_257, %select_n3A_295, %select_n3A_333, %add3A_213, %add3A_250, %add3A_288, %add3A_326, %select_n3A_225, %select_n3A_262, %select_n3A_300, %select_n3A_338 : vector<16xf32>, vector<16xf32>, vector<16xf32>, vector<16xf32>, vector<16xf32>, vector<16xf32>, vector<16xf32>, vector<16xf32>, vector<16xf32>, vector<16xf32>, vector<16xf32>, vector<16xf32>
      }
      %scan3A_27 = arith.constant 512 : i32
      "tpu.region"() ({
        %run_scoped3A = tpu.sem_alloc : memref<!tpu.dma_semaphore, #tpu.memory_space<semaphore_mem>>
        %dma_start3A = arith.constant 0 : i32
        %dma_start3A_70 = tpu.memref_slice %arg3[%dma_start3A] : memref<262144xf32, #tpu.memory_space<hbm>> -> memref<32768xf32, #tpu.memory_space<hbm>>
        %dma_start3A_71 = arith.constant 0 : i32
        %dma_start3A_72 = tpu.memref_slice %arg3[%dma_start3A_71] : memref<262144xf32, #tpu.memory_space<hbm>> -> memref<32768xf32, #tpu.memory_space<hbm>>
        tpu.enqueue_dma source(%arg6 : memref<32768xf32, #tpu.memory_space<vmem>>) target(%dma_start3A_72 : memref<32768xf32, #tpu.memory_space<hbm>>) target_semaphore(%run_scoped3A : memref<!tpu.dma_semaphore, #tpu.memory_space<semaphore_mem>>)
        %dma_wait3A = arith.constant 0 : i32
        %dma_wait3A_73 = tpu.memref_slice %arg3[%dma_wait3A] : memref<262144xf32, #tpu.memory_space<hbm>> -> memref<32768xf32, #tpu.memory_space<hbm>>
        %dma_wait3A_74 = arith.constant 0 : i32
        %dma_wait3A_75 = tpu.memref_slice %arg3[%dma_wait3A_74] : memref<262144xf32, #tpu.memory_space<hbm>> -> memref<32768xf32, #tpu.memory_space<hbm>>
        tpu.wait_dma2 semaphore(%run_scoped3A : memref<!tpu.dma_semaphore, #tpu.memory_space<semaphore_mem>>) src(%arg6 : memref<32768xf32, #tpu.memory_space<vmem>>) dst(%dma_wait3A_75 : memref<32768xf32, #tpu.memory_space<hbm>>)
        tpu.yield
      }) : () -> ()
      "tpu.region"() ({
        %run_scoped3A = tpu.sem_alloc : memref<!tpu.dma_semaphore, #tpu.memory_space<semaphore_mem>>
        %dma_start3A = arith.constant 0 : i32
        %dma_start3A_70 = tpu.memref_slice %arg4[%dma_start3A] : memref<262144xf32, #tpu.memory_space<hbm>> -> memref<32768xf32, #tpu.memory_space<hbm>>
        %dma_start3A_71 = arith.constant 0 : i32
        %dma_start3A_72 = tpu.memref_slice %arg4[%dma_start3A_71] : memref<262144xf32, #tpu.memory_space<hbm>> -> memref<32768xf32, #tpu.memory_space<hbm>>
        tpu.enqueue_dma source(%arg7 : memref<32768xf32, #tpu.memory_space<vmem>>) target(%dma_start3A_72 : memref<32768xf32, #tpu.memory_space<hbm>>) target_semaphore(%run_scoped3A : memref<!tpu.dma_semaphore, #tpu.memory_space<semaphore_mem>>)
        %dma_wait3A = arith.constant 0 : i32
        %dma_wait3A_73 = tpu.memref_slice %arg4[%dma_wait3A] : memref<262144xf32, #tpu.memory_space<hbm>> -> memref<32768xf32, #tpu.memory_space<hbm>>
        %dma_wait3A_74 = arith.constant 0 : i32
        %dma_wait3A_75 = tpu.memref_slice %arg4[%dma_wait3A_74] : memref<262144xf32, #tpu.memory_space<hbm>> -> memref<32768xf32, #tpu.memory_space<hbm>>
        tpu.wait_dma2 semaphore(%run_scoped3A : memref<!tpu.dma_semaphore, #tpu.memory_space<semaphore_mem>>) src(%arg7 : memref<32768xf32, #tpu.memory_space<vmem>>) dst(%dma_wait3A_75 : memref<32768xf32, #tpu.memory_space<hbm>>)
        tpu.yield
      }) : () -> ()
      %scan3A_28 = arith.constant 0 : i32
      %scan3A_29 = arith.constant 512 : i32
      %scan3A_30 = arith.addi %scan3A_28, %scan3A_29 : i32
      %scan3A_31 = arith.constant 1 : i32
      %scan3A_32:12 = scf.for %scan3A_70 = %scan3A_28 to %scan3A_30 step %scan3A_31 iter_args(%scan3A_71 = %scan3A_26#0, %scan3A_72 = %scan3A_26#1, %scan3A_73 = %scan3A_26#2, %scan3A_74 = %scan3A_26#3, %scan3A_75 = %scan3A_26#4, %scan3A_76 = %scan3A_26#5, %scan3A_77 = %scan3A_26#6, %scan3A_78 = %scan3A_26#7, %scan3A_79 = %scan3A_26#8, %scan3A_80 = %scan3A_26#9, %scan3A_81 = %scan3A_26#10, %scan3A_82 = %scan3A_26#11) -> (vector<16xf32>, vector<16xf32>, vector<16xf32>, vector<16xf32>, vector<16xf32>, vector<16xf32>, vector<16xf32>, vector<16xf32>, vector<16xf32>, vector<16xf32>, vector<16xf32>, vector<16xf32>)  : i32 {
        %add3A_83 = arith.constant 512 : i32
        %add3A_84 = arith.addi %add3A_83, %scan3A_70 : i32
        %convert_element_type3A_85 = arith.sitofp %add3A_84 : i32 to f32
        %jit3A = arith.constant 16 : i32
        %div3A = arith.divsi %add3A_84, %jit3A : i32
        %sign3A = arith.constant 0 : i32
        %sign3A_86 = arith.cmpi sgt, %add3A_84, %sign3A : i32
        %sign3A_87 = arith.extui %sign3A_86 : i1 to i32
        %sign3A_88 = arith.constant 0 : i32
        %sign3A_89 = arith.cmpi slt, %add3A_84, %sign3A_88 : i32
        %sign3A_90 = arith.extui %sign3A_89 : i1 to i32
        %sign3A_91 = arith.subi %sign3A_87, %sign3A_90 : i32
        %sign3A_92 = arith.constant 0 : i32
        %sign3A_93 = arith.cmpi sgt, %jit3A, %sign3A_92 : i32
        %sign3A_94 = arith.extui %sign3A_93 : i1 to i32
        %sign3A_95 = arith.constant 0 : i32
        %sign3A_96 = arith.cmpi slt, %jit3A, %sign3A_95 : i32
        %sign3A_97 = arith.extui %sign3A_96 : i1 to i32
        %sign3A_98 = arith.subi %sign3A_94, %sign3A_97 : i32
        %ne3A = arith.cmpi ne, %sign3A_91, %sign3A_98 : i32
        %rem3A = arith.remsi %add3A_84, %jit3A : i32
        %ne3A_99 = arith.constant 0 : i32
        %ne3A_100 = arith.cmpi ne, %rem3A, %ne3A_99 : i32
        %and3A_101 = arith.andi %ne3A, %ne3A_100 : i1
        %sub3A = arith.constant 1 : i32
        %sub3A_102 = arith.subi %div3A, %sub3A : i32
        %select_n3A = arith.select %and3A_101, %sub3A_102, %div3A : i32
        %mul3A = arith.constant 16 : i32
        %mul3A_103 = arith.muli %select_n3A, %mul3A : i32
        %get3A = arith.index_cast %mul3A_103 : i32 to index
        %get3A_104 = tpu.vector_load %arg5[%get3A] {strides = array<i32>} : memref<4096xf32, #tpu.memory_space<vmem>>, vector<16xf32>,
        %get3A_105 = vector.shape_cast %get3A_104 : vector<16xf32> to vector<16xf32>
        %sub3A_106 = arith.subi %add3A_84, %mul3A_103 : i32
        %broadcast_in_dim3A_107 = vector.broadcast %sub3A_106 : i32 to vector<16x1xi32>
        %gather3A = vector.shape_cast %broadcast_in_dim3A_107 : vector<16x1xi32> to vector<16xi32>
        %gather3A_108 = tpu.dynamic_gather %get3A_105[%gather3A] in [0] : vector<16xf32>, vector<16xi32> -> vector<16xf32>
        %min3A = arith.minimumf %scan3A_71, %scan3A_72 : vector<16xf32>
        %min3A_109 = arith.minimumf %scan3A_73, %scan3A_74 : vector<16xf32>
        %min3A_110 = arith.minimumf %min3A, %min3A_109 : vector<16xf32>
        %iota3A_111 = tpu.iota {dimensions = array<i32: 0>} : vector<16xi32>
        %xor3A = arith.constant 1 : i32
        %xor3A_112 = vector.broadcast %xor3A : i32 to vector<16xi32>
        %xor3A_113 = arith.xori %iota3A_111, %xor3A_112 : vector<16xi32>
        %reshape3A = vector.shape_cast %xor3A_113 : vector<16xi32> to vector<16x1xi32>
        %gather3A_114 = vector.shape_cast %reshape3A : vector<16x1xi32> to vector<16xi32>
        %gather3A_115 = tpu.dynamic_gather %min3A_110[%gather3A_114] in [0] : vector<16xf32>, vector<16xi32> -> vector<16xf32>
        %min3A_116 = arith.minimumf %min3A_110, %gather3A_115 : vector<16xf32>
        %xor3A_117 = arith.constant 2 : i32
        %xor3A_118 = vector.broadcast %xor3A_117 : i32 to vector<16xi32>
        %xor3A_119 = arith.xori %iota3A_111, %xor3A_118 : vector<16xi32>
        %reshape3A_120 = vector.shape_cast %xor3A_119 : vector<16xi32> to vector<16x1xi32>
        %gather3A_121 = vector.shape_cast %reshape3A_120 : vector<16x1xi32> to vector<16xi32>
        %gather3A_122 = tpu.dynamic_gather %min3A_116[%gather3A_121] in [0] : vector<16xf32>, vector<16xi32> -> vector<16xf32>
        %min3A_123 = arith.minimumf %min3A_116, %gather3A_122 : vector<16xf32>
        %xor3A_124 = arith.constant 4 : i32
        %xor3A_125 = vector.broadcast %xor3A_124 : i32 to vector<16xi32>
        %xor3A_126 = arith.xori %iota3A_111, %xor3A_125 : vector<16xi32>
        %reshape3A_127 = vector.shape_cast %xor3A_126 : vector<16xi32> to vector<16x1xi32>
        %gather3A_128 = vector.shape_cast %reshape3A_127 : vector<16x1xi32> to vector<16xi32>
        %gather3A_129 = tpu.dynamic_gather %min3A_123[%gather3A_128] in [0] : vector<16xf32>, vector<16xi32> -> vector<16xf32>
        %min3A_130 = arith.minimumf %min3A_123, %gather3A_129 : vector<16xf32>
        %xor3A_131 = arith.constant 8 : i32
        %xor3A_132 = vector.broadcast %xor3A_131 : i32 to vector<16xi32>
        %xor3A_133 = arith.xori %iota3A_111, %xor3A_132 : vector<16xi32>
        %reshape3A_134 = vector.shape_cast %xor3A_133 : vector<16xi32> to vector<16x1xi32>
        %gather3A_135 = vector.shape_cast %reshape3A_134 : vector<16x1xi32> to vector<16xi32>
        %gather3A_136 = tpu.dynamic_gather %min3A_130[%gather3A_135] in [0] : vector<16xf32>, vector<16xi32> -> vector<16xf32>
        %min3A_137 = arith.minimumf %min3A_130, %gather3A_136 : vector<16xf32>
        %eq3A_138 = arith.cmpf oeq, %scan3A_71, %min3A_137 : vector<16xf32>
        %jit3A_139 = arith.constant 64 : i32
        %broadcast_in_dim3A_140 = vector.broadcast %jit3A_139 : i32 to vector<16xi32>
        %select_n3A_141 = arith.select %eq3A_138, %add3A_5, %broadcast_in_dim3A_140 : vector<16xi1>, vector<16xi32>
        %eq3A_142 = arith.cmpf oeq, %scan3A_72, %min3A_137 : vector<16xf32>
        %jit3A_143 = arith.constant 64 : i32
        %broadcast_in_dim3A_144 = vector.broadcast %jit3A_143 : i32 to vector<16xi32>
        %select_n3A_145 = arith.select %eq3A_142, %add3A_9, %broadcast_in_dim3A_144 : vector<16xi1>, vector<16xi32>
        %eq3A_146 = arith.cmpf oeq, %scan3A_73, %min3A_137 : vector<16xf32>
        %jit3A_147 = arith.constant 64 : i32
        %broadcast_in_dim3A_148 = vector.broadcast %jit3A_147 : i32 to vector<16xi32>
        %select_n3A_149 = arith.select %eq3A_146, %add3A_13, %broadcast_in_dim3A_148 : vector<16xi1>, vector<16xi32>
        %eq3A_150 = arith.cmpf oeq, %scan3A_74, %min3A_137 : vector<16xf32>
        %jit3A_151 = arith.constant 64 : i32
        %broadcast_in_dim3A_152 = vector.broadcast %jit3A_151 : i32 to vector<16xi32>
        %select_n3A_153 = arith.select %eq3A_150, %add3A_17, %broadcast_in_dim3A_152 : vector<16xi1>, vector<16xi32>
        %min3A_154 = arith.minsi %select_n3A_141, %select_n3A_145 : vector<16xi32>
        %min3A_155 = arith.minsi %select_n3A_149, %select_n3A_153 : vector<16xi32>
        %min3A_156 = arith.minsi %min3A_154, %min3A_155 : vector<16xi32>
        %iota3A_157 = tpu.iota {dimensions = array<i32: 0>} : vector<16xi32>
        %xor3A_158 = arith.constant 1 : i32
        %xor3A_159 = vector.broadcast %xor3A_158 : i32 to vector<16xi32>
        %xor3A_160 = arith.xori %iota3A_157, %xor3A_159 : vector<16xi32>
        %reshape3A_161 = vector.shape_cast %xor3A_160 : vector<16xi32> to vector<16x1xi32>
        %gather3A_162 = vector.shape_cast %reshape3A_161 : vector<16x1xi32> to vector<16xi32>
        %gather3A_163 = tpu.dynamic_gather %min3A_156[%gather3A_162] in [0] : vector<16xi32>, vector<16xi32> -> vector<16xi32>
        %min3A_164 = arith.minsi %min3A_156, %gather3A_163 : vector<16xi32>
        %xor3A_165 = arith.constant 2 : i32
        %xor3A_166 = vector.broadcast %xor3A_165 : i32 to vector<16xi32>
        %xor3A_167 = arith.xori %iota3A_157, %xor3A_166 : vector<16xi32>
        %reshape3A_168 = vector.shape_cast %xor3A_167 : vector<16xi32> to vector<16x1xi32>
        %gather3A_169 = vector.shape_cast %reshape3A_168 : vector<16x1xi32> to vector<16xi32>
        %gather3A_170 = tpu.dynamic_gather %min3A_164[%gather3A_169] in [0] : vector<16xi32>, vector<16xi32> -> vector<16xi32>
        %min3A_171 = arith.minsi %min3A_164, %gather3A_170 : vector<16xi32>
        %xor3A_172 = arith.constant 4 : i32
        %xor3A_173 = vector.broadcast %xor3A_172 : i32 to vector<16xi32>
        %xor3A_174 = arith.xori %iota3A_157, %xor3A_173 : vector<16xi32>
        %reshape3A_175 = vector.shape_cast %xor3A_174 : vector<16xi32> to vector<16x1xi32>
        %gather3A_176 = vector.shape_cast %reshape3A_175 : vector<16x1xi32> to vector<16xi32>
        %gather3A_177 = tpu.dynamic_gather %min3A_171[%gather3A_176] in [0] : vector<16xi32>, vector<16xi32> -> vector<16xi32>
        %min3A_178 = arith.minsi %min3A_171, %gather3A_177 : vector<16xi32>
        %xor3A_179 = arith.constant 8 : i32
        %xor3A_180 = vector.broadcast %xor3A_179 : i32 to vector<16xi32>
        %xor3A_181 = arith.xori %iota3A_157, %xor3A_180 : vector<16xi32>
        %reshape3A_182 = vector.shape_cast %xor3A_181 : vector<16xi32> to vector<16x1xi32>
        %gather3A_183 = vector.shape_cast %reshape3A_182 : vector<16x1xi32> to vector<16xi32>
        %gather3A_184 = tpu.dynamic_gather %min3A_178[%gather3A_183] in [0] : vector<16xi32>, vector<16xi32> -> vector<16xi32>
        %min3A_185 = arith.minsi %min3A_178, %gather3A_184 : vector<16xi32>
        %broadcast_in_dim3A_186 = arith.constant 1 : i32
        %broadcast_in_dim3A_187 = vector.broadcast %broadcast_in_dim3A_186 : i32 to vector<16xi32>
        %broadcast_in_dim3A_188 = arith.constant 0 : i32
        %broadcast_in_dim3A_189 = vector.broadcast %broadcast_in_dim3A_188 : i32 to vector<16xi32>
        %gt3A = arith.constant 1.000000e-01 : f32
        %gt3A_190 = vector.broadcast %gt3A : f32 to vector<16xf32>
        %gt3A_191 = arith.cmpf ogt, %gather3A_108, %gt3A_190 : vector<16xf32>
        %select_n3A_192 = arith.select %gt3A_191, %broadcast_in_dim3A_187, %broadcast_in_dim3A_189 : vector<16xi1>, vector<16xi32>
        %le3A = arith.constant 0.000000e+00 : f32
        %le3A_193 = vector.broadcast %le3A : f32 to vector<16xf32>
        %le3A_194 = arith.cmpf ole, %min3A_137, %le3A_193 : vector<16xf32>
        %select_n3A_195 = arith.select %le3A_194, %broadcast_in_dim3A_187, %broadcast_in_dim3A_189 : vector<16xi1>, vector<16xi32>
        %max3A = arith.maxsi %select_n3A_192, %select_n3A_195 : vector<16xi32>
        %max3A_196 = arith.constant 1.000000e-01 : f32
        %max3A_197 = vector.broadcast %max3A_196 : f32 to vector<16xf32>
        %max3A_198 = arith.maximumf %gather3A_108, %max3A_197 : vector<16xf32>
        %mul3A_199 = arith.constant 64 : i32
        %mul3A_200 = arith.muli %scan3A_70, %mul3A_199 : i32
        %eq3A_201 = arith.cmpi eq, %add3A_5, %min3A_185 : vector<16xi32>
        %select_n3A_202 = arith.select %eq3A_201, %broadcast_in_dim3A_187, %broadcast_in_dim3A_189 : vector<16xi1>, vector<16xi32>
        %mul3A_203 = arith.muli %select_n3A_202, %max3A : vector<16xi32>
        %eq3A_204 = arith.constant 1 : i32
        %eq3A_205 = vector.broadcast %eq3A_204 : i32 to vector<16xi32>
        %eq3A_206 = arith.cmpi eq, %mul3A_203, %eq3A_205 : vector<16xi32>
        %select_n3A_207 = arith.select %eq3A_206, %max3A_198, %scan3A_71 : vector<16xi1>, vector<16xf32>
        %ge3A = arith.constant 1 : i32
        %ge3A_208 = vector.broadcast %ge3A : i32 to vector<16xi32>
        %ge3A_209 = arith.cmpi sge, %mul3A_203, %ge3A_208 : vector<16xi32>
        %select_n3A_210 = arith.select %ge3A_209, %broadcast_in_dim3A_18, %scan3A_75 : vector<16xi1>, vector<16xf32>
        %add3A_211 = arith.constant 1.000000e+00 : f32
        %add3A_212 = vector.broadcast %add3A_211 : f32 to vector<16xf32>
        %add3A_213 = arith.addf %select_n3A_210, %add3A_212 : vector<16xf32>
        %gt3A_214 = arith.constant 5.000000e+01 : f32
        %gt3A_215 = vector.broadcast %gt3A_214 : f32 to vector<16xf32>
        %gt3A_216 = arith.cmpf ogt, %add3A_213, %gt3A_215 : vector<16xf32>
        %mul3A_217 = arith.constant 0.899999976 : f32
        %mul3A_218 = vector.broadcast %mul3A_217 : f32 to vector<16xf32>
        %mul3A_219 = arith.mulf %select_n3A_207, %mul3A_218 : vector<16xf32>
        %select_n3A_220 = arith.select %gt3A_216, %mul3A_219, %select_n3A_207 : vector<16xi1>, vector<16xf32>
        %gt3A_221 = arith.constant 0 : i32
        %gt3A_222 = vector.broadcast %gt3A_221 : i32 to vector<16xi32>
        %gt3A_223 = arith.cmpi sgt, %mul3A_203, %gt3A_222 : vector<16xi32>
        %broadcast_in_dim3A_224 = vector.broadcast %convert_element_type3A_85 : f32 to vector<16xf32>
        %select_n3A_225 = arith.select %gt3A_223, %broadcast_in_dim3A_224, %scan3A_79 : vector<16xi1>, vector<16xf32>
        %add3A_226 = arith.constant 0 : i32
        %add3A_227 = arith.addi %mul3A_200, %add3A_226 : i32
        %swap3A = arith.index_cast %add3A_227 : i32 to index
        %swap3A_228 = tpu.vector_load %arg6[%swap3A] {strides = array<i32>} : memref<32768xf32, #tpu.memory_space<vmem>>, vector<16xf32>,
        %swap3A_229 = vector.shape_cast %swap3A_228 : vector<16xf32> to vector<16xf32>
        %swap3A_230 = vector.shape_cast %select_n3A_220 : vector<16xf32> to vector<16xf32>
        tpu.vector_store %arg6[%swap3A], %swap3A_230 {strides = array<i32>} : memref<32768xf32, #tpu.memory_space<vmem>>, vector<16xf32>,
        %add3A_231 = arith.constant 0 : i32
        %add3A_232 = arith.addi %mul3A_200, %add3A_231 : i32
        %swap3A_233 = arith.index_cast %add3A_232 : i32 to index
        %swap3A_234 = tpu.vector_load %arg7[%swap3A_233] {strides = array<i32>} : memref<32768xf32, #tpu.memory_space<vmem>>, vector<16xf32>,
        %swap3A_235 = vector.shape_cast %swap3A_234 : vector<16xf32> to vector<16xf32>
        %swap3A_236 = vector.shape_cast %select_n3A_225 : vector<16xf32> to vector<16xf32>
        tpu.vector_store %arg7[%swap3A_233], %swap3A_236 {strides = array<i32>} : memref<32768xf32, #tpu.memory_space<vmem>>, vector<16xf32>,
        %eq3A_237 = arith.cmpi eq, %add3A_9, %min3A_185 : vector<16xi32>
        %select_n3A_238 = arith.select %eq3A_237, %broadcast_in_dim3A_187, %broadcast_in_dim3A_189 : vector<16xi1>, vector<16xi32>
        %mul3A_239 = arith.muli %select_n3A_238, %max3A : vector<16xi32>
        %eq3A_240 = arith.constant 1 : i32
        %eq3A_241 = vector.broadcast %eq3A_240 : i32 to vector<16xi32>
        %eq3A_242 = arith.cmpi eq, %mul3A_239, %eq3A_241 : vector<16xi32>
        %select_n3A_243 = arith.select %eq3A_242, %max3A_198, %scan3A_72 : vector<16xi1>, vector<16xf32>
        %ge3A_244 = arith.constant 1 : i32
        %ge3A_245 = vector.broadcast %ge3A_244 : i32 to vector<16xi32>
        %ge3A_246 = arith.cmpi sge, %mul3A_239, %ge3A_245 : vector<16xi32>
        %select_n3A_247 = arith.select %ge3A_246, %broadcast_in_dim3A_18, %scan3A_76 : vector<16xi1>, vector<16xf32>
        %add3A_248 = arith.constant 1.000000e+00 : f32
        %add3A_249 = vector.broadcast %add3A_248 : f32 to vector<16xf32>
        %add3A_250 = arith.addf %select_n3A_247, %add3A_249 : vector<16xf32>
        %gt3A_251 = arith.constant 5.000000e+01 : f32
        %gt3A_252 = vector.broadcast %gt3A_251 : f32 to vector<16xf32>
        %gt3A_253 = arith.cmpf ogt, %add3A_250, %gt3A_252 : vector<16xf32>
        %mul3A_254 = arith.constant 0.899999976 : f32
        %mul3A_255 = vector.broadcast %mul3A_254 : f32 to vector<16xf32>
        %mul3A_256 = arith.mulf %select_n3A_243, %mul3A_255 : vector<16xf32>
        %select_n3A_257 = arith.select %gt3A_253, %mul3A_256, %select_n3A_243 : vector<16xi1>, vector<16xf32>
        %gt3A_258 = arith.constant 0 : i32
        %gt3A_259 = vector.broadcast %gt3A_258 : i32 to vector<16xi32>
        %gt3A_260 = arith.cmpi sgt, %mul3A_239, %gt3A_259 : vector<16xi32>
        %broadcast_in_dim3A_261 = vector.broadcast %convert_element_type3A_85 : f32 to vector<16xf32>
        %select_n3A_262 = arith.select %gt3A_260, %broadcast_in_dim3A_261, %scan3A_80 : vector<16xi1>, vector<16xf32>
        %add3A_263 = arith.constant 16 : i32
        %add3A_264 = arith.addi %mul3A_200, %add3A_263 : i32
        %swap3A_265 = arith.index_cast %add3A_264 : i32 to index
        %swap3A_266 = tpu.vector_load %arg6[%swap3A_265] {strides = array<i32>} : memref<32768xf32, #tpu.memory_space<vmem>>, vector<16xf32>,
        %swap3A_267 = vector.shape_cast %swap3A_266 : vector<16xf32> to vector<16xf32>
        %swap3A_268 = vector.shape_cast %select_n3A_257 : vector<16xf32> to vector<16xf32>
        tpu.vector_store %arg6[%swap3A_265], %swap3A_268 {strides = array<i32>} : memref<32768xf32, #tpu.memory_space<vmem>>, vector<16xf32>,
        %add3A_269 = arith.constant 16 : i32
        %add3A_270 = arith.addi %mul3A_200, %add3A_269 : i32
        %swap3A_271 = arith.index_cast %add3A_270 : i32 to index
        %swap3A_272 = tpu.vector_load %arg7[%swap3A_271] {strides = array<i32>} : memref<32768xf32, #tpu.memory_space<vmem>>, vector<16xf32>,
        %swap3A_273 = vector.shape_cast %swap3A_272 : vector<16xf32> to vector<16xf32>
        %swap3A_274 = vector.shape_cast %select_n3A_262 : vector<16xf32> to vector<16xf32>
        tpu.vector_store %arg7[%swap3A_271], %swap3A_274 {strides = array<i32>} : memref<32768xf32, #tpu.memory_space<vmem>>, vector<16xf32>,
        %eq3A_275 = arith.cmpi eq, %add3A_13, %min3A_185 : vector<16xi32>
        %select_n3A_276 = arith.select %eq3A_275, %broadcast_in_dim3A_187, %broadcast_in_dim3A_189 : vector<16xi1>, vector<16xi32>
        %mul3A_277 = arith.muli %select_n3A_276, %max3A : vector<16xi32>
        %eq3A_278 = arith.constant 1 : i32
        %eq3A_279 = vector.broadcast %eq3A_278 : i32 to vector<16xi32>
        %eq3A_280 = arith.cmpi eq, %mul3A_277, %eq3A_279 : vector<16xi32>
        %select_n3A_281 = arith.select %eq3A_280, %max3A_198, %scan3A_73 : vector<16xi1>, vector<16xf32>
        %ge3A_282 = arith.constant 1 : i32
        %ge3A_283 = vector.broadcast %ge3A_282 : i32 to vector<16xi32>
        %ge3A_284 = arith.cmpi sge, %mul3A_277, %ge3A_283 : vector<16xi32>
        %select_n3A_285 = arith.select %ge3A_284, %broadcast_in_dim3A_18, %scan3A_77 : vector<16xi1>, vector<16xf32>
        %add3A_286 = arith.constant 1.000000e+00 : f32
        %add3A_287 = vector.broadcast %add3A_286 : f32 to vector<16xf32>
        %add3A_288 = arith.addf %select_n3A_285, %add3A_287 : vector<16xf32>
        %gt3A_289 = arith.constant 5.000000e+01 : f32
        %gt3A_290 = vector.broadcast %gt3A_289 : f32 to vector<16xf32>
        %gt3A_291 = arith.cmpf ogt, %add3A_288, %gt3A_290 : vector<16xf32>
        %mul3A_292 = arith.constant 0.899999976 : f32
        %mul3A_293 = vector.broadcast %mul3A_292 : f32 to vector<16xf32>
        %mul3A_294 = arith.mulf %select_n3A_281, %mul3A_293 : vector<16xf32>
        %select_n3A_295 = arith.select %gt3A_291, %mul3A_294, %select_n3A_281 : vector<16xi1>, vector<16xf32>
        %gt3A_296 = arith.constant 0 : i32
        %gt3A_297 = vector.broadcast %gt3A_296 : i32 to vector<16xi32>
        %gt3A_298 = arith.cmpi sgt, %mul3A_277, %gt3A_297 : vector<16xi32>
        %broadcast_in_dim3A_299 = vector.broadcast %convert_element_type3A_85 : f32 to vector<16xf32>
        %select_n3A_300 = arith.select %gt3A_298, %broadcast_in_dim3A_299, %scan3A_81 : vector<16xi1>, vector<16xf32>
        %add3A_301 = arith.constant 32 : i32
        %add3A_302 = arith.addi %mul3A_200, %add3A_301 : i32
        %swap3A_303 = arith.index_cast %add3A_302 : i32 to index
        %swap3A_304 = tpu.vector_load %arg6[%swap3A_303] {strides = array<i32>} : memref<32768xf32, #tpu.memory_space<vmem>>, vector<16xf32>,
        %swap3A_305 = vector.shape_cast %swap3A_304 : vector<16xf32> to vector<16xf32>
        %swap3A_306 = vector.shape_cast %select_n3A_295 : vector<16xf32> to vector<16xf32>
        tpu.vector_store %arg6[%swap3A_303], %swap3A_306 {strides = array<i32>} : memref<32768xf32, #tpu.memory_space<vmem>>, vector<16xf32>,
        %add3A_307 = arith.constant 32 : i32
        %add3A_308 = arith.addi %mul3A_200, %add3A_307 : i32
        %swap3A_309 = arith.index_cast %add3A_308 : i32 to index
        %swap3A_310 = tpu.vector_load %arg7[%swap3A_309] {strides = array<i32>} : memref<32768xf32, #tpu.memory_space<vmem>>, vector<16xf32>,
        %swap3A_311 = vector.shape_cast %swap3A_310 : vector<16xf32> to vector<16xf32>
        %swap3A_312 = vector.shape_cast %select_n3A_300 : vector<16xf32> to vector<16xf32>
        tpu.vector_store %arg7[%swap3A_309], %swap3A_312 {strides = array<i32>} : memref<32768xf32, #tpu.memory_space<vmem>>, vector<16xf32>,
        %eq3A_313 = arith.cmpi eq, %add3A_17, %min3A_185 : vector<16xi32>
        %select_n3A_314 = arith.select %eq3A_313, %broadcast_in_dim3A_187, %broadcast_in_dim3A_189 : vector<16xi1>, vector<16xi32>
        %mul3A_315 = arith.muli %select_n3A_314, %max3A : vector<16xi32>
        %eq3A_316 = arith.constant 1 : i32
        %eq3A_317 = vector.broadcast %eq3A_316 : i32 to vector<16xi32>
        %eq3A_318 = arith.cmpi eq, %mul3A_315, %eq3A_317 : vector<16xi32>
        %select_n3A_319 = arith.select %eq3A_318, %max3A_198, %scan3A_74 : vector<16xi1>, vector<16xf32>
        %ge3A_320 = arith.constant 1 : i32
        %ge3A_321 = vector.broadcast %ge3A_320 : i32 to vector<16xi32>
        %ge3A_322 = arith.cmpi sge, %mul3A_315, %ge3A_321 : vector<16xi32>
        %select_n3A_323 = arith.select %ge3A_322, %broadcast_in_dim3A_18, %scan3A_78 : vector<16xi1>, vector<16xf32>
        %add3A_324 = arith.constant 1.000000e+00 : f32
        %add3A_325 = vector.broadcast %add3A_324 : f32 to vector<16xf32>
        %add3A_326 = arith.addf %select_n3A_323, %add3A_325 : vector<16xf32>
        %gt3A_327 = arith.constant 5.000000e+01 : f32
        %gt3A_328 = vector.broadcast %gt3A_327 : f32 to vector<16xf32>
        %gt3A_329 = arith.cmpf ogt, %add3A_326, %gt3A_328 : vector<16xf32>
        %mul3A_330 = arith.constant 0.899999976 : f32
        %mul3A_331 = vector.broadcast %mul3A_330 : f32 to vector<16xf32>
        %mul3A_332 = arith.mulf %select_n3A_319, %mul3A_331 : vector<16xf32>
        %select_n3A_333 = arith.select %gt3A_329, %mul3A_332, %select_n3A_319 : vector<16xi1>, vector<16xf32>
        %gt3A_334 = arith.constant 0 : i32
        %gt3A_335 = vector.broadcast %gt3A_334 : i32 to vector<16xi32>
        %gt3A_336 = arith.cmpi sgt, %mul3A_315, %gt3A_335 : vector<16xi32>
        %broadcast_in_dim3A_337 = vector.broadcast %convert_element_type3A_85 : f32 to vector<16xf32>
        %select_n3A_338 = arith.select %gt3A_336, %broadcast_in_dim3A_337, %scan3A_82 : vector<16xi1>, vector<16xf32>
        %add3A_339 = arith.constant 48 : i32
        %add3A_340 = arith.addi %mul3A_200, %add3A_339 : i32
        %swap3A_341 = arith.index_cast %add3A_340 : i32 to index
        %swap3A_342 = tpu.vector_load %arg6[%swap3A_341] {strides = array<i32>} : memref<32768xf32, #tpu.memory_space<vmem>>, vector<16xf32>,
        %swap3A_343 = vector.shape_cast %swap3A_342 : vector<16xf32> to vector<16xf32>
        %swap3A_344 = vector.shape_cast %select_n3A_333 : vector<16xf32> to vector<16xf32>
        tpu.vector_store %arg6[%swap3A_341], %swap3A_344 {strides = array<i32>} : memref<32768xf32, #tpu.memory_space<vmem>>, vector<16xf32>,
        %add3A_345 = arith.constant 48 : i32
        %add3A_346 = arith.addi %mul3A_200, %add3A_345 : i32
        %swap3A_347 = arith.index_cast %add3A_346 : i32 to index
        %swap3A_348 = tpu.vector_load %arg7[%swap3A_347] {strides = array<i32>} : memref<32768xf32, #tpu.memory_space<vmem>>, vector<16xf32>,
        %swap3A_349 = vector.shape_cast %swap3A_348 : vector<16xf32> to vector<16xf32>
        %swap3A_350 = vector.shape_cast %select_n3A_338 : vector<16xf32> to vector<16xf32>
        tpu.vector_store %arg7[%swap3A_347], %swap3A_350 {strides = array<i32>} : memref<32768xf32, #tpu.memory_space<vmem>>, vector<16xf32>,
        scf.yield %select_n3A_220, %select_n3A_257, %select_n3A_295, %select_n3A_333, %add3A_213, %add3A_250, %add3A_288, %add3A_326, %select_n3A_225, %select_n3A_262, %select_n3A_300, %select_n3A_338 : vector<16xf32>, vector<16xf32>, vector<16xf32>, vector<16xf32>, vector<16xf32>, vector<16xf32>, vector<16xf32>, vector<16xf32>, vector<16xf32>, vector<16xf32>, vector<16xf32>, vector<16xf32>
      }
      %scan3A_33 = arith.constant 512 : i32
      "tpu.region"() ({
        %run_scoped3A = tpu.sem_alloc : memref<!tpu.dma_semaphore, #tpu.memory_space<semaphore_mem>>
        %dma_start3A = arith.constant 32768 : i32
        %dma_start3A_70 = tpu.memref_slice %arg3[%dma_start3A] : memref<262144xf32, #tpu.memory_space<hbm>> -> memref<32768xf32, #tpu.memory_space<hbm>>
        %dma_start3A_71 = arith.constant 32768 : i32
        %dma_start3A_72 = tpu.memref_slice %arg3[%dma_start3A_71] : memref<262144xf32, #tpu.memory_space<hbm>> -> memref<32768xf32, #tpu.memory_space<hbm>>
        tpu.enqueue_dma source(%arg6 : memref<32768xf32, #tpu.memory_space<vmem>>) target(%dma_start3A_72 : memref<32768xf32, #tpu.memory_space<hbm>>) target_semaphore(%run_scoped3A : memref<!tpu.dma_semaphore, #tpu.memory_space<semaphore_mem>>)
        %dma_wait3A = arith.constant 32768 : i32
        %dma_wait3A_73 = tpu.memref_slice %arg3[%dma_wait3A] : memref<262144xf32, #tpu.memory_space<hbm>> -> memref<32768xf32, #tpu.memory_space<hbm>>
        %dma_wait3A_74 = arith.constant 32768 : i32
        %dma_wait3A_75 = tpu.memref_slice %arg3[%dma_wait3A_74] : memref<262144xf32, #tpu.memory_space<hbm>> -> memref<32768xf32, #tpu.memory_space<hbm>>
        tpu.wait_dma2 semaphore(%run_scoped3A : memref<!tpu.dma_semaphore, #tpu.memory_space<semaphore_mem>>) src(%arg6 : memref<32768xf32, #tpu.memory_space<vmem>>) dst(%dma_wait3A_75 : memref<32768xf32, #tpu.memory_space<hbm>>)
        tpu.yield
      }) : () -> ()
      "tpu.region"() ({
        %run_scoped3A = tpu.sem_alloc : memref<!tpu.dma_semaphore, #tpu.memory_space<semaphore_mem>>
        %dma_start3A = arith.constant 32768 : i32
        %dma_start3A_70 = tpu.memref_slice %arg4[%dma_start3A] : memref<262144xf32, #tpu.memory_space<hbm>> -> memref<32768xf32, #tpu.memory_space<hbm>>
        %dma_start3A_71 = arith.constant 32768 : i32
        %dma_start3A_72 = tpu.memref_slice %arg4[%dma_start3A_71] : memref<262144xf32, #tpu.memory_space<hbm>> -> memref<32768xf32, #tpu.memory_space<hbm>>
        tpu.enqueue_dma source(%arg7 : memref<32768xf32, #tpu.memory_space<vmem>>) target(%dma_start3A_72 : memref<32768xf32, #tpu.memory_space<hbm>>) target_semaphore(%run_scoped3A : memref<!tpu.dma_semaphore, #tpu.memory_space<semaphore_mem>>)
        %dma_wait3A = arith.constant 32768 : i32
        %dma_wait3A_73 = tpu.memref_slice %arg4[%dma_wait3A] : memref<262144xf32, #tpu.memory_space<hbm>> -> memref<32768xf32, #tpu.memory_space<hbm>>
        %dma_wait3A_74 = arith.constant 32768 : i32
        %dma_wait3A_75 = tpu.memref_slice %arg4[%dma_wait3A_74] : memref<262144xf32, #tpu.memory_space<hbm>> -> memref<32768xf32, #tpu.memory_space<hbm>>
        tpu.wait_dma2 semaphore(%run_scoped3A : memref<!tpu.dma_semaphore, #tpu.memory_space<semaphore_mem>>) src(%arg7 : memref<32768xf32, #tpu.memory_space<vmem>>) dst(%dma_wait3A_75 : memref<32768xf32, #tpu.memory_space<hbm>>)
        tpu.yield
      }) : () -> ()
      %scan3A_34 = arith.constant 0 : i32
      %scan3A_35 = arith.constant 512 : i32
      %scan3A_36 = arith.addi %scan3A_34, %scan3A_35 : i32
      %scan3A_37 = arith.constant 1 : i32
      %scan3A_38:12 = scf.for %scan3A_70 = %scan3A_34 to %scan3A_36 step %scan3A_37 iter_args(%scan3A_71 = %scan3A_32#0, %scan3A_72 = %scan3A_32#1, %scan3A_73 = %scan3A_32#2, %scan3A_74 = %scan3A_32#3, %scan3A_75 = %scan3A_32#4, %scan3A_76 = %scan3A_32#5, %scan3A_77 = %scan3A_32#6, %scan3A_78 = %scan3A_32#7, %scan3A_79 = %scan3A_32#8, %scan3A_80 = %scan3A_32#9, %scan3A_81 = %scan3A_32#10, %scan3A_82 = %scan3A_32#11) -> (vector<16xf32>, vector<16xf32>, vector<16xf32>, vector<16xf32>, vector<16xf32>, vector<16xf32>, vector<16xf32>, vector<16xf32>, vector<16xf32>, vector<16xf32>, vector<16xf32>, vector<16xf32>)  : i32 {
        %add3A_83 = arith.constant 1024 : i32
        %add3A_84 = arith.addi %add3A_83, %scan3A_70 : i32
        %convert_element_type3A_85 = arith.sitofp %add3A_84 : i32 to f32
        %jit3A = arith.constant 16 : i32
        %div3A = arith.divsi %add3A_84, %jit3A : i32
        %sign3A = arith.constant 0 : i32
        %sign3A_86 = arith.cmpi sgt, %add3A_84, %sign3A : i32
        %sign3A_87 = arith.extui %sign3A_86 : i1 to i32
        %sign3A_88 = arith.constant 0 : i32
        %sign3A_89 = arith.cmpi slt, %add3A_84, %sign3A_88 : i32
        %sign3A_90 = arith.extui %sign3A_89 : i1 to i32
        %sign3A_91 = arith.subi %sign3A_87, %sign3A_90 : i32
        %sign3A_92 = arith.constant 0 : i32
        %sign3A_93 = arith.cmpi sgt, %jit3A, %sign3A_92 : i32
        %sign3A_94 = arith.extui %sign3A_93 : i1 to i32
        %sign3A_95 = arith.constant 0 : i32
        %sign3A_96 = arith.cmpi slt, %jit3A, %sign3A_95 : i32
        %sign3A_97 = arith.extui %sign3A_96 : i1 to i32
        %sign3A_98 = arith.subi %sign3A_94, %sign3A_97 : i32
        %ne3A = arith.cmpi ne, %sign3A_91, %sign3A_98 : i32
        %rem3A = arith.remsi %add3A_84, %jit3A : i32
        %ne3A_99 = arith.constant 0 : i32
        %ne3A_100 = arith.cmpi ne, %rem3A, %ne3A_99 : i32
        %and3A_101 = arith.andi %ne3A, %ne3A_100 : i1
        %sub3A = arith.constant 1 : i32
        %sub3A_102 = arith.subi %div3A, %sub3A : i32
        %select_n3A = arith.select %and3A_101, %sub3A_102, %div3A : i32
        %mul3A = arith.constant 16 : i32
        %mul3A_103 = arith.muli %select_n3A, %mul3A : i32
        %get3A = arith.index_cast %mul3A_103 : i32 to index
        %get3A_104 = tpu.vector_load %arg5[%get3A] {strides = array<i32>} : memref<4096xf32, #tpu.memory_space<vmem>>, vector<16xf32>,
        %get3A_105 = vector.shape_cast %get3A_104 : vector<16xf32> to vector<16xf32>
        %sub3A_106 = arith.subi %add3A_84, %mul3A_103 : i32
        %broadcast_in_dim3A_107 = vector.broadcast %sub3A_106 : i32 to vector<16x1xi32>
        %gather3A = vector.shape_cast %broadcast_in_dim3A_107 : vector<16x1xi32> to vector<16xi32>
        %gather3A_108 = tpu.dynamic_gather %get3A_105[%gather3A] in [0] : vector<16xf32>, vector<16xi32> -> vector<16xf32>
        %min3A = arith.minimumf %scan3A_71, %scan3A_72 : vector<16xf32>
        %min3A_109 = arith.minimumf %scan3A_73, %scan3A_74 : vector<16xf32>
        %min3A_110 = arith.minimumf %min3A, %min3A_109 : vector<16xf32>
        %iota3A_111 = tpu.iota {dimensions = array<i32: 0>} : vector<16xi32>
        %xor3A = arith.constant 1 : i32
        %xor3A_112 = vector.broadcast %xor3A : i32 to vector<16xi32>
        %xor3A_113 = arith.xori %iota3A_111, %xor3A_112 : vector<16xi32>
        %reshape3A = vector.shape_cast %xor3A_113 : vector<16xi32> to vector<16x1xi32>
        %gather3A_114 = vector.shape_cast %reshape3A : vector<16x1xi32> to vector<16xi32>
        %gather3A_115 = tpu.dynamic_gather %min3A_110[%gather3A_114] in [0] : vector<16xf32>, vector<16xi32> -> vector<16xf32>
        %min3A_116 = arith.minimumf %min3A_110, %gather3A_115 : vector<16xf32>
        %xor3A_117 = arith.constant 2 : i32
        %xor3A_118 = vector.broadcast %xor3A_117 : i32 to vector<16xi32>
        %xor3A_119 = arith.xori %iota3A_111, %xor3A_118 : vector<16xi32>
        %reshape3A_120 = vector.shape_cast %xor3A_119 : vector<16xi32> to vector<16x1xi32>
        %gather3A_121 = vector.shape_cast %reshape3A_120 : vector<16x1xi32> to vector<16xi32>
        %gather3A_122 = tpu.dynamic_gather %min3A_116[%gather3A_121] in [0] : vector<16xf32>, vector<16xi32> -> vector<16xf32>
        %min3A_123 = arith.minimumf %min3A_116, %gather3A_122 : vector<16xf32>
        %xor3A_124 = arith.constant 4 : i32
        %xor3A_125 = vector.broadcast %xor3A_124 : i32 to vector<16xi32>
        %xor3A_126 = arith.xori %iota3A_111, %xor3A_125 : vector<16xi32>
        %reshape3A_127 = vector.shape_cast %xor3A_126 : vector<16xi32> to vector<16x1xi32>
        %gather3A_128 = vector.shape_cast %reshape3A_127 : vector<16x1xi32> to vector<16xi32>
        %gather3A_129 = tpu.dynamic_gather %min3A_123[%gather3A_128] in [0] : vector<16xf32>, vector<16xi32> -> vector<16xf32>
        %min3A_130 = arith.minimumf %min3A_123, %gather3A_129 : vector<16xf32>
        %xor3A_131 = arith.constant 8 : i32
        %xor3A_132 = vector.broadcast %xor3A_131 : i32 to vector<16xi32>
        %xor3A_133 = arith.xori %iota3A_111, %xor3A_132 : vector<16xi32>
        %reshape3A_134 = vector.shape_cast %xor3A_133 : vector<16xi32> to vector<16x1xi32>
        %gather3A_135 = vector.shape_cast %reshape3A_134 : vector<16x1xi32> to vector<16xi32>
        %gather3A_136 = tpu.dynamic_gather %min3A_130[%gather3A_135] in [0] : vector<16xf32>, vector<16xi32> -> vector<16xf32>
        %min3A_137 = arith.minimumf %min3A_130, %gather3A_136 : vector<16xf32>
        %eq3A_138 = arith.cmpf oeq, %scan3A_71, %min3A_137 : vector<16xf32>
        %jit3A_139 = arith.constant 64 : i32
        %broadcast_in_dim3A_140 = vector.broadcast %jit3A_139 : i32 to vector<16xi32>
        %select_n3A_141 = arith.select %eq3A_138, %add3A_5, %broadcast_in_dim3A_140 : vector<16xi1>, vector<16xi32>
        %eq3A_142 = arith.cmpf oeq, %scan3A_72, %min3A_137 : vector<16xf32>
        %jit3A_143 = arith.constant 64 : i32
        %broadcast_in_dim3A_144 = vector.broadcast %jit3A_143 : i32 to vector<16xi32>
        %select_n3A_145 = arith.select %eq3A_142, %add3A_9, %broadcast_in_dim3A_144 : vector<16xi1>, vector<16xi32>
        %eq3A_146 = arith.cmpf oeq, %scan3A_73, %min3A_137 : vector<16xf32>
        %jit3A_147 = arith.constant 64 : i32
        %broadcast_in_dim3A_148 = vector.broadcast %jit3A_147 : i32 to vector<16xi32>
        %select_n3A_149 = arith.select %eq3A_146, %add3A_13, %broadcast_in_dim3A_148 : vector<16xi1>, vector<16xi32>
        %eq3A_150 = arith.cmpf oeq, %scan3A_74, %min3A_137 : vector<16xf32>
        %jit3A_151 = arith.constant 64 : i32
        %broadcast_in_dim3A_152 = vector.broadcast %jit3A_151 : i32 to vector<16xi32>
        %select_n3A_153 = arith.select %eq3A_150, %add3A_17, %broadcast_in_dim3A_152 : vector<16xi1>, vector<16xi32>
        %min3A_154 = arith.minsi %select_n3A_141, %select_n3A_145 : vector<16xi32>
        %min3A_155 = arith.minsi %select_n3A_149, %select_n3A_153 : vector<16xi32>
        %min3A_156 = arith.minsi %min3A_154, %min3A_155 : vector<16xi32>
        %iota3A_157 = tpu.iota {dimensions = array<i32: 0>} : vector<16xi32>
        %xor3A_158 = arith.constant 1 : i32
        %xor3A_159 = vector.broadcast %xor3A_158 : i32 to vector<16xi32>
        %xor3A_160 = arith.xori %iota3A_157, %xor3A_159 : vector<16xi32>
        %reshape3A_161 = vector.shape_cast %xor3A_160 : vector<16xi32> to vector<16x1xi32>
        %gather3A_162 = vector.shape_cast %reshape3A_161 : vector<16x1xi32> to vector<16xi32>
        %gather3A_163 = tpu.dynamic_gather %min3A_156[%gather3A_162] in [0] : vector<16xi32>, vector<16xi32> -> vector<16xi32>
        %min3A_164 = arith.minsi %min3A_156, %gather3A_163 : vector<16xi32>
        %xor3A_165 = arith.constant 2 : i32
        %xor3A_166 = vector.broadcast %xor3A_165 : i32 to vector<16xi32>
        %xor3A_167 = arith.xori %iota3A_157, %xor3A_166 : vector<16xi32>
        %reshape3A_168 = vector.shape_cast %xor3A_167 : vector<16xi32> to vector<16x1xi32>
        %gather3A_169 = vector.shape_cast %reshape3A_168 : vector<16x1xi32> to vector<16xi32>
        %gather3A_170 = tpu.dynamic_gather %min3A_164[%gather3A_169] in [0] : vector<16xi32>, vector<16xi32> -> vector<16xi32>
        %min3A_171 = arith.minsi %min3A_164, %gather3A_170 : vector<16xi32>
        %xor3A_172 = arith.constant 4 : i32
        %xor3A_173 = vector.broadcast %xor3A_172 : i32 to vector<16xi32>
        %xor3A_174 = arith.xori %iota3A_157, %xor3A_173 : vector<16xi32>
        %reshape3A_175 = vector.shape_cast %xor3A_174 : vector<16xi32> to vector<16x1xi32>
        %gather3A_176 = vector.shape_cast %reshape3A_175 : vector<16x1xi32> to vector<16xi32>
        %gather3A_177 = tpu.dynamic_gather %min3A_171[%gather3A_176] in [0] : vector<16xi32>, vector<16xi32> -> vector<16xi32>
        %min3A_178 = arith.minsi %min3A_171, %gather3A_177 : vector<16xi32>
        %xor3A_179 = arith.constant 8 : i32
        %xor3A_180 = vector.broadcast %xor3A_179 : i32 to vector<16xi32>
        %xor3A_181 = arith.xori %iota3A_157, %xor3A_180 : vector<16xi32>
        %reshape3A_182 = vector.shape_cast %xor3A_181 : vector<16xi32> to vector<16x1xi32>
        %gather3A_183 = vector.shape_cast %reshape3A_182 : vector<16x1xi32> to vector<16xi32>
        %gather3A_184 = tpu.dynamic_gather %min3A_178[%gather3A_183] in [0] : vector<16xi32>, vector<16xi32> -> vector<16xi32>
        %min3A_185 = arith.minsi %min3A_178, %gather3A_184 : vector<16xi32>
        %broadcast_in_dim3A_186 = arith.constant 1 : i32
        %broadcast_in_dim3A_187 = vector.broadcast %broadcast_in_dim3A_186 : i32 to vector<16xi32>
        %broadcast_in_dim3A_188 = arith.constant 0 : i32
        %broadcast_in_dim3A_189 = vector.broadcast %broadcast_in_dim3A_188 : i32 to vector<16xi32>
        %gt3A = arith.constant 1.000000e-01 : f32
        %gt3A_190 = vector.broadcast %gt3A : f32 to vector<16xf32>
        %gt3A_191 = arith.cmpf ogt, %gather3A_108, %gt3A_190 : vector<16xf32>
        %select_n3A_192 = arith.select %gt3A_191, %broadcast_in_dim3A_187, %broadcast_in_dim3A_189 : vector<16xi1>, vector<16xi32>
        %le3A = arith.constant 0.000000e+00 : f32
        %le3A_193 = vector.broadcast %le3A : f32 to vector<16xf32>
        %le3A_194 = arith.cmpf ole, %min3A_137, %le3A_193 : vector<16xf32>
        %select_n3A_195 = arith.select %le3A_194, %broadcast_in_dim3A_187, %broadcast_in_dim3A_189 : vector<16xi1>, vector<16xi32>
        %max3A = arith.maxsi %select_n3A_192, %select_n3A_195 : vector<16xi32>
        %max3A_196 = arith.constant 1.000000e-01 : f32
        %max3A_197 = vector.broadcast %max3A_196 : f32 to vector<16xf32>
        %max3A_198 = arith.maximumf %gather3A_108, %max3A_197 : vector<16xf32>
        %mul3A_199 = arith.constant 64 : i32
        %mul3A_200 = arith.muli %scan3A_70, %mul3A_199 : i32
        %eq3A_201 = arith.cmpi eq, %add3A_5, %min3A_185 : vector<16xi32>
        %select_n3A_202 = arith.select %eq3A_201, %broadcast_in_dim3A_187, %broadcast_in_dim3A_189 : vector<16xi1>, vector<16xi32>
        %mul3A_203 = arith.muli %select_n3A_202, %max3A : vector<16xi32>
        %eq3A_204 = arith.constant 1 : i32
        %eq3A_205 = vector.broadcast %eq3A_204 : i32 to vector<16xi32>
        %eq3A_206 = arith.cmpi eq, %mul3A_203, %eq3A_205 : vector<16xi32>
        %select_n3A_207 = arith.select %eq3A_206, %max3A_198, %scan3A_71 : vector<16xi1>, vector<16xf32>
        %ge3A = arith.constant 1 : i32
        %ge3A_208 = vector.broadcast %ge3A : i32 to vector<16xi32>
        %ge3A_209 = arith.cmpi sge, %mul3A_203, %ge3A_208 : vector<16xi32>
        %select_n3A_210 = arith.select %ge3A_209, %broadcast_in_dim3A_18, %scan3A_75 : vector<16xi1>, vector<16xf32>
        %add3A_211 = arith.constant 1.000000e+00 : f32
        %add3A_212 = vector.broadcast %add3A_211 : f32 to vector<16xf32>
        %add3A_213 = arith.addf %select_n3A_210, %add3A_212 : vector<16xf32>
        %gt3A_214 = arith.constant 5.000000e+01 : f32
        %gt3A_215 = vector.broadcast %gt3A_214 : f32 to vector<16xf32>
        %gt3A_216 = arith.cmpf ogt, %add3A_213, %gt3A_215 : vector<16xf32>
        %mul3A_217 = arith.constant 0.899999976 : f32
        %mul3A_218 = vector.broadcast %mul3A_217 : f32 to vector<16xf32>
        %mul3A_219 = arith.mulf %select_n3A_207, %mul3A_218 : vector<16xf32>
        %select_n3A_220 = arith.select %gt3A_216, %mul3A_219, %select_n3A_207 : vector<16xi1>, vector<16xf32>
        %gt3A_221 = arith.constant 0 : i32
        %gt3A_222 = vector.broadcast %gt3A_221 : i32 to vector<16xi32>
        %gt3A_223 = arith.cmpi sgt, %mul3A_203, %gt3A_222 : vector<16xi32>
        %broadcast_in_dim3A_224 = vector.broadcast %convert_element_type3A_85 : f32 to vector<16xf32>
        %select_n3A_225 = arith.select %gt3A_223, %broadcast_in_dim3A_224, %scan3A_79 : vector<16xi1>, vector<16xf32>
        %add3A_226 = arith.constant 0 : i32
        %add3A_227 = arith.addi %mul3A_200, %add3A_226 : i32
        %swap3A = arith.index_cast %add3A_227 : i32 to index
        %swap3A_228 = tpu.vector_load %arg6[%swap3A] {strides = array<i32>} : memref<32768xf32, #tpu.memory_space<vmem>>, vector<16xf32>,
        %swap3A_229 = vector.shape_cast %swap3A_228 : vector<16xf32> to vector<16xf32>
        %swap3A_230 = vector.shape_cast %select_n3A_220 : vector<16xf32> to vector<16xf32>
        tpu.vector_store %arg6[%swap3A], %swap3A_230 {strides = array<i32>} : memref<32768xf32, #tpu.memory_space<vmem>>, vector<16xf32>,
        %add3A_231 = arith.constant 0 : i32
        %add3A_232 = arith.addi %mul3A_200, %add3A_231 : i32
        %swap3A_233 = arith.index_cast %add3A_232 : i32 to index
        %swap3A_234 = tpu.vector_load %arg7[%swap3A_233] {strides = array<i32>} : memref<32768xf32, #tpu.memory_space<vmem>>, vector<16xf32>,
        %swap3A_235 = vector.shape_cast %swap3A_234 : vector<16xf32> to vector<16xf32>
        %swap3A_236 = vector.shape_cast %select_n3A_225 : vector<16xf32> to vector<16xf32>
        tpu.vector_store %arg7[%swap3A_233], %swap3A_236 {strides = array<i32>} : memref<32768xf32, #tpu.memory_space<vmem>>, vector<16xf32>,
        %eq3A_237 = arith.cmpi eq, %add3A_9, %min3A_185 : vector<16xi32>
        %select_n3A_238 = arith.select %eq3A_237, %broadcast_in_dim3A_187, %broadcast_in_dim3A_189 : vector<16xi1>, vector<16xi32>
        %mul3A_239 = arith.muli %select_n3A_238, %max3A : vector<16xi32>
        %eq3A_240 = arith.constant 1 : i32
        %eq3A_241 = vector.broadcast %eq3A_240 : i32 to vector<16xi32>
        %eq3A_242 = arith.cmpi eq, %mul3A_239, %eq3A_241 : vector<16xi32>
        %select_n3A_243 = arith.select %eq3A_242, %max3A_198, %scan3A_72 : vector<16xi1>, vector<16xf32>
        %ge3A_244 = arith.constant 1 : i32
        %ge3A_245 = vector.broadcast %ge3A_244 : i32 to vector<16xi32>
        %ge3A_246 = arith.cmpi sge, %mul3A_239, %ge3A_245 : vector<16xi32>
        %select_n3A_247 = arith.select %ge3A_246, %broadcast_in_dim3A_18, %scan3A_76 : vector<16xi1>, vector<16xf32>
        %add3A_248 = arith.constant 1.000000e+00 : f32
        %add3A_249 = vector.broadcast %add3A_248 : f32 to vector<16xf32>
        %add3A_250 = arith.addf %select_n3A_247, %add3A_249 : vector<16xf32>
        %gt3A_251 = arith.constant 5.000000e+01 : f32
        %gt3A_252 = vector.broadcast %gt3A_251 : f32 to vector<16xf32>
        %gt3A_253 = arith.cmpf ogt, %add3A_250, %gt3A_252 : vector<16xf32>
        %mul3A_254 = arith.constant 0.899999976 : f32
        %mul3A_255 = vector.broadcast %mul3A_254 : f32 to vector<16xf32>
        %mul3A_256 = arith.mulf %select_n3A_243, %mul3A_255 : vector<16xf32>
        %select_n3A_257 = arith.select %gt3A_253, %mul3A_256, %select_n3A_243 : vector<16xi1>, vector<16xf32>
        %gt3A_258 = arith.constant 0 : i32
        %gt3A_259 = vector.broadcast %gt3A_258 : i32 to vector<16xi32>
        %gt3A_260 = arith.cmpi sgt, %mul3A_239, %gt3A_259 : vector<16xi32>
        %broadcast_in_dim3A_261 = vector.broadcast %convert_element_type3A_85 : f32 to vector<16xf32>
        %select_n3A_262 = arith.select %gt3A_260, %broadcast_in_dim3A_261, %scan3A_80 : vector<16xi1>, vector<16xf32>
        %add3A_263 = arith.constant 16 : i32
        %add3A_264 = arith.addi %mul3A_200, %add3A_263 : i32
        %swap3A_265 = arith.index_cast %add3A_264 : i32 to index
        %swap3A_266 = tpu.vector_load %arg6[%swap3A_265] {strides = array<i32>} : memref<32768xf32, #tpu.memory_space<vmem>>, vector<16xf32>,
        %swap3A_267 = vector.shape_cast %swap3A_266 : vector<16xf32> to vector<16xf32>
        %swap3A_268 = vector.shape_cast %select_n3A_257 : vector<16xf32> to vector<16xf32>
        tpu.vector_store %arg6[%swap3A_265], %swap3A_268 {strides = array<i32>} : memref<32768xf32, #tpu.memory_space<vmem>>, vector<16xf32>,
        %add3A_269 = arith.constant 16 : i32
        %add3A_270 = arith.addi %mul3A_200, %add3A_269 : i32
        %swap3A_271 = arith.index_cast %add3A_270 : i32 to index
        %swap3A_272 = tpu.vector_load %arg7[%swap3A_271] {strides = array<i32>} : memref<32768xf32, #tpu.memory_space<vmem>>, vector<16xf32>,
        %swap3A_273 = vector.shape_cast %swap3A_272 : vector<16xf32> to vector<16xf32>
        %swap3A_274 = vector.shape_cast %select_n3A_262 : vector<16xf32> to vector<16xf32>
        tpu.vector_store %arg7[%swap3A_271], %swap3A_274 {strides = array<i32>} : memref<32768xf32, #tpu.memory_space<vmem>>, vector<16xf32>,
        %eq3A_275 = arith.cmpi eq, %add3A_13, %min3A_185 : vector<16xi32>
        %select_n3A_276 = arith.select %eq3A_275, %broadcast_in_dim3A_187, %broadcast_in_dim3A_189 : vector<16xi1>, vector<16xi32>
        %mul3A_277 = arith.muli %select_n3A_276, %max3A : vector<16xi32>
        %eq3A_278 = arith.constant 1 : i32
        %eq3A_279 = vector.broadcast %eq3A_278 : i32 to vector<16xi32>
        %eq3A_280 = arith.cmpi eq, %mul3A_277, %eq3A_279 : vector<16xi32>
        %select_n3A_281 = arith.select %eq3A_280, %max3A_198, %scan3A_73 : vector<16xi1>, vector<16xf32>
        %ge3A_282 = arith.constant 1 : i32
        %ge3A_283 = vector.broadcast %ge3A_282 : i32 to vector<16xi32>
        %ge3A_284 = arith.cmpi sge, %mul3A_277, %ge3A_283 : vector<16xi32>
        %select_n3A_285 = arith.select %ge3A_284, %broadcast_in_dim3A_18, %scan3A_77 : vector<16xi1>, vector<16xf32>
        %add3A_286 = arith.constant 1.000000e+00 : f32
        %add3A_287 = vector.broadcast %add3A_286 : f32 to vector<16xf32>
        %add3A_288 = arith.addf %select_n3A_285, %add3A_287 : vector<16xf32>
        %gt3A_289 = arith.constant 5.000000e+01 : f32
        %gt3A_290 = vector.broadcast %gt3A_289 : f32 to vector<16xf32>
        %gt3A_291 = arith.cmpf ogt, %add3A_288, %gt3A_290 : vector<16xf32>
        %mul3A_292 = arith.constant 0.899999976 : f32
        %mul3A_293 = vector.broadcast %mul3A_292 : f32 to vector<16xf32>
        %mul3A_294 = arith.mulf %select_n3A_281, %mul3A_293 : vector<16xf32>
        %select_n3A_295 = arith.select %gt3A_291, %mul3A_294, %select_n3A_281 : vector<16xi1>, vector<16xf32>
        %gt3A_296 = arith.constant 0 : i32
        %gt3A_297 = vector.broadcast %gt3A_296 : i32 to vector<16xi32>
        %gt3A_298 = arith.cmpi sgt, %mul3A_277, %gt3A_297 : vector<16xi32>
        %broadcast_in_dim3A_299 = vector.broadcast %convert_element_type3A_85 : f32 to vector<16xf32>
        %select_n3A_300 = arith.select %gt3A_298, %broadcast_in_dim3A_299, %scan3A_81 : vector<16xi1>, vector<16xf32>
        %add3A_301 = arith.constant 32 : i32
        %add3A_302 = arith.addi %mul3A_200, %add3A_301 : i32
        %swap3A_303 = arith.index_cast %add3A_302 : i32 to index
        %swap3A_304 = tpu.vector_load %arg6[%swap3A_303] {strides = array<i32>} : memref<32768xf32, #tpu.memory_space<vmem>>, vector<16xf32>,
        %swap3A_305 = vector.shape_cast %swap3A_304 : vector<16xf32> to vector<16xf32>
        %swap3A_306 = vector.shape_cast %select_n3A_295 : vector<16xf32> to vector<16xf32>
        tpu.vector_store %arg6[%swap3A_303], %swap3A_306 {strides = array<i32>} : memref<32768xf32, #tpu.memory_space<vmem>>, vector<16xf32>,
        %add3A_307 = arith.constant 32 : i32
        %add3A_308 = arith.addi %mul3A_200, %add3A_307 : i32
        %swap3A_309 = arith.index_cast %add3A_308 : i32 to index
        %swap3A_310 = tpu.vector_load %arg7[%swap3A_309] {strides = array<i32>} : memref<32768xf32, #tpu.memory_space<vmem>>, vector<16xf32>,
        %swap3A_311 = vector.shape_cast %swap3A_310 : vector<16xf32> to vector<16xf32>
        %swap3A_312 = vector.shape_cast %select_n3A_300 : vector<16xf32> to vector<16xf32>
        tpu.vector_store %arg7[%swap3A_309], %swap3A_312 {strides = array<i32>} : memref<32768xf32, #tpu.memory_space<vmem>>, vector<16xf32>,
        %eq3A_313 = arith.cmpi eq, %add3A_17, %min3A_185 : vector<16xi32>
        %select_n3A_314 = arith.select %eq3A_313, %broadcast_in_dim3A_187, %broadcast_in_dim3A_189 : vector<16xi1>, vector<16xi32>
        %mul3A_315 = arith.muli %select_n3A_314, %max3A : vector<16xi32>
        %eq3A_316 = arith.constant 1 : i32
        %eq3A_317 = vector.broadcast %eq3A_316 : i32 to vector<16xi32>
        %eq3A_318 = arith.cmpi eq, %mul3A_315, %eq3A_317 : vector<16xi32>
        %select_n3A_319 = arith.select %eq3A_318, %max3A_198, %scan3A_74 : vector<16xi1>, vector<16xf32>
        %ge3A_320 = arith.constant 1 : i32
        %ge3A_321 = vector.broadcast %ge3A_320 : i32 to vector<16xi32>
        %ge3A_322 = arith.cmpi sge, %mul3A_315, %ge3A_321 : vector<16xi32>
        %select_n3A_323 = arith.select %ge3A_322, %broadcast_in_dim3A_18, %scan3A_78 : vector<16xi1>, vector<16xf32>
        %add3A_324 = arith.constant 1.000000e+00 : f32
        %add3A_325 = vector.broadcast %add3A_324 : f32 to vector<16xf32>
        %add3A_326 = arith.addf %select_n3A_323, %add3A_325 : vector<16xf32>
        %gt3A_327 = arith.constant 5.000000e+01 : f32
        %gt3A_328 = vector.broadcast %gt3A_327 : f32 to vector<16xf32>
        %gt3A_329 = arith.cmpf ogt, %add3A_326, %gt3A_328 : vector<16xf32>
        %mul3A_330 = arith.constant 0.899999976 : f32
        %mul3A_331 = vector.broadcast %mul3A_330 : f32 to vector<16xf32>
        %mul3A_332 = arith.mulf %select_n3A_319, %mul3A_331 : vector<16xf32>
        %select_n3A_333 = arith.select %gt3A_329, %mul3A_332, %select_n3A_319 : vector<16xi1>, vector<16xf32>
        %gt3A_334 = arith.constant 0 : i32
        %gt3A_335 = vector.broadcast %gt3A_334 : i32 to vector<16xi32>
        %gt3A_336 = arith.cmpi sgt, %mul3A_315, %gt3A_335 : vector<16xi32>
        %broadcast_in_dim3A_337 = vector.broadcast %convert_element_type3A_85 : f32 to vector<16xf32>
        %select_n3A_338 = arith.select %gt3A_336, %broadcast_in_dim3A_337, %scan3A_82 : vector<16xi1>, vector<16xf32>
        %add3A_339 = arith.constant 48 : i32
        %add3A_340 = arith.addi %mul3A_200, %add3A_339 : i32
        %swap3A_341 = arith.index_cast %add3A_340 : i32 to index
        %swap3A_342 = tpu.vector_load %arg6[%swap3A_341] {strides = array<i32>} : memref<32768xf32, #tpu.memory_space<vmem>>, vector<16xf32>,
        %swap3A_343 = vector.shape_cast %swap3A_342 : vector<16xf32> to vector<16xf32>
        %swap3A_344 = vector.shape_cast %select_n3A_333 : vector<16xf32> to vector<16xf32>
        tpu.vector_store %arg6[%swap3A_341], %swap3A_344 {strides = array<i32>} : memref<32768xf32, #tpu.memory_space<vmem>>, vector<16xf32>,
        %add3A_345 = arith.constant 48 : i32
        %add3A_346 = arith.addi %mul3A_200, %add3A_345 : i32
        %swap3A_347 = arith.index_cast %add3A_346 : i32 to index
        %swap3A_348 = tpu.vector_load %arg7[%swap3A_347] {strides = array<i32>} : memref<32768xf32, #tpu.memory_space<vmem>>, vector<16xf32>,
        %swap3A_349 = vector.shape_cast %swap3A_348 : vector<16xf32> to vector<16xf32>
        %swap3A_350 = vector.shape_cast %select_n3A_338 : vector<16xf32> to vector<16xf32>
        tpu.vector_store %arg7[%swap3A_347], %swap3A_350 {strides = array<i32>} : memref<32768xf32, #tpu.memory_space<vmem>>, vector<16xf32>,
        scf.yield %select_n3A_220, %select_n3A_257, %select_n3A_295, %select_n3A_333, %add3A_213, %add3A_250, %add3A_288, %add3A_326, %select_n3A_225, %select_n3A_262, %select_n3A_300, %select_n3A_338 : vector<16xf32>, vector<16xf32>, vector<16xf32>, vector<16xf32>, vector<16xf32>, vector<16xf32>, vector<16xf32>, vector<16xf32>, vector<16xf32>, vector<16xf32>, vector<16xf32>, vector<16xf32>
      }
      %scan3A_39 = arith.constant 512 : i32
      "tpu.region"() ({
        %run_scoped3A = tpu.sem_alloc : memref<!tpu.dma_semaphore, #tpu.memory_space<semaphore_mem>>
        %dma_start3A = arith.constant 65536 : i32
        %dma_start3A_70 = tpu.memref_slice %arg3[%dma_start3A] : memref<262144xf32, #tpu.memory_space<hbm>> -> memref<32768xf32, #tpu.memory_space<hbm>>
        %dma_start3A_71 = arith.constant 65536 : i32
        %dma_start3A_72 = tpu.memref_slice %arg3[%dma_start3A_71] : memref<262144xf32, #tpu.memory_space<hbm>> -> memref<32768xf32, #tpu.memory_space<hbm>>
        tpu.enqueue_dma source(%arg6 : memref<32768xf32, #tpu.memory_space<vmem>>) target(%dma_start3A_72 : memref<32768xf32, #tpu.memory_space<hbm>>) target_semaphore(%run_scoped3A : memref<!tpu.dma_semaphore, #tpu.memory_space<semaphore_mem>>)
        %dma_wait3A = arith.constant 65536 : i32
        %dma_wait3A_73 = tpu.memref_slice %arg3[%dma_wait3A] : memref<262144xf32, #tpu.memory_space<hbm>> -> memref<32768xf32, #tpu.memory_space<hbm>>
        %dma_wait3A_74 = arith.constant 65536 : i32
        %dma_wait3A_75 = tpu.memref_slice %arg3[%dma_wait3A_74] : memref<262144xf32, #tpu.memory_space<hbm>> -> memref<32768xf32, #tpu.memory_space<hbm>>
        tpu.wait_dma2 semaphore(%run_scoped3A : memref<!tpu.dma_semaphore, #tpu.memory_space<semaphore_mem>>) src(%arg6 : memref<32768xf32, #tpu.memory_space<vmem>>) dst(%dma_wait3A_75 : memref<32768xf32, #tpu.memory_space<hbm>>)
        tpu.yield
      }) : () -> ()
      "tpu.region"() ({
        %run_scoped3A = tpu.sem_alloc : memref<!tpu.dma_semaphore, #tpu.memory_space<semaphore_mem>>
        %dma_start3A = arith.constant 65536 : i32
        %dma_start3A_70 = tpu.memref_slice %arg4[%dma_start3A] : memref<262144xf32, #tpu.memory_space<hbm>> -> memref<32768xf32, #tpu.memory_space<hbm>>
        %dma_start3A_71 = arith.constant 65536 : i32
        %dma_start3A_72 = tpu.memref_slice %arg4[%dma_start3A_71] : memref<262144xf32, #tpu.memory_space<hbm>> -> memref<32768xf32, #tpu.memory_space<hbm>>
        tpu.enqueue_dma source(%arg7 : memref<32768xf32, #tpu.memory_space<vmem>>) target(%dma_start3A_72 : memref<32768xf32, #tpu.memory_space<hbm>>) target_semaphore(%run_scoped3A : memref<!tpu.dma_semaphore, #tpu.memory_space<semaphore_mem>>)
        %dma_wait3A = arith.constant 65536 : i32
        %dma_wait3A_73 = tpu.memref_slice %arg4[%dma_wait3A] : memref<262144xf32, #tpu.memory_space<hbm>> -> memref<32768xf32, #tpu.memory_space<hbm>>
        %dma_wait3A_74 = arith.constant 65536 : i32
        %dma_wait3A_75 = tpu.memref_slice %arg4[%dma_wait3A_74] : memref<262144xf32, #tpu.memory_space<hbm>> -> memref<32768xf32, #tpu.memory_space<hbm>>
        tpu.wait_dma2 semaphore(%run_scoped3A : memref<!tpu.dma_semaphore, #tpu.memory_space<semaphore_mem>>) src(%arg7 : memref<32768xf32, #tpu.memory_space<vmem>>) dst(%dma_wait3A_75 : memref<32768xf32, #tpu.memory_space<hbm>>)
        tpu.yield
      }) : () -> ()
      %scan3A_40 = arith.constant 0 : i32
      %scan3A_41 = arith.constant 512 : i32
      %scan3A_42 = arith.addi %scan3A_40, %scan3A_41 : i32
      %scan3A_43 = arith.constant 1 : i32
      %scan3A_44:12 = scf.for %scan3A_70 = %scan3A_40 to %scan3A_42 step %scan3A_43 iter_args(%scan3A_71 = %scan3A_38#0, %scan3A_72 = %scan3A_38#1, %scan3A_73 = %scan3A_38#2, %scan3A_74 = %scan3A_38#3, %scan3A_75 = %scan3A_38#4, %scan3A_76 = %scan3A_38#5, %scan3A_77 = %scan3A_38#6, %scan3A_78 = %scan3A_38#7, %scan3A_79 = %scan3A_38#8, %scan3A_80 = %scan3A_38#9, %scan3A_81 = %scan3A_38#10, %scan3A_82 = %scan3A_38#11) -> (vector<16xf32>, vector<16xf32>, vector<16xf32>, vector<16xf32>, vector<16xf32>, vector<16xf32>, vector<16xf32>, vector<16xf32>, vector<16xf32>, vector<16xf32>, vector<16xf32>, vector<16xf32>)  : i32 {
        %add3A_83 = arith.constant 1536 : i32
        %add3A_84 = arith.addi %add3A_83, %scan3A_70 : i32
        %convert_element_type3A_85 = arith.sitofp %add3A_84 : i32 to f32
        %jit3A = arith.constant 16 : i32
        %div3A = arith.divsi %add3A_84, %jit3A : i32
        %sign3A = arith.constant 0 : i32
        %sign3A_86 = arith.cmpi sgt, %add3A_84, %sign3A : i32
        %sign3A_87 = arith.extui %sign3A_86 : i1 to i32
        %sign3A_88 = arith.constant 0 : i32
        %sign3A_89 = arith.cmpi slt, %add3A_84, %sign3A_88 : i32
        %sign3A_90 = arith.extui %sign3A_89 : i1 to i32
        %sign3A_91 = arith.subi %sign3A_87, %sign3A_90 : i32
        %sign3A_92 = arith.constant 0 : i32
        %sign3A_93 = arith.cmpi sgt, %jit3A, %sign3A_92 : i32
        %sign3A_94 = arith.extui %sign3A_93 : i1 to i32
        %sign3A_95 = arith.constant 0 : i32
        %sign3A_96 = arith.cmpi slt, %jit3A, %sign3A_95 : i32
        %sign3A_97 = arith.extui %sign3A_96 : i1 to i32
        %sign3A_98 = arith.subi %sign3A_94, %sign3A_97 : i32
        %ne3A = arith.cmpi ne, %sign3A_91, %sign3A_98 : i32
        %rem3A = arith.remsi %add3A_84, %jit3A : i32
        %ne3A_99 = arith.constant 0 : i32
        %ne3A_100 = arith.cmpi ne, %rem3A, %ne3A_99 : i32
        %and3A_101 = arith.andi %ne3A, %ne3A_100 : i1
        %sub3A = arith.constant 1 : i32
        %sub3A_102 = arith.subi %div3A, %sub3A : i32
        %select_n3A = arith.select %and3A_101, %sub3A_102, %div3A : i32
        %mul3A = arith.constant 16 : i32
        %mul3A_103 = arith.muli %select_n3A, %mul3A : i32
        %get3A = arith.index_cast %mul3A_103 : i32 to index
        %get3A_104 = tpu.vector_load %arg5[%get3A] {strides = array<i32>} : memref<4096xf32, #tpu.memory_space<vmem>>, vector<16xf32>,
        %get3A_105 = vector.shape_cast %get3A_104 : vector<16xf32> to vector<16xf32>
        %sub3A_106 = arith.subi %add3A_84, %mul3A_103 : i32
        %broadcast_in_dim3A_107 = vector.broadcast %sub3A_106 : i32 to vector<16x1xi32>
        %gather3A = vector.shape_cast %broadcast_in_dim3A_107 : vector<16x1xi32> to vector<16xi32>
        %gather3A_108 = tpu.dynamic_gather %get3A_105[%gather3A] in [0] : vector<16xf32>, vector<16xi32> -> vector<16xf32>
        %min3A = arith.minimumf %scan3A_71, %scan3A_72 : vector<16xf32>
        %min3A_109 = arith.minimumf %scan3A_73, %scan3A_74 : vector<16xf32>
        %min3A_110 = arith.minimumf %min3A, %min3A_109 : vector<16xf32>
        %iota3A_111 = tpu.iota {dimensions = array<i32: 0>} : vector<16xi32>
        %xor3A = arith.constant 1 : i32
        %xor3A_112 = vector.broadcast %xor3A : i32 to vector<16xi32>
        %xor3A_113 = arith.xori %iota3A_111, %xor3A_112 : vector<16xi32>
        %reshape3A = vector.shape_cast %xor3A_113 : vector<16xi32> to vector<16x1xi32>
        %gather3A_114 = vector.shape_cast %reshape3A : vector<16x1xi32> to vector<16xi32>
        %gather3A_115 = tpu.dynamic_gather %min3A_110[%gather3A_114] in [0] : vector<16xf32>, vector<16xi32> -> vector<16xf32>
        %min3A_116 = arith.minimumf %min3A_110, %gather3A_115 : vector<16xf32>
        %xor3A_117 = arith.constant 2 : i32
        %xor3A_118 = vector.broadcast %xor3A_117 : i32 to vector<16xi32>
        %xor3A_119 = arith.xori %iota3A_111, %xor3A_118 : vector<16xi32>
        %reshape3A_120 = vector.shape_cast %xor3A_119 : vector<16xi32> to vector<16x1xi32>
        %gather3A_121 = vector.shape_cast %reshape3A_120 : vector<16x1xi32> to vector<16xi32>
        %gather3A_122 = tpu.dynamic_gather %min3A_116[%gather3A_121] in [0] : vector<16xf32>, vector<16xi32> -> vector<16xf32>
        %min3A_123 = arith.minimumf %min3A_116, %gather3A_122 : vector<16xf32>
        %xor3A_124 = arith.constant 4 : i32
        %xor3A_125 = vector.broadcast %xor3A_124 : i32 to vector<16xi32>
        %xor3A_126 = arith.xori %iota3A_111, %xor3A_125 : vector<16xi32>
        %reshape3A_127 = vector.shape_cast %xor3A_126 : vector<16xi32> to vector<16x1xi32>
        %gather3A_128 = vector.shape_cast %reshape3A_127 : vector<16x1xi32> to vector<16xi32>
        %gather3A_129 = tpu.dynamic_gather %min3A_123[%gather3A_128] in [0] : vector<16xf32>, vector<16xi32> -> vector<16xf32>
        %min3A_130 = arith.minimumf %min3A_123, %gather3A_129 : vector<16xf32>
        %xor3A_131 = arith.constant 8 : i32
        %xor3A_132 = vector.broadcast %xor3A_131 : i32 to vector<16xi32>
        %xor3A_133 = arith.xori %iota3A_111, %xor3A_132 : vector<16xi32>
        %reshape3A_134 = vector.shape_cast %xor3A_133 : vector<16xi32> to vector<16x1xi32>
        %gather3A_135 = vector.shape_cast %reshape3A_134 : vector<16x1xi32> to vector<16xi32>
        %gather3A_136 = tpu.dynamic_gather %min3A_130[%gather3A_135] in [0] : vector<16xf32>, vector<16xi32> -> vector<16xf32>
        %min3A_137 = arith.minimumf %min3A_130, %gather3A_136 : vector<16xf32>
        %eq3A_138 = arith.cmpf oeq, %scan3A_71, %min3A_137 : vector<16xf32>
        %jit3A_139 = arith.constant 64 : i32
        %broadcast_in_dim3A_140 = vector.broadcast %jit3A_139 : i32 to vector<16xi32>
        %select_n3A_141 = arith.select %eq3A_138, %add3A_5, %broadcast_in_dim3A_140 : vector<16xi1>, vector<16xi32>
        %eq3A_142 = arith.cmpf oeq, %scan3A_72, %min3A_137 : vector<16xf32>
        %jit3A_143 = arith.constant 64 : i32
        %broadcast_in_dim3A_144 = vector.broadcast %jit3A_143 : i32 to vector<16xi32>
        %select_n3A_145 = arith.select %eq3A_142, %add3A_9, %broadcast_in_dim3A_144 : vector<16xi1>, vector<16xi32>
        %eq3A_146 = arith.cmpf oeq, %scan3A_73, %min3A_137 : vector<16xf32>
        %jit3A_147 = arith.constant 64 : i32
        %broadcast_in_dim3A_148 = vector.broadcast %jit3A_147 : i32 to vector<16xi32>
        %select_n3A_149 = arith.select %eq3A_146, %add3A_13, %broadcast_in_dim3A_148 : vector<16xi1>, vector<16xi32>
        %eq3A_150 = arith.cmpf oeq, %scan3A_74, %min3A_137 : vector<16xf32>
        %jit3A_151 = arith.constant 64 : i32
        %broadcast_in_dim3A_152 = vector.broadcast %jit3A_151 : i32 to vector<16xi32>
        %select_n3A_153 = arith.select %eq3A_150, %add3A_17, %broadcast_in_dim3A_152 : vector<16xi1>, vector<16xi32>
        %min3A_154 = arith.minsi %select_n3A_141, %select_n3A_145 : vector<16xi32>
        %min3A_155 = arith.minsi %select_n3A_149, %select_n3A_153 : vector<16xi32>
        %min3A_156 = arith.minsi %min3A_154, %min3A_155 : vector<16xi32>
        %iota3A_157 = tpu.iota {dimensions = array<i32: 0>} : vector<16xi32>
        %xor3A_158 = arith.constant 1 : i32
        %xor3A_159 = vector.broadcast %xor3A_158 : i32 to vector<16xi32>
        %xor3A_160 = arith.xori %iota3A_157, %xor3A_159 : vector<16xi32>
        %reshape3A_161 = vector.shape_cast %xor3A_160 : vector<16xi32> to vector<16x1xi32>
        %gather3A_162 = vector.shape_cast %reshape3A_161 : vector<16x1xi32> to vector<16xi32>
        %gather3A_163 = tpu.dynamic_gather %min3A_156[%gather3A_162] in [0] : vector<16xi32>, vector<16xi32> -> vector<16xi32>
        %min3A_164 = arith.minsi %min3A_156, %gather3A_163 : vector<16xi32>
        %xor3A_165 = arith.constant 2 : i32
        %xor3A_166 = vector.broadcast %xor3A_165 : i32 to vector<16xi32>
        %xor3A_167 = arith.xori %iota3A_157, %xor3A_166 : vector<16xi32>
        %reshape3A_168 = vector.shape_cast %xor3A_167 : vector<16xi32> to vector<16x1xi32>
        %gather3A_169 = vector.shape_cast %reshape3A_168 : vector<16x1xi32> to vector<16xi32>
        %gather3A_170 = tpu.dynamic_gather %min3A_164[%gather3A_169] in [0] : vector<16xi32>, vector<16xi32> -> vector<16xi32>
        %min3A_171 = arith.minsi %min3A_164, %gather3A_170 : vector<16xi32>
        %xor3A_172 = arith.constant 4 : i32
        %xor3A_173 = vector.broadcast %xor3A_172 : i32 to vector<16xi32>
        %xor3A_174 = arith.xori %iota3A_157, %xor3A_173 : vector<16xi32>
        %reshape3A_175 = vector.shape_cast %xor3A_174 : vector<16xi32> to vector<16x1xi32>
        %gather3A_176 = vector.shape_cast %reshape3A_175 : vector<16x1xi32> to vector<16xi32>
        %gather3A_177 = tpu.dynamic_gather %min3A_171[%gather3A_176] in [0] : vector<16xi32>, vector<16xi32> -> vector<16xi32>
        %min3A_178 = arith.minsi %min3A_171, %gather3A_177 : vector<16xi32>
        %xor3A_179 = arith.constant 8 : i32
        %xor3A_180 = vector.broadcast %xor3A_179 : i32 to vector<16xi32>
        %xor3A_181 = arith.xori %iota3A_157, %xor3A_180 : vector<16xi32>
        %reshape3A_182 = vector.shape_cast %xor3A_181 : vector<16xi32> to vector<16x1xi32>
        %gather3A_183 = vector.shape_cast %reshape3A_182 : vector<16x1xi32> to vector<16xi32>
        %gather3A_184 = tpu.dynamic_gather %min3A_178[%gather3A_183] in [0] : vector<16xi32>, vector<16xi32> -> vector<16xi32>
        %min3A_185 = arith.minsi %min3A_178, %gather3A_184 : vector<16xi32>
        %broadcast_in_dim3A_186 = arith.constant 1 : i32
        %broadcast_in_dim3A_187 = vector.broadcast %broadcast_in_dim3A_186 : i32 to vector<16xi32>
        %broadcast_in_dim3A_188 = arith.constant 0 : i32
        %broadcast_in_dim3A_189 = vector.broadcast %broadcast_in_dim3A_188 : i32 to vector<16xi32>
        %gt3A = arith.constant 1.000000e-01 : f32
        %gt3A_190 = vector.broadcast %gt3A : f32 to vector<16xf32>
        %gt3A_191 = arith.cmpf ogt, %gather3A_108, %gt3A_190 : vector<16xf32>
        %select_n3A_192 = arith.select %gt3A_191, %broadcast_in_dim3A_187, %broadcast_in_dim3A_189 : vector<16xi1>, vector<16xi32>
        %le3A = arith.constant 0.000000e+00 : f32
        %le3A_193 = vector.broadcast %le3A : f32 to vector<16xf32>
        %le3A_194 = arith.cmpf ole, %min3A_137, %le3A_193 : vector<16xf32>
        %select_n3A_195 = arith.select %le3A_194, %broadcast_in_dim3A_187, %broadcast_in_dim3A_189 : vector<16xi1>, vector<16xi32>
        %max3A = arith.maxsi %select_n3A_192, %select_n3A_195 : vector<16xi32>
        %max3A_196 = arith.constant 1.000000e-01 : f32
        %max3A_197 = vector.broadcast %max3A_196 : f32 to vector<16xf32>
        %max3A_198 = arith.maximumf %gather3A_108, %max3A_197 : vector<16xf32>
        %mul3A_199 = arith.constant 64 : i32
        %mul3A_200 = arith.muli %scan3A_70, %mul3A_199 : i32
        %eq3A_201 = arith.cmpi eq, %add3A_5, %min3A_185 : vector<16xi32>
        %select_n3A_202 = arith.select %eq3A_201, %broadcast_in_dim3A_187, %broadcast_in_dim3A_189 : vector<16xi1>, vector<16xi32>
        %mul3A_203 = arith.muli %select_n3A_202, %max3A : vector<16xi32>
        %eq3A_204 = arith.constant 1 : i32
        %eq3A_205 = vector.broadcast %eq3A_204 : i32 to vector<16xi32>
        %eq3A_206 = arith.cmpi eq, %mul3A_203, %eq3A_205 : vector<16xi32>
        %select_n3A_207 = arith.select %eq3A_206, %max3A_198, %scan3A_71 : vector<16xi1>, vector<16xf32>
        %ge3A = arith.constant 1 : i32
        %ge3A_208 = vector.broadcast %ge3A : i32 to vector<16xi32>
        %ge3A_209 = arith.cmpi sge, %mul3A_203, %ge3A_208 : vector<16xi32>
        %select_n3A_210 = arith.select %ge3A_209, %broadcast_in_dim3A_18, %scan3A_75 : vector<16xi1>, vector<16xf32>
        %add3A_211 = arith.constant 1.000000e+00 : f32
        %add3A_212 = vector.broadcast %add3A_211 : f32 to vector<16xf32>
        %add3A_213 = arith.addf %select_n3A_210, %add3A_212 : vector<16xf32>
        %gt3A_214 = arith.constant 5.000000e+01 : f32
        %gt3A_215 = vector.broadcast %gt3A_214 : f32 to vector<16xf32>
        %gt3A_216 = arith.cmpf ogt, %add3A_213, %gt3A_215 : vector<16xf32>
        %mul3A_217 = arith.constant 0.899999976 : f32
        %mul3A_218 = vector.broadcast %mul3A_217 : f32 to vector<16xf32>
        %mul3A_219 = arith.mulf %select_n3A_207, %mul3A_218 : vector<16xf32>
        %select_n3A_220 = arith.select %gt3A_216, %mul3A_219, %select_n3A_207 : vector<16xi1>, vector<16xf32>
        %gt3A_221 = arith.constant 0 : i32
        %gt3A_222 = vector.broadcast %gt3A_221 : i32 to vector<16xi32>
        %gt3A_223 = arith.cmpi sgt, %mul3A_203, %gt3A_222 : vector<16xi32>
        %broadcast_in_dim3A_224 = vector.broadcast %convert_element_type3A_85 : f32 to vector<16xf32>
        %select_n3A_225 = arith.select %gt3A_223, %broadcast_in_dim3A_224, %scan3A_79 : vector<16xi1>, vector<16xf32>
        %add3A_226 = arith.constant 0 : i32
        %add3A_227 = arith.addi %mul3A_200, %add3A_226 : i32
        %swap3A = arith.index_cast %add3A_227 : i32 to index
        %swap3A_228 = tpu.vector_load %arg6[%swap3A] {strides = array<i32>} : memref<32768xf32, #tpu.memory_space<vmem>>, vector<16xf32>,
        %swap3A_229 = vector.shape_cast %swap3A_228 : vector<16xf32> to vector<16xf32>
        %swap3A_230 = vector.shape_cast %select_n3A_220 : vector<16xf32> to vector<16xf32>
        tpu.vector_store %arg6[%swap3A], %swap3A_230 {strides = array<i32>} : memref<32768xf32, #tpu.memory_space<vmem>>, vector<16xf32>,
        %add3A_231 = arith.constant 0 : i32
        %add3A_232 = arith.addi %mul3A_200, %add3A_231 : i32
        %swap3A_233 = arith.index_cast %add3A_232 : i32 to index
        %swap3A_234 = tpu.vector_load %arg7[%swap3A_233] {strides = array<i32>} : memref<32768xf32, #tpu.memory_space<vmem>>, vector<16xf32>,
        %swap3A_235 = vector.shape_cast %swap3A_234 : vector<16xf32> to vector<16xf32>
        %swap3A_236 = vector.shape_cast %select_n3A_225 : vector<16xf32> to vector<16xf32>
        tpu.vector_store %arg7[%swap3A_233], %swap3A_236 {strides = array<i32>} : memref<32768xf32, #tpu.memory_space<vmem>>, vector<16xf32>,
        %eq3A_237 = arith.cmpi eq, %add3A_9, %min3A_185 : vector<16xi32>
        %select_n3A_238 = arith.select %eq3A_237, %broadcast_in_dim3A_187, %broadcast_in_dim3A_189 : vector<16xi1>, vector<16xi32>
        %mul3A_239 = arith.muli %select_n3A_238, %max3A : vector<16xi32>
        %eq3A_240 = arith.constant 1 : i32
        %eq3A_241 = vector.broadcast %eq3A_240 : i32 to vector<16xi32>
        %eq3A_242 = arith.cmpi eq, %mul3A_239, %eq3A_241 : vector<16xi32>
        %select_n3A_243 = arith.select %eq3A_242, %max3A_198, %scan3A_72 : vector<16xi1>, vector<16xf32>
        %ge3A_244 = arith.constant 1 : i32
        %ge3A_245 = vector.broadcast %ge3A_244 : i32 to vector<16xi32>
        %ge3A_246 = arith.cmpi sge, %mul3A_239, %ge3A_245 : vector<16xi32>
        %select_n3A_247 = arith.select %ge3A_246, %broadcast_in_dim3A_18, %scan3A_76 : vector<16xi1>, vector<16xf32>
        %add3A_248 = arith.constant 1.000000e+00 : f32
        %add3A_249 = vector.broadcast %add3A_248 : f32 to vector<16xf32>
        %add3A_250 = arith.addf %select_n3A_247, %add3A_249 : vector<16xf32>
        %gt3A_251 = arith.constant 5.000000e+01 : f32
        %gt3A_252 = vector.broadcast %gt3A_251 : f32 to vector<16xf32>
        %gt3A_253 = arith.cmpf ogt, %add3A_250, %gt3A_252 : vector<16xf32>
        %mul3A_254 = arith.constant 0.899999976 : f32
        %mul3A_255 = vector.broadcast %mul3A_254 : f32 to vector<16xf32>
        %mul3A_256 = arith.mulf %select_n3A_243, %mul3A_255 : vector<16xf32>
        %select_n3A_257 = arith.select %gt3A_253, %mul3A_256, %select_n3A_243 : vector<16xi1>, vector<16xf32>
        %gt3A_258 = arith.constant 0 : i32
        %gt3A_259 = vector.broadcast %gt3A_258 : i32 to vector<16xi32>
        %gt3A_260 = arith.cmpi sgt, %mul3A_239, %gt3A_259 : vector<16xi32>
        %broadcast_in_dim3A_261 = vector.broadcast %convert_element_type3A_85 : f32 to vector<16xf32>
        %select_n3A_262 = arith.select %gt3A_260, %broadcast_in_dim3A_261, %scan3A_80 : vector<16xi1>, vector<16xf32>
        %add3A_263 = arith.constant 16 : i32
        %add3A_264 = arith.addi %mul3A_200, %add3A_263 : i32
        %swap3A_265 = arith.index_cast %add3A_264 : i32 to index
        %swap3A_266 = tpu.vector_load %arg6[%swap3A_265] {strides = array<i32>} : memref<32768xf32, #tpu.memory_space<vmem>>, vector<16xf32>,
        %swap3A_267 = vector.shape_cast %swap3A_266 : vector<16xf32> to vector<16xf32>
        %swap3A_268 = vector.shape_cast %select_n3A_257 : vector<16xf32> to vector<16xf32>
        tpu.vector_store %arg6[%swap3A_265], %swap3A_268 {strides = array<i32>} : memref<32768xf32, #tpu.memory_space<vmem>>, vector<16xf32>,
        %add3A_269 = arith.constant 16 : i32
        %add3A_270 = arith.addi %mul3A_200, %add3A_269 : i32
        %swap3A_271 = arith.index_cast %add3A_270 : i32 to index
        %swap3A_272 = tpu.vector_load %arg7[%swap3A_271] {strides = array<i32>} : memref<32768xf32, #tpu.memory_space<vmem>>, vector<16xf32>,
        %swap3A_273 = vector.shape_cast %swap3A_272 : vector<16xf32> to vector<16xf32>
        %swap3A_274 = vector.shape_cast %select_n3A_262 : vector<16xf32> to vector<16xf32>
        tpu.vector_store %arg7[%swap3A_271], %swap3A_274 {strides = array<i32>} : memref<32768xf32, #tpu.memory_space<vmem>>, vector<16xf32>,
        %eq3A_275 = arith.cmpi eq, %add3A_13, %min3A_185 : vector<16xi32>
        %select_n3A_276 = arith.select %eq3A_275, %broadcast_in_dim3A_187, %broadcast_in_dim3A_189 : vector<16xi1>, vector<16xi32>
        %mul3A_277 = arith.muli %select_n3A_276, %max3A : vector<16xi32>
        %eq3A_278 = arith.constant 1 : i32
        %eq3A_279 = vector.broadcast %eq3A_278 : i32 to vector<16xi32>
        %eq3A_280 = arith.cmpi eq, %mul3A_277, %eq3A_279 : vector<16xi32>
        %select_n3A_281 = arith.select %eq3A_280, %max3A_198, %scan3A_73 : vector<16xi1>, vector<16xf32>
        %ge3A_282 = arith.constant 1 : i32
        %ge3A_283 = vector.broadcast %ge3A_282 : i32 to vector<16xi32>
        %ge3A_284 = arith.cmpi sge, %mul3A_277, %ge3A_283 : vector<16xi32>
        %select_n3A_285 = arith.select %ge3A_284, %broadcast_in_dim3A_18, %scan3A_77 : vector<16xi1>, vector<16xf32>
        %add3A_286 = arith.constant 1.000000e+00 : f32
        %add3A_287 = vector.broadcast %add3A_286 : f32 to vector<16xf32>
        %add3A_288 = arith.addf %select_n3A_285, %add3A_287 : vector<16xf32>
        %gt3A_289 = arith.constant 5.000000e+01 : f32
        %gt3A_290 = vector.broadcast %gt3A_289 : f32 to vector<16xf32>
        %gt3A_291 = arith.cmpf ogt, %add3A_288, %gt3A_290 : vector<16xf32>
        %mul3A_292 = arith.constant 0.899999976 : f32
        %mul3A_293 = vector.broadcast %mul3A_292 : f32 to vector<16xf32>
        %mul3A_294 = arith.mulf %select_n3A_281, %mul3A_293 : vector<16xf32>
        %select_n3A_295 = arith.select %gt3A_291, %mul3A_294, %select_n3A_281 : vector<16xi1>, vector<16xf32>
        %gt3A_296 = arith.constant 0 : i32
        %gt3A_297 = vector.broadcast %gt3A_296 : i32 to vector<16xi32>
        %gt3A_298 = arith.cmpi sgt, %mul3A_277, %gt3A_297 : vector<16xi32>
        %broadcast_in_dim3A_299 = vector.broadcast %convert_element_type3A_85 : f32 to vector<16xf32>
        %select_n3A_300 = arith.select %gt3A_298, %broadcast_in_dim3A_299, %scan3A_81 : vector<16xi1>, vector<16xf32>
        %add3A_301 = arith.constant 32 : i32
        %add3A_302 = arith.addi %mul3A_200, %add3A_301 : i32
        %swap3A_303 = arith.index_cast %add3A_302 : i32 to index
        %swap3A_304 = tpu.vector_load %arg6[%swap3A_303] {strides = array<i32>} : memref<32768xf32, #tpu.memory_space<vmem>>, vector<16xf32>,
        %swap3A_305 = vector.shape_cast %swap3A_304 : vector<16xf32> to vector<16xf32>
        %swap3A_306 = vector.shape_cast %select_n3A_295 : vector<16xf32> to vector<16xf32>
        tpu.vector_store %arg6[%swap3A_303], %swap3A_306 {strides = array<i32>} : memref<32768xf32, #tpu.memory_space<vmem>>, vector<16xf32>,
        %add3A_307 = arith.constant 32 : i32
        %add3A_308 = arith.addi %mul3A_200, %add3A_307 : i32
        %swap3A_309 = arith.index_cast %add3A_308 : i32 to index
        %swap3A_310 = tpu.vector_load %arg7[%swap3A_309] {strides = array<i32>} : memref<32768xf32, #tpu.memory_space<vmem>>, vector<16xf32>,
        %swap3A_311 = vector.shape_cast %swap3A_310 : vector<16xf32> to vector<16xf32>
        %swap3A_312 = vector.shape_cast %select_n3A_300 : vector<16xf32> to vector<16xf32>
        tpu.vector_store %arg7[%swap3A_309], %swap3A_312 {strides = array<i32>} : memref<32768xf32, #tpu.memory_space<vmem>>, vector<16xf32>,
        %eq3A_313 = arith.cmpi eq, %add3A_17, %min3A_185 : vector<16xi32>
        %select_n3A_314 = arith.select %eq3A_313, %broadcast_in_dim3A_187, %broadcast_in_dim3A_189 : vector<16xi1>, vector<16xi32>
        %mul3A_315 = arith.muli %select_n3A_314, %max3A : vector<16xi32>
        %eq3A_316 = arith.constant 1 : i32
        %eq3A_317 = vector.broadcast %eq3A_316 : i32 to vector<16xi32>
        %eq3A_318 = arith.cmpi eq, %mul3A_315, %eq3A_317 : vector<16xi32>
        %select_n3A_319 = arith.select %eq3A_318, %max3A_198, %scan3A_74 : vector<16xi1>, vector<16xf32>
        %ge3A_320 = arith.constant 1 : i32
        %ge3A_321 = vector.broadcast %ge3A_320 : i32 to vector<16xi32>
        %ge3A_322 = arith.cmpi sge, %mul3A_315, %ge3A_321 : vector<16xi32>
        %select_n3A_323 = arith.select %ge3A_322, %broadcast_in_dim3A_18, %scan3A_78 : vector<16xi1>, vector<16xf32>
        %add3A_324 = arith.constant 1.000000e+00 : f32
        %add3A_325 = vector.broadcast %add3A_324 : f32 to vector<16xf32>
        %add3A_326 = arith.addf %select_n3A_323, %add3A_325 : vector<16xf32>
        %gt3A_327 = arith.constant 5.000000e+01 : f32
        %gt3A_328 = vector.broadcast %gt3A_327 : f32 to vector<16xf32>
        %gt3A_329 = arith.cmpf ogt, %add3A_326, %gt3A_328 : vector<16xf32>
        %mul3A_330 = arith.constant 0.899999976 : f32
        %mul3A_331 = vector.broadcast %mul3A_330 : f32 to vector<16xf32>
        %mul3A_332 = arith.mulf %select_n3A_319, %mul3A_331 : vector<16xf32>
        %select_n3A_333 = arith.select %gt3A_329, %mul3A_332, %select_n3A_319 : vector<16xi1>, vector<16xf32>
        %gt3A_334 = arith.constant 0 : i32
        %gt3A_335 = vector.broadcast %gt3A_334 : i32 to vector<16xi32>
        %gt3A_336 = arith.cmpi sgt, %mul3A_315, %gt3A_335 : vector<16xi32>
        %broadcast_in_dim3A_337 = vector.broadcast %convert_element_type3A_85 : f32 to vector<16xf32>
        %select_n3A_338 = arith.select %gt3A_336, %broadcast_in_dim3A_337, %scan3A_82 : vector<16xi1>, vector<16xf32>
        %add3A_339 = arith.constant 48 : i32
        %add3A_340 = arith.addi %mul3A_200, %add3A_339 : i32
        %swap3A_341 = arith.index_cast %add3A_340 : i32 to index
        %swap3A_342 = tpu.vector_load %arg6[%swap3A_341] {strides = array<i32>} : memref<32768xf32, #tpu.memory_space<vmem>>, vector<16xf32>,
        %swap3A_343 = vector.shape_cast %swap3A_342 : vector<16xf32> to vector<16xf32>
        %swap3A_344 = vector.shape_cast %select_n3A_333 : vector<16xf32> to vector<16xf32>
        tpu.vector_store %arg6[%swap3A_341], %swap3A_344 {strides = array<i32>} : memref<32768xf32, #tpu.memory_space<vmem>>, vector<16xf32>,
        %add3A_345 = arith.constant 48 : i32
        %add3A_346 = arith.addi %mul3A_200, %add3A_345 : i32
        %swap3A_347 = arith.index_cast %add3A_346 : i32 to index
        %swap3A_348 = tpu.vector_load %arg7[%swap3A_347] {strides = array<i32>} : memref<32768xf32, #tpu.memory_space<vmem>>, vector<16xf32>,
        %swap3A_349 = vector.shape_cast %swap3A_348 : vector<16xf32> to vector<16xf32>
        %swap3A_350 = vector.shape_cast %select_n3A_338 : vector<16xf32> to vector<16xf32>
        tpu.vector_store %arg7[%swap3A_347], %swap3A_350 {strides = array<i32>} : memref<32768xf32, #tpu.memory_space<vmem>>, vector<16xf32>,
        scf.yield %select_n3A_220, %select_n3A_257, %select_n3A_295, %select_n3A_333, %add3A_213, %add3A_250, %add3A_288, %add3A_326, %select_n3A_225, %select_n3A_262, %select_n3A_300, %select_n3A_338 : vector<16xf32>, vector<16xf32>, vector<16xf32>, vector<16xf32>, vector<16xf32>, vector<16xf32>, vector<16xf32>, vector<16xf32>, vector<16xf32>, vector<16xf32>, vector<16xf32>, vector<16xf32>
      }
      %scan3A_45 = arith.constant 512 : i32
      "tpu.region"() ({
        %run_scoped3A = tpu.sem_alloc : memref<!tpu.dma_semaphore, #tpu.memory_space<semaphore_mem>>
        %dma_start3A = arith.constant 98304 : i32
        %dma_start3A_70 = tpu.memref_slice %arg3[%dma_start3A] : memref<262144xf32, #tpu.memory_space<hbm>> -> memref<32768xf32, #tpu.memory_space<hbm>>
        %dma_start3A_71 = arith.constant 98304 : i32
        %dma_start3A_72 = tpu.memref_slice %arg3[%dma_start3A_71] : memref<262144xf32, #tpu.memory_space<hbm>> -> memref<32768xf32, #tpu.memory_space<hbm>>
        tpu.enqueue_dma source(%arg6 : memref<32768xf32, #tpu.memory_space<vmem>>) target(%dma_start3A_72 : memref<32768xf32, #tpu.memory_space<hbm>>) target_semaphore(%run_scoped3A : memref<!tpu.dma_semaphore, #tpu.memory_space<semaphore_mem>>)
        %dma_wait3A = arith.constant 98304 : i32
        %dma_wait3A_73 = tpu.memref_slice %arg3[%dma_wait3A] : memref<262144xf32, #tpu.memory_space<hbm>> -> memref<32768xf32, #tpu.memory_space<hbm>>
        %dma_wait3A_74 = arith.constant 98304 : i32
        %dma_wait3A_75 = tpu.memref_slice %arg3[%dma_wait3A_74] : memref<262144xf32, #tpu.memory_space<hbm>> -> memref<32768xf32, #tpu.memory_space<hbm>>
        tpu.wait_dma2 semaphore(%run_scoped3A : memref<!tpu.dma_semaphore, #tpu.memory_space<semaphore_mem>>) src(%arg6 : memref<32768xf32, #tpu.memory_space<vmem>>) dst(%dma_wait3A_75 : memref<32768xf32, #tpu.memory_space<hbm>>)
        tpu.yield
      }) : () -> ()
      "tpu.region"() ({
        %run_scoped3A = tpu.sem_alloc : memref<!tpu.dma_semaphore, #tpu.memory_space<semaphore_mem>>
        %dma_start3A = arith.constant 98304 : i32
        %dma_start3A_70 = tpu.memref_slice %arg4[%dma_start3A] : memref<262144xf32, #tpu.memory_space<hbm>> -> memref<32768xf32, #tpu.memory_space<hbm>>
        %dma_start3A_71 = arith.constant 98304 : i32
        %dma_start3A_72 = tpu.memref_slice %arg4[%dma_start3A_71] : memref<262144xf32, #tpu.memory_space<hbm>> -> memref<32768xf32, #tpu.memory_space<hbm>>
        tpu.enqueue_dma source(%arg7 : memref<32768xf32, #tpu.memory_space<vmem>>) target(%dma_start3A_72 : memref<32768xf32, #tpu.memory_space<hbm>>) target_semaphore(%run_scoped3A : memref<!tpu.dma_semaphore, #tpu.memory_space<semaphore_mem>>)
        %dma_wait3A = arith.constant 98304 : i32
        %dma_wait3A_73 = tpu.memref_slice %arg4[%dma_wait3A] : memref<262144xf32, #tpu.memory_space<hbm>> -> memref<32768xf32, #tpu.memory_space<hbm>>
        %dma_wait3A_74 = arith.constant 98304 : i32
        %dma_wait3A_75 = tpu.memref_slice %arg4[%dma_wait3A_74] : memref<262144xf32, #tpu.memory_space<hbm>> -> memref<32768xf32, #tpu.memory_space<hbm>>
        tpu.wait_dma2 semaphore(%run_scoped3A : memref<!tpu.dma_semaphore, #tpu.memory_space<semaphore_mem>>) src(%arg7 : memref<32768xf32, #tpu.memory_space<vmem>>) dst(%dma_wait3A_75 : memref<32768xf32, #tpu.memory_space<hbm>>)
        tpu.yield
      }) : () -> ()
      %scan3A_46 = arith.constant 0 : i32
      %scan3A_47 = arith.constant 512 : i32
      %scan3A_48 = arith.addi %scan3A_46, %scan3A_47 : i32
      %scan3A_49 = arith.constant 1 : i32
      %scan3A_50:12 = scf.for %scan3A_70 = %scan3A_46 to %scan3A_48 step %scan3A_49 iter_args(%scan3A_71 = %scan3A_44#0, %scan3A_72 = %scan3A_44#1, %scan3A_73 = %scan3A_44#2, %scan3A_74 = %scan3A_44#3, %scan3A_75 = %scan3A_44#4, %scan3A_76 = %scan3A_44#5, %scan3A_77 = %scan3A_44#6, %scan3A_78 = %scan3A_44#7, %scan3A_79 = %scan3A_44#8, %scan3A_80 = %scan3A_44#9, %scan3A_81 = %scan3A_44#10, %scan3A_82 = %scan3A_44#11) -> (vector<16xf32>, vector<16xf32>, vector<16xf32>, vector<16xf32>, vector<16xf32>, vector<16xf32>, vector<16xf32>, vector<16xf32>, vector<16xf32>, vector<16xf32>, vector<16xf32>, vector<16xf32>)  : i32 {
        %add3A_83 = arith.constant 2048 : i32
        %add3A_84 = arith.addi %add3A_83, %scan3A_70 : i32
        %convert_element_type3A_85 = arith.sitofp %add3A_84 : i32 to f32
        %jit3A = arith.constant 16 : i32
        %div3A = arith.divsi %add3A_84, %jit3A : i32
        %sign3A = arith.constant 0 : i32
        %sign3A_86 = arith.cmpi sgt, %add3A_84, %sign3A : i32
        %sign3A_87 = arith.extui %sign3A_86 : i1 to i32
        %sign3A_88 = arith.constant 0 : i32
        %sign3A_89 = arith.cmpi slt, %add3A_84, %sign3A_88 : i32
        %sign3A_90 = arith.extui %sign3A_89 : i1 to i32
        %sign3A_91 = arith.subi %sign3A_87, %sign3A_90 : i32
        %sign3A_92 = arith.constant 0 : i32
        %sign3A_93 = arith.cmpi sgt, %jit3A, %sign3A_92 : i32
        %sign3A_94 = arith.extui %sign3A_93 : i1 to i32
        %sign3A_95 = arith.constant 0 : i32
        %sign3A_96 = arith.cmpi slt, %jit3A, %sign3A_95 : i32
        %sign3A_97 = arith.extui %sign3A_96 : i1 to i32
        %sign3A_98 = arith.subi %sign3A_94, %sign3A_97 : i32
        %ne3A = arith.cmpi ne, %sign3A_91, %sign3A_98 : i32
        %rem3A = arith.remsi %add3A_84, %jit3A : i32
        %ne3A_99 = arith.constant 0 : i32
        %ne3A_100 = arith.cmpi ne, %rem3A, %ne3A_99 : i32
        %and3A_101 = arith.andi %ne3A, %ne3A_100 : i1
        %sub3A = arith.constant 1 : i32
        %sub3A_102 = arith.subi %div3A, %sub3A : i32
        %select_n3A = arith.select %and3A_101, %sub3A_102, %div3A : i32
        %mul3A = arith.constant 16 : i32
        %mul3A_103 = arith.muli %select_n3A, %mul3A : i32
        %get3A = arith.index_cast %mul3A_103 : i32 to index
        %get3A_104 = tpu.vector_load %arg5[%get3A] {strides = array<i32>} : memref<4096xf32, #tpu.memory_space<vmem>>, vector<16xf32>,
        %get3A_105 = vector.shape_cast %get3A_104 : vector<16xf32> to vector<16xf32>
        %sub3A_106 = arith.subi %add3A_84, %mul3A_103 : i32
        %broadcast_in_dim3A_107 = vector.broadcast %sub3A_106 : i32 to vector<16x1xi32>
        %gather3A = vector.shape_cast %broadcast_in_dim3A_107 : vector<16x1xi32> to vector<16xi32>
        %gather3A_108 = tpu.dynamic_gather %get3A_105[%gather3A] in [0] : vector<16xf32>, vector<16xi32> -> vector<16xf32>
        %min3A = arith.minimumf %scan3A_71, %scan3A_72 : vector<16xf32>
        %min3A_109 = arith.minimumf %scan3A_73, %scan3A_74 : vector<16xf32>
        %min3A_110 = arith.minimumf %min3A, %min3A_109 : vector<16xf32>
        %iota3A_111 = tpu.iota {dimensions = array<i32: 0>} : vector<16xi32>
        %xor3A = arith.constant 1 : i32
        %xor3A_112 = vector.broadcast %xor3A : i32 to vector<16xi32>
        %xor3A_113 = arith.xori %iota3A_111, %xor3A_112 : vector<16xi32>
        %reshape3A = vector.shape_cast %xor3A_113 : vector<16xi32> to vector<16x1xi32>
        %gather3A_114 = vector.shape_cast %reshape3A : vector<16x1xi32> to vector<16xi32>
        %gather3A_115 = tpu.dynamic_gather %min3A_110[%gather3A_114] in [0] : vector<16xf32>, vector<16xi32> -> vector<16xf32>
        %min3A_116 = arith.minimumf %min3A_110, %gather3A_115 : vector<16xf32>
        %xor3A_117 = arith.constant 2 : i32
        %xor3A_118 = vector.broadcast %xor3A_117 : i32 to vector<16xi32>
        %xor3A_119 = arith.xori %iota3A_111, %xor3A_118 : vector<16xi32>
        %reshape3A_120 = vector.shape_cast %xor3A_119 : vector<16xi32> to vector<16x1xi32>
        %gather3A_121 = vector.shape_cast %reshape3A_120 : vector<16x1xi32> to vector<16xi32>
        %gather3A_122 = tpu.dynamic_gather %min3A_116[%gather3A_121] in [0] : vector<16xf32>, vector<16xi32> -> vector<16xf32>
        %min3A_123 = arith.minimumf %min3A_116, %gather3A_122 : vector<16xf32>
        %xor3A_124 = arith.constant 4 : i32
        %xor3A_125 = vector.broadcast %xor3A_124 : i32 to vector<16xi32>
        %xor3A_126 = arith.xori %iota3A_111, %xor3A_125 : vector<16xi32>
        %reshape3A_127 = vector.shape_cast %xor3A_126 : vector<16xi32> to vector<16x1xi32>
        %gather3A_128 = vector.shape_cast %reshape3A_127 : vector<16x1xi32> to vector<16xi32>
        %gather3A_129 = tpu.dynamic_gather %min3A_123[%gather3A_128] in [0] : vector<16xf32>, vector<16xi32> -> vector<16xf32>
        %min3A_130 = arith.minimumf %min3A_123, %gather3A_129 : vector<16xf32>
        %xor3A_131 = arith.constant 8 : i32
        %xor3A_132 = vector.broadcast %xor3A_131 : i32 to vector<16xi32>
        %xor3A_133 = arith.xori %iota3A_111, %xor3A_132 : vector<16xi32>
        %reshape3A_134 = vector.shape_cast %xor3A_133 : vector<16xi32> to vector<16x1xi32>
        %gather3A_135 = vector.shape_cast %reshape3A_134 : vector<16x1xi32> to vector<16xi32>
        %gather3A_136 = tpu.dynamic_gather %min3A_130[%gather3A_135] in [0] : vector<16xf32>, vector<16xi32> -> vector<16xf32>
        %min3A_137 = arith.minimumf %min3A_130, %gather3A_136 : vector<16xf32>
        %eq3A_138 = arith.cmpf oeq, %scan3A_71, %min3A_137 : vector<16xf32>
        %jit3A_139 = arith.constant 64 : i32
        %broadcast_in_dim3A_140 = vector.broadcast %jit3A_139 : i32 to vector<16xi32>
        %select_n3A_141 = arith.select %eq3A_138, %add3A_5, %broadcast_in_dim3A_140 : vector<16xi1>, vector<16xi32>
        %eq3A_142 = arith.cmpf oeq, %scan3A_72, %min3A_137 : vector<16xf32>
        %jit3A_143 = arith.constant 64 : i32
        %broadcast_in_dim3A_144 = vector.broadcast %jit3A_143 : i32 to vector<16xi32>
        %select_n3A_145 = arith.select %eq3A_142, %add3A_9, %broadcast_in_dim3A_144 : vector<16xi1>, vector<16xi32>
        %eq3A_146 = arith.cmpf oeq, %scan3A_73, %min3A_137 : vector<16xf32>
        %jit3A_147 = arith.constant 64 : i32
        %broadcast_in_dim3A_148 = vector.broadcast %jit3A_147 : i32 to vector<16xi32>
        %select_n3A_149 = arith.select %eq3A_146, %add3A_13, %broadcast_in_dim3A_148 : vector<16xi1>, vector<16xi32>
        %eq3A_150 = arith.cmpf oeq, %scan3A_74, %min3A_137 : vector<16xf32>
        %jit3A_151 = arith.constant 64 : i32
        %broadcast_in_dim3A_152 = vector.broadcast %jit3A_151 : i32 to vector<16xi32>
        %select_n3A_153 = arith.select %eq3A_150, %add3A_17, %broadcast_in_dim3A_152 : vector<16xi1>, vector<16xi32>
        %min3A_154 = arith.minsi %select_n3A_141, %select_n3A_145 : vector<16xi32>
        %min3A_155 = arith.minsi %select_n3A_149, %select_n3A_153 : vector<16xi32>
        %min3A_156 = arith.minsi %min3A_154, %min3A_155 : vector<16xi32>
        %iota3A_157 = tpu.iota {dimensions = array<i32: 0>} : vector<16xi32>
        %xor3A_158 = arith.constant 1 : i32
        %xor3A_159 = vector.broadcast %xor3A_158 : i32 to vector<16xi32>
        %xor3A_160 = arith.xori %iota3A_157, %xor3A_159 : vector<16xi32>
        %reshape3A_161 = vector.shape_cast %xor3A_160 : vector<16xi32> to vector<16x1xi32>
        %gather3A_162 = vector.shape_cast %reshape3A_161 : vector<16x1xi32> to vector<16xi32>
        %gather3A_163 = tpu.dynamic_gather %min3A_156[%gather3A_162] in [0] : vector<16xi32>, vector<16xi32> -> vector<16xi32>
        %min3A_164 = arith.minsi %min3A_156, %gather3A_163 : vector<16xi32>
        %xor3A_165 = arith.constant 2 : i32
        %xor3A_166 = vector.broadcast %xor3A_165 : i32 to vector<16xi32>
        %xor3A_167 = arith.xori %iota3A_157, %xor3A_166 : vector<16xi32>
        %reshape3A_168 = vector.shape_cast %xor3A_167 : vector<16xi32> to vector<16x1xi32>
        %gather3A_169 = vector.shape_cast %reshape3A_168 : vector<16x1xi32> to vector<16xi32>
        %gather3A_170 = tpu.dynamic_gather %min3A_164[%gather3A_169] in [0] : vector<16xi32>, vector<16xi32> -> vector<16xi32>
        %min3A_171 = arith.minsi %min3A_164, %gather3A_170 : vector<16xi32>
        %xor3A_172 = arith.constant 4 : i32
        %xor3A_173 = vector.broadcast %xor3A_172 : i32 to vector<16xi32>
        %xor3A_174 = arith.xori %iota3A_157, %xor3A_173 : vector<16xi32>
        %reshape3A_175 = vector.shape_cast %xor3A_174 : vector<16xi32> to vector<16x1xi32>
        %gather3A_176 = vector.shape_cast %reshape3A_175 : vector<16x1xi32> to vector<16xi32>
        %gather3A_177 = tpu.dynamic_gather %min3A_171[%gather3A_176] in [0] : vector<16xi32>, vector<16xi32> -> vector<16xi32>
        %min3A_178 = arith.minsi %min3A_171, %gather3A_177 : vector<16xi32>
        %xor3A_179 = arith.constant 8 : i32
        %xor3A_180 = vector.broadcast %xor3A_179 : i32 to vector<16xi32>
        %xor3A_181 = arith.xori %iota3A_157, %xor3A_180 : vector<16xi32>
        %reshape3A_182 = vector.shape_cast %xor3A_181 : vector<16xi32> to vector<16x1xi32>
        %gather3A_183 = vector.shape_cast %reshape3A_182 : vector<16x1xi32> to vector<16xi32>
        %gather3A_184 = tpu.dynamic_gather %min3A_178[%gather3A_183] in [0] : vector<16xi32>, vector<16xi32> -> vector<16xi32>
        %min3A_185 = arith.minsi %min3A_178, %gather3A_184 : vector<16xi32>
        %broadcast_in_dim3A_186 = arith.constant 1 : i32
        %broadcast_in_dim3A_187 = vector.broadcast %broadcast_in_dim3A_186 : i32 to vector<16xi32>
        %broadcast_in_dim3A_188 = arith.constant 0 : i32
        %broadcast_in_dim3A_189 = vector.broadcast %broadcast_in_dim3A_188 : i32 to vector<16xi32>
        %gt3A = arith.constant 1.000000e-01 : f32
        %gt3A_190 = vector.broadcast %gt3A : f32 to vector<16xf32>
        %gt3A_191 = arith.cmpf ogt, %gather3A_108, %gt3A_190 : vector<16xf32>
        %select_n3A_192 = arith.select %gt3A_191, %broadcast_in_dim3A_187, %broadcast_in_dim3A_189 : vector<16xi1>, vector<16xi32>
        %le3A = arith.constant 0.000000e+00 : f32
        %le3A_193 = vector.broadcast %le3A : f32 to vector<16xf32>
        %le3A_194 = arith.cmpf ole, %min3A_137, %le3A_193 : vector<16xf32>
        %select_n3A_195 = arith.select %le3A_194, %broadcast_in_dim3A_187, %broadcast_in_dim3A_189 : vector<16xi1>, vector<16xi32>
        %max3A = arith.maxsi %select_n3A_192, %select_n3A_195 : vector<16xi32>
        %max3A_196 = arith.constant 1.000000e-01 : f32
        %max3A_197 = vector.broadcast %max3A_196 : f32 to vector<16xf32>
        %max3A_198 = arith.maximumf %gather3A_108, %max3A_197 : vector<16xf32>
        %mul3A_199 = arith.constant 64 : i32
        %mul3A_200 = arith.muli %scan3A_70, %mul3A_199 : i32
        %eq3A_201 = arith.cmpi eq, %add3A_5, %min3A_185 : vector<16xi32>
        %select_n3A_202 = arith.select %eq3A_201, %broadcast_in_dim3A_187, %broadcast_in_dim3A_189 : vector<16xi1>, vector<16xi32>
        %mul3A_203 = arith.muli %select_n3A_202, %max3A : vector<16xi32>
        %eq3A_204 = arith.constant 1 : i32
        %eq3A_205 = vector.broadcast %eq3A_204 : i32 to vector<16xi32>
        %eq3A_206 = arith.cmpi eq, %mul3A_203, %eq3A_205 : vector<16xi32>
        %select_n3A_207 = arith.select %eq3A_206, %max3A_198, %scan3A_71 : vector<16xi1>, vector<16xf32>
        %ge3A = arith.constant 1 : i32
        %ge3A_208 = vector.broadcast %ge3A : i32 to vector<16xi32>
        %ge3A_209 = arith.cmpi sge, %mul3A_203, %ge3A_208 : vector<16xi32>
        %select_n3A_210 = arith.select %ge3A_209, %broadcast_in_dim3A_18, %scan3A_75 : vector<16xi1>, vector<16xf32>
        %add3A_211 = arith.constant 1.000000e+00 : f32
        %add3A_212 = vector.broadcast %add3A_211 : f32 to vector<16xf32>
        %add3A_213 = arith.addf %select_n3A_210, %add3A_212 : vector<16xf32>
        %gt3A_214 = arith.constant 5.000000e+01 : f32
        %gt3A_215 = vector.broadcast %gt3A_214 : f32 to vector<16xf32>
        %gt3A_216 = arith.cmpf ogt, %add3A_213, %gt3A_215 : vector<16xf32>
        %mul3A_217 = arith.constant 0.899999976 : f32
        %mul3A_218 = vector.broadcast %mul3A_217 : f32 to vector<16xf32>
        %mul3A_219 = arith.mulf %select_n3A_207, %mul3A_218 : vector<16xf32>
        %select_n3A_220 = arith.select %gt3A_216, %mul3A_219, %select_n3A_207 : vector<16xi1>, vector<16xf32>
        %gt3A_221 = arith.constant 0 : i32
        %gt3A_222 = vector.broadcast %gt3A_221 : i32 to vector<16xi32>
        %gt3A_223 = arith.cmpi sgt, %mul3A_203, %gt3A_222 : vector<16xi32>
        %broadcast_in_dim3A_224 = vector.broadcast %convert_element_type3A_85 : f32 to vector<16xf32>
        %select_n3A_225 = arith.select %gt3A_223, %broadcast_in_dim3A_224, %scan3A_79 : vector<16xi1>, vector<16xf32>
        %add3A_226 = arith.constant 0 : i32
        %add3A_227 = arith.addi %mul3A_200, %add3A_226 : i32
        %swap3A = arith.index_cast %add3A_227 : i32 to index
        %swap3A_228 = tpu.vector_load %arg6[%swap3A] {strides = array<i32>} : memref<32768xf32, #tpu.memory_space<vmem>>, vector<16xf32>,
        %swap3A_229 = vector.shape_cast %swap3A_228 : vector<16xf32> to vector<16xf32>
        %swap3A_230 = vector.shape_cast %select_n3A_220 : vector<16xf32> to vector<16xf32>
        tpu.vector_store %arg6[%swap3A], %swap3A_230 {strides = array<i32>} : memref<32768xf32, #tpu.memory_space<vmem>>, vector<16xf32>,
        %add3A_231 = arith.constant 0 : i32
        %add3A_232 = arith.addi %mul3A_200, %add3A_231 : i32
        %swap3A_233 = arith.index_cast %add3A_232 : i32 to index
        %swap3A_234 = tpu.vector_load %arg7[%swap3A_233] {strides = array<i32>} : memref<32768xf32, #tpu.memory_space<vmem>>, vector<16xf32>,
        %swap3A_235 = vector.shape_cast %swap3A_234 : vector<16xf32> to vector<16xf32>
        %swap3A_236 = vector.shape_cast %select_n3A_225 : vector<16xf32> to vector<16xf32>
        tpu.vector_store %arg7[%swap3A_233], %swap3A_236 {strides = array<i32>} : memref<32768xf32, #tpu.memory_space<vmem>>, vector<16xf32>,
        %eq3A_237 = arith.cmpi eq, %add3A_9, %min3A_185 : vector<16xi32>
        %select_n3A_238 = arith.select %eq3A_237, %broadcast_in_dim3A_187, %broadcast_in_dim3A_189 : vector<16xi1>, vector<16xi32>
        %mul3A_239 = arith.muli %select_n3A_238, %max3A : vector<16xi32>
        %eq3A_240 = arith.constant 1 : i32
        %eq3A_241 = vector.broadcast %eq3A_240 : i32 to vector<16xi32>
        %eq3A_242 = arith.cmpi eq, %mul3A_239, %eq3A_241 : vector<16xi32>
        %select_n3A_243 = arith.select %eq3A_242, %max3A_198, %scan3A_72 : vector<16xi1>, vector<16xf32>
        %ge3A_244 = arith.constant 1 : i32
        %ge3A_245 = vector.broadcast %ge3A_244 : i32 to vector<16xi32>
        %ge3A_246 = arith.cmpi sge, %mul3A_239, %ge3A_245 : vector<16xi32>
        %select_n3A_247 = arith.select %ge3A_246, %broadcast_in_dim3A_18, %scan3A_76 : vector<16xi1>, vector<16xf32>
        %add3A_248 = arith.constant 1.000000e+00 : f32
        %add3A_249 = vector.broadcast %add3A_248 : f32 to vector<16xf32>
        %add3A_250 = arith.addf %select_n3A_247, %add3A_249 : vector<16xf32>
        %gt3A_251 = arith.constant 5.000000e+01 : f32
        %gt3A_252 = vector.broadcast %gt3A_251 : f32 to vector<16xf32>
        %gt3A_253 = arith.cmpf ogt, %add3A_250, %gt3A_252 : vector<16xf32>
        %mul3A_254 = arith.constant 0.899999976 : f32
        %mul3A_255 = vector.broadcast %mul3A_254 : f32 to vector<16xf32>
        %mul3A_256 = arith.mulf %select_n3A_243, %mul3A_255 : vector<16xf32>
        %select_n3A_257 = arith.select %gt3A_253, %mul3A_256, %select_n3A_243 : vector<16xi1>, vector<16xf32>
        %gt3A_258 = arith.constant 0 : i32
        %gt3A_259 = vector.broadcast %gt3A_258 : i32 to vector<16xi32>
        %gt3A_260 = arith.cmpi sgt, %mul3A_239, %gt3A_259 : vector<16xi32>
        %broadcast_in_dim3A_261 = vector.broadcast %convert_element_type3A_85 : f32 to vector<16xf32>
        %select_n3A_262 = arith.select %gt3A_260, %broadcast_in_dim3A_261, %scan3A_80 : vector<16xi1>, vector<16xf32>
        %add3A_263 = arith.constant 16 : i32
        %add3A_264 = arith.addi %mul3A_200, %add3A_263 : i32
        %swap3A_265 = arith.index_cast %add3A_264 : i32 to index
        %swap3A_266 = tpu.vector_load %arg6[%swap3A_265] {strides = array<i32>} : memref<32768xf32, #tpu.memory_space<vmem>>, vector<16xf32>,
        %swap3A_267 = vector.shape_cast %swap3A_266 : vector<16xf32> to vector<16xf32>
        %swap3A_268 = vector.shape_cast %select_n3A_257 : vector<16xf32> to vector<16xf32>
        tpu.vector_store %arg6[%swap3A_265], %swap3A_268 {strides = array<i32>} : memref<32768xf32, #tpu.memory_space<vmem>>, vector<16xf32>,
        %add3A_269 = arith.constant 16 : i32
        %add3A_270 = arith.addi %mul3A_200, %add3A_269 : i32
        %swap3A_271 = arith.index_cast %add3A_270 : i32 to index
        %swap3A_272 = tpu.vector_load %arg7[%swap3A_271] {strides = array<i32>} : memref<32768xf32, #tpu.memory_space<vmem>>, vector<16xf32>,
        %swap3A_273 = vector.shape_cast %swap3A_272 : vector<16xf32> to vector<16xf32>
        %swap3A_274 = vector.shape_cast %select_n3A_262 : vector<16xf32> to vector<16xf32>
        tpu.vector_store %arg7[%swap3A_271], %swap3A_274 {strides = array<i32>} : memref<32768xf32, #tpu.memory_space<vmem>>, vector<16xf32>,
        %eq3A_275 = arith.cmpi eq, %add3A_13, %min3A_185 : vector<16xi32>
        %select_n3A_276 = arith.select %eq3A_275, %broadcast_in_dim3A_187, %broadcast_in_dim3A_189 : vector<16xi1>, vector<16xi32>
        %mul3A_277 = arith.muli %select_n3A_276, %max3A : vector<16xi32>
        %eq3A_278 = arith.constant 1 : i32
        %eq3A_279 = vector.broadcast %eq3A_278 : i32 to vector<16xi32>
        %eq3A_280 = arith.cmpi eq, %mul3A_277, %eq3A_279 : vector<16xi32>
        %select_n3A_281 = arith.select %eq3A_280, %max3A_198, %scan3A_73 : vector<16xi1>, vector<16xf32>
        %ge3A_282 = arith.constant 1 : i32
        %ge3A_283 = vector.broadcast %ge3A_282 : i32 to vector<16xi32>
        %ge3A_284 = arith.cmpi sge, %mul3A_277, %ge3A_283 : vector<16xi32>
        %select_n3A_285 = arith.select %ge3A_284, %broadcast_in_dim3A_18, %scan3A_77 : vector<16xi1>, vector<16xf32>
        %add3A_286 = arith.constant 1.000000e+00 : f32
        %add3A_287 = vector.broadcast %add3A_286 : f32 to vector<16xf32>
        %add3A_288 = arith.addf %select_n3A_285, %add3A_287 : vector<16xf32>
        %gt3A_289 = arith.constant 5.000000e+01 : f32
        %gt3A_290 = vector.broadcast %gt3A_289 : f32 to vector<16xf32>
        %gt3A_291 = arith.cmpf ogt, %add3A_288, %gt3A_290 : vector<16xf32>
        %mul3A_292 = arith.constant 0.899999976 : f32
        %mul3A_293 = vector.broadcast %mul3A_292 : f32 to vector<16xf32>
        %mul3A_294 = arith.mulf %select_n3A_281, %mul3A_293 : vector<16xf32>
        %select_n3A_295 = arith.select %gt3A_291, %mul3A_294, %select_n3A_281 : vector<16xi1>, vector<16xf32>
        %gt3A_296 = arith.constant 0 : i32
        %gt3A_297 = vector.broadcast %gt3A_296 : i32 to vector<16xi32>
        %gt3A_298 = arith.cmpi sgt, %mul3A_277, %gt3A_297 : vector<16xi32>
        %broadcast_in_dim3A_299 = vector.broadcast %convert_element_type3A_85 : f32 to vector<16xf32>
        %select_n3A_300 = arith.select %gt3A_298, %broadcast_in_dim3A_299, %scan3A_81 : vector<16xi1>, vector<16xf32>
        %add3A_301 = arith.constant 32 : i32
        %add3A_302 = arith.addi %mul3A_200, %add3A_301 : i32
        %swap3A_303 = arith.index_cast %add3A_302 : i32 to index
        %swap3A_304 = tpu.vector_load %arg6[%swap3A_303] {strides = array<i32>} : memref<32768xf32, #tpu.memory_space<vmem>>, vector<16xf32>,
        %swap3A_305 = vector.shape_cast %swap3A_304 : vector<16xf32> to vector<16xf32>
        %swap3A_306 = vector.shape_cast %select_n3A_295 : vector<16xf32> to vector<16xf32>
        tpu.vector_store %arg6[%swap3A_303], %swap3A_306 {strides = array<i32>} : memref<32768xf32, #tpu.memory_space<vmem>>, vector<16xf32>,
        %add3A_307 = arith.constant 32 : i32
        %add3A_308 = arith.addi %mul3A_200, %add3A_307 : i32
        %swap3A_309 = arith.index_cast %add3A_308 : i32 to index
        %swap3A_310 = tpu.vector_load %arg7[%swap3A_309] {strides = array<i32>} : memref<32768xf32, #tpu.memory_space<vmem>>, vector<16xf32>,
        %swap3A_311 = vector.shape_cast %swap3A_310 : vector<16xf32> to vector<16xf32>
        %swap3A_312 = vector.shape_cast %select_n3A_300 : vector<16xf32> to vector<16xf32>
        tpu.vector_store %arg7[%swap3A_309], %swap3A_312 {strides = array<i32>} : memref<32768xf32, #tpu.memory_space<vmem>>, vector<16xf32>,
        %eq3A_313 = arith.cmpi eq, %add3A_17, %min3A_185 : vector<16xi32>
        %select_n3A_314 = arith.select %eq3A_313, %broadcast_in_dim3A_187, %broadcast_in_dim3A_189 : vector<16xi1>, vector<16xi32>
        %mul3A_315 = arith.muli %select_n3A_314, %max3A : vector<16xi32>
        %eq3A_316 = arith.constant 1 : i32
        %eq3A_317 = vector.broadcast %eq3A_316 : i32 to vector<16xi32>
        %eq3A_318 = arith.cmpi eq, %mul3A_315, %eq3A_317 : vector<16xi32>
        %select_n3A_319 = arith.select %eq3A_318, %max3A_198, %scan3A_74 : vector<16xi1>, vector<16xf32>
        %ge3A_320 = arith.constant 1 : i32
        %ge3A_321 = vector.broadcast %ge3A_320 : i32 to vector<16xi32>
        %ge3A_322 = arith.cmpi sge, %mul3A_315, %ge3A_321 : vector<16xi32>
        %select_n3A_323 = arith.select %ge3A_322, %broadcast_in_dim3A_18, %scan3A_78 : vector<16xi1>, vector<16xf32>
        %add3A_324 = arith.constant 1.000000e+00 : f32
        %add3A_325 = vector.broadcast %add3A_324 : f32 to vector<16xf32>
        %add3A_326 = arith.addf %select_n3A_323, %add3A_325 : vector<16xf32>
        %gt3A_327 = arith.constant 5.000000e+01 : f32
        %gt3A_328 = vector.broadcast %gt3A_327 : f32 to vector<16xf32>
        %gt3A_329 = arith.cmpf ogt, %add3A_326, %gt3A_328 : vector<16xf32>
        %mul3A_330 = arith.constant 0.899999976 : f32
        %mul3A_331 = vector.broadcast %mul3A_330 : f32 to vector<16xf32>
        %mul3A_332 = arith.mulf %select_n3A_319, %mul3A_331 : vector<16xf32>
        %select_n3A_333 = arith.select %gt3A_329, %mul3A_332, %select_n3A_319 : vector<16xi1>, vector<16xf32>
        %gt3A_334 = arith.constant 0 : i32
        %gt3A_335 = vector.broadcast %gt3A_334 : i32 to vector<16xi32>
        %gt3A_336 = arith.cmpi sgt, %mul3A_315, %gt3A_335 : vector<16xi32>
        %broadcast_in_dim3A_337 = vector.broadcast %convert_element_type3A_85 : f32 to vector<16xf32>
        %select_n3A_338 = arith.select %gt3A_336, %broadcast_in_dim3A_337, %scan3A_82 : vector<16xi1>, vector<16xf32>
        %add3A_339 = arith.constant 48 : i32
        %add3A_340 = arith.addi %mul3A_200, %add3A_339 : i32
        %swap3A_341 = arith.index_cast %add3A_340 : i32 to index
        %swap3A_342 = tpu.vector_load %arg6[%swap3A_341] {strides = array<i32>} : memref<32768xf32, #tpu.memory_space<vmem>>, vector<16xf32>,
        %swap3A_343 = vector.shape_cast %swap3A_342 : vector<16xf32> to vector<16xf32>
        %swap3A_344 = vector.shape_cast %select_n3A_333 : vector<16xf32> to vector<16xf32>
        tpu.vector_store %arg6[%swap3A_341], %swap3A_344 {strides = array<i32>} : memref<32768xf32, #tpu.memory_space<vmem>>, vector<16xf32>,
        %add3A_345 = arith.constant 48 : i32
        %add3A_346 = arith.addi %mul3A_200, %add3A_345 : i32
        %swap3A_347 = arith.index_cast %add3A_346 : i32 to index
        %swap3A_348 = tpu.vector_load %arg7[%swap3A_347] {strides = array<i32>} : memref<32768xf32, #tpu.memory_space<vmem>>, vector<16xf32>,
        %swap3A_349 = vector.shape_cast %swap3A_348 : vector<16xf32> to vector<16xf32>
        %swap3A_350 = vector.shape_cast %select_n3A_338 : vector<16xf32> to vector<16xf32>
        tpu.vector_store %arg7[%swap3A_347], %swap3A_350 {strides = array<i32>} : memref<32768xf32, #tpu.memory_space<vmem>>, vector<16xf32>,
        scf.yield %select_n3A_220, %select_n3A_257, %select_n3A_295, %select_n3A_333, %add3A_213, %add3A_250, %add3A_288, %add3A_326, %select_n3A_225, %select_n3A_262, %select_n3A_300, %select_n3A_338 : vector<16xf32>, vector<16xf32>, vector<16xf32>, vector<16xf32>, vector<16xf32>, vector<16xf32>, vector<16xf32>, vector<16xf32>, vector<16xf32>, vector<16xf32>, vector<16xf32>, vector<16xf32>
      }
      %scan3A_51 = arith.constant 512 : i32
      "tpu.region"() ({
        %run_scoped3A = tpu.sem_alloc : memref<!tpu.dma_semaphore, #tpu.memory_space<semaphore_mem>>
        %dma_start3A = arith.constant 131072 : i32
        %dma_start3A_70 = tpu.memref_slice %arg3[%dma_start3A] : memref<262144xf32, #tpu.memory_space<hbm>> -> memref<32768xf32, #tpu.memory_space<hbm>>
        %dma_start3A_71 = arith.constant 131072 : i32
        %dma_start3A_72 = tpu.memref_slice %arg3[%dma_start3A_71] : memref<262144xf32, #tpu.memory_space<hbm>> -> memref<32768xf32, #tpu.memory_space<hbm>>
        tpu.enqueue_dma source(%arg6 : memref<32768xf32, #tpu.memory_space<vmem>>) target(%dma_start3A_72 : memref<32768xf32, #tpu.memory_space<hbm>>) target_semaphore(%run_scoped3A : memref<!tpu.dma_semaphore, #tpu.memory_space<semaphore_mem>>)
        %dma_wait3A = arith.constant 131072 : i32
        %dma_wait3A_73 = tpu.memref_slice %arg3[%dma_wait3A] : memref<262144xf32, #tpu.memory_space<hbm>> -> memref<32768xf32, #tpu.memory_space<hbm>>
        %dma_wait3A_74 = arith.constant 131072 : i32
        %dma_wait3A_75 = tpu.memref_slice %arg3[%dma_wait3A_74] : memref<262144xf32, #tpu.memory_space<hbm>> -> memref<32768xf32, #tpu.memory_space<hbm>>
        tpu.wait_dma2 semaphore(%run_scoped3A : memref<!tpu.dma_semaphore, #tpu.memory_space<semaphore_mem>>) src(%arg6 : memref<32768xf32, #tpu.memory_space<vmem>>) dst(%dma_wait3A_75 : memref<32768xf32, #tpu.memory_space<hbm>>)
        tpu.yield
      }) : () -> ()
      "tpu.region"() ({
        %run_scoped3A = tpu.sem_alloc : memref<!tpu.dma_semaphore, #tpu.memory_space<semaphore_mem>>
        %dma_start3A = arith.constant 131072 : i32
        %dma_start3A_70 = tpu.memref_slice %arg4[%dma_start3A] : memref<262144xf32, #tpu.memory_space<hbm>> -> memref<32768xf32, #tpu.memory_space<hbm>>
        %dma_start3A_71 = arith.constant 131072 : i32
        %dma_start3A_72 = tpu.memref_slice %arg4[%dma_start3A_71] : memref<262144xf32, #tpu.memory_space<hbm>> -> memref<32768xf32, #tpu.memory_space<hbm>>
        tpu.enqueue_dma source(%arg7 : memref<32768xf32, #tpu.memory_space<vmem>>) target(%dma_start3A_72 : memref<32768xf32, #tpu.memory_space<hbm>>) target_semaphore(%run_scoped3A : memref<!tpu.dma_semaphore, #tpu.memory_space<semaphore_mem>>)
        %dma_wait3A = arith.constant 131072 : i32
        %dma_wait3A_73 = tpu.memref_slice %arg4[%dma_wait3A] : memref<262144xf32, #tpu.memory_space<hbm>> -> memref<32768xf32, #tpu.memory_space<hbm>>
        %dma_wait3A_74 = arith.constant 131072 : i32
        %dma_wait3A_75 = tpu.memref_slice %arg4[%dma_wait3A_74] : memref<262144xf32, #tpu.memory_space<hbm>> -> memref<32768xf32, #tpu.memory_space<hbm>>
        tpu.wait_dma2 semaphore(%run_scoped3A : memref<!tpu.dma_semaphore, #tpu.memory_space<semaphore_mem>>) src(%arg7 : memref<32768xf32, #tpu.memory_space<vmem>>) dst(%dma_wait3A_75 : memref<32768xf32, #tpu.memory_space<hbm>>)
        tpu.yield
      }) : () -> ()
      %scan3A_52 = arith.constant 0 : i32
      %scan3A_53 = arith.constant 512 : i32
      %scan3A_54 = arith.addi %scan3A_52, %scan3A_53 : i32
      %scan3A_55 = arith.constant 1 : i32
      %scan3A_56:12 = scf.for %scan3A_70 = %scan3A_52 to %scan3A_54 step %scan3A_55 iter_args(%scan3A_71 = %scan3A_50#0, %scan3A_72 = %scan3A_50#1, %scan3A_73 = %scan3A_50#2, %scan3A_74 = %scan3A_50#3, %scan3A_75 = %scan3A_50#4, %scan3A_76 = %scan3A_50#5, %scan3A_77 = %scan3A_50#6, %scan3A_78 = %scan3A_50#7, %scan3A_79 = %scan3A_50#8, %scan3A_80 = %scan3A_50#9, %scan3A_81 = %scan3A_50#10, %scan3A_82 = %scan3A_50#11) -> (vector<16xf32>, vector<16xf32>, vector<16xf32>, vector<16xf32>, vector<16xf32>, vector<16xf32>, vector<16xf32>, vector<16xf32>, vector<16xf32>, vector<16xf32>, vector<16xf32>, vector<16xf32>)  : i32 {
        %add3A_83 = arith.constant 2560 : i32
        %add3A_84 = arith.addi %add3A_83, %scan3A_70 : i32
        %convert_element_type3A_85 = arith.sitofp %add3A_84 : i32 to f32
        %jit3A = arith.constant 16 : i32
        %div3A = arith.divsi %add3A_84, %jit3A : i32
        %sign3A = arith.constant 0 : i32
        %sign3A_86 = arith.cmpi sgt, %add3A_84, %sign3A : i32
        %sign3A_87 = arith.extui %sign3A_86 : i1 to i32
        %sign3A_88 = arith.constant 0 : i32
        %sign3A_89 = arith.cmpi slt, %add3A_84, %sign3A_88 : i32
        %sign3A_90 = arith.extui %sign3A_89 : i1 to i32
        %sign3A_91 = arith.subi %sign3A_87, %sign3A_90 : i32
        %sign3A_92 = arith.constant 0 : i32
        %sign3A_93 = arith.cmpi sgt, %jit3A, %sign3A_92 : i32
        %sign3A_94 = arith.extui %sign3A_93 : i1 to i32
        %sign3A_95 = arith.constant 0 : i32
        %sign3A_96 = arith.cmpi slt, %jit3A, %sign3A_95 : i32
        %sign3A_97 = arith.extui %sign3A_96 : i1 to i32
        %sign3A_98 = arith.subi %sign3A_94, %sign3A_97 : i32
        %ne3A = arith.cmpi ne, %sign3A_91, %sign3A_98 : i32
        %rem3A = arith.remsi %add3A_84, %jit3A : i32
        %ne3A_99 = arith.constant 0 : i32
        %ne3A_100 = arith.cmpi ne, %rem3A, %ne3A_99 : i32
        %and3A_101 = arith.andi %ne3A, %ne3A_100 : i1
        %sub3A = arith.constant 1 : i32
        %sub3A_102 = arith.subi %div3A, %sub3A : i32
        %select_n3A = arith.select %and3A_101, %sub3A_102, %div3A : i32
        %mul3A = arith.constant 16 : i32
        %mul3A_103 = arith.muli %select_n3A, %mul3A : i32
        %get3A = arith.index_cast %mul3A_103 : i32 to index
        %get3A_104 = tpu.vector_load %arg5[%get3A] {strides = array<i32>} : memref<4096xf32, #tpu.memory_space<vmem>>, vector<16xf32>,
        %get3A_105 = vector.shape_cast %get3A_104 : vector<16xf32> to vector<16xf32>
        %sub3A_106 = arith.subi %add3A_84, %mul3A_103 : i32
        %broadcast_in_dim3A_107 = vector.broadcast %sub3A_106 : i32 to vector<16x1xi32>
        %gather3A = vector.shape_cast %broadcast_in_dim3A_107 : vector<16x1xi32> to vector<16xi32>
        %gather3A_108 = tpu.dynamic_gather %get3A_105[%gather3A] in [0] : vector<16xf32>, vector<16xi32> -> vector<16xf32>
        %min3A = arith.minimumf %scan3A_71, %scan3A_72 : vector<16xf32>
        %min3A_109 = arith.minimumf %scan3A_73, %scan3A_74 : vector<16xf32>
        %min3A_110 = arith.minimumf %min3A, %min3A_109 : vector<16xf32>
        %iota3A_111 = tpu.iota {dimensions = array<i32: 0>} : vector<16xi32>
        %xor3A = arith.constant 1 : i32
        %xor3A_112 = vector.broadcast %xor3A : i32 to vector<16xi32>
        %xor3A_113 = arith.xori %iota3A_111, %xor3A_112 : vector<16xi32>
        %reshape3A = vector.shape_cast %xor3A_113 : vector<16xi32> to vector<16x1xi32>
        %gather3A_114 = vector.shape_cast %reshape3A : vector<16x1xi32> to vector<16xi32>
        %gather3A_115 = tpu.dynamic_gather %min3A_110[%gather3A_114] in [0] : vector<16xf32>, vector<16xi32> -> vector<16xf32>
        %min3A_116 = arith.minimumf %min3A_110, %gather3A_115 : vector<16xf32>
        %xor3A_117 = arith.constant 2 : i32
        %xor3A_118 = vector.broadcast %xor3A_117 : i32 to vector<16xi32>
        %xor3A_119 = arith.xori %iota3A_111, %xor3A_118 : vector<16xi32>
        %reshape3A_120 = vector.shape_cast %xor3A_119 : vector<16xi32> to vector<16x1xi32>
        %gather3A_121 = vector.shape_cast %reshape3A_120 : vector<16x1xi32> to vector<16xi32>
        %gather3A_122 = tpu.dynamic_gather %min3A_116[%gather3A_121] in [0] : vector<16xf32>, vector<16xi32> -> vector<16xf32>
        %min3A_123 = arith.minimumf %min3A_116, %gather3A_122 : vector<16xf32>
        %xor3A_124 = arith.constant 4 : i32
        %xor3A_125 = vector.broadcast %xor3A_124 : i32 to vector<16xi32>
        %xor3A_126 = arith.xori %iota3A_111, %xor3A_125 : vector<16xi32>
        %reshape3A_127 = vector.shape_cast %xor3A_126 : vector<16xi32> to vector<16x1xi32>
        %gather3A_128 = vector.shape_cast %reshape3A_127 : vector<16x1xi32> to vector<16xi32>
        %gather3A_129 = tpu.dynamic_gather %min3A_123[%gather3A_128] in [0] : vector<16xf32>, vector<16xi32> -> vector<16xf32>
        %min3A_130 = arith.minimumf %min3A_123, %gather3A_129 : vector<16xf32>
        %xor3A_131 = arith.constant 8 : i32
        %xor3A_132 = vector.broadcast %xor3A_131 : i32 to vector<16xi32>
        %xor3A_133 = arith.xori %iota3A_111, %xor3A_132 : vector<16xi32>
        %reshape3A_134 = vector.shape_cast %xor3A_133 : vector<16xi32> to vector<16x1xi32>
        %gather3A_135 = vector.shape_cast %reshape3A_134 : vector<16x1xi32> to vector<16xi32>
        %gather3A_136 = tpu.dynamic_gather %min3A_130[%gather3A_135] in [0] : vector<16xf32>, vector<16xi32> -> vector<16xf32>
        %min3A_137 = arith.minimumf %min3A_130, %gather3A_136 : vector<16xf32>
        %eq3A_138 = arith.cmpf oeq, %scan3A_71, %min3A_137 : vector<16xf32>
        %jit3A_139 = arith.constant 64 : i32
        %broadcast_in_dim3A_140 = vector.broadcast %jit3A_139 : i32 to vector<16xi32>
        %select_n3A_141 = arith.select %eq3A_138, %add3A_5, %broadcast_in_dim3A_140 : vector<16xi1>, vector<16xi32>
        %eq3A_142 = arith.cmpf oeq, %scan3A_72, %min3A_137 : vector<16xf32>
        %jit3A_143 = arith.constant 64 : i32
        %broadcast_in_dim3A_144 = vector.broadcast %jit3A_143 : i32 to vector<16xi32>
        %select_n3A_145 = arith.select %eq3A_142, %add3A_9, %broadcast_in_dim3A_144 : vector<16xi1>, vector<16xi32>
        %eq3A_146 = arith.cmpf oeq, %scan3A_73, %min3A_137 : vector<16xf32>
        %jit3A_147 = arith.constant 64 : i32
        %broadcast_in_dim3A_148 = vector.broadcast %jit3A_147 : i32 to vector<16xi32>
        %select_n3A_149 = arith.select %eq3A_146, %add3A_13, %broadcast_in_dim3A_148 : vector<16xi1>, vector<16xi32>
        %eq3A_150 = arith.cmpf oeq, %scan3A_74, %min3A_137 : vector<16xf32>
        %jit3A_151 = arith.constant 64 : i32
        %broadcast_in_dim3A_152 = vector.broadcast %jit3A_151 : i32 to vector<16xi32>
        %select_n3A_153 = arith.select %eq3A_150, %add3A_17, %broadcast_in_dim3A_152 : vector<16xi1>, vector<16xi32>
        %min3A_154 = arith.minsi %select_n3A_141, %select_n3A_145 : vector<16xi32>
        %min3A_155 = arith.minsi %select_n3A_149, %select_n3A_153 : vector<16xi32>
        %min3A_156 = arith.minsi %min3A_154, %min3A_155 : vector<16xi32>
        %iota3A_157 = tpu.iota {dimensions = array<i32: 0>} : vector<16xi32>
        %xor3A_158 = arith.constant 1 : i32
        %xor3A_159 = vector.broadcast %xor3A_158 : i32 to vector<16xi32>
        %xor3A_160 = arith.xori %iota3A_157, %xor3A_159 : vector<16xi32>
        %reshape3A_161 = vector.shape_cast %xor3A_160 : vector<16xi32> to vector<16x1xi32>
        %gather3A_162 = vector.shape_cast %reshape3A_161 : vector<16x1xi32> to vector<16xi32>
        %gather3A_163 = tpu.dynamic_gather %min3A_156[%gather3A_162] in [0] : vector<16xi32>, vector<16xi32> -> vector<16xi32>
        %min3A_164 = arith.minsi %min3A_156, %gather3A_163 : vector<16xi32>
        %xor3A_165 = arith.constant 2 : i32
        %xor3A_166 = vector.broadcast %xor3A_165 : i32 to vector<16xi32>
        %xor3A_167 = arith.xori %iota3A_157, %xor3A_166 : vector<16xi32>
        %reshape3A_168 = vector.shape_cast %xor3A_167 : vector<16xi32> to vector<16x1xi32>
        %gather3A_169 = vector.shape_cast %reshape3A_168 : vector<16x1xi32> to vector<16xi32>
        %gather3A_170 = tpu.dynamic_gather %min3A_164[%gather3A_169] in [0] : vector<16xi32>, vector<16xi32> -> vector<16xi32>
        %min3A_171 = arith.minsi %min3A_164, %gather3A_170 : vector<16xi32>
        %xor3A_172 = arith.constant 4 : i32
        %xor3A_173 = vector.broadcast %xor3A_172 : i32 to vector<16xi32>
        %xor3A_174 = arith.xori %iota3A_157, %xor3A_173 : vector<16xi32>
        %reshape3A_175 = vector.shape_cast %xor3A_174 : vector<16xi32> to vector<16x1xi32>
        %gather3A_176 = vector.shape_cast %reshape3A_175 : vector<16x1xi32> to vector<16xi32>
        %gather3A_177 = tpu.dynamic_gather %min3A_171[%gather3A_176] in [0] : vector<16xi32>, vector<16xi32> -> vector<16xi32>
        %min3A_178 = arith.minsi %min3A_171, %gather3A_177 : vector<16xi32>
        %xor3A_179 = arith.constant 8 : i32
        %xor3A_180 = vector.broadcast %xor3A_179 : i32 to vector<16xi32>
        %xor3A_181 = arith.xori %iota3A_157, %xor3A_180 : vector<16xi32>
        %reshape3A_182 = vector.shape_cast %xor3A_181 : vector<16xi32> to vector<16x1xi32>
        %gather3A_183 = vector.shape_cast %reshape3A_182 : vector<16x1xi32> to vector<16xi32>
        %gather3A_184 = tpu.dynamic_gather %min3A_178[%gather3A_183] in [0] : vector<16xi32>, vector<16xi32> -> vector<16xi32>
        %min3A_185 = arith.minsi %min3A_178, %gather3A_184 : vector<16xi32>
        %broadcast_in_dim3A_186 = arith.constant 1 : i32
        %broadcast_in_dim3A_187 = vector.broadcast %broadcast_in_dim3A_186 : i32 to vector<16xi32>
        %broadcast_in_dim3A_188 = arith.constant 0 : i32
        %broadcast_in_dim3A_189 = vector.broadcast %broadcast_in_dim3A_188 : i32 to vector<16xi32>
        %gt3A = arith.constant 1.000000e-01 : f32
        %gt3A_190 = vector.broadcast %gt3A : f32 to vector<16xf32>
        %gt3A_191 = arith.cmpf ogt, %gather3A_108, %gt3A_190 : vector<16xf32>
        %select_n3A_192 = arith.select %gt3A_191, %broadcast_in_dim3A_187, %broadcast_in_dim3A_189 : vector<16xi1>, vector<16xi32>
        %le3A = arith.constant 0.000000e+00 : f32
        %le3A_193 = vector.broadcast %le3A : f32 to vector<16xf32>
        %le3A_194 = arith.cmpf ole, %min3A_137, %le3A_193 : vector<16xf32>
        %select_n3A_195 = arith.select %le3A_194, %broadcast_in_dim3A_187, %broadcast_in_dim3A_189 : vector<16xi1>, vector<16xi32>
        %max3A = arith.maxsi %select_n3A_192, %select_n3A_195 : vector<16xi32>
        %max3A_196 = arith.constant 1.000000e-01 : f32
        %max3A_197 = vector.broadcast %max3A_196 : f32 to vector<16xf32>
        %max3A_198 = arith.maximumf %gather3A_108, %max3A_197 : vector<16xf32>
        %mul3A_199 = arith.constant 64 : i32
        %mul3A_200 = arith.muli %scan3A_70, %mul3A_199 : i32
        %eq3A_201 = arith.cmpi eq, %add3A_5, %min3A_185 : vector<16xi32>
        %select_n3A_202 = arith.select %eq3A_201, %broadcast_in_dim3A_187, %broadcast_in_dim3A_189 : vector<16xi1>, vector<16xi32>
        %mul3A_203 = arith.muli %select_n3A_202, %max3A : vector<16xi32>
        %eq3A_204 = arith.constant 1 : i32
        %eq3A_205 = vector.broadcast %eq3A_204 : i32 to vector<16xi32>
        %eq3A_206 = arith.cmpi eq, %mul3A_203, %eq3A_205 : vector<16xi32>
        %select_n3A_207 = arith.select %eq3A_206, %max3A_198, %scan3A_71 : vector<16xi1>, vector<16xf32>
        %ge3A = arith.constant 1 : i32
        %ge3A_208 = vector.broadcast %ge3A : i32 to vector<16xi32>
        %ge3A_209 = arith.cmpi sge, %mul3A_203, %ge3A_208 : vector<16xi32>
        %select_n3A_210 = arith.select %ge3A_209, %broadcast_in_dim3A_18, %scan3A_75 : vector<16xi1>, vector<16xf32>
        %add3A_211 = arith.constant 1.000000e+00 : f32
        %add3A_212 = vector.broadcast %add3A_211 : f32 to vector<16xf32>
        %add3A_213 = arith.addf %select_n3A_210, %add3A_212 : vector<16xf32>
        %gt3A_214 = arith.constant 5.000000e+01 : f32
        %gt3A_215 = vector.broadcast %gt3A_214 : f32 to vector<16xf32>
        %gt3A_216 = arith.cmpf ogt, %add3A_213, %gt3A_215 : vector<16xf32>
        %mul3A_217 = arith.constant 0.899999976 : f32
        %mul3A_218 = vector.broadcast %mul3A_217 : f32 to vector<16xf32>
        %mul3A_219 = arith.mulf %select_n3A_207, %mul3A_218 : vector<16xf32>
        %select_n3A_220 = arith.select %gt3A_216, %mul3A_219, %select_n3A_207 : vector<16xi1>, vector<16xf32>
        %gt3A_221 = arith.constant 0 : i32
        %gt3A_222 = vector.broadcast %gt3A_221 : i32 to vector<16xi32>
        %gt3A_223 = arith.cmpi sgt, %mul3A_203, %gt3A_222 : vector<16xi32>
        %broadcast_in_dim3A_224 = vector.broadcast %convert_element_type3A_85 : f32 to vector<16xf32>
        %select_n3A_225 = arith.select %gt3A_223, %broadcast_in_dim3A_224, %scan3A_79 : vector<16xi1>, vector<16xf32>
        %add3A_226 = arith.constant 0 : i32
        %add3A_227 = arith.addi %mul3A_200, %add3A_226 : i32
        %swap3A = arith.index_cast %add3A_227 : i32 to index
        %swap3A_228 = tpu.vector_load %arg6[%swap3A] {strides = array<i32>} : memref<32768xf32, #tpu.memory_space<vmem>>, vector<16xf32>,
        %swap3A_229 = vector.shape_cast %swap3A_228 : vector<16xf32> to vector<16xf32>
        %swap3A_230 = vector.shape_cast %select_n3A_220 : vector<16xf32> to vector<16xf32>
        tpu.vector_store %arg6[%swap3A], %swap3A_230 {strides = array<i32>} : memref<32768xf32, #tpu.memory_space<vmem>>, vector<16xf32>,
        %add3A_231 = arith.constant 0 : i32
        %add3A_232 = arith.addi %mul3A_200, %add3A_231 : i32
        %swap3A_233 = arith.index_cast %add3A_232 : i32 to index
        %swap3A_234 = tpu.vector_load %arg7[%swap3A_233] {strides = array<i32>} : memref<32768xf32, #tpu.memory_space<vmem>>, vector<16xf32>,
        %swap3A_235 = vector.shape_cast %swap3A_234 : vector<16xf32> to vector<16xf32>
        %swap3A_236 = vector.shape_cast %select_n3A_225 : vector<16xf32> to vector<16xf32>
        tpu.vector_store %arg7[%swap3A_233], %swap3A_236 {strides = array<i32>} : memref<32768xf32, #tpu.memory_space<vmem>>, vector<16xf32>,
        %eq3A_237 = arith.cmpi eq, %add3A_9, %min3A_185 : vector<16xi32>
        %select_n3A_238 = arith.select %eq3A_237, %broadcast_in_dim3A_187, %broadcast_in_dim3A_189 : vector<16xi1>, vector<16xi32>
        %mul3A_239 = arith.muli %select_n3A_238, %max3A : vector<16xi32>
        %eq3A_240 = arith.constant 1 : i32
        %eq3A_241 = vector.broadcast %eq3A_240 : i32 to vector<16xi32>
        %eq3A_242 = arith.cmpi eq, %mul3A_239, %eq3A_241 : vector<16xi32>
        %select_n3A_243 = arith.select %eq3A_242, %max3A_198, %scan3A_72 : vector<16xi1>, vector<16xf32>
        %ge3A_244 = arith.constant 1 : i32
        %ge3A_245 = vector.broadcast %ge3A_244 : i32 to vector<16xi32>
        %ge3A_246 = arith.cmpi sge, %mul3A_239, %ge3A_245 : vector<16xi32>
        %select_n3A_247 = arith.select %ge3A_246, %broadcast_in_dim3A_18, %scan3A_76 : vector<16xi1>, vector<16xf32>
        %add3A_248 = arith.constant 1.000000e+00 : f32
        %add3A_249 = vector.broadcast %add3A_248 : f32 to vector<16xf32>
        %add3A_250 = arith.addf %select_n3A_247, %add3A_249 : vector<16xf32>
        %gt3A_251 = arith.constant 5.000000e+01 : f32
        %gt3A_252 = vector.broadcast %gt3A_251 : f32 to vector<16xf32>
        %gt3A_253 = arith.cmpf ogt, %add3A_250, %gt3A_252 : vector<16xf32>
        %mul3A_254 = arith.constant 0.899999976 : f32
        %mul3A_255 = vector.broadcast %mul3A_254 : f32 to vector<16xf32>
        %mul3A_256 = arith.mulf %select_n3A_243, %mul3A_255 : vector<16xf32>
        %select_n3A_257 = arith.select %gt3A_253, %mul3A_256, %select_n3A_243 : vector<16xi1>, vector<16xf32>
        %gt3A_258 = arith.constant 0 : i32
        %gt3A_259 = vector.broadcast %gt3A_258 : i32 to vector<16xi32>
        %gt3A_260 = arith.cmpi sgt, %mul3A_239, %gt3A_259 : vector<16xi32>
        %broadcast_in_dim3A_261 = vector.broadcast %convert_element_type3A_85 : f32 to vector<16xf32>
        %select_n3A_262 = arith.select %gt3A_260, %broadcast_in_dim3A_261, %scan3A_80 : vector<16xi1>, vector<16xf32>
        %add3A_263 = arith.constant 16 : i32
        %add3A_264 = arith.addi %mul3A_200, %add3A_263 : i32
        %swap3A_265 = arith.index_cast %add3A_264 : i32 to index
        %swap3A_266 = tpu.vector_load %arg6[%swap3A_265] {strides = array<i32>} : memref<32768xf32, #tpu.memory_space<vmem>>, vector<16xf32>,
        %swap3A_267 = vector.shape_cast %swap3A_266 : vector<16xf32> to vector<16xf32>
        %swap3A_268 = vector.shape_cast %select_n3A_257 : vector<16xf32> to vector<16xf32>
        tpu.vector_store %arg6[%swap3A_265], %swap3A_268 {strides = array<i32>} : memref<32768xf32, #tpu.memory_space<vmem>>, vector<16xf32>,
        %add3A_269 = arith.constant 16 : i32
        %add3A_270 = arith.addi %mul3A_200, %add3A_269 : i32
        %swap3A_271 = arith.index_cast %add3A_270 : i32 to index
        %swap3A_272 = tpu.vector_load %arg7[%swap3A_271] {strides = array<i32>} : memref<32768xf32, #tpu.memory_space<vmem>>, vector<16xf32>,
        %swap3A_273 = vector.shape_cast %swap3A_272 : vector<16xf32> to vector<16xf32>
        %swap3A_274 = vector.shape_cast %select_n3A_262 : vector<16xf32> to vector<16xf32>
        tpu.vector_store %arg7[%swap3A_271], %swap3A_274 {strides = array<i32>} : memref<32768xf32, #tpu.memory_space<vmem>>, vector<16xf32>,
        %eq3A_275 = arith.cmpi eq, %add3A_13, %min3A_185 : vector<16xi32>
        %select_n3A_276 = arith.select %eq3A_275, %broadcast_in_dim3A_187, %broadcast_in_dim3A_189 : vector<16xi1>, vector<16xi32>
        %mul3A_277 = arith.muli %select_n3A_276, %max3A : vector<16xi32>
        %eq3A_278 = arith.constant 1 : i32
        %eq3A_279 = vector.broadcast %eq3A_278 : i32 to vector<16xi32>
        %eq3A_280 = arith.cmpi eq, %mul3A_277, %eq3A_279 : vector<16xi32>
        %select_n3A_281 = arith.select %eq3A_280, %max3A_198, %scan3A_73 : vector<16xi1>, vector<16xf32>
        %ge3A_282 = arith.constant 1 : i32
        %ge3A_283 = vector.broadcast %ge3A_282 : i32 to vector<16xi32>
        %ge3A_284 = arith.cmpi sge, %mul3A_277, %ge3A_283 : vector<16xi32>
        %select_n3A_285 = arith.select %ge3A_284, %broadcast_in_dim3A_18, %scan3A_77 : vector<16xi1>, vector<16xf32>
        %add3A_286 = arith.constant 1.000000e+00 : f32
        %add3A_287 = vector.broadcast %add3A_286 : f32 to vector<16xf32>
        %add3A_288 = arith.addf %select_n3A_285, %add3A_287 : vector<16xf32>
        %gt3A_289 = arith.constant 5.000000e+01 : f32
        %gt3A_290 = vector.broadcast %gt3A_289 : f32 to vector<16xf32>
        %gt3A_291 = arith.cmpf ogt, %add3A_288, %gt3A_290 : vector<16xf32>
        %mul3A_292 = arith.constant 0.899999976 : f32
        %mul3A_293 = vector.broadcast %mul3A_292 : f32 to vector<16xf32>
        %mul3A_294 = arith.mulf %select_n3A_281, %mul3A_293 : vector<16xf32>
        %select_n3A_295 = arith.select %gt3A_291, %mul3A_294, %select_n3A_281 : vector<16xi1>, vector<16xf32>
        %gt3A_296 = arith.constant 0 : i32
        %gt3A_297 = vector.broadcast %gt3A_296 : i32 to vector<16xi32>
        %gt3A_298 = arith.cmpi sgt, %mul3A_277, %gt3A_297 : vector<16xi32>
        %broadcast_in_dim3A_299 = vector.broadcast %convert_element_type3A_85 : f32 to vector<16xf32>
        %select_n3A_300 = arith.select %gt3A_298, %broadcast_in_dim3A_299, %scan3A_81 : vector<16xi1>, vector<16xf32>
        %add3A_301 = arith.constant 32 : i32
        %add3A_302 = arith.addi %mul3A_200, %add3A_301 : i32
        %swap3A_303 = arith.index_cast %add3A_302 : i32 to index
        %swap3A_304 = tpu.vector_load %arg6[%swap3A_303] {strides = array<i32>} : memref<32768xf32, #tpu.memory_space<vmem>>, vector<16xf32>,
        %swap3A_305 = vector.shape_cast %swap3A_304 : vector<16xf32> to vector<16xf32>
        %swap3A_306 = vector.shape_cast %select_n3A_295 : vector<16xf32> to vector<16xf32>
        tpu.vector_store %arg6[%swap3A_303], %swap3A_306 {strides = array<i32>} : memref<32768xf32, #tpu.memory_space<vmem>>, vector<16xf32>,
        %add3A_307 = arith.constant 32 : i32
        %add3A_308 = arith.addi %mul3A_200, %add3A_307 : i32
        %swap3A_309 = arith.index_cast %add3A_308 : i32 to index
        %swap3A_310 = tpu.vector_load %arg7[%swap3A_309] {strides = array<i32>} : memref<32768xf32, #tpu.memory_space<vmem>>, vector<16xf32>,
        %swap3A_311 = vector.shape_cast %swap3A_310 : vector<16xf32> to vector<16xf32>
        %swap3A_312 = vector.shape_cast %select_n3A_300 : vector<16xf32> to vector<16xf32>
        tpu.vector_store %arg7[%swap3A_309], %swap3A_312 {strides = array<i32>} : memref<32768xf32, #tpu.memory_space<vmem>>, vector<16xf32>,
        %eq3A_313 = arith.cmpi eq, %add3A_17, %min3A_185 : vector<16xi32>
        %select_n3A_314 = arith.select %eq3A_313, %broadcast_in_dim3A_187, %broadcast_in_dim3A_189 : vector<16xi1>, vector<16xi32>
        %mul3A_315 = arith.muli %select_n3A_314, %max3A : vector<16xi32>
        %eq3A_316 = arith.constant 1 : i32
        %eq3A_317 = vector.broadcast %eq3A_316 : i32 to vector<16xi32>
        %eq3A_318 = arith.cmpi eq, %mul3A_315, %eq3A_317 : vector<16xi32>
        %select_n3A_319 = arith.select %eq3A_318, %max3A_198, %scan3A_74 : vector<16xi1>, vector<16xf32>
        %ge3A_320 = arith.constant 1 : i32
        %ge3A_321 = vector.broadcast %ge3A_320 : i32 to vector<16xi32>
        %ge3A_322 = arith.cmpi sge, %mul3A_315, %ge3A_321 : vector<16xi32>
        %select_n3A_323 = arith.select %ge3A_322, %broadcast_in_dim3A_18, %scan3A_78 : vector<16xi1>, vector<16xf32>
        %add3A_324 = arith.constant 1.000000e+00 : f32
        %add3A_325 = vector.broadcast %add3A_324 : f32 to vector<16xf32>
        %add3A_326 = arith.addf %select_n3A_323, %add3A_325 : vector<16xf32>
        %gt3A_327 = arith.constant 5.000000e+01 : f32
        %gt3A_328 = vector.broadcast %gt3A_327 : f32 to vector<16xf32>
        %gt3A_329 = arith.cmpf ogt, %add3A_326, %gt3A_328 : vector<16xf32>
        %mul3A_330 = arith.constant 0.899999976 : f32
        %mul3A_331 = vector.broadcast %mul3A_330 : f32 to vector<16xf32>
        %mul3A_332 = arith.mulf %select_n3A_319, %mul3A_331 : vector<16xf32>
        %select_n3A_333 = arith.select %gt3A_329, %mul3A_332, %select_n3A_319 : vector<16xi1>, vector<16xf32>
        %gt3A_334 = arith.constant 0 : i32
        %gt3A_335 = vector.broadcast %gt3A_334 : i32 to vector<16xi32>
        %gt3A_336 = arith.cmpi sgt, %mul3A_315, %gt3A_335 : vector<16xi32>
        %broadcast_in_dim3A_337 = vector.broadcast %convert_element_type3A_85 : f32 to vector<16xf32>
        %select_n3A_338 = arith.select %gt3A_336, %broadcast_in_dim3A_337, %scan3A_82 : vector<16xi1>, vector<16xf32>
        %add3A_339 = arith.constant 48 : i32
        %add3A_340 = arith.addi %mul3A_200, %add3A_339 : i32
        %swap3A_341 = arith.index_cast %add3A_340 : i32 to index
        %swap3A_342 = tpu.vector_load %arg6[%swap3A_341] {strides = array<i32>} : memref<32768xf32, #tpu.memory_space<vmem>>, vector<16xf32>,
        %swap3A_343 = vector.shape_cast %swap3A_342 : vector<16xf32> to vector<16xf32>
        %swap3A_344 = vector.shape_cast %select_n3A_333 : vector<16xf32> to vector<16xf32>
        tpu.vector_store %arg6[%swap3A_341], %swap3A_344 {strides = array<i32>} : memref<32768xf32, #tpu.memory_space<vmem>>, vector<16xf32>,
        %add3A_345 = arith.constant 48 : i32
        %add3A_346 = arith.addi %mul3A_200, %add3A_345 : i32
        %swap3A_347 = arith.index_cast %add3A_346 : i32 to index
        %swap3A_348 = tpu.vector_load %arg7[%swap3A_347] {strides = array<i32>} : memref<32768xf32, #tpu.memory_space<vmem>>, vector<16xf32>,
        %swap3A_349 = vector.shape_cast %swap3A_348 : vector<16xf32> to vector<16xf32>
        %swap3A_350 = vector.shape_cast %select_n3A_338 : vector<16xf32> to vector<16xf32>
        tpu.vector_store %arg7[%swap3A_347], %swap3A_350 {strides = array<i32>} : memref<32768xf32, #tpu.memory_space<vmem>>, vector<16xf32>,
        scf.yield %select_n3A_220, %select_n3A_257, %select_n3A_295, %select_n3A_333, %add3A_213, %add3A_250, %add3A_288, %add3A_326, %select_n3A_225, %select_n3A_262, %select_n3A_300, %select_n3A_338 : vector<16xf32>, vector<16xf32>, vector<16xf32>, vector<16xf32>, vector<16xf32>, vector<16xf32>, vector<16xf32>, vector<16xf32>, vector<16xf32>, vector<16xf32>, vector<16xf32>, vector<16xf32>
      }
      %scan3A_57 = arith.constant 512 : i32
      "tpu.region"() ({
        %run_scoped3A = tpu.sem_alloc : memref<!tpu.dma_semaphore, #tpu.memory_space<semaphore_mem>>
        %dma_start3A = arith.constant 163840 : i32
        %dma_start3A_70 = tpu.memref_slice %arg3[%dma_start3A] : memref<262144xf32, #tpu.memory_space<hbm>> -> memref<32768xf32, #tpu.memory_space<hbm>>
        %dma_start3A_71 = arith.constant 163840 : i32
        %dma_start3A_72 = tpu.memref_slice %arg3[%dma_start3A_71] : memref<262144xf32, #tpu.memory_space<hbm>> -> memref<32768xf32, #tpu.memory_space<hbm>>
        tpu.enqueue_dma source(%arg6 : memref<32768xf32, #tpu.memory_space<vmem>>) target(%dma_start3A_72 : memref<32768xf32, #tpu.memory_space<hbm>>) target_semaphore(%run_scoped3A : memref<!tpu.dma_semaphore, #tpu.memory_space<semaphore_mem>>)
        %dma_wait3A = arith.constant 163840 : i32
        %dma_wait3A_73 = tpu.memref_slice %arg3[%dma_wait3A] : memref<262144xf32, #tpu.memory_space<hbm>> -> memref<32768xf32, #tpu.memory_space<hbm>>
        %dma_wait3A_74 = arith.constant 163840 : i32
        %dma_wait3A_75 = tpu.memref_slice %arg3[%dma_wait3A_74] : memref<262144xf32, #tpu.memory_space<hbm>> -> memref<32768xf32, #tpu.memory_space<hbm>>
        tpu.wait_dma2 semaphore(%run_scoped3A : memref<!tpu.dma_semaphore, #tpu.memory_space<semaphore_mem>>) src(%arg6 : memref<32768xf32, #tpu.memory_space<vmem>>) dst(%dma_wait3A_75 : memref<32768xf32, #tpu.memory_space<hbm>>)
        tpu.yield
      }) : () -> ()
      "tpu.region"() ({
        %run_scoped3A = tpu.sem_alloc : memref<!tpu.dma_semaphore, #tpu.memory_space<semaphore_mem>>
        %dma_start3A = arith.constant 163840 : i32
        %dma_start3A_70 = tpu.memref_slice %arg4[%dma_start3A] : memref<262144xf32, #tpu.memory_space<hbm>> -> memref<32768xf32, #tpu.memory_space<hbm>>
        %dma_start3A_71 = arith.constant 163840 : i32
        %dma_start3A_72 = tpu.memref_slice %arg4[%dma_start3A_71] : memref<262144xf32, #tpu.memory_space<hbm>> -> memref<32768xf32, #tpu.memory_space<hbm>>
        tpu.enqueue_dma source(%arg7 : memref<32768xf32, #tpu.memory_space<vmem>>) target(%dma_start3A_72 : memref<32768xf32, #tpu.memory_space<hbm>>) target_semaphore(%run_scoped3A : memref<!tpu.dma_semaphore, #tpu.memory_space<semaphore_mem>>)
        %dma_wait3A = arith.constant 163840 : i32
        %dma_wait3A_73 = tpu.memref_slice %arg4[%dma_wait3A] : memref<262144xf32, #tpu.memory_space<hbm>> -> memref<32768xf32, #tpu.memory_space<hbm>>
        %dma_wait3A_74 = arith.constant 163840 : i32
        %dma_wait3A_75 = tpu.memref_slice %arg4[%dma_wait3A_74] : memref<262144xf32, #tpu.memory_space<hbm>> -> memref<32768xf32, #tpu.memory_space<hbm>>
        tpu.wait_dma2 semaphore(%run_scoped3A : memref<!tpu.dma_semaphore, #tpu.memory_space<semaphore_mem>>) src(%arg7 : memref<32768xf32, #tpu.memory_space<vmem>>) dst(%dma_wait3A_75 : memref<32768xf32, #tpu.memory_space<hbm>>)
        tpu.yield
      }) : () -> ()
      %scan3A_58 = arith.constant 0 : i32
      %scan3A_59 = arith.constant 512 : i32
      %scan3A_60 = arith.addi %scan3A_58, %scan3A_59 : i32
      %scan3A_61 = arith.constant 1 : i32
      %scan3A_62:12 = scf.for %scan3A_70 = %scan3A_58 to %scan3A_60 step %scan3A_61 iter_args(%scan3A_71 = %scan3A_56#0, %scan3A_72 = %scan3A_56#1, %scan3A_73 = %scan3A_56#2, %scan3A_74 = %scan3A_56#3, %scan3A_75 = %scan3A_56#4, %scan3A_76 = %scan3A_56#5, %scan3A_77 = %scan3A_56#6, %scan3A_78 = %scan3A_56#7, %scan3A_79 = %scan3A_56#8, %scan3A_80 = %scan3A_56#9, %scan3A_81 = %scan3A_56#10, %scan3A_82 = %scan3A_56#11) -> (vector<16xf32>, vector<16xf32>, vector<16xf32>, vector<16xf32>, vector<16xf32>, vector<16xf32>, vector<16xf32>, vector<16xf32>, vector<16xf32>, vector<16xf32>, vector<16xf32>, vector<16xf32>)  : i32 {
        %add3A_83 = arith.constant 3072 : i32
        %add3A_84 = arith.addi %add3A_83, %scan3A_70 : i32
        %convert_element_type3A_85 = arith.sitofp %add3A_84 : i32 to f32
        %jit3A = arith.constant 16 : i32
        %div3A = arith.divsi %add3A_84, %jit3A : i32
        %sign3A = arith.constant 0 : i32
        %sign3A_86 = arith.cmpi sgt, %add3A_84, %sign3A : i32
        %sign3A_87 = arith.extui %sign3A_86 : i1 to i32
        %sign3A_88 = arith.constant 0 : i32
        %sign3A_89 = arith.cmpi slt, %add3A_84, %sign3A_88 : i32
        %sign3A_90 = arith.extui %sign3A_89 : i1 to i32
        %sign3A_91 = arith.subi %sign3A_87, %sign3A_90 : i32
        %sign3A_92 = arith.constant 0 : i32
        %sign3A_93 = arith.cmpi sgt, %jit3A, %sign3A_92 : i32
        %sign3A_94 = arith.extui %sign3A_93 : i1 to i32
        %sign3A_95 = arith.constant 0 : i32
        %sign3A_96 = arith.cmpi slt, %jit3A, %sign3A_95 : i32
        %sign3A_97 = arith.extui %sign3A_96 : i1 to i32
        %sign3A_98 = arith.subi %sign3A_94, %sign3A_97 : i32
        %ne3A = arith.cmpi ne, %sign3A_91, %sign3A_98 : i32
        %rem3A = arith.remsi %add3A_84, %jit3A : i32
        %ne3A_99 = arith.constant 0 : i32
        %ne3A_100 = arith.cmpi ne, %rem3A, %ne3A_99 : i32
        %and3A_101 = arith.andi %ne3A, %ne3A_100 : i1
        %sub3A = arith.constant 1 : i32
        %sub3A_102 = arith.subi %div3A, %sub3A : i32
        %select_n3A = arith.select %and3A_101, %sub3A_102, %div3A : i32
        %mul3A = arith.constant 16 : i32
        %mul3A_103 = arith.muli %select_n3A, %mul3A : i32
        %get3A = arith.index_cast %mul3A_103 : i32 to index
        %get3A_104 = tpu.vector_load %arg5[%get3A] {strides = array<i32>} : memref<4096xf32, #tpu.memory_space<vmem>>, vector<16xf32>,
        %get3A_105 = vector.shape_cast %get3A_104 : vector<16xf32> to vector<16xf32>
        %sub3A_106 = arith.subi %add3A_84, %mul3A_103 : i32
        %broadcast_in_dim3A_107 = vector.broadcast %sub3A_106 : i32 to vector<16x1xi32>
        %gather3A = vector.shape_cast %broadcast_in_dim3A_107 : vector<16x1xi32> to vector<16xi32>
        %gather3A_108 = tpu.dynamic_gather %get3A_105[%gather3A] in [0] : vector<16xf32>, vector<16xi32> -> vector<16xf32>
        %min3A = arith.minimumf %scan3A_71, %scan3A_72 : vector<16xf32>
        %min3A_109 = arith.minimumf %scan3A_73, %scan3A_74 : vector<16xf32>
        %min3A_110 = arith.minimumf %min3A, %min3A_109 : vector<16xf32>
        %iota3A_111 = tpu.iota {dimensions = array<i32: 0>} : vector<16xi32>
        %xor3A = arith.constant 1 : i32
        %xor3A_112 = vector.broadcast %xor3A : i32 to vector<16xi32>
        %xor3A_113 = arith.xori %iota3A_111, %xor3A_112 : vector<16xi32>
        %reshape3A = vector.shape_cast %xor3A_113 : vector<16xi32> to vector<16x1xi32>
        %gather3A_114 = vector.shape_cast %reshape3A : vector<16x1xi32> to vector<16xi32>
        %gather3A_115 = tpu.dynamic_gather %min3A_110[%gather3A_114] in [0] : vector<16xf32>, vector<16xi32> -> vector<16xf32>
        %min3A_116 = arith.minimumf %min3A_110, %gather3A_115 : vector<16xf32>
        %xor3A_117 = arith.constant 2 : i32
        %xor3A_118 = vector.broadcast %xor3A_117 : i32 to vector<16xi32>
        %xor3A_119 = arith.xori %iota3A_111, %xor3A_118 : vector<16xi32>
        %reshape3A_120 = vector.shape_cast %xor3A_119 : vector<16xi32> to vector<16x1xi32>
        %gather3A_121 = vector.shape_cast %reshape3A_120 : vector<16x1xi32> to vector<16xi32>
        %gather3A_122 = tpu.dynamic_gather %min3A_116[%gather3A_121] in [0] : vector<16xf32>, vector<16xi32> -> vector<16xf32>
        %min3A_123 = arith.minimumf %min3A_116, %gather3A_122 : vector<16xf32>
        %xor3A_124 = arith.constant 4 : i32
        %xor3A_125 = vector.broadcast %xor3A_124 : i32 to vector<16xi32>
        %xor3A_126 = arith.xori %iota3A_111, %xor3A_125 : vector<16xi32>
        %reshape3A_127 = vector.shape_cast %xor3A_126 : vector<16xi32> to vector<16x1xi32>
        %gather3A_128 = vector.shape_cast %reshape3A_127 : vector<16x1xi32> to vector<16xi32>
        %gather3A_129 = tpu.dynamic_gather %min3A_123[%gather3A_128] in [0] : vector<16xf32>, vector<16xi32> -> vector<16xf32>
        %min3A_130 = arith.minimumf %min3A_123, %gather3A_129 : vector<16xf32>
        %xor3A_131 = arith.constant 8 : i32
        %xor3A_132 = vector.broadcast %xor3A_131 : i32 to vector<16xi32>
        %xor3A_133 = arith.xori %iota3A_111, %xor3A_132 : vector<16xi32>
        %reshape3A_134 = vector.shape_cast %xor3A_133 : vector<16xi32> to vector<16x1xi32>
        %gather3A_135 = vector.shape_cast %reshape3A_134 : vector<16x1xi32> to vector<16xi32>
        %gather3A_136 = tpu.dynamic_gather %min3A_130[%gather3A_135] in [0] : vector<16xf32>, vector<16xi32> -> vector<16xf32>
        %min3A_137 = arith.minimumf %min3A_130, %gather3A_136 : vector<16xf32>
        %eq3A_138 = arith.cmpf oeq, %scan3A_71, %min3A_137 : vector<16xf32>
        %jit3A_139 = arith.constant 64 : i32
        %broadcast_in_dim3A_140 = vector.broadcast %jit3A_139 : i32 to vector<16xi32>
        %select_n3A_141 = arith.select %eq3A_138, %add3A_5, %broadcast_in_dim3A_140 : vector<16xi1>, vector<16xi32>
        %eq3A_142 = arith.cmpf oeq, %scan3A_72, %min3A_137 : vector<16xf32>
        %jit3A_143 = arith.constant 64 : i32
        %broadcast_in_dim3A_144 = vector.broadcast %jit3A_143 : i32 to vector<16xi32>
        %select_n3A_145 = arith.select %eq3A_142, %add3A_9, %broadcast_in_dim3A_144 : vector<16xi1>, vector<16xi32>
        %eq3A_146 = arith.cmpf oeq, %scan3A_73, %min3A_137 : vector<16xf32>
        %jit3A_147 = arith.constant 64 : i32
        %broadcast_in_dim3A_148 = vector.broadcast %jit3A_147 : i32 to vector<16xi32>
        %select_n3A_149 = arith.select %eq3A_146, %add3A_13, %broadcast_in_dim3A_148 : vector<16xi1>, vector<16xi32>
        %eq3A_150 = arith.cmpf oeq, %scan3A_74, %min3A_137 : vector<16xf32>
        %jit3A_151 = arith.constant 64 : i32
        %broadcast_in_dim3A_152 = vector.broadcast %jit3A_151 : i32 to vector<16xi32>
        %select_n3A_153 = arith.select %eq3A_150, %add3A_17, %broadcast_in_dim3A_152 : vector<16xi1>, vector<16xi32>
        %min3A_154 = arith.minsi %select_n3A_141, %select_n3A_145 : vector<16xi32>
        %min3A_155 = arith.minsi %select_n3A_149, %select_n3A_153 : vector<16xi32>
        %min3A_156 = arith.minsi %min3A_154, %min3A_155 : vector<16xi32>
        %iota3A_157 = tpu.iota {dimensions = array<i32: 0>} : vector<16xi32>
        %xor3A_158 = arith.constant 1 : i32
        %xor3A_159 = vector.broadcast %xor3A_158 : i32 to vector<16xi32>
        %xor3A_160 = arith.xori %iota3A_157, %xor3A_159 : vector<16xi32>
        %reshape3A_161 = vector.shape_cast %xor3A_160 : vector<16xi32> to vector<16x1xi32>
        %gather3A_162 = vector.shape_cast %reshape3A_161 : vector<16x1xi32> to vector<16xi32>
        %gather3A_163 = tpu.dynamic_gather %min3A_156[%gather3A_162] in [0] : vector<16xi32>, vector<16xi32> -> vector<16xi32>
        %min3A_164 = arith.minsi %min3A_156, %gather3A_163 : vector<16xi32>
        %xor3A_165 = arith.constant 2 : i32
        %xor3A_166 = vector.broadcast %xor3A_165 : i32 to vector<16xi32>
        %xor3A_167 = arith.xori %iota3A_157, %xor3A_166 : vector<16xi32>
        %reshape3A_168 = vector.shape_cast %xor3A_167 : vector<16xi32> to vector<16x1xi32>
        %gather3A_169 = vector.shape_cast %reshape3A_168 : vector<16x1xi32> to vector<16xi32>
        %gather3A_170 = tpu.dynamic_gather %min3A_164[%gather3A_169] in [0] : vector<16xi32>, vector<16xi32> -> vector<16xi32>
        %min3A_171 = arith.minsi %min3A_164, %gather3A_170 : vector<16xi32>
        %xor3A_172 = arith.constant 4 : i32
        %xor3A_173 = vector.broadcast %xor3A_172 : i32 to vector<16xi32>
        %xor3A_174 = arith.xori %iota3A_157, %xor3A_173 : vector<16xi32>
        %reshape3A_175 = vector.shape_cast %xor3A_174 : vector<16xi32> to vector<16x1xi32>
        %gather3A_176 = vector.shape_cast %reshape3A_175 : vector<16x1xi32> to vector<16xi32>
        %gather3A_177 = tpu.dynamic_gather %min3A_171[%gather3A_176] in [0] : vector<16xi32>, vector<16xi32> -> vector<16xi32>
        %min3A_178 = arith.minsi %min3A_171, %gather3A_177 : vector<16xi32>
        %xor3A_179 = arith.constant 8 : i32
        %xor3A_180 = vector.broadcast %xor3A_179 : i32 to vector<16xi32>
        %xor3A_181 = arith.xori %iota3A_157, %xor3A_180 : vector<16xi32>
        %reshape3A_182 = vector.shape_cast %xor3A_181 : vector<16xi32> to vector<16x1xi32>
        %gather3A_183 = vector.shape_cast %reshape3A_182 : vector<16x1xi32> to vector<16xi32>
        %gather3A_184 = tpu.dynamic_gather %min3A_178[%gather3A_183] in [0] : vector<16xi32>, vector<16xi32> -> vector<16xi32>
        %min3A_185 = arith.minsi %min3A_178, %gather3A_184 : vector<16xi32>
        %broadcast_in_dim3A_186 = arith.constant 1 : i32
        %broadcast_in_dim3A_187 = vector.broadcast %broadcast_in_dim3A_186 : i32 to vector<16xi32>
        %broadcast_in_dim3A_188 = arith.constant 0 : i32
        %broadcast_in_dim3A_189 = vector.broadcast %broadcast_in_dim3A_188 : i32 to vector<16xi32>
        %gt3A = arith.constant 1.000000e-01 : f32
        %gt3A_190 = vector.broadcast %gt3A : f32 to vector<16xf32>
        %gt3A_191 = arith.cmpf ogt, %gather3A_108, %gt3A_190 : vector<16xf32>
        %select_n3A_192 = arith.select %gt3A_191, %broadcast_in_dim3A_187, %broadcast_in_dim3A_189 : vector<16xi1>, vector<16xi32>
        %le3A = arith.constant 0.000000e+00 : f32
        %le3A_193 = vector.broadcast %le3A : f32 to vector<16xf32>
        %le3A_194 = arith.cmpf ole, %min3A_137, %le3A_193 : vector<16xf32>
        %select_n3A_195 = arith.select %le3A_194, %broadcast_in_dim3A_187, %broadcast_in_dim3A_189 : vector<16xi1>, vector<16xi32>
        %max3A = arith.maxsi %select_n3A_192, %select_n3A_195 : vector<16xi32>
        %max3A_196 = arith.constant 1.000000e-01 : f32
        %max3A_197 = vector.broadcast %max3A_196 : f32 to vector<16xf32>
        %max3A_198 = arith.maximumf %gather3A_108, %max3A_197 : vector<16xf32>
        %mul3A_199 = arith.constant 64 : i32
        %mul3A_200 = arith.muli %scan3A_70, %mul3A_199 : i32
        %eq3A_201 = arith.cmpi eq, %add3A_5, %min3A_185 : vector<16xi32>
        %select_n3A_202 = arith.select %eq3A_201, %broadcast_in_dim3A_187, %broadcast_in_dim3A_189 : vector<16xi1>, vector<16xi32>
        %mul3A_203 = arith.muli %select_n3A_202, %max3A : vector<16xi32>
        %eq3A_204 = arith.constant 1 : i32
        %eq3A_205 = vector.broadcast %eq3A_204 : i32 to vector<16xi32>
        %eq3A_206 = arith.cmpi eq, %mul3A_203, %eq3A_205 : vector<16xi32>
        %select_n3A_207 = arith.select %eq3A_206, %max3A_198, %scan3A_71 : vector<16xi1>, vector<16xf32>
        %ge3A = arith.constant 1 : i32
        %ge3A_208 = vector.broadcast %ge3A : i32 to vector<16xi32>
        %ge3A_209 = arith.cmpi sge, %mul3A_203, %ge3A_208 : vector<16xi32>
        %select_n3A_210 = arith.select %ge3A_209, %broadcast_in_dim3A_18, %scan3A_75 : vector<16xi1>, vector<16xf32>
        %add3A_211 = arith.constant 1.000000e+00 : f32
        %add3A_212 = vector.broadcast %add3A_211 : f32 to vector<16xf32>
        %add3A_213 = arith.addf %select_n3A_210, %add3A_212 : vector<16xf32>
        %gt3A_214 = arith.constant 5.000000e+01 : f32
        %gt3A_215 = vector.broadcast %gt3A_214 : f32 to vector<16xf32>
        %gt3A_216 = arith.cmpf ogt, %add3A_213, %gt3A_215 : vector<16xf32>
        %mul3A_217 = arith.constant 0.899999976 : f32
        %mul3A_218 = vector.broadcast %mul3A_217 : f32 to vector<16xf32>
        %mul3A_219 = arith.mulf %select_n3A_207, %mul3A_218 : vector<16xf32>
        %select_n3A_220 = arith.select %gt3A_216, %mul3A_219, %select_n3A_207 : vector<16xi1>, vector<16xf32>
        %gt3A_221 = arith.constant 0 : i32
        %gt3A_222 = vector.broadcast %gt3A_221 : i32 to vector<16xi32>
        %gt3A_223 = arith.cmpi sgt, %mul3A_203, %gt3A_222 : vector<16xi32>
        %broadcast_in_dim3A_224 = vector.broadcast %convert_element_type3A_85 : f32 to vector<16xf32>
        %select_n3A_225 = arith.select %gt3A_223, %broadcast_in_dim3A_224, %scan3A_79 : vector<16xi1>, vector<16xf32>
        %add3A_226 = arith.constant 0 : i32
        %add3A_227 = arith.addi %mul3A_200, %add3A_226 : i32
        %swap3A = arith.index_cast %add3A_227 : i32 to index
        %swap3A_228 = tpu.vector_load %arg6[%swap3A] {strides = array<i32>} : memref<32768xf32, #tpu.memory_space<vmem>>, vector<16xf32>,
        %swap3A_229 = vector.shape_cast %swap3A_228 : vector<16xf32> to vector<16xf32>
        %swap3A_230 = vector.shape_cast %select_n3A_220 : vector<16xf32> to vector<16xf32>
        tpu.vector_store %arg6[%swap3A], %swap3A_230 {strides = array<i32>} : memref<32768xf32, #tpu.memory_space<vmem>>, vector<16xf32>,
        %add3A_231 = arith.constant 0 : i32
        %add3A_232 = arith.addi %mul3A_200, %add3A_231 : i32
        %swap3A_233 = arith.index_cast %add3A_232 : i32 to index
        %swap3A_234 = tpu.vector_load %arg7[%swap3A_233] {strides = array<i32>} : memref<32768xf32, #tpu.memory_space<vmem>>, vector<16xf32>,
        %swap3A_235 = vector.shape_cast %swap3A_234 : vector<16xf32> to vector<16xf32>
        %swap3A_236 = vector.shape_cast %select_n3A_225 : vector<16xf32> to vector<16xf32>
        tpu.vector_store %arg7[%swap3A_233], %swap3A_236 {strides = array<i32>} : memref<32768xf32, #tpu.memory_space<vmem>>, vector<16xf32>,
        %eq3A_237 = arith.cmpi eq, %add3A_9, %min3A_185 : vector<16xi32>
        %select_n3A_238 = arith.select %eq3A_237, %broadcast_in_dim3A_187, %broadcast_in_dim3A_189 : vector<16xi1>, vector<16xi32>
        %mul3A_239 = arith.muli %select_n3A_238, %max3A : vector<16xi32>
        %eq3A_240 = arith.constant 1 : i32
        %eq3A_241 = vector.broadcast %eq3A_240 : i32 to vector<16xi32>
        %eq3A_242 = arith.cmpi eq, %mul3A_239, %eq3A_241 : vector<16xi32>
        %select_n3A_243 = arith.select %eq3A_242, %max3A_198, %scan3A_72 : vector<16xi1>, vector<16xf32>
        %ge3A_244 = arith.constant 1 : i32
        %ge3A_245 = vector.broadcast %ge3A_244 : i32 to vector<16xi32>
        %ge3A_246 = arith.cmpi sge, %mul3A_239, %ge3A_245 : vector<16xi32>
        %select_n3A_247 = arith.select %ge3A_246, %broadcast_in_dim3A_18, %scan3A_76 : vector<16xi1>, vector<16xf32>
        %add3A_248 = arith.constant 1.000000e+00 : f32
        %add3A_249 = vector.broadcast %add3A_248 : f32 to vector<16xf32>
        %add3A_250 = arith.addf %select_n3A_247, %add3A_249 : vector<16xf32>
        %gt3A_251 = arith.constant 5.000000e+01 : f32
        %gt3A_252 = vector.broadcast %gt3A_251 : f32 to vector<16xf32>
        %gt3A_253 = arith.cmpf ogt, %add3A_250, %gt3A_252 : vector<16xf32>
        %mul3A_254 = arith.constant 0.899999976 : f32
        %mul3A_255 = vector.broadcast %mul3A_254 : f32 to vector<16xf32>
        %mul3A_256 = arith.mulf %select_n3A_243, %mul3A_255 : vector<16xf32>
        %select_n3A_257 = arith.select %gt3A_253, %mul3A_256, %select_n3A_243 : vector<16xi1>, vector<16xf32>
        %gt3A_258 = arith.constant 0 : i32
        %gt3A_259 = vector.broadcast %gt3A_258 : i32 to vector<16xi32>
        %gt3A_260 = arith.cmpi sgt, %mul3A_239, %gt3A_259 : vector<16xi32>
        %broadcast_in_dim3A_261 = vector.broadcast %convert_element_type3A_85 : f32 to vector<16xf32>
        %select_n3A_262 = arith.select %gt3A_260, %broadcast_in_dim3A_261, %scan3A_80 : vector<16xi1>, vector<16xf32>
        %add3A_263 = arith.constant 16 : i32
        %add3A_264 = arith.addi %mul3A_200, %add3A_263 : i32
        %swap3A_265 = arith.index_cast %add3A_264 : i32 to index
        %swap3A_266 = tpu.vector_load %arg6[%swap3A_265] {strides = array<i32>} : memref<32768xf32, #tpu.memory_space<vmem>>, vector<16xf32>,
        %swap3A_267 = vector.shape_cast %swap3A_266 : vector<16xf32> to vector<16xf32>
        %swap3A_268 = vector.shape_cast %select_n3A_257 : vector<16xf32> to vector<16xf32>
        tpu.vector_store %arg6[%swap3A_265], %swap3A_268 {strides = array<i32>} : memref<32768xf32, #tpu.memory_space<vmem>>, vector<16xf32>,
        %add3A_269 = arith.constant 16 : i32
        %add3A_270 = arith.addi %mul3A_200, %add3A_269 : i32
        %swap3A_271 = arith.index_cast %add3A_270 : i32 to index
        %swap3A_272 = tpu.vector_load %arg7[%swap3A_271] {strides = array<i32>} : memref<32768xf32, #tpu.memory_space<vmem>>, vector<16xf32>,
        %swap3A_273 = vector.shape_cast %swap3A_272 : vector<16xf32> to vector<16xf32>
        %swap3A_274 = vector.shape_cast %select_n3A_262 : vector<16xf32> to vector<16xf32>
        tpu.vector_store %arg7[%swap3A_271], %swap3A_274 {strides = array<i32>} : memref<32768xf32, #tpu.memory_space<vmem>>, vector<16xf32>,
        %eq3A_275 = arith.cmpi eq, %add3A_13, %min3A_185 : vector<16xi32>
        %select_n3A_276 = arith.select %eq3A_275, %broadcast_in_dim3A_187, %broadcast_in_dim3A_189 : vector<16xi1>, vector<16xi32>
        %mul3A_277 = arith.muli %select_n3A_276, %max3A : vector<16xi32>
        %eq3A_278 = arith.constant 1 : i32
        %eq3A_279 = vector.broadcast %eq3A_278 : i32 to vector<16xi32>
        %eq3A_280 = arith.cmpi eq, %mul3A_277, %eq3A_279 : vector<16xi32>
        %select_n3A_281 = arith.select %eq3A_280, %max3A_198, %scan3A_73 : vector<16xi1>, vector<16xf32>
        %ge3A_282 = arith.constant 1 : i32
        %ge3A_283 = vector.broadcast %ge3A_282 : i32 to vector<16xi32>
        %ge3A_284 = arith.cmpi sge, %mul3A_277, %ge3A_283 : vector<16xi32>
        %select_n3A_285 = arith.select %ge3A_284, %broadcast_in_dim3A_18, %scan3A_77 : vector<16xi1>, vector<16xf32>
        %add3A_286 = arith.constant 1.000000e+00 : f32
        %add3A_287 = vector.broadcast %add3A_286 : f32 to vector<16xf32>
        %add3A_288 = arith.addf %select_n3A_285, %add3A_287 : vector<16xf32>
        %gt3A_289 = arith.constant 5.000000e+01 : f32
        %gt3A_290 = vector.broadcast %gt3A_289 : f32 to vector<16xf32>
        %gt3A_291 = arith.cmpf ogt, %add3A_288, %gt3A_290 : vector<16xf32>
        %mul3A_292 = arith.constant 0.899999976 : f32
        %mul3A_293 = vector.broadcast %mul3A_292 : f32 to vector<16xf32>
        %mul3A_294 = arith.mulf %select_n3A_281, %mul3A_293 : vector<16xf32>
        %select_n3A_295 = arith.select %gt3A_291, %mul3A_294, %select_n3A_281 : vector<16xi1>, vector<16xf32>
        %gt3A_296 = arith.constant 0 : i32
        %gt3A_297 = vector.broadcast %gt3A_296 : i32 to vector<16xi32>
        %gt3A_298 = arith.cmpi sgt, %mul3A_277, %gt3A_297 : vector<16xi32>
        %broadcast_in_dim3A_299 = vector.broadcast %convert_element_type3A_85 : f32 to vector<16xf32>
        %select_n3A_300 = arith.select %gt3A_298, %broadcast_in_dim3A_299, %scan3A_81 : vector<16xi1>, vector<16xf32>
        %add3A_301 = arith.constant 32 : i32
        %add3A_302 = arith.addi %mul3A_200, %add3A_301 : i32
        %swap3A_303 = arith.index_cast %add3A_302 : i32 to index
        %swap3A_304 = tpu.vector_load %arg6[%swap3A_303] {strides = array<i32>} : memref<32768xf32, #tpu.memory_space<vmem>>, vector<16xf32>,
        %swap3A_305 = vector.shape_cast %swap3A_304 : vector<16xf32> to vector<16xf32>
        %swap3A_306 = vector.shape_cast %select_n3A_295 : vector<16xf32> to vector<16xf32>
        tpu.vector_store %arg6[%swap3A_303], %swap3A_306 {strides = array<i32>} : memref<32768xf32, #tpu.memory_space<vmem>>, vector<16xf32>,
        %add3A_307 = arith.constant 32 : i32
        %add3A_308 = arith.addi %mul3A_200, %add3A_307 : i32
        %swap3A_309 = arith.index_cast %add3A_308 : i32 to index
        %swap3A_310 = tpu.vector_load %arg7[%swap3A_309] {strides = array<i32>} : memref<32768xf32, #tpu.memory_space<vmem>>, vector<16xf32>,
        %swap3A_311 = vector.shape_cast %swap3A_310 : vector<16xf32> to vector<16xf32>
        %swap3A_312 = vector.shape_cast %select_n3A_300 : vector<16xf32> to vector<16xf32>
        tpu.vector_store %arg7[%swap3A_309], %swap3A_312 {strides = array<i32>} : memref<32768xf32, #tpu.memory_space<vmem>>, vector<16xf32>,
        %eq3A_313 = arith.cmpi eq, %add3A_17, %min3A_185 : vector<16xi32>
        %select_n3A_314 = arith.select %eq3A_313, %broadcast_in_dim3A_187, %broadcast_in_dim3A_189 : vector<16xi1>, vector<16xi32>
        %mul3A_315 = arith.muli %select_n3A_314, %max3A : vector<16xi32>
        %eq3A_316 = arith.constant 1 : i32
        %eq3A_317 = vector.broadcast %eq3A_316 : i32 to vector<16xi32>
        %eq3A_318 = arith.cmpi eq, %mul3A_315, %eq3A_317 : vector<16xi32>
        %select_n3A_319 = arith.select %eq3A_318, %max3A_198, %scan3A_74 : vector<16xi1>, vector<16xf32>
        %ge3A_320 = arith.constant 1 : i32
        %ge3A_321 = vector.broadcast %ge3A_320 : i32 to vector<16xi32>
        %ge3A_322 = arith.cmpi sge, %mul3A_315, %ge3A_321 : vector<16xi32>
        %select_n3A_323 = arith.select %ge3A_322, %broadcast_in_dim3A_18, %scan3A_78 : vector<16xi1>, vector<16xf32>
        %add3A_324 = arith.constant 1.000000e+00 : f32
        %add3A_325 = vector.broadcast %add3A_324 : f32 to vector<16xf32>
        %add3A_326 = arith.addf %select_n3A_323, %add3A_325 : vector<16xf32>
        %gt3A_327 = arith.constant 5.000000e+01 : f32
        %gt3A_328 = vector.broadcast %gt3A_327 : f32 to vector<16xf32>
        %gt3A_329 = arith.cmpf ogt, %add3A_326, %gt3A_328 : vector<16xf32>
        %mul3A_330 = arith.constant 0.899999976 : f32
        %mul3A_331 = vector.broadcast %mul3A_330 : f32 to vector<16xf32>
        %mul3A_332 = arith.mulf %select_n3A_319, %mul3A_331 : vector<16xf32>
        %select_n3A_333 = arith.select %gt3A_329, %mul3A_332, %select_n3A_319 : vector<16xi1>, vector<16xf32>
        %gt3A_334 = arith.constant 0 : i32
        %gt3A_335 = vector.broadcast %gt3A_334 : i32 to vector<16xi32>
        %gt3A_336 = arith.cmpi sgt, %mul3A_315, %gt3A_335 : vector<16xi32>
        %broadcast_in_dim3A_337 = vector.broadcast %convert_element_type3A_85 : f32 to vector<16xf32>
        %select_n3A_338 = arith.select %gt3A_336, %broadcast_in_dim3A_337, %scan3A_82 : vector<16xi1>, vector<16xf32>
        %add3A_339 = arith.constant 48 : i32
        %add3A_340 = arith.addi %mul3A_200, %add3A_339 : i32
        %swap3A_341 = arith.index_cast %add3A_340 : i32 to index
        %swap3A_342 = tpu.vector_load %arg6[%swap3A_341] {strides = array<i32>} : memref<32768xf32, #tpu.memory_space<vmem>>, vector<16xf32>,
        %swap3A_343 = vector.shape_cast %swap3A_342 : vector<16xf32> to vector<16xf32>
        %swap3A_344 = vector.shape_cast %select_n3A_333 : vector<16xf32> to vector<16xf32>
        tpu.vector_store %arg6[%swap3A_341], %swap3A_344 {strides = array<i32>} : memref<32768xf32, #tpu.memory_space<vmem>>, vector<16xf32>,
        %add3A_345 = arith.constant 48 : i32
        %add3A_346 = arith.addi %mul3A_200, %add3A_345 : i32
        %swap3A_347 = arith.index_cast %add3A_346 : i32 to index
        %swap3A_348 = tpu.vector_load %arg7[%swap3A_347] {strides = array<i32>} : memref<32768xf32, #tpu.memory_space<vmem>>, vector<16xf32>,
        %swap3A_349 = vector.shape_cast %swap3A_348 : vector<16xf32> to vector<16xf32>
        %swap3A_350 = vector.shape_cast %select_n3A_338 : vector<16xf32> to vector<16xf32>
        tpu.vector_store %arg7[%swap3A_347], %swap3A_350 {strides = array<i32>} : memref<32768xf32, #tpu.memory_space<vmem>>, vector<16xf32>,
        scf.yield %select_n3A_220, %select_n3A_257, %select_n3A_295, %select_n3A_333, %add3A_213, %add3A_250, %add3A_288, %add3A_326, %select_n3A_225, %select_n3A_262, %select_n3A_300, %select_n3A_338 : vector<16xf32>, vector<16xf32>, vector<16xf32>, vector<16xf32>, vector<16xf32>, vector<16xf32>, vector<16xf32>, vector<16xf32>, vector<16xf32>, vector<16xf32>, vector<16xf32>, vector<16xf32>
      }
      %scan3A_63 = arith.constant 512 : i32
      "tpu.region"() ({
        %run_scoped3A = tpu.sem_alloc : memref<!tpu.dma_semaphore, #tpu.memory_space<semaphore_mem>>
        %dma_start3A = arith.constant 196608 : i32
        %dma_start3A_70 = tpu.memref_slice %arg3[%dma_start3A] : memref<262144xf32, #tpu.memory_space<hbm>> -> memref<32768xf32, #tpu.memory_space<hbm>>
        %dma_start3A_71 = arith.constant 196608 : i32
        %dma_start3A_72 = tpu.memref_slice %arg3[%dma_start3A_71] : memref<262144xf32, #tpu.memory_space<hbm>> -> memref<32768xf32, #tpu.memory_space<hbm>>
        tpu.enqueue_dma source(%arg6 : memref<32768xf32, #tpu.memory_space<vmem>>) target(%dma_start3A_72 : memref<32768xf32, #tpu.memory_space<hbm>>) target_semaphore(%run_scoped3A : memref<!tpu.dma_semaphore, #tpu.memory_space<semaphore_mem>>)
        %dma_wait3A = arith.constant 196608 : i32
        %dma_wait3A_73 = tpu.memref_slice %arg3[%dma_wait3A] : memref<262144xf32, #tpu.memory_space<hbm>> -> memref<32768xf32, #tpu.memory_space<hbm>>
        %dma_wait3A_74 = arith.constant 196608 : i32
        %dma_wait3A_75 = tpu.memref_slice %arg3[%dma_wait3A_74] : memref<262144xf32, #tpu.memory_space<hbm>> -> memref<32768xf32, #tpu.memory_space<hbm>>
        tpu.wait_dma2 semaphore(%run_scoped3A : memref<!tpu.dma_semaphore, #tpu.memory_space<semaphore_mem>>) src(%arg6 : memref<32768xf32, #tpu.memory_space<vmem>>) dst(%dma_wait3A_75 : memref<32768xf32, #tpu.memory_space<hbm>>)
        tpu.yield
      }) : () -> ()
      "tpu.region"() ({
        %run_scoped3A = tpu.sem_alloc : memref<!tpu.dma_semaphore, #tpu.memory_space<semaphore_mem>>
        %dma_start3A = arith.constant 196608 : i32
        %dma_start3A_70 = tpu.memref_slice %arg4[%dma_start3A] : memref<262144xf32, #tpu.memory_space<hbm>> -> memref<32768xf32, #tpu.memory_space<hbm>>
        %dma_start3A_71 = arith.constant 196608 : i32
        %dma_start3A_72 = tpu.memref_slice %arg4[%dma_start3A_71] : memref<262144xf32, #tpu.memory_space<hbm>> -> memref<32768xf32, #tpu.memory_space<hbm>>
        tpu.enqueue_dma source(%arg7 : memref<32768xf32, #tpu.memory_space<vmem>>) target(%dma_start3A_72 : memref<32768xf32, #tpu.memory_space<hbm>>) target_semaphore(%run_scoped3A : memref<!tpu.dma_semaphore, #tpu.memory_space<semaphore_mem>>)
        %dma_wait3A = arith.constant 196608 : i32
        %dma_wait3A_73 = tpu.memref_slice %arg4[%dma_wait3A] : memref<262144xf32, #tpu.memory_space<hbm>> -> memref<32768xf32, #tpu.memory_space<hbm>>
        %dma_wait3A_74 = arith.constant 196608 : i32
        %dma_wait3A_75 = tpu.memref_slice %arg4[%dma_wait3A_74] : memref<262144xf32, #tpu.memory_space<hbm>> -> memref<32768xf32, #tpu.memory_space<hbm>>
        tpu.wait_dma2 semaphore(%run_scoped3A : memref<!tpu.dma_semaphore, #tpu.memory_space<semaphore_mem>>) src(%arg7 : memref<32768xf32, #tpu.memory_space<vmem>>) dst(%dma_wait3A_75 : memref<32768xf32, #tpu.memory_space<hbm>>)
        tpu.yield
      }) : () -> ()
      %scan3A_64 = arith.constant 0 : i32
      %scan3A_65 = arith.constant 512 : i32
      %scan3A_66 = arith.addi %scan3A_64, %scan3A_65 : i32
      %scan3A_67 = arith.constant 1 : i32
      %scan3A_68:12 = scf.for %scan3A_70 = %scan3A_64 to %scan3A_66 step %scan3A_67 iter_args(%scan3A_71 = %scan3A_62#0, %scan3A_72 = %scan3A_62#1, %scan3A_73 = %scan3A_62#2, %scan3A_74 = %scan3A_62#3, %scan3A_75 = %scan3A_62#4, %scan3A_76 = %scan3A_62#5, %scan3A_77 = %scan3A_62#6, %scan3A_78 = %scan3A_62#7, %scan3A_79 = %scan3A_62#8, %scan3A_80 = %scan3A_62#9, %scan3A_81 = %scan3A_62#10, %scan3A_82 = %scan3A_62#11) -> (vector<16xf32>, vector<16xf32>, vector<16xf32>, vector<16xf32>, vector<16xf32>, vector<16xf32>, vector<16xf32>, vector<16xf32>, vector<16xf32>, vector<16xf32>, vector<16xf32>, vector<16xf32>)  : i32 {
        %add3A_83 = arith.constant 3584 : i32
        %add3A_84 = arith.addi %add3A_83, %scan3A_70 : i32
        %convert_element_type3A_85 = arith.sitofp %add3A_84 : i32 to f32
        %jit3A = arith.constant 16 : i32
        %div3A = arith.divsi %add3A_84, %jit3A : i32
        %sign3A = arith.constant 0 : i32
        %sign3A_86 = arith.cmpi sgt, %add3A_84, %sign3A : i32
        %sign3A_87 = arith.extui %sign3A_86 : i1 to i32
        %sign3A_88 = arith.constant 0 : i32
        %sign3A_89 = arith.cmpi slt, %add3A_84, %sign3A_88 : i32
        %sign3A_90 = arith.extui %sign3A_89 : i1 to i32
        %sign3A_91 = arith.subi %sign3A_87, %sign3A_90 : i32
        %sign3A_92 = arith.constant 0 : i32
        %sign3A_93 = arith.cmpi sgt, %jit3A, %sign3A_92 : i32
        %sign3A_94 = arith.extui %sign3A_93 : i1 to i32
        %sign3A_95 = arith.constant 0 : i32
        %sign3A_96 = arith.cmpi slt, %jit3A, %sign3A_95 : i32
        %sign3A_97 = arith.extui %sign3A_96 : i1 to i32
        %sign3A_98 = arith.subi %sign3A_94, %sign3A_97 : i32
        %ne3A = arith.cmpi ne, %sign3A_91, %sign3A_98 : i32
        %rem3A = arith.remsi %add3A_84, %jit3A : i32
        %ne3A_99 = arith.constant 0 : i32
        %ne3A_100 = arith.cmpi ne, %rem3A, %ne3A_99 : i32
        %and3A_101 = arith.andi %ne3A, %ne3A_100 : i1
        %sub3A = arith.constant 1 : i32
        %sub3A_102 = arith.subi %div3A, %sub3A : i32
        %select_n3A = arith.select %and3A_101, %sub3A_102, %div3A : i32
        %mul3A = arith.constant 16 : i32
        %mul3A_103 = arith.muli %select_n3A, %mul3A : i32
        %get3A = arith.index_cast %mul3A_103 : i32 to index
        %get3A_104 = tpu.vector_load %arg5[%get3A] {strides = array<i32>} : memref<4096xf32, #tpu.memory_space<vmem>>, vector<16xf32>,
        %get3A_105 = vector.shape_cast %get3A_104 : vector<16xf32> to vector<16xf32>
        %sub3A_106 = arith.subi %add3A_84, %mul3A_103 : i32
        %broadcast_in_dim3A_107 = vector.broadcast %sub3A_106 : i32 to vector<16x1xi32>
        %gather3A = vector.shape_cast %broadcast_in_dim3A_107 : vector<16x1xi32> to vector<16xi32>
        %gather3A_108 = tpu.dynamic_gather %get3A_105[%gather3A] in [0] : vector<16xf32>, vector<16xi32> -> vector<16xf32>
        %min3A = arith.minimumf %scan3A_71, %scan3A_72 : vector<16xf32>
        %min3A_109 = arith.minimumf %scan3A_73, %scan3A_74 : vector<16xf32>
        %min3A_110 = arith.minimumf %min3A, %min3A_109 : vector<16xf32>
        %iota3A_111 = tpu.iota {dimensions = array<i32: 0>} : vector<16xi32>
        %xor3A = arith.constant 1 : i32
        %xor3A_112 = vector.broadcast %xor3A : i32 to vector<16xi32>
        %xor3A_113 = arith.xori %iota3A_111, %xor3A_112 : vector<16xi32>
        %reshape3A = vector.shape_cast %xor3A_113 : vector<16xi32> to vector<16x1xi32>
        %gather3A_114 = vector.shape_cast %reshape3A : vector<16x1xi32> to vector<16xi32>
        %gather3A_115 = tpu.dynamic_gather %min3A_110[%gather3A_114] in [0] : vector<16xf32>, vector<16xi32> -> vector<16xf32>
        %min3A_116 = arith.minimumf %min3A_110, %gather3A_115 : vector<16xf32>
        %xor3A_117 = arith.constant 2 : i32
        %xor3A_118 = vector.broadcast %xor3A_117 : i32 to vector<16xi32>
        %xor3A_119 = arith.xori %iota3A_111, %xor3A_118 : vector<16xi32>
        %reshape3A_120 = vector.shape_cast %xor3A_119 : vector<16xi32> to vector<16x1xi32>
        %gather3A_121 = vector.shape_cast %reshape3A_120 : vector<16x1xi32> to vector<16xi32>
        %gather3A_122 = tpu.dynamic_gather %min3A_116[%gather3A_121] in [0] : vector<16xf32>, vector<16xi32> -> vector<16xf32>
        %min3A_123 = arith.minimumf %min3A_116, %gather3A_122 : vector<16xf32>
        %xor3A_124 = arith.constant 4 : i32
        %xor3A_125 = vector.broadcast %xor3A_124 : i32 to vector<16xi32>
        %xor3A_126 = arith.xori %iota3A_111, %xor3A_125 : vector<16xi32>
        %reshape3A_127 = vector.shape_cast %xor3A_126 : vector<16xi32> to vector<16x1xi32>
        %gather3A_128 = vector.shape_cast %reshape3A_127 : vector<16x1xi32> to vector<16xi32>
        %gather3A_129 = tpu.dynamic_gather %min3A_123[%gather3A_128] in [0] : vector<16xf32>, vector<16xi32> -> vector<16xf32>
        %min3A_130 = arith.minimumf %min3A_123, %gather3A_129 : vector<16xf32>
        %xor3A_131 = arith.constant 8 : i32
        %xor3A_132 = vector.broadcast %xor3A_131 : i32 to vector<16xi32>
        %xor3A_133 = arith.xori %iota3A_111, %xor3A_132 : vector<16xi32>
        %reshape3A_134 = vector.shape_cast %xor3A_133 : vector<16xi32> to vector<16x1xi32>
        %gather3A_135 = vector.shape_cast %reshape3A_134 : vector<16x1xi32> to vector<16xi32>
        %gather3A_136 = tpu.dynamic_gather %min3A_130[%gather3A_135] in [0] : vector<16xf32>, vector<16xi32> -> vector<16xf32>
        %min3A_137 = arith.minimumf %min3A_130, %gather3A_136 : vector<16xf32>
        %eq3A_138 = arith.cmpf oeq, %scan3A_71, %min3A_137 : vector<16xf32>
        %jit3A_139 = arith.constant 64 : i32
        %broadcast_in_dim3A_140 = vector.broadcast %jit3A_139 : i32 to vector<16xi32>
        %select_n3A_141 = arith.select %eq3A_138, %add3A_5, %broadcast_in_dim3A_140 : vector<16xi1>, vector<16xi32>
        %eq3A_142 = arith.cmpf oeq, %scan3A_72, %min3A_137 : vector<16xf32>
        %jit3A_143 = arith.constant 64 : i32
        %broadcast_in_dim3A_144 = vector.broadcast %jit3A_143 : i32 to vector<16xi32>
        %select_n3A_145 = arith.select %eq3A_142, %add3A_9, %broadcast_in_dim3A_144 : vector<16xi1>, vector<16xi32>
        %eq3A_146 = arith.cmpf oeq, %scan3A_73, %min3A_137 : vector<16xf32>
        %jit3A_147 = arith.constant 64 : i32
        %broadcast_in_dim3A_148 = vector.broadcast %jit3A_147 : i32 to vector<16xi32>
        %select_n3A_149 = arith.select %eq3A_146, %add3A_13, %broadcast_in_dim3A_148 : vector<16xi1>, vector<16xi32>
        %eq3A_150 = arith.cmpf oeq, %scan3A_74, %min3A_137 : vector<16xf32>
        %jit3A_151 = arith.constant 64 : i32
        %broadcast_in_dim3A_152 = vector.broadcast %jit3A_151 : i32 to vector<16xi32>
        %select_n3A_153 = arith.select %eq3A_150, %add3A_17, %broadcast_in_dim3A_152 : vector<16xi1>, vector<16xi32>
        %min3A_154 = arith.minsi %select_n3A_141, %select_n3A_145 : vector<16xi32>
        %min3A_155 = arith.minsi %select_n3A_149, %select_n3A_153 : vector<16xi32>
        %min3A_156 = arith.minsi %min3A_154, %min3A_155 : vector<16xi32>
        %iota3A_157 = tpu.iota {dimensions = array<i32: 0>} : vector<16xi32>
        %xor3A_158 = arith.constant 1 : i32
        %xor3A_159 = vector.broadcast %xor3A_158 : i32 to vector<16xi32>
        %xor3A_160 = arith.xori %iota3A_157, %xor3A_159 : vector<16xi32>
        %reshape3A_161 = vector.shape_cast %xor3A_160 : vector<16xi32> to vector<16x1xi32>
        %gather3A_162 = vector.shape_cast %reshape3A_161 : vector<16x1xi32> to vector<16xi32>
        %gather3A_163 = tpu.dynamic_gather %min3A_156[%gather3A_162] in [0] : vector<16xi32>, vector<16xi32> -> vector<16xi32>
        %min3A_164 = arith.minsi %min3A_156, %gather3A_163 : vector<16xi32>
        %xor3A_165 = arith.constant 2 : i32
        %xor3A_166 = vector.broadcast %xor3A_165 : i32 to vector<16xi32>
        %xor3A_167 = arith.xori %iota3A_157, %xor3A_166 : vector<16xi32>
        %reshape3A_168 = vector.shape_cast %xor3A_167 : vector<16xi32> to vector<16x1xi32>
        %gather3A_169 = vector.shape_cast %reshape3A_168 : vector<16x1xi32> to vector<16xi32>
        %gather3A_170 = tpu.dynamic_gather %min3A_164[%gather3A_169] in [0] : vector<16xi32>, vector<16xi32> -> vector<16xi32>
        %min3A_171 = arith.minsi %min3A_164, %gather3A_170 : vector<16xi32>
        %xor3A_172 = arith.constant 4 : i32
        %xor3A_173 = vector.broadcast %xor3A_172 : i32 to vector<16xi32>
        %xor3A_174 = arith.xori %iota3A_157, %xor3A_173 : vector<16xi32>
        %reshape3A_175 = vector.shape_cast %xor3A_174 : vector<16xi32> to vector<16x1xi32>
        %gather3A_176 = vector.shape_cast %reshape3A_175 : vector<16x1xi32> to vector<16xi32>
        %gather3A_177 = tpu.dynamic_gather %min3A_171[%gather3A_176] in [0] : vector<16xi32>, vector<16xi32> -> vector<16xi32>
        %min3A_178 = arith.minsi %min3A_171, %gather3A_177 : vector<16xi32>
        %xor3A_179 = arith.constant 8 : i32
        %xor3A_180 = vector.broadcast %xor3A_179 : i32 to vector<16xi32>
        %xor3A_181 = arith.xori %iota3A_157, %xor3A_180 : vector<16xi32>
        %reshape3A_182 = vector.shape_cast %xor3A_181 : vector<16xi32> to vector<16x1xi32>
        %gather3A_183 = vector.shape_cast %reshape3A_182 : vector<16x1xi32> to vector<16xi32>
        %gather3A_184 = tpu.dynamic_gather %min3A_178[%gather3A_183] in [0] : vector<16xi32>, vector<16xi32> -> vector<16xi32>
        %min3A_185 = arith.minsi %min3A_178, %gather3A_184 : vector<16xi32>
        %broadcast_in_dim3A_186 = arith.constant 1 : i32
        %broadcast_in_dim3A_187 = vector.broadcast %broadcast_in_dim3A_186 : i32 to vector<16xi32>
        %broadcast_in_dim3A_188 = arith.constant 0 : i32
        %broadcast_in_dim3A_189 = vector.broadcast %broadcast_in_dim3A_188 : i32 to vector<16xi32>
        %gt3A = arith.constant 1.000000e-01 : f32
        %gt3A_190 = vector.broadcast %gt3A : f32 to vector<16xf32>
        %gt3A_191 = arith.cmpf ogt, %gather3A_108, %gt3A_190 : vector<16xf32>
        %select_n3A_192 = arith.select %gt3A_191, %broadcast_in_dim3A_187, %broadcast_in_dim3A_189 : vector<16xi1>, vector<16xi32>
        %le3A = arith.constant 0.000000e+00 : f32
        %le3A_193 = vector.broadcast %le3A : f32 to vector<16xf32>
        %le3A_194 = arith.cmpf ole, %min3A_137, %le3A_193 : vector<16xf32>
        %select_n3A_195 = arith.select %le3A_194, %broadcast_in_dim3A_187, %broadcast_in_dim3A_189 : vector<16xi1>, vector<16xi32>
        %max3A = arith.maxsi %select_n3A_192, %select_n3A_195 : vector<16xi32>
        %max3A_196 = arith.constant 1.000000e-01 : f32
        %max3A_197 = vector.broadcast %max3A_196 : f32 to vector<16xf32>
        %max3A_198 = arith.maximumf %gather3A_108, %max3A_197 : vector<16xf32>
        %mul3A_199 = arith.constant 64 : i32
        %mul3A_200 = arith.muli %scan3A_70, %mul3A_199 : i32
        %eq3A_201 = arith.cmpi eq, %add3A_5, %min3A_185 : vector<16xi32>
        %select_n3A_202 = arith.select %eq3A_201, %broadcast_in_dim3A_187, %broadcast_in_dim3A_189 : vector<16xi1>, vector<16xi32>
        %mul3A_203 = arith.muli %select_n3A_202, %max3A : vector<16xi32>
        %eq3A_204 = arith.constant 1 : i32
        %eq3A_205 = vector.broadcast %eq3A_204 : i32 to vector<16xi32>
        %eq3A_206 = arith.cmpi eq, %mul3A_203, %eq3A_205 : vector<16xi32>
        %select_n3A_207 = arith.select %eq3A_206, %max3A_198, %scan3A_71 : vector<16xi1>, vector<16xf32>
        %ge3A = arith.constant 1 : i32
        %ge3A_208 = vector.broadcast %ge3A : i32 to vector<16xi32>
        %ge3A_209 = arith.cmpi sge, %mul3A_203, %ge3A_208 : vector<16xi32>
        %select_n3A_210 = arith.select %ge3A_209, %broadcast_in_dim3A_18, %scan3A_75 : vector<16xi1>, vector<16xf32>
        %add3A_211 = arith.constant 1.000000e+00 : f32
        %add3A_212 = vector.broadcast %add3A_211 : f32 to vector<16xf32>
        %add3A_213 = arith.addf %select_n3A_210, %add3A_212 : vector<16xf32>
        %gt3A_214 = arith.constant 5.000000e+01 : f32
        %gt3A_215 = vector.broadcast %gt3A_214 : f32 to vector<16xf32>
        %gt3A_216 = arith.cmpf ogt, %add3A_213, %gt3A_215 : vector<16xf32>
        %mul3A_217 = arith.constant 0.899999976 : f32
        %mul3A_218 = vector.broadcast %mul3A_217 : f32 to vector<16xf32>
        %mul3A_219 = arith.mulf %select_n3A_207, %mul3A_218 : vector<16xf32>
        %select_n3A_220 = arith.select %gt3A_216, %mul3A_219, %select_n3A_207 : vector<16xi1>, vector<16xf32>
        %gt3A_221 = arith.constant 0 : i32
        %gt3A_222 = vector.broadcast %gt3A_221 : i32 to vector<16xi32>
        %gt3A_223 = arith.cmpi sgt, %mul3A_203, %gt3A_222 : vector<16xi32>
        %broadcast_in_dim3A_224 = vector.broadcast %convert_element_type3A_85 : f32 to vector<16xf32>
        %select_n3A_225 = arith.select %gt3A_223, %broadcast_in_dim3A_224, %scan3A_79 : vector<16xi1>, vector<16xf32>
        %add3A_226 = arith.constant 0 : i32
        %add3A_227 = arith.addi %mul3A_200, %add3A_226 : i32
        %swap3A = arith.index_cast %add3A_227 : i32 to index
        %swap3A_228 = tpu.vector_load %arg6[%swap3A] {strides = array<i32>} : memref<32768xf32, #tpu.memory_space<vmem>>, vector<16xf32>,
        %swap3A_229 = vector.shape_cast %swap3A_228 : vector<16xf32> to vector<16xf32>
        %swap3A_230 = vector.shape_cast %select_n3A_220 : vector<16xf32> to vector<16xf32>
        tpu.vector_store %arg6[%swap3A], %swap3A_230 {strides = array<i32>} : memref<32768xf32, #tpu.memory_space<vmem>>, vector<16xf32>,
        %add3A_231 = arith.constant 0 : i32
        %add3A_232 = arith.addi %mul3A_200, %add3A_231 : i32
        %swap3A_233 = arith.index_cast %add3A_232 : i32 to index
        %swap3A_234 = tpu.vector_load %arg7[%swap3A_233] {strides = array<i32>} : memref<32768xf32, #tpu.memory_space<vmem>>, vector<16xf32>,
        %swap3A_235 = vector.shape_cast %swap3A_234 : vector<16xf32> to vector<16xf32>
        %swap3A_236 = vector.shape_cast %select_n3A_225 : vector<16xf32> to vector<16xf32>
        tpu.vector_store %arg7[%swap3A_233], %swap3A_236 {strides = array<i32>} : memref<32768xf32, #tpu.memory_space<vmem>>, vector<16xf32>,
        %eq3A_237 = arith.cmpi eq, %add3A_9, %min3A_185 : vector<16xi32>
        %select_n3A_238 = arith.select %eq3A_237, %broadcast_in_dim3A_187, %broadcast_in_dim3A_189 : vector<16xi1>, vector<16xi32>
        %mul3A_239 = arith.muli %select_n3A_238, %max3A : vector<16xi32>
        %eq3A_240 = arith.constant 1 : i32
        %eq3A_241 = vector.broadcast %eq3A_240 : i32 to vector<16xi32>
        %eq3A_242 = arith.cmpi eq, %mul3A_239, %eq3A_241 : vector<16xi32>
        %select_n3A_243 = arith.select %eq3A_242, %max3A_198, %scan3A_72 : vector<16xi1>, vector<16xf32>
        %ge3A_244 = arith.constant 1 : i32
        %ge3A_245 = vector.broadcast %ge3A_244 : i32 to vector<16xi32>
        %ge3A_246 = arith.cmpi sge, %mul3A_239, %ge3A_245 : vector<16xi32>
        %select_n3A_247 = arith.select %ge3A_246, %broadcast_in_dim3A_18, %scan3A_76 : vector<16xi1>, vector<16xf32>
        %add3A_248 = arith.constant 1.000000e+00 : f32
        %add3A_249 = vector.broadcast %add3A_248 : f32 to vector<16xf32>
        %add3A_250 = arith.addf %select_n3A_247, %add3A_249 : vector<16xf32>
        %gt3A_251 = arith.constant 5.000000e+01 : f32
        %gt3A_252 = vector.broadcast %gt3A_251 : f32 to vector<16xf32>
        %gt3A_253 = arith.cmpf ogt, %add3A_250, %gt3A_252 : vector<16xf32>
        %mul3A_254 = arith.constant 0.899999976 : f32
        %mul3A_255 = vector.broadcast %mul3A_254 : f32 to vector<16xf32>
        %mul3A_256 = arith.mulf %select_n3A_243, %mul3A_255 : vector<16xf32>
        %select_n3A_257 = arith.select %gt3A_253, %mul3A_256, %select_n3A_243 : vector<16xi1>, vector<16xf32>
        %gt3A_258 = arith.constant 0 : i32
        %gt3A_259 = vector.broadcast %gt3A_258 : i32 to vector<16xi32>
        %gt3A_260 = arith.cmpi sgt, %mul3A_239, %gt3A_259 : vector<16xi32>
        %broadcast_in_dim3A_261 = vector.broadcast %convert_element_type3A_85 : f32 to vector<16xf32>
        %select_n3A_262 = arith.select %gt3A_260, %broadcast_in_dim3A_261, %scan3A_80 : vector<16xi1>, vector<16xf32>
        %add3A_263 = arith.constant 16 : i32
        %add3A_264 = arith.addi %mul3A_200, %add3A_263 : i32
        %swap3A_265 = arith.index_cast %add3A_264 : i32 to index
        %swap3A_266 = tpu.vector_load %arg6[%swap3A_265] {strides = array<i32>} : memref<32768xf32, #tpu.memory_space<vmem>>, vector<16xf32>,
        %swap3A_267 = vector.shape_cast %swap3A_266 : vector<16xf32> to vector<16xf32>
        %swap3A_268 = vector.shape_cast %select_n3A_257 : vector<16xf32> to vector<16xf32>
        tpu.vector_store %arg6[%swap3A_265], %swap3A_268 {strides = array<i32>} : memref<32768xf32, #tpu.memory_space<vmem>>, vector<16xf32>,
        %add3A_269 = arith.constant 16 : i32
        %add3A_270 = arith.addi %mul3A_200, %add3A_269 : i32
        %swap3A_271 = arith.index_cast %add3A_270 : i32 to index
        %swap3A_272 = tpu.vector_load %arg7[%swap3A_271] {strides = array<i32>} : memref<32768xf32, #tpu.memory_space<vmem>>, vector<16xf32>,
        %swap3A_273 = vector.shape_cast %swap3A_272 : vector<16xf32> to vector<16xf32>
        %swap3A_274 = vector.shape_cast %select_n3A_262 : vector<16xf32> to vector<16xf32>
        tpu.vector_store %arg7[%swap3A_271], %swap3A_274 {strides = array<i32>} : memref<32768xf32, #tpu.memory_space<vmem>>, vector<16xf32>,
        %eq3A_275 = arith.cmpi eq, %add3A_13, %min3A_185 : vector<16xi32>
        %select_n3A_276 = arith.select %eq3A_275, %broadcast_in_dim3A_187, %broadcast_in_dim3A_189 : vector<16xi1>, vector<16xi32>
        %mul3A_277 = arith.muli %select_n3A_276, %max3A : vector<16xi32>
        %eq3A_278 = arith.constant 1 : i32
        %eq3A_279 = vector.broadcast %eq3A_278 : i32 to vector<16xi32>
        %eq3A_280 = arith.cmpi eq, %mul3A_277, %eq3A_279 : vector<16xi32>
        %select_n3A_281 = arith.select %eq3A_280, %max3A_198, %scan3A_73 : vector<16xi1>, vector<16xf32>
        %ge3A_282 = arith.constant 1 : i32
        %ge3A_283 = vector.broadcast %ge3A_282 : i32 to vector<16xi32>
        %ge3A_284 = arith.cmpi sge, %mul3A_277, %ge3A_283 : vector<16xi32>
        %select_n3A_285 = arith.select %ge3A_284, %broadcast_in_dim3A_18, %scan3A_77 : vector<16xi1>, vector<16xf32>
        %add3A_286 = arith.constant 1.000000e+00 : f32
        %add3A_287 = vector.broadcast %add3A_286 : f32 to vector<16xf32>
        %add3A_288 = arith.addf %select_n3A_285, %add3A_287 : vector<16xf32>
        %gt3A_289 = arith.constant 5.000000e+01 : f32
        %gt3A_290 = vector.broadcast %gt3A_289 : f32 to vector<16xf32>
        %gt3A_291 = arith.cmpf ogt, %add3A_288, %gt3A_290 : vector<16xf32>
        %mul3A_292 = arith.constant 0.899999976 : f32
        %mul3A_293 = vector.broadcast %mul3A_292 : f32 to vector<16xf32>
        %mul3A_294 = arith.mulf %select_n3A_281, %mul3A_293 : vector<16xf32>
        %select_n3A_295 = arith.select %gt3A_291, %mul3A_294, %select_n3A_281 : vector<16xi1>, vector<16xf32>
        %gt3A_296 = arith.constant 0 : i32
        %gt3A_297 = vector.broadcast %gt3A_296 : i32 to vector<16xi32>
        %gt3A_298 = arith.cmpi sgt, %mul3A_277, %gt3A_297 : vector<16xi32>
        %broadcast_in_dim3A_299 = vector.broadcast %convert_element_type3A_85 : f32 to vector<16xf32>
        %select_n3A_300 = arith.select %gt3A_298, %broadcast_in_dim3A_299, %scan3A_81 : vector<16xi1>, vector<16xf32>
        %add3A_301 = arith.constant 32 : i32
        %add3A_302 = arith.addi %mul3A_200, %add3A_301 : i32
        %swap3A_303 = arith.index_cast %add3A_302 : i32 to index
        %swap3A_304 = tpu.vector_load %arg6[%swap3A_303] {strides = array<i32>} : memref<32768xf32, #tpu.memory_space<vmem>>, vector<16xf32>,
        %swap3A_305 = vector.shape_cast %swap3A_304 : vector<16xf32> to vector<16xf32>
        %swap3A_306 = vector.shape_cast %select_n3A_295 : vector<16xf32> to vector<16xf32>
        tpu.vector_store %arg6[%swap3A_303], %swap3A_306 {strides = array<i32>} : memref<32768xf32, #tpu.memory_space<vmem>>, vector<16xf32>,
        %add3A_307 = arith.constant 32 : i32
        %add3A_308 = arith.addi %mul3A_200, %add3A_307 : i32
        %swap3A_309 = arith.index_cast %add3A_308 : i32 to index
        %swap3A_310 = tpu.vector_load %arg7[%swap3A_309] {strides = array<i32>} : memref<32768xf32, #tpu.memory_space<vmem>>, vector<16xf32>,
        %swap3A_311 = vector.shape_cast %swap3A_310 : vector<16xf32> to vector<16xf32>
        %swap3A_312 = vector.shape_cast %select_n3A_300 : vector<16xf32> to vector<16xf32>
        tpu.vector_store %arg7[%swap3A_309], %swap3A_312 {strides = array<i32>} : memref<32768xf32, #tpu.memory_space<vmem>>, vector<16xf32>,
        %eq3A_313 = arith.cmpi eq, %add3A_17, %min3A_185 : vector<16xi32>
        %select_n3A_314 = arith.select %eq3A_313, %broadcast_in_dim3A_187, %broadcast_in_dim3A_189 : vector<16xi1>, vector<16xi32>
        %mul3A_315 = arith.muli %select_n3A_314, %max3A : vector<16xi32>
        %eq3A_316 = arith.constant 1 : i32
        %eq3A_317 = vector.broadcast %eq3A_316 : i32 to vector<16xi32>
        %eq3A_318 = arith.cmpi eq, %mul3A_315, %eq3A_317 : vector<16xi32>
        %select_n3A_319 = arith.select %eq3A_318, %max3A_198, %scan3A_74 : vector<16xi1>, vector<16xf32>
        %ge3A_320 = arith.constant 1 : i32
        %ge3A_321 = vector.broadcast %ge3A_320 : i32 to vector<16xi32>
        %ge3A_322 = arith.cmpi sge, %mul3A_315, %ge3A_321 : vector<16xi32>
        %select_n3A_323 = arith.select %ge3A_322, %broadcast_in_dim3A_18, %scan3A_78 : vector<16xi1>, vector<16xf32>
        %add3A_324 = arith.constant 1.000000e+00 : f32
        %add3A_325 = vector.broadcast %add3A_324 : f32 to vector<16xf32>
        %add3A_326 = arith.addf %select_n3A_323, %add3A_325 : vector<16xf32>
        %gt3A_327 = arith.constant 5.000000e+01 : f32
        %gt3A_328 = vector.broadcast %gt3A_327 : f32 to vector<16xf32>
        %gt3A_329 = arith.cmpf ogt, %add3A_326, %gt3A_328 : vector<16xf32>
        %mul3A_330 = arith.constant 0.899999976 : f32
        %mul3A_331 = vector.broadcast %mul3A_330 : f32 to vector<16xf32>
        %mul3A_332 = arith.mulf %select_n3A_319, %mul3A_331 : vector<16xf32>
        %select_n3A_333 = arith.select %gt3A_329, %mul3A_332, %select_n3A_319 : vector<16xi1>, vector<16xf32>
        %gt3A_334 = arith.constant 0 : i32
        %gt3A_335 = vector.broadcast %gt3A_334 : i32 to vector<16xi32>
        %gt3A_336 = arith.cmpi sgt, %mul3A_315, %gt3A_335 : vector<16xi32>
        %broadcast_in_dim3A_337 = vector.broadcast %convert_element_type3A_85 : f32 to vector<16xf32>
        %select_n3A_338 = arith.select %gt3A_336, %broadcast_in_dim3A_337, %scan3A_82 : vector<16xi1>, vector<16xf32>
        %add3A_339 = arith.constant 48 : i32
        %add3A_340 = arith.addi %mul3A_200, %add3A_339 : i32
        %swap3A_341 = arith.index_cast %add3A_340 : i32 to index
        %swap3A_342 = tpu.vector_load %arg6[%swap3A_341] {strides = array<i32>} : memref<32768xf32, #tpu.memory_space<vmem>>, vector<16xf32>,
        %swap3A_343 = vector.shape_cast %swap3A_342 : vector<16xf32> to vector<16xf32>
        %swap3A_344 = vector.shape_cast %select_n3A_333 : vector<16xf32> to vector<16xf32>
        tpu.vector_store %arg6[%swap3A_341], %swap3A_344 {strides = array<i32>} : memref<32768xf32, #tpu.memory_space<vmem>>, vector<16xf32>,
        %add3A_345 = arith.constant 48 : i32
        %add3A_346 = arith.addi %mul3A_200, %add3A_345 : i32
        %swap3A_347 = arith.index_cast %add3A_346 : i32 to index
        %swap3A_348 = tpu.vector_load %arg7[%swap3A_347] {strides = array<i32>} : memref<32768xf32, #tpu.memory_space<vmem>>, vector<16xf32>,
        %swap3A_349 = vector.shape_cast %swap3A_348 : vector<16xf32> to vector<16xf32>
        %swap3A_350 = vector.shape_cast %select_n3A_338 : vector<16xf32> to vector<16xf32>
        tpu.vector_store %arg7[%swap3A_347], %swap3A_350 {strides = array<i32>} : memref<32768xf32, #tpu.memory_space<vmem>>, vector<16xf32>,
        scf.yield %select_n3A_220, %select_n3A_257, %select_n3A_295, %select_n3A_333, %add3A_213, %add3A_250, %add3A_288, %add3A_326, %select_n3A_225, %select_n3A_262, %select_n3A_300, %select_n3A_338 : vector<16xf32>, vector<16xf32>, vector<16xf32>, vector<16xf32>, vector<16xf32>, vector<16xf32>, vector<16xf32>, vector<16xf32>, vector<16xf32>, vector<16xf32>, vector<16xf32>, vector<16xf32>
      }
      %scan3A_69 = arith.constant 512 : i32
      "tpu.region"() ({
        %run_scoped3A = tpu.sem_alloc : memref<!tpu.dma_semaphore, #tpu.memory_space<semaphore_mem>>
        %dma_start3A = arith.constant 229376 : i32
        %dma_start3A_70 = tpu.memref_slice %arg3[%dma_start3A] : memref<262144xf32, #tpu.memory_space<hbm>> -> memref<32768xf32, #tpu.memory_space<hbm>>
        %dma_start3A_71 = arith.constant 229376 : i32
        %dma_start3A_72 = tpu.memref_slice %arg3[%dma_start3A_71] : memref<262144xf32, #tpu.memory_space<hbm>> -> memref<32768xf32, #tpu.memory_space<hbm>>
        tpu.enqueue_dma source(%arg6 : memref<32768xf32, #tpu.memory_space<vmem>>) target(%dma_start3A_72 : memref<32768xf32, #tpu.memory_space<hbm>>) target_semaphore(%run_scoped3A : memref<!tpu.dma_semaphore, #tpu.memory_space<semaphore_mem>>)
        %dma_wait3A = arith.constant 229376 : i32
        %dma_wait3A_73 = tpu.memref_slice %arg3[%dma_wait3A] : memref<262144xf32, #tpu.memory_space<hbm>> -> memref<32768xf32, #tpu.memory_space<hbm>>
        %dma_wait3A_74 = arith.constant 229376 : i32
        %dma_wait3A_75 = tpu.memref_slice %arg3[%dma_wait3A_74] : memref<262144xf32, #tpu.memory_space<hbm>> -> memref<32768xf32, #tpu.memory_space<hbm>>
        tpu.wait_dma2 semaphore(%run_scoped3A : memref<!tpu.dma_semaphore, #tpu.memory_space<semaphore_mem>>) src(%arg6 : memref<32768xf32, #tpu.memory_space<vmem>>) dst(%dma_wait3A_75 : memref<32768xf32, #tpu.memory_space<hbm>>)
        tpu.yield
      }) : () -> ()
      "tpu.region"() ({
        %run_scoped3A = tpu.sem_alloc : memref<!tpu.dma_semaphore, #tpu.memory_space<semaphore_mem>>
        %dma_start3A = arith.constant 229376 : i32
        %dma_start3A_70 = tpu.memref_slice %arg4[%dma_start3A] : memref<262144xf32, #tpu.memory_space<hbm>> -> memref<32768xf32, #tpu.memory_space<hbm>>
        %dma_start3A_71 = arith.constant 229376 : i32
        %dma_start3A_72 = tpu.memref_slice %arg4[%dma_start3A_71] : memref<262144xf32, #tpu.memory_space<hbm>> -> memref<32768xf32, #tpu.memory_space<hbm>>
        tpu.enqueue_dma source(%arg7 : memref<32768xf32, #tpu.memory_space<vmem>>) target(%dma_start3A_72 : memref<32768xf32, #tpu.memory_space<hbm>>) target_semaphore(%run_scoped3A : memref<!tpu.dma_semaphore, #tpu.memory_space<semaphore_mem>>)
        %dma_wait3A = arith.constant 229376 : i32
        %dma_wait3A_73 = tpu.memref_slice %arg4[%dma_wait3A] : memref<262144xf32, #tpu.memory_space<hbm>> -> memref<32768xf32, #tpu.memory_space<hbm>>
        %dma_wait3A_74 = arith.constant 229376 : i32
        %dma_wait3A_75 = tpu.memref_slice %arg4[%dma_wait3A_74] : memref<262144xf32, #tpu.memory_space<hbm>> -> memref<32768xf32, #tpu.memory_space<hbm>>
        tpu.wait_dma2 semaphore(%run_scoped3A : memref<!tpu.dma_semaphore, #tpu.memory_space<semaphore_mem>>) src(%arg7 : memref<32768xf32, #tpu.memory_space<vmem>>) dst(%dma_wait3A_75 : memref<32768xf32, #tpu.memory_space<hbm>>)
        tpu.yield
      }) : () -> ()
    } else {
    }
    return
  }
}

module attributes {stable_mosaic.version = 14 : i64} {
  func.func @_imp_kernel(%arg0: i32, %arg1: memref<512x1024xf32, #tpu.memory_space<vmem>>, %arg2: memref<1x1024xf32, #tpu.memory_space<vmem>>, %arg3: memref<1x1xf32, #tpu.memory_space<smem>>, %arg4: memref<1x1x512xf32, #tpu.memory_space<vmem>>) attributes {dimension_semantics = [#tpu.dimension_semantics<arbitrary>], iteration_bounds = array<i64: 8>, scalar_prefetch = 0 : i64, scratch_operands = 0 : i64, tpu.core_type = #tpu.core_type<tc>, window_params = [{transform_indices = @transform_0, window_bounds = array<i64: 512, 1024>}, {pipeline_mode = #tpu.pipeline_mode<synchronous>, transform_indices = @transform_1, window_bounds = array<i64: 1, 1024>}, {transform_indices = @transform_2, window_bounds = array<i64: 1, 1>}, {transform_indices = @transform_3, window_bounds = array<i64: 1, 1, 512>}]} {
    %get3A = arith.constant 0 : index
    %get3A_0 = arith.constant 0 : index
    %get3A_1 = vector.load %arg2[%get3A, %get3A_0] : memref<1x1024xf32, #tpu.memory_space<vmem>>, vector<1x1024xf32>
    %get3A_2 = arith.constant 0 : index
    %get3A_3 = arith.constant 0 : index
    %get3A_4 = vector.load %arg1[%get3A_2, %get3A_3] : memref<512x1024xf32, #tpu.memory_space<vmem>>, vector<512x1024xf32>
    %dot_general3A = arith.constant dense<0.000000e+00> : vector<1x512xf32>
    %dot_general3A_5 = tpu.matmul %get3A_1, %get3A_4, %dot_general3A {dimension_numbers = #tpu.dot_dimension_numbers<[1], [1], [0], [0], [0, 0, 1, 0], [], []>, precision = #tpu.contract_precision<fp32>, transpose_lhs_hint = false} : vector<1x1024xf32>, vector<512x1024xf32>, vector<1x512xf32> -> vector<1x512xf32>
    %get3A_6 = arith.constant 0 : index
    %get3A_7 = arith.constant 0 : index
    %get3A_8 = memref.load %arg3[%get3A_6, %get3A_7] : memref<1x1xf32, #tpu.memory_space<smem>>
    %add3A = vector.broadcast %get3A_8 : f32 to vector<1x512xf32>
    %add3A_9 = arith.addf %dot_general3A_5, %add3A : vector<1x512xf32>
    %logistic3A = arith.negf %add3A_9 : vector<1x512xf32>
    %logistic3A_10 = math.exp %logistic3A : vector<1x512xf32>
    %logistic3A_11 = arith.constant 1.000000e+00 : f32
    %logistic3A_12 = vector.broadcast %logistic3A_11 : f32 to vector<1x512xf32>
    %logistic3A_13 = arith.addf %logistic3A_12, %logistic3A_10 : vector<1x512xf32>
    %logistic3A_14 = arith.divf %logistic3A_12, %logistic3A_13 : vector<1x512xf32>
    %reshape3A = vector.shape_cast %logistic3A_14 : vector<1x512xf32> to vector<1x1x512xf32>
    %swap3A = arith.constant 0 : index
    %swap3A_15 = arith.constant 0 : index
    %swap3A_16 = arith.constant 0 : index
    %swap3A_17 = vector.load %arg4[%swap3A, %swap3A_15, %swap3A_16] : memref<1x1x512xf32, #tpu.memory_space<vmem>>, vector<1x1x512xf32>
    tpu.vector_store %arg4[%swap3A, %swap3A_15, %swap3A_16], %reshape3A {strides = array<i32>} : memref<1x1x512xf32, #tpu.memory_space<vmem>>, vector<1x1x512xf32>,
    return
  }
  func.func @transform_0(%arg0: i32) -> (i32, i32) {
    %c0_i32 = arith.constant 0 : i32
    %c0_i32_0 = arith.constant 0 : i32
    return %arg0, %c0_i32 : i32, i32
  }
  func.func @transform_1(%arg0: i32) -> (i32, i32) {
    %c0_i32 = arith.constant 0 : i32
    %c0_i32_0 = arith.constant 0 : i32
    %c0_i32_1 = arith.constant 0 : i32
    return %c0_i32, %c0_i32_0 : i32, i32
  }
  func.func @transform_2(%arg0: i32) -> (i32, i32) {
    %c0_i32 = arith.constant 0 : i32
    %c0_i32_0 = arith.constant 0 : i32
    %c0_i32_1 = arith.constant 0 : i32
    return %c0_i32, %c0_i32_0 : i32, i32
  }
  func.func @transform_3(%arg0: i32) -> (i32, i32, i32) {
    %c0_i32 = arith.constant 0 : i32
    %c0_i32_0 = arith.constant 0 : i32
    %c0_i32_1 = arith.constant 0 : i32
    return %arg0, %c0_i32, %c0_i32_0 : i32, i32, i32
  }
}

module attributes {stable_mosaic.version = 14 : i64} {
  func.func @_up_kernel(%arg0: i32, %arg1: memref<512x1024xf32, #tpu.memory_space<vmem>>, %arg2: memref<1024x1024xf32, #tpu.memory_space<vmem>>, %arg3: memref<1x1024xf32, #tpu.memory_space<vmem>>, %arg4: memref<512x1024xf32, #tpu.memory_space<vmem>>) attributes {dimension_semantics = [#tpu.dimension_semantics<arbitrary>], iteration_bounds = array<i64: 8>, scalar_prefetch = 0 : i64, scratch_operands = 0 : i64, tpu.core_type = #tpu.core_type<tc>, window_params = [{transform_indices = @transform_0, window_bounds = array<i64: 512, 1024>}, {pipeline_mode = #tpu.pipeline_mode<synchronous>, transform_indices = @transform_1, window_bounds = array<i64: 1024, 1024>}, {pipeline_mode = #tpu.pipeline_mode<synchronous>, transform_indices = @transform_2, window_bounds = array<i64: 1, 1024>}, {transform_indices = @transform_3, window_bounds = array<i64: 512, 1024>}]} {
    %get3A = arith.constant 0 : index
    %get3A_0 = arith.constant 0 : index
    %get3A_1 = vector.load %arg1[%get3A, %get3A_0] : memref<512x1024xf32, #tpu.memory_space<vmem>>, vector<512x1024xf32>
    %get3A_2 = arith.constant 0 : index
    %get3A_3 = arith.constant 0 : index
    %get3A_4 = vector.load %arg2[%get3A_2, %get3A_3] : memref<1024x1024xf32, #tpu.memory_space<vmem>>, vector<1024x1024xf32>
    %dot_general3A = arith.constant dense<0.000000e+00> : vector<512x1024xf32>
    %dot_general3A_5 = tpu.matmul %get3A_1, %get3A_4, %dot_general3A {dimension_numbers = #tpu.dot_dimension_numbers<[1], [1], [0], [0], [0, 0, 1, 0], [], []>, precision = #tpu.contract_precision<fp32>, transpose_lhs_hint = false} : vector<512x1024xf32>, vector<1024x1024xf32>, vector<512x1024xf32> -> vector<512x1024xf32>
    %get3A_6 = arith.constant 0 : index
    %get3A_7 = arith.constant 0 : index
    %get3A_8 = vector.load %arg3[%get3A_6, %get3A_7] : memref<1x1024xf32, #tpu.memory_space<vmem>>, vector<1x1024xf32>
    %add3A = vector.broadcast %get3A_8 : vector<1x1024xf32> to vector<512x1024xf32>
    %add3A_9 = arith.addf %dot_general3A_5, %add3A : vector<512x1024xf32>
    %swap3A = arith.constant 0 : index
    %swap3A_10 = arith.constant 0 : index
    %swap3A_11 = vector.load %arg4[%swap3A, %swap3A_10] : memref<512x1024xf32, #tpu.memory_space<vmem>>, vector<512x1024xf32>
    tpu.vector_store %arg4[%swap3A, %swap3A_10], %add3A_9 {strides = array<i32>} : memref<512x1024xf32, #tpu.memory_space<vmem>>, vector<512x1024xf32>,
    return
  }
  func.func @transform_0(%arg0: i32) -> (i32, i32) {
    %c0_i32 = arith.constant 0 : i32
    %c0_i32_0 = arith.constant 0 : i32
    return %arg0, %c0_i32 : i32, i32
  }
  func.func @transform_1(%arg0: i32) -> (i32, i32) {
    %c0_i32 = arith.constant 0 : i32
    %c0_i32_0 = arith.constant 0 : i32
    %c0_i32_1 = arith.constant 0 : i32
    return %c0_i32, %c0_i32_0 : i32, i32
  }
  func.func @transform_2(%arg0: i32) -> (i32, i32) {
    %c0_i32 = arith.constant 0 : i32
    %c0_i32_0 = arith.constant 0 : i32
    %c0_i32_1 = arith.constant 0 : i32
    return %c0_i32, %c0_i32_0 : i32, i32
  }
  func.func @transform_3(%arg0: i32) -> (i32, i32) {
    %c0_i32 = arith.constant 0 : i32
    %c0_i32_0 = arith.constant 0 : i32
    return %arg0, %c0_i32 : i32, i32
  }
}

module attributes {stable_mosaic.version = 14 : i64} {
  func.func @_combine_kernel(%arg0: i32, %arg1: memref<256x64xf32, #tpu.memory_space<vmem>>, %arg2: memref<256x64xf32, #tpu.memory_space<vmem>>, %arg3: memref<256x1024xf32, #tpu.memory_space<vmem>>, %arg4: memref<256x1024xf32, #tpu.memory_space<vmem>>, %arg5: memref<64x1024xf32, #tpu.memory_space<vmem>>) attributes {dimension_semantics = [#tpu.dimension_semantics<arbitrary>], iteration_bounds = array<i64: 16>, scalar_prefetch = 0 : i64, scratch_operands = 1 : i64, tpu.core_type = #tpu.core_type<tc>, window_params = [{transform_indices = @transform_0, window_bounds = array<i64: 256, 64>}, {transform_indices = @transform_1, window_bounds = array<i64: 256, 64>}, {transform_indices = @transform_2, window_bounds = array<i64: 256, 1024>}, {transform_indices = @transform_3, window_bounds = array<i64: 256, 1024>}]} {
    %mul3A = arith.constant 256 : i32
    %mul3A_0 = arith.muli %arg0, %mul3A : i32
    %eq3A = arith.constant 0 : i32
    %eq3A_1 = arith.cmpi eq, %arg0, %eq3A : i32
    %convert_element_type3A = arith.extui %eq3A_1 : i1 to i32
    %cond3A = arith.constant 0 : i32
    %cond3A_2 = arith.cmpi ne, %convert_element_type3A, %cond3A : i32
    scf.if %cond3A_2 {
      %broadcast_in_dim3A_74 = arith.constant 0.000000e+00 : f32
      %broadcast_in_dim3A_75 = vector.broadcast %broadcast_in_dim3A_74 : f32 to vector<64x1024xf32>
      %swap3A_76 = arith.constant 0 : index
      %swap3A_77 = arith.constant 0 : index
      %swap3A_78 = vector.load %arg5[%swap3A_76, %swap3A_77] : memref<64x1024xf32, #tpu.memory_space<vmem>>, vector<64x1024xf32>
      tpu.vector_store %arg5[%swap3A_76, %swap3A_77], %broadcast_in_dim3A_75 {strides = array<i32>} : memref<64x1024xf32, #tpu.memory_space<vmem>>, vector<64x1024xf32>,
    } else {
    }
    %get3A = arith.constant 0 : index
    %get3A_3 = arith.constant 0 : index
    %get3A_4 = vector.load %arg1[%get3A, %get3A_3] : memref<256x64xf32, #tpu.memory_space<vmem>>, vector<256x64xf32>
    %get3A_5 = arith.constant 0 : index
    %get3A_6 = arith.constant 0 : index
    %get3A_7 = vector.load %arg2[%get3A_5, %get3A_6] : memref<256x64xf32, #tpu.memory_space<vmem>>, vector<256x64xf32>
    %ge3A = arith.constant 0.000000e+00 : f32
    %ge3A_8 = vector.broadcast %ge3A : f32 to vector<256x64xf32>
    %ge3A_9 = arith.cmpf oge, %get3A_7, %ge3A_8 : vector<256x64xf32>
    %jit3A = arith.constant -3.40282347E+38 : f32
    %broadcast_in_dim3A = vector.broadcast %jit3A : f32 to vector<256x64xf32>
    %select_n3A = arith.select %ge3A_9, %get3A_4, %broadcast_in_dim3A : vector<256x64xi1>, vector<256x64xf32>
    %reduce_max3A = arith.constant dense<0xFF800000> : vector<256xf32>
    %reduce_max3A_10 = vector.multi_reduction <maximumf>, %select_n3A, %reduce_max3A [1] : vector<256x64xf32> to vector<256xf32>
    %broadcast_in_dim3A_11 = vector.shape_cast %reduce_max3A_10 : vector<256xf32> to vector<256x1xf32>
    %sub3A = vector.broadcast %broadcast_in_dim3A_11 : vector<256x1xf32> to vector<256x64xf32>
    %sub3A_12 = arith.subf %select_n3A, %sub3A : vector<256x64xf32>
    %exp3A = math.exp %sub3A_12 : vector<256x64xf32>
    %reduce_sum3A = arith.constant dense<0.000000e+00> : vector<256xf32>
    %reduce_sum3A_13 = vector.multi_reduction <add>, %exp3A, %reduce_sum3A [1] : vector<256x64xf32> to vector<256xf32>
    %broadcast_in_dim3A_14 = vector.shape_cast %reduce_sum3A_13 : vector<256xf32> to vector<256x1xf32>
    %div3A = vector.broadcast %broadcast_in_dim3A_14 : vector<256x1xf32> to vector<256x64xf32>
    %div3A_15 = arith.divf %exp3A, %div3A : vector<256x64xf32>
    %convert_element_type3A_16 = arith.fptosi %get3A_7 : vector<256x64xf32> to vector<256x64xi32>
    %ge3A_17 = vector.broadcast %mul3A_0 : i32 to vector<256x64xi32>
    %ge3A_18 = arith.cmpi sge, %convert_element_type3A_16, %ge3A_17 : vector<256x64xi32>
    %jit3A_19 = arith.constant 0.000000e+00 : f32
    %broadcast_in_dim3A_20 = vector.broadcast %jit3A_19 : f32 to vector<256x64xf32>
    %select_n3A_21 = arith.select %ge3A_18, %broadcast_in_dim3A_20, %div3A_15 : vector<256x64xi1>, vector<256x64xf32>
    %iota3A = tpu.iota {dimensions = array<i32: 0>} : vector<256x64xi32>
    %add3A = vector.broadcast %mul3A_0 : i32 to vector<256x64xi32>
    %add3A_22 = arith.addi %iota3A, %add3A : vector<256x64xi32>
    %eq3A_23 = arith.cmpi eq, %convert_element_type3A_16, %add3A_22 : vector<256x64xi32>
    %convert_element_type3A_24 = arith.extui %eq3A_23 : vector<256x64xi1> to vector<256x64xi32>
    %convert_element_type3A_25 = arith.sitofp %convert_element_type3A_24 : vector<256x64xi32> to vector<256x64xf32>
    %dot_general3A = arith.constant dense<0.000000e+00> : vector<256x256xf32>
    %dot_general3A_26 = tpu.matmul %div3A_15, %convert_element_type3A_25, %dot_general3A {dimension_numbers = #tpu.dot_dimension_numbers<[1], [1], [0], [0], [0, 0, 1, 0], [], []>, precision = #tpu.contract_precision<fp32>, transpose_lhs_hint = false} : vector<256x64xf32>, vector<256x64xf32>, vector<256x256xf32> -> vector<256x256xf32>
    %dot_general3A_27 = arith.constant dense<0.000000e+00> : vector<256x256xf32>
    %dot_general3A_28 = tpu.matmul %get3A_7, %convert_element_type3A_25, %dot_general3A_27 {dimension_numbers = #tpu.dot_dimension_numbers<[1], [1], [0], [0], [0, 0, 1, 0], [], []>, precision = #tpu.contract_precision<fp32>, transpose_lhs_hint = false} : vector<256x64xf32>, vector<256x64xf32>, vector<256x256xf32> -> vector<256x256xf32>
    %iota3A_29 = tpu.iota {dimensions = array<i32: 1>} : vector<256x256xi32>
    %add3A_30 = vector.broadcast %mul3A_0 : i32 to vector<256x256xi32>
    %add3A_31 = arith.addi %iota3A_29, %add3A_30 : vector<256x256xi32>
    %convert_element_type3A_32 = arith.sitofp %add3A_31 : vector<256x256xi32> to vector<256x256xf32>
    %sub3A_33 = arith.subf %dot_general3A_28, %convert_element_type3A_32 : vector<256x256xf32>
    %abs3A = math.absf %sub3A_33 : vector<256x256xf32>
    %lt3A = arith.constant 5.000000e-01 : f32
    %lt3A_34 = vector.broadcast %lt3A : f32 to vector<256x256xf32>
    %lt3A_35 = arith.cmpf olt, %abs3A, %lt3A_34 : vector<256x256xf32>
    %jit3A_36 = arith.constant 0.000000e+00 : f32
    %broadcast_in_dim3A_37 = vector.broadcast %jit3A_36 : f32 to vector<256x256xf32>
    %select_n3A_38 = arith.select %lt3A_35, %dot_general3A_26, %broadcast_in_dim3A_37 : vector<256x256xi1>, vector<256x256xf32>
    %get3A_39 = arith.constant 0 : index
    %get3A_40 = arith.constant 0 : index
    %get3A_41 = vector.load %arg3[%get3A_39, %get3A_40] : memref<256x1024xf32, #tpu.memory_space<vmem>>, vector<256x1024xf32>
    %get3A_42 = arith.constant 0 : index
    %get3A_43 = arith.constant 0 : index
    %get3A_44 = vector.load %arg5[%get3A_42, %get3A_43] : memref<64x1024xf32, #tpu.memory_space<vmem>>, vector<64x1024xf32>
    %dot_general3A_45 = arith.constant dense<0.000000e+00> : vector<256x1024xf32>
    %dot_general3A_46 = tpu.matmul %select_n3A_21, %get3A_44, %dot_general3A_45 {dimension_numbers = #tpu.dot_dimension_numbers<[1], [0], [0], [1], [0, 0, 1, 1], [], []>, transpose_lhs_hint = false} : vector<256x64xf32>, vector<64x1024xf32>, vector<256x1024xf32> -> vector<256x1024xf32>
    %dot_general3A_47 = arith.constant dense<0.000000e+00> : vector<256x1024xf32>
    %dot_general3A_48 = tpu.matmul %select_n3A_38, %get3A_41, %dot_general3A_47 {dimension_numbers = #tpu.dot_dimension_numbers<[1], [0], [0], [1], [0, 0, 1, 1], [], []>, transpose_lhs_hint = false} : vector<256x256xf32>, vector<256x1024xf32>, vector<256x1024xf32> -> vector<256x1024xf32>
    %add3A_49 = arith.addf %dot_general3A_46, %dot_general3A_48 : vector<256x1024xf32>
    %swap3A = arith.constant 0 : index
    %swap3A_50 = arith.constant 0 : index
    %swap3A_51 = vector.load %arg4[%swap3A, %swap3A_50] : memref<256x1024xf32, #tpu.memory_space<vmem>>, vector<256x1024xf32>
    tpu.vector_store %arg4[%swap3A, %swap3A_50], %add3A_49 {strides = array<i32>} : memref<256x1024xf32, #tpu.memory_space<vmem>>, vector<256x1024xf32>,
    %slice3A = vector.extract_strided_slice %convert_element_type3A_16 {offsets = [255, 0], sizes = [1, 64], strides = [1, 1]} : vector<256x64xi32> to vector<1x64xi32>
    %iota3A_52 = tpu.iota {dimensions = array<i32: 0>} : vector<256x64xi32>
    %add3A_53 = vector.broadcast %mul3A_0 : i32 to vector<256x64xi32>
    %add3A_54 = arith.addi %iota3A_52, %add3A_53 : vector<256x64xi32>
    %eq3A_55 = vector.broadcast %slice3A : vector<1x64xi32> to vector<256x64xi32>
    %eq3A_56 = arith.cmpi eq, %eq3A_55, %add3A_54 : vector<256x64xi32>
    %convert_element_type3A_57 = arith.extui %eq3A_56 : vector<256x64xi1> to vector<256x64xi32>
    %convert_element_type3A_58 = arith.sitofp %convert_element_type3A_57 : vector<256x64xi32> to vector<256x64xf32>
    %dot_general3A_59 = arith.constant dense<0.000000e+00> : vector<64x1024xf32>
    %dot_general3A_60 = tpu.matmul %convert_element_type3A_58, %get3A_41, %dot_general3A_59 {dimension_numbers = #tpu.dot_dimension_numbers<[0], [0], [1], [1], [0, 1, 1, 1], [], []>, transpose_lhs_hint = false} : vector<256x64xf32>, vector<256x1024xf32>, vector<64x1024xf32> -> vector<64x1024xf32>
    %lt3A_61 = vector.broadcast %mul3A_0 : i32 to vector<1x64xi32>
    %lt3A_62 = arith.cmpi slt, %slice3A, %lt3A_61 : vector<1x64xi32>
    %convert_element_type3A_63 = arith.extui %lt3A_62 : vector<1x64xi1> to vector<1x64xi32>
    %convert_element_type3A_64 = arith.sitofp %convert_element_type3A_63 : vector<1x64xi32> to vector<1x64xf32>
    %transpose3A = tpu.transpose %convert_element_type3A_64, [1, 0] : vector<1x64xf32> -> vector<64x1xf32>
    %get3A_65 = arith.constant 0 : index
    %get3A_66 = arith.constant 0 : index
    %get3A_67 = vector.load %arg5[%get3A_65, %get3A_66] : memref<64x1024xf32, #tpu.memory_space<vmem>>, vector<64x1024xf32>
    %mul3A_68 = vector.broadcast %transpose3A : vector<64x1xf32> to vector<64x1024xf32>
    %mul3A_69 = arith.mulf %get3A_67, %mul3A_68 : vector<64x1024xf32>
    %add3A_70 = arith.addf %dot_general3A_60, %mul3A_69 : vector<64x1024xf32>
    %swap3A_71 = arith.constant 0 : index
    %swap3A_72 = arith.constant 0 : index
    %swap3A_73 = vector.load %arg5[%swap3A_71, %swap3A_72] : memref<64x1024xf32, #tpu.memory_space<vmem>>, vector<64x1024xf32>
    tpu.vector_store %arg5[%swap3A_71, %swap3A_72], %add3A_70 {strides = array<i32>} : memref<64x1024xf32, #tpu.memory_space<vmem>>, vector<64x1024xf32>,
    return
  }
  func.func @transform_0(%arg0: i32) -> (i32, i32) {
    %c0_i32 = arith.constant 0 : i32
    %c0_i32_0 = arith.constant 0 : i32
    return %arg0, %c0_i32 : i32, i32
  }
  func.func @transform_1(%arg0: i32) -> (i32, i32) {
    %c0_i32 = arith.constant 0 : i32
    %c0_i32_0 = arith.constant 0 : i32
    return %arg0, %c0_i32 : i32, i32
  }
  func.func @transform_2(%arg0: i32) -> (i32, i32) {
    %c0_i32 = arith.constant 0 : i32
    %c0_i32_0 = arith.constant 0 : i32
    return %arg0, %c0_i32 : i32, i32
  }
  func.func @transform_3(%arg0: i32) -> (i32, i32) {
    %c0_i32 = arith.constant 0 : i32
    %c0_i32_0 = arith.constant 0 : i32
    return %arg0, %c0_i32 : i32, i32
  }
}

</mosaic_0001>

<sc_bundles>
// kernel: kernel.6.cloned.1.call-start
scs
__scs_entry_jumppad:
0x0: {  	(pc) =	sbr.rel $0x88, $3  }
0x1: {  	(tag) =	ssettag $0x0;
	lr =	simm.s32 $0x1  }
0x2: {  	[smem:$0x3F9C] =	sst lr;
	_ =	strace $0xD0000000  }
0x3: {  	_ = 	snop  }
0x4: {  	_ = 	snop  }
0x5: {  	_ = 	snop  }
0x6: {  	_ = 	snop  }
0x7: {  	_ = 	snop  }
__scs_overlays_trampoline_lowered:
0x8: {  	[smem:$0x3FAB] =	sst s0  }
0x9: {  	[smem:$0x3FAC] =	sst s1  }
0xa: {  	[smem:$0x3FAD] =	sst s2  }
0xb: {  	[smem:$0x3FAE] =	sst s3  }
0xc: {  	[smem:$0x3FAF] =	sst s4  }
0xd: {  	[smem:$0x3FB0] =	sst s5  }
0xe: {  	[smem:$0x3FB1] =	sst s6  }
0xf: {  	[smem:$0x3FB2] =	sst s7  }
0x10: {  	[smem:$0x3FB3] =	sst s8  }
0x11: {  	[smem:$0x3FB4] =	sst s9;
	s0 =	simm.s32 @!p0 $0x0  }
0x12: {  	s1 =	sld [smem:$0x3F9A];
	s0 =	simm.s32 @p0 $0x1  }
0x13: {  	[smem:$0x3FB5] =	sst s0;
	s0 =	simm.s32 @!p1 $0x0  }
0x14: {  	s2 =	sld [smem:$0x3F99];
	s0 =	simm.s32 @p1 $0x1  }
0x15: {  	[smem:$0x3FB6] =	sst s0;
	s0 =	simm.s32 @!p2 $0x0  }
0x16: {  	s3 =	sld [smem:$0x3FDB];
	s0 =	simm.s32 @p2 $0x1  }
0x17: {  	s4 =	simm.s32 $0x1BF5;
	[smem:$0x3FB8] =	sst s0  }
0x18: {  	s0 =	sld [smem:$0x3F9B];
	_ =	swait.ge [sflag:s4], $0x0  }
0x19: {  	s7 =	sld [smem:$0x3F9C]  }
0x1a: {  	s8 =	sadd.s32 $0xFFFFE003, lr  }
0x1b: {  	s9 =	sadd.s32 $0xFFFFFEF7, lr;
	s5 =	simm.s32 $0xFFFFFFFF;
	p2 =	slt.u32 s8, $0xFFFFF086  }
0x1c: {  	p1 =	slt.u32 s9, $0xF7A;
	s5 =	simm.s32 @!p2 $0x0  }
0x1d: {  	s5 =	simm.s32 @p1 $0x1;
	p0 =	seq.s32 s7, s2  }
0x1e: {  	s7 =	smul.u32 @!p0 $0xF7A, s2;
	p2 =	seq.s32 @!p0 s5, $0x0  }
0x1f: {  	s9 =	smul.u32 $0xF7A, s1;
	s8 =	simm.s32 @!p0 $0x1BF5;
	p2 =	por !p2, p0  }
0x20: {  	[sflag:s8] =	ssyncset.s32 @!p0 $0xFFFFF086;
	s6 =	sadd.s32 @!p0 s3, s7;
	s7 =	simm.s32 @!p0 $0x108  }
0x21: {  	s3 =	sadd.s32 s3, s9;
	s6 =	sadd.s32 @!p0 $0x88, s6;
	s7 =	simm.s32 @p2 $0x1082  }
0x22: {  	[simem:s7], [sflag:s8] =	dma.local @!p0 [hbm:s6], $0xF7A  }
0x23: {  	s9 =	sor.u32 $0xD0000000, s2;
	s6 =	simm.s32 $0x108;
	_ =	swait.ge @!p0 [sflag:s8], $0x0  }
0x24: {  	s3 =	sadd.s32 $0x88, s3;
	s6 =	simm.s32 @!p1 $0x1082;
	[sflag:s4] =	ssyncset.s32 $0xFFFFF086  }
0x25: {  	[simem:s6], [sflag:s4] =	dma.local [hbm:s3], $0xF7A  }
0x26: {  	[smem:$0x3F9C] =	sst s1;
	(tag) =	ssettag s2;
	_ =	strace s9  }
0x27: {  	s1 =	sld [smem:$0x3FAC]  }
0x28: {  	s2 =	sld [smem:$0x3FAD]  }
0x29: {  	s4 =	sld [smem:$0x3FAF]  }
0x2a: {  	p0 =	seq.s32 s5, $0x0;
	s5 =	sld [smem:$0x3FB0]  }
0x2b: {  	s6 =	sld [smem:$0x3FB1]  }
0x2c: {  	s7 =	sld [smem:$0x3FB2]  }
0x2d: {  	s3 =	simm.s32 $0x108;
	s8 =	sld [smem:$0x3FB3]  }
0x2e: {  	s3 =	simm.s32 @!p0 $0x1082;
	s9 =	sld [smem:$0x3FB4]  }
0x2f: {  	lr =	sadd.s32 s0, s3;
	s0 =	sld [smem:$0x3FAB]  }
0x30: {  	s3 =	sld [smem:$0x3FAE]  }
0x31: {  	[smem:$0x3FB7] =	sst s10  }
0x32: {  	s10 =	sld [smem:$0x3FB5];
	_ =	sdelay $0x3  }
0x33: {  	p0 =	seq.s32 s10, $0x1;
	s10 =	sld [smem:$0x3FB7];
	_ =	sdelay $0x3  }
0x34: {  	[smem:$0x3FB7] =	sst s10  }
0x35: {  	s10 =	sld [smem:$0x3FB6];
	_ =	sdelay $0x3  }
0x36: {  	p1 =	seq.s32 s10, $0x1;
	s10 =	sld [smem:$0x3FB7];
	_ =	sdelay $0x3  }
0x37: {  	[smem:$0x3FB7] =	sst s10  }
0x38: {  	s10 =	sld [smem:$0x3FB8]  }
0x39: {  	_ = 	snop;
	(pc) =	sbr.ind lr, $3  }
0x3a: {  	_ = 	snop  }
0x3b: {  	_ = 	snop  }
0x3c: {  	p2 =	seq.s32 s10, $0x1;
	s10 =	sld [smem:$0x3FB7]  }
0x3d: {  	_ =	shalt  }
0x3e: {  	_ =	shalt  }
0x3f: {  	_ =	shalt  }
0x40: {  	_ =	shalt  }
0x41: {  	_ =	shalt  }
0x42: {  	_ =	shalt  }
0x43: {  	_ =	shalt  }
0x44: {  	_ =	shalt  }
0x45: {  	_ =	shalt  }
0x46: {  	_ =	shalt  }
0x47: {  	_ =	shalt  }
0x48: {  	_ =	shalt  }
0x49: {  	_ =	shalt  }
0x4a: {  	_ =	shalt  }
0x4b: {  	_ =	shalt  }
0x4c: {  	_ =	shalt  }
0x4d: {  	_ =	shalt  }
0x4e: {  	_ =	shalt  }
0x4f: {  	_ =	shalt  }
0x50: {  	_ =	shalt  }
0x51: {  	_ =	shalt  }
0x52: {  	_ =	shalt  }
0x53: {  	_ =	shalt  }
0x54: {  	_ =	shalt  }
0x55: {  	_ =	shalt  }
0x56: {  	_ =	shalt  }
0x57: {  	_ =	shalt  }
0x58: {  	_ =	shalt  }
0x59: {  	_ =	shalt  }
0x5a: {  	_ =	shalt  }
0x5b: {  	_ =	shalt  }
0x5c: {  	_ =	shalt  }
0x5d: {  	_ =	shalt  }
0x5e: {  	_ =	shalt  }
0x5f: {  	_ =	shalt  }
0x60: {  	_ =	shalt  }
0x61: {  	_ =	shalt  }
0x62: {  	_ =	shalt  }
0x63: {  	_ =	shalt  }
0x64: {  	_ =	shalt  }
0x65: {  	_ =	shalt  }
0x66: {  	_ =	shalt  }
0x67: {  	_ =	shalt  }
0x68: {  	_ =	shalt  }
0x69: {  	_ =	shalt  }
0x6a: {  	_ =	shalt  }
0x6b: {  	_ =	shalt  }
0x6c: {  	_ =	shalt  }
0x6d: {  	_ =	shalt  }
0x6e: {  	_ =	shalt  }
0x6f: {  	_ =	shalt  }
0x70: {  	_ =	shalt  }
0x71: {  	_ =	shalt  }
0x72: {  	_ =	shalt  }
0x73: {  	_ =	shalt  }
0x74: {  	_ =	shalt  }
0x75: {  	_ =	shalt  }
0x76: {  	_ =	shalt  }
0x77: {  	_ =	shalt  }
0x78: {  	_ =	shalt  }
0x79: {  	_ =	shalt  }
0x7a: {  	_ =	shalt  }
0x7b: {  	_ =	shalt  }
0x7c: {  	_ =	shalt  }
0x7d: {  	_ =	shalt  }
0x7e: {  	_ =	shalt  }
0x7f: {  	_ =	shalt  }
0x80: {  	_ =	shalt  }
0x81: {  	_ =	shalt  }
0x82: {  	_ =	shalt  }
0x83: {  	_ =	shalt  }
0x84: {  	_ =	shalt  }
0x85: {  	_ =	shalt  }
0x86: {  	_ =	shalt  }
0x87: {  	_ =	shalt  }
.Lfunc_end0:
.L_simem_size_0:
called_computation_lowered:
.L_overlay_start_0:
0x88: {  	s2 =	sld [smem:$0x3FD9]  }
0x89: {  	s3 =	sld [smem:$0x3FFE];
	_ =	sdelay $0x1  }
0x8a: {  	s1 =	srdreg.scid  }
0x8b: {  	s0 =	sand.u32 $0x1, s1  }
0x8c: {  	s16 =	sshll.u32 s0, $0xA;
	s2 =	sadd.s32 s3, s2  }
0x8d: {  	s2 =	sadd.s32 s2, s16  }
0x8e: {  	[smem:$0x3FC3] =	sst s2  }
0x8f: {  	_ = 	snop  }
0x90: {  	(tm) =	ssettm $0x1  }
0x91: {  	s17 =	sld [smem:$0x3FFB];
	_ =	sdelay $0x3  }
0x92: {  	_ =	strace s17  }
0x93: {  	s2 =	sld [smem:$0x3FFC];
	_ =	sdelay $0x3  }
0x94: {  	_ =	strace s2  }
0x95: {  	s2 =	sld [smem:$0x3FFD];
	_ =	sdelay $0x3  }
0x96: {  	_ =	strace s2  }
0x97: {  	_ =	strace $0x8FFFFFFF  }
0x98: {  	s18 =	sld [smem:$0x3FDB];
	_ =	sdelay $0x1  }
0x99: {  	s19 =	simm.s32 $_scs_section_size  }
0x9a: {  	s4 =	simm.s32 $_size__tile_overlayer_lowered;
	s5 =	simm.s32 $_tile_overlayer_lowered  }
0x9b: {  	s22 =	simm.s32 $0x1BFF;
	s21 =	sshll.u32 s5, $0x1;
	s2 =	sadd.s32 s19, s18  }
0x9c: {  	s6 =	simm.s32 $0x0;
	s20 =	sshll.u32 s4, $0x1;
	s4 =	sadd.s32 s21, s2  }
0x9d: {  	[timem:s6], [sflag:s22] =	dma.local [hbm:s4], s20  }
0x9e: {  	_ =	swait.ge [sflag:s22], s20  }
0x9f: {  	s3 =	ssub.s32 $0x0, s20;
	[sflag:s22] =	ssyncset.done $0x0  }
0xa0: {  	[sflag:s22] =	ssyncadd.s32 s3;
	_ =	sdelay $0x1  }
0xa1: {  	s23 =	simm.s32 $0x1B8B  }
0xa2: {  	_ =	swait.ge [sflag:s23], $0x1  }
0xa3: {  	[sflag:s23] =	ssyncset.done $0x0  }
0xa4: {  	s25 =	simm.s32 $0x1B8E;
	s24 =	sld [smem:$0x3FFE];
	[sflag:s23] =	ssyncadd.s32 $0xFFFFFFFF  }
0xa5: {  	s26 =	simm.s32 $execute0_lowered;
	[smem:$0x3FD2] =	sst s25  }
0xa6: {  	s4 =	sshll.u32 s26, $0x1;
	_ =	strace $0x80000046;
	[dreg:$0x1] =	wrdreg $0xFFFFFFFF  }
0xa7: {  	s28 =	simm.s32 $_size_execute0_lowered;
	s2 =	sadd.s32 s2, s4;
	[dreg:$0x0] =	wrdreg $0x0  }
0xa8: {  	s4 =	sshll.u32 s28, $0x1;
	[dreg:$0x2] =	wrdreg s2  }
0xa9: {  	[dreg:$0x3] =	wrdreg s4  }
0xaa: {  	[dreg:$0x4] =	wrdreg $0xC0  }
0xab: {  	_ =	task [dreg:s6], $0x5FFFF  }
0xac: {  	[dreg:$0x1] =	wrdreg $0xFFFFFFFF  }
0xad: {  	[dreg:$0x0] =	wrdreg $0x60  }
0xae: {  	[dreg:$0x2] =	wrdreg s24  }
0xaf: {  	[dreg:$0x3] =	wrdreg $0x9  }
0xb0: {  	_ =	task.clear_ibuf [dreg:s6], $0x4FFFF;
	_ =	strace $0x90000046  }
0xb1: {  	s29 =	simm.s32 $0x9;
	_ =	strace $0x80000048  }
0xb2: {  	_ =	swait.ge [sflag:s29], $0x1  }
0xb3: {  	[sflag:s29] =	ssyncadd.s32 $0xFFFFFFFF  }
0xb4: {  	_ =	strace $0x90000048  }
0xb5: {  	_ =	sfence  }
0xb6: {  	s30 =	sld [smem:$0x0];
	_ =	sdelay $0x2  }
0xb7: {  	s31 =	sshll.u32 s1, $0xD;
	s1 =	sshrl.u32 s1, $0x2  }
0xb8: {  	s3 =	sand.u32 $0x4000, s31;
	s1 =	sadd.s32 s1, s30  }
0xb9: {  	s0 =	sor.u32 s3, s0;
	s1 =	sshll.u32 s1, $0x11  }
0xba: {  	s0 =	sor.u32 s1, s0  }
0xbb: {  	s0 =	sadd.s32 $0x8F2B, s0  }
0xbc: {  	[sflag:s0] =	ssyncadd.remote.s32 $0x1  }
0xbd: {  	_ =	sfence.sel $0xFFFF  }
0xbe: {  	[dreg:$0x0] =	wrdreg $0xFFFFFFFF;
	(pc) =	sbr.abs _section_cstart, $3  }
0xbf: {  	[dreg:$0x1] =	wrdreg $0xFFFFFFFF  }
0xc0: {  	_ =	task.clear_ibuf [dreg:s6], $0x2FFFF;
	_ =	strace $0x9FFFFFFF  }
0xc1: {  	(tm) =	ssettm $0x7FFFFFFF  }
tec
execute0_lowered:
.L_overlay_start_1:
0x0: {  	(tag) =	ssettag $0x1  }
0x1: {  	s1 =	srdreg.scid  }
0x2: {  	s3 =	stileid.u32;
	s1 =	sand.u32 $0x1, s1  }
0x3: {  	s3 =	sor.u32 s3, s1  }
0x4: {  	p0 =	sne.s32 s3, $0x0  }
.Ltmp0:
0x5: {  	_ = 	snop;
	(pc) =	sbr.rel @p0 .LBB2_19-.Ltmp0, $4  }
0x6: {  	_ = 	snop  }
0x7: {  	s2 =	simm.s32 $0x0  }
0x8: {  	[smem:$0x7FF] =	sst s2  }
0x9: {  	s0 =	rddreg [dreg:$0x0];
	_ =	strace $0x80000047  }
0xa: {  	v0 =	vimm.s32 $0xEFCDAB89  }
0xb: {  	v1 =	vimm.s32 $0x67452301;
	v2 =	vimm.s32 $0xDCFE98BA;
	v3 =	vimm.s32 $0x54761032  }
0xc: {  	v4 =	vimm.s32 $0xBA98FEDC;
	v5 =	vimm.s32 $0x32107654;
	v6 =	vimm.s32 $0xFEDCBA98  }
0xd: {  	v7 =	vimm.s32 $0x76543210;
	v0 =	vunpack.c.l.s4.s8 v0;
	v1 =	vunpack.c.l.s4.s8 v1  }
0xe: {  	v2 =	vunpack.c.l.s4.s8 v2;
	v3 =	vunpack.c.l.s4.s8 v3;
	v4 =	vunpack.c.l.s4.s8 v4  }
0xf: {  	s1 =	ssub.s32 $0x2, s1;
	s3 =	sadd.s32 $0x1600, s0;
	s4 =	sadd.s32 $0x1800, s0;
	v5 =	vunpack.c.l.s4.s8 v5;
	v6 =	vunpack.c.l.s4.s8 v6;
	v0 =	vunpack.c.0.s8.s32 v0  }
0x10: {  	s5 =	sadd.s32 $0x9800, s0;
	s7 =	sadd.s32 $0x2800, s0;
	s8 =	sadd.s32 $0xA800, s0;
	v1 =	vunpack.c.0.s8.s32 v1;
	v2 =	vunpack.c.0.s8.s32 v2;
	v3 =	vunpack.c.0.s8.s32 v3  }
0x11: {  	s9 =	sadd.s32 $0x3800, s0;
	s10 =	sadd.s32 $0xB800, s0;
	s11 =	sadd.s32 $0x4800, s0;
	v7 =	vunpack.c.l.s4.s8 v7;
	v4 =	vunpack.c.0.s8.s32 v4;
	v5 =	vunpack.c.0.s8.s32 v5  }
0x12: {  	s12 =	sadd.s32 $0xC800, s0;
	s13 =	sadd.s32 $0x5800, s0;
	s14 =	sadd.s32 $0xD800, s0;
	v0 =	vcombine.low v1, v0;
	v1 =	vcombine.low v3, v2;
	v2 =	vunpack.c.0.s8.s32 v6  }
0x13: {  	s15 =	sadd.s32 $0x6800, s0;
	s16 =	sadd.s32 $0xE800, s0;
	s17 =	sadd.s32 $0x7800, s0;
	v3 =	vcombine.low v5, v4;
	v4 =	vunpack.c.0.s8.s32 v7  }
0x14: {  	s18 =	sadd.s32 $0xF800, s0;
	s19 =	sadd.s32 $0x8800, s0;
	s20 =	sadd.s32 $0x10800, s0;
	v0 =	vand.u32 $0xF, v0;
	v1 =	vand.u32 $0xF, v1;
	v5 =	vand.u32 $0xF, v2  }
0x15: {  	s21 =	simm.s32 $0x1;
	s22 =	simm.s32 $0x1000;
	s6 =	sshrl.u32 s1, $0x1;
	v2 =	vand.u32 $0xF, v3;
	v3 =	vcombine.low v5, v4;
	v4 =	vlaneseq.u32  }
0x16: {  	s23 =	simm.s32 $0x9000;
	s24 =	simm.s32 $0x0;
	s6 =	ssub.s32 s1, s6;
	v5 =	vor.u32 $0x30, v4;
	v6 =	vor.u32 $0x20, v4;
	v7 =	vor.u32 $0x10, v4  }
.LBB2_2:
0x17: {  	v10 =	vimm.f32 $0.0e+00  }
0x18: {  	v8 =	vmin.f32 v10, v10  }
0x19: {  	v8 =	vmin.f32 v8, v8  }
0x1a: {  	v9 =	vperm.xlane v8, v0;
	_ =	sdelay $0x1  }
0x1b: {  	v8 =	vmin.f32 v8, v9  }
0x1c: {  	v9 =	vperm.xlane v8, v1;
	_ =	sdelay $0x1  }
0x1d: {  	v8 =	vmin.f32 v8, v9  }
0x1e: {  	v9 =	vperm.xlane v8, v2;
	_ =	sdelay $0x1  }
0x1f: {  	v8 =	vmin.f32 v8, v9  }
0x20: {  	v9 =	vperm.xlane v8, v3;
	_ =	sdelay $0x1  }
0x21: {  	v8 =	vmin.f32 v8, v9  }
0x22: {  	vm0 =	veq.f32 v10, v8  }
0x23: {  	v9 =	vnsel vm0, $0x40, v5  }
0x24: {  	v9 =	vsel vm0, v6, v9  }
0x25: {  	v9 =	vsel vm0, v7, v9  }
0x26: {  	v9 =	vsel vm0, v4, v9  }
0x27: {  	v11 =	vperm.xlane v9, v0;
	_ =	sdelay $0x1  }
0x28: {  	vm0 =	vlt.s32 v9, v11  }
0x29: {  	s0 =	simm.s32 $0x0;
	v9 =	vsel vm0, v9, v11  }
0x2a: {  	[tilespmem:s0], [sflag:$0x1] =	stream.linear.gather [hbm4b:s3+s0], $0x1000, $0x38;
	v11 =	vperm.xlane v9, v1;
	[tilespmem:$0x11000] =	vst v63  }
0x2b: {  	_ =	swait.ge [sflag:s21], $0x1000  }
0x2c: {  	[sflag:s21] =	ssyncset.done $0x0;
	vm0 =	vlt.s32 v9, v11  }
0x2d: {  	s1 =	sand.u32 $0x1F0, s0;
	[sflag:s21] =	ssyncadd.s32 $0xFFFFF000;
	v9 =	vsel vm0, v9, v11  }
0x2e: {  	v11 =	vld [tilespmem:s1+$0x0];
	v12 =	vperm.xlane v9, v2;
	_ =	sdelay $0x1  }
0x2f: {  	vm0 =	vlt.s32 v9, v12  }
0x30: {  	v12 =	vsel vm0, v9, v12  }
0x31: {  	v9 =	vmov s0;
	v13 =	vperm.xlane v12, v3  }
0x32: {  	v11 =	vperm.xlane v11, v9  }
0x33: {  	v15 =	vadd.f32 $1.000000000e+00, v10;
	vm1 =	vle.f32 v8, $0.0e+00;
	vm0 =	vlt.s32 v12, v13  }
0x34: {  	v9 =	vimm.f32 $-1.000000000e+00;
	vm2 =	vgt.f32 v11, $1.000000010e-01;
	v8 =	vsel vm0, v12, v13  }
0x35: {  	v11 =	vmax.f32 v11, $1.000000010e-01;
	vm1 =	vmor vm2, vm1;
	vm0 =	veq.s32 v8, v7  }
0x36: {  	vm3 =	veq.s32 v8, v4;
	vm4 =	veq.s32 v8, v6;
	vm13 =	veq.s32 v8, v5  }
0x37: {  	s0 =	scvt.s32.f32 s0;
	vm2 =	vmand vm0, vm1;
	vm0 =	vmand vm4, vm1;
	vm3 =	vmand vm3, vm1  }
0x38: {  	vm1 =	vmand vm13, vm1;
	v17 =	vsel vm2, v11, v10;
	v12 =	vsel vm3, v11, v10  }
0x39: {  	v8 =	vsel vm3, s0, v9;
	v19 =	vsel vm0, v11, v10;
	v13 =	vsel vm3, $0x3F800000, v15  }
0x3a: {  	v14 =	vsel vm0, $0x3F800000, v15;
	v18 =	vsel vm2, $0x3F800000, v15;
	v10 =	vsel vm1, v11, v10  }
0x3b: {  	v16 =	vsel vm1, $0x3F800000, v15;
	v20 =	vmul.f32 $8.999999760e-01, v19;
	vm3 =	vgt.f32 v14, $5.000000000e+01  }
0x3c: {  	v11 =	vmul.f32 $8.999999760e-01, v12;
	vm14 =	vgt.f32 v13, $5.000000000e+01;
	v15 =	vmul.f32 $8.999999760e-01, v17  }
0x3d: {  	v21 =	vmul.f32 $8.999999760e-01, v10;
	vm15 =	vgt.f32 v18, $5.000000000e+01;
	vm5 =	vgt.f32 v16, $5.000000000e+01  }
0x3e: {  	s29 =	simm.s32 $0x9020;
	s25 =	simm.s32 $0x1020;
	s26 =	simm.s32 $0x1;
	v11 =	vsel vm14, v11, v12;
	v12 =	vsel vm3, v20, v19;
	v15 =	vsel vm15, v15, v17  }
0x3f: {  	s31 =	simm.s32 $0x2;
	s28 =	simm.s32 $0x9020;
	s30 =	simm.s32 $0x1020;
	v10 =	vsel vm5, v21, v10;
	v19 =	vimm.f32 $-1.000000000e+00;
	v17 =	vimm.f32 $-1.000000000e+00;
	[tilespmem:s25+$0xFFFFFFE0] =	vst v11  }
.LBB2_3:
0x40: {  	p0 =	sne.s32 s31, $0x1FF;
	v20 =	vmin.f32 v11, v15;
	v21 =	vmin.f32 v12, v10;
	[tilespmem:s29+$0xFFFFFFE0] =	vst v8;
	s28 =	sadd.s32 $0x40, s28;
	s25 =	sadd.s32 $0x40, s25  }
0x41: {  	v9 =	vsel vm2, s0, v9;
	s1 =	smov.u32 s31;
	s31 =	sadd.s32 $0x1, s31;
	v20 =	vmin.f32 v20, v21;
	[tilespmem:s30+$0xFFFFFFF0] =	vst v15  }
0x42: {  	v19 =	vsel vm0, s0, v19;
	v21 =	vperm.xlane v20, v0;
	[tilespmem:s29+$0xFFFFFFF0] =	vst v9  }
0x43: {  	[tilespmem:s30+$0x0] =	vst v12  }
0x44: {  	v17 =	vsel vm1, s0, v17;
	v20 =	vmin.f32 v20, v21;
	[tilespmem:s29+$0x0] =	vst v19  }
0x45: {  	v21 =	vperm.xlane v20, v1;
	[tilespmem:s30+$0x10] =	vst v10;
	s30 =	smov.u32 s25  }
0x46: {  	[tilespmem:s29+$0x10] =	vst v17;
	s29 =	smov.u32 s28  }
0x47: {  	v20 =	vmin.f32 v20, v21  }
0x48: {  	v21 =	vperm.xlane v20, v2;
	_ =	sdelay $0x1  }
0x49: {  	v20 =	vmin.f32 v20, v21  }
0x4a: {  	v21 =	vperm.xlane v20, v3;
	_ =	sdelay $0x1  }
0x4b: {  	v20 =	vmin.f32 v20, v21  }
0x4c: {  	vm0 =	veq.f32 v12, v20;
	vm1 =	veq.f32 v10, v20  }
0x4d: {  	vm2 =	veq.f32 v11, v20;
	v21 =	vnsel vm1, $0x40, v5  }
0x4e: {  	vm1 =	veq.f32 v15, v20;
	v21 =	vsel vm0, v6, v21  }
0x4f: {  	v21 =	vsel vm1, v7, v21  }
0x50: {  	v21 =	vsel vm2, v4, v21  }
0x51: {  	v22 =	vperm.xlane v21, v0;
	_ =	sdelay $0x1  }
0x52: {  	vm0 =	vlt.s32 v21, v22  }
0x53: {  	v21 =	vsel vm0, v21, v22  }
0x54: {  	v22 =	vperm.xlane v21, v1;
	_ =	sdelay $0x1  }
0x55: {  	s0 =	sand.u32 $0x1F0, s26;
	vm0 =	vlt.s32 v21, v22  }
0x56: {  	v23 =	vld [tilespmem:s0+$0x0];
	v21 =	vsel vm0, v21, v22  }
0x57: {  	v22 =	vperm.xlane v21, v2;
	_ =	sdelay $0x1  }
0x58: {  	vm0 =	vlt.s32 v21, v22  }
0x59: {  	v24 =	vmov s26;
	v21 =	vsel vm0, v21, v22  }
0x5a: {  	v18 =	vadd.f32 $1.000000000e+00, v18;
	v22 =	vperm.xlane v23, v24;
	v23 =	vperm.xlane v21, v3  }
0x5b: {  	v13 =	vadd.f32 $1.000000000e+00, v13;
	v14 =	vadd.f32 $1.000000000e+00, v14;
	vm0 =	vle.f32 v20, $0.0e+00  }
0x5c: {  	vm1 =	vlt.s32 v21, v23;
	vm2 =	vgt.f32 v22, $1.000000010e-01;
	v20 =	vmax.f32 v22, $1.000000010e-01  }
0x5d: {  	v16 =	vadd.f32 $1.000000000e+00, v16;
	v21 =	vsel vm1, v21, v23;
	vm1 =	vmor vm2, vm0  }
0x5e: {  	vm3 =	veq.s32 v21, v4;
	vm0 =	veq.s32 v21, v7;
	vm4 =	veq.s32 v21, v6  }
0x5f: {  	s0 =	scvt.s32.f32 s26;
	s26 =	smov.u32 s1;
	vm2 =	vmand vm0, vm1;
	vm0 =	vmand vm4, vm1;
	vm4 =	veq.s32 v21, v5  }
0x60: {  	vm3 =	vmand vm3, vm1;
	v15 =	vsel vm2, v20, v15;
	vm1 =	vmand vm4, vm1  }
0x61: {  	v11 =	vsel vm3, v20, v11;
	v8 =	vsel vm3, s0, v8;
	v12 =	vsel vm0, v20, v12  }
0x62: {  	v13 =	vsel vm3, $0x3F800000, v13;
	v14 =	vsel vm0, $0x3F800000, v14;
	v21 =	vmul.f32 $8.999999760e-01, v12  }
.Ltmp1:
0x63: {  	v18 =	vsel vm2, $0x3F800000, v18;
	vm3 =	vgt.f32 v14, $5.000000000e+01;
	v10 =	vsel vm1, v20, v10;
	(pc) =	sbr.rel @p0 .LBB2_3-.Ltmp1, $4  }
0x64: {  	vm4 =	vgt.f32 v13, $5.000000000e+01;
	v20 =	vmul.f32 $8.999999760e-01, v11;
	v16 =	vsel vm1, $0x3F800000, v16  }
0x65: {  	v22 =	vmul.f32 $8.999999760e-01, v15;
	vm5 =	vgt.f32 v16, $5.000000000e+01;
	v23 =	vmul.f32 $8.999999760e-01, v10  }
0x66: {  	v11 =	vsel vm4, v20, v11;
	vm4 =	vgt.f32 v18, $5.000000000e+01;
	v12 =	vsel vm3, v21, v12  }
0x67: {  	v15 =	vsel vm4, v22, v15;
	v10 =	vsel vm5, v23, v10;
	[tilespmem:s25+$0xFFFFFFE0] =	vst v11  }
0x68: {  	v20 =	vmin.f32 v11, v15;
	v21 =	vmin.f32 v12, v10  }
0x69: {  	v20 =	vmin.f32 v20, v21  }
0x6a: {  	v21 =	vperm.xlane v20, v0;
	_ =	sdelay $0x1  }
0x6b: {  	v20 =	vmin.f32 v20, v21  }
0x6c: {  	v21 =	vperm.xlane v20, v1;
	_ =	sdelay $0x1  }
0x6d: {  	v20 =	vmin.f32 v20, v21  }
0x6e: {  	v21 =	vperm.xlane v20, v2;
	_ =	sdelay $0x1  }
0x6f: {  	v20 =	vmin.f32 v20, v21  }
0x70: {  	v21 =	vperm.xlane v20, v3;
	_ =	sdelay $0x1  }
0x71: {  	v20 =	vmin.f32 v20, v21  }
0x72: {  	vm3 =	veq.f32 v10, v20  }
0x73: {  	vm4 =	veq.f32 v12, v20;
	v21 =	vnsel vm3, $0x40, v5  }
0x74: {  	vm8 =	veq.f32 v15, v20;
	v21 =	vsel vm4, v6, v21  }
0x75: {  	vm9 =	veq.f32 v11, v20;
	v21 =	vsel vm8, v7, v21  }
0x76: {  	v21 =	vsel vm9, v4, v21  }
0x77: {  	v22 =	vperm.xlane v21, v0  }
0x78: {  	[tilespmem:s29+$0xFFFFFFE0] =	vst v8  }
0x79: {  	v9 =	vsel vm2, s0, v9;
	[tilespmem:s30+$0xFFFFFFF0] =	vst v15;
	vm10 =	vlt.s32 v21, v22  }
0x7a: {  	[tilespmem:s29+$0xFFFFFFF0] =	vst v9;
	v21 =	vsel vm10, v21, v22  }
0x7b: {  	v19 =	vsel vm0, s0, v19;
	[tilespmem:s30+$0x0] =	vst v12;
	v22 =	vperm.xlane v21, v1  }
0x7c: {  	[tilespmem:s29+$0x0] =	vst v19  }
0x7d: {  	v17 =	vsel vm1, s0, v17;
	[tilespmem:s30+$0x10] =	vst v10;
	vm11 =	vlt.s32 v21, v22  }
0x7e: {  	s1 =	sand.u32 $0x1F0, s26;
	[tilespmem:s29+$0x10] =	vst v17;
	v21 =	vsel vm11, v21, v22  }
0x7f: {  	v22 =	vld [tilespmem:s1+$0x0];
	v23 =	vperm.xlane v21, v2;
	_ =	sdelay $0x1  }
0x80: {  	vm0 =	vlt.s32 v21, v23  }
0x81: {  	v21 =	vsel vm0, v21, v23  }
0x82: {  	v23 =	vmov s26;
	v24 =	vperm.xlane v21, v3  }
0x83: {  	v18 =	vadd.f32 $1.000000000e+00, v18;
	v13 =	vadd.f32 $1.000000000e+00, v13;
	v22 =	vperm.xlane v22, v23  }
0x84: {  	v14 =	vadd.f32 $1.000000000e+00, v14;
	v16 =	vadd.f32 $1.000000000e+00, v16;
	vm13 =	vlt.s32 v21, v24  }
0x85: {  	vm12 =	vle.f32 v20, $0.0e+00;
	vm14 =	vgt.f32 v22, $1.000000010e-01;
	v21 =	vsel vm13, v21, v24  }
0x86: {  	v20 =	vmax.f32 v22, $1.000000010e-01;
	vm0 =	vmor vm14, vm12;
	vm1 =	veq.s32 v21, v7  }
0x87: {  	vm15 =	veq.s32 v21, v4;
	vm8 =	veq.s32 v21, v6;
	vm10 =	veq.s32 v21, v5  }
0x88: {  	vm2 =	vmand vm1, vm0;
	vm9 =	vmand vm8, vm0;
	vm3 =	vmand vm15, vm0  }
0x89: {  	vm0 =	vmand vm10, vm0;
	v15 =	vsel vm2, v20, v15;
	v11 =	vsel vm3, v20, v11  }
0x8a: {  	v12 =	vsel vm9, v20, v12;
	v13 =	vsel vm3, $0x3F800000, v13;
	v14 =	vsel vm9, $0x3F800000, v14  }
0x8b: {  	v18 =	vsel vm2, $0x3F800000, v18;
	v10 =	vsel vm0, v20, v10;
	v16 =	vsel vm0, $0x3F800000, v16  }
0x8c: {  	v21 =	vmul.f32 $8.999999760e-01, v12;
	vm11 =	vgt.f32 v14, $5.000000000e+01;
	v20 =	vmul.f32 $8.999999760e-01, v11  }
0x8d: {  	vm5 =	vgt.f32 v13, $5.000000000e+01;
	v22 =	vmul.f32 $8.999999760e-01, v15;
	v23 =	vmul.f32 $8.999999760e-01, v10  }
0x8e: {  	vm12 =	vgt.f32 v16, $5.000000000e+01;
	vm6 =	vgt.f32 v18, $5.000000000e+01;
	v11 =	vsel vm5, v20, v11  }
0x8f: {  	v12 =	vsel vm11, v21, v12;
	v15 =	vsel vm6, v22, v15;
	v10 =	vsel vm12, v23, v10  }
0x90: {  	v20 =	vmin.f32 v11, v15;
	v21 =	vmin.f32 v12, v10  }
0x91: {  	v20 =	vmin.f32 v20, v21  }
0x92: {  	v21 =	vperm.xlane v20, v0;
	_ =	sdelay $0x1  }
0x93: {  	v20 =	vmin.f32 v20, v21  }
0x94: {  	v21 =	vperm.xlane v20, v1;
	_ =	sdelay $0x1  }
0x95: {  	v20 =	vmin.f32 v20, v21  }
0x96: {  	s26 =	scvt.s32.f32 s26;
	v21 =	vperm.xlane v20, v2  }
0x97: {  	s1 =	sadd.s32 $0x40, s25  }
0x98: {  	s31 =	sadd.s32 $0x40, s28;
	v8 =	vsel vm3, s26, v8;
	[tilespmem:s1+$0xFFFFFFE0] =	vst v11;
	v20 =	vmin.f32 v20, v21  }
0x99: {  	[tilespmem:s31+$0xFFFFFFE0] =	vst v8;
	v21 =	vperm.xlane v20, v3  }
0x9a: {  	v9 =	vsel vm2, s26, v9;
	[tilespmem:s1+$0xFFFFFFF0] =	vst v15  }
0x9b: {  	[tilespmem:s31+$0xFFFFFFF0] =	vst v9;
	v20 =	vmin.f32 v20, v21  }
0x9c: {  	[tilespmem:s1+$0x0] =	vst v12;
	v21 =	vsel vm9, s26, v19;
	vm13 =	veq.f32 v10, v20  }
0x9d: {  	[tilespmem:s31+$0x0] =	vst v21;
	vm14 =	veq.f32 v12, v20;
	v19 =	vnsel vm13, $0x40, v5  }
0x9e: {  	v22 =	vsel vm0, s26, v17;
	vm15 =	veq.f32 v15, v20;
	[tilespmem:s1+$0x10] =	vst v10;
	v17 =	vsel vm14, v6, v19  }
0x9f: {  	vm4 =	veq.f32 v11, v20;
	s1 =	simm.s32 $0x0;
	[tilespmem:s31+$0x10] =	vst v22;
	v17 =	vsel vm15, v7, v17  }
0xa0: {  	[hbm4b:s4+s1] =	stream.linear.scatter [tilespmem:s22], [sflag:$0x1], $0x8000, $0x38;
	v17 =	vsel vm4, v4, v17;
	[tilespmem:$0x11000] =	vst v63  }
0xa1: {  	_ =	swait.ge [sflag:s21], $0x8000;
	v19 =	vperm.xlane v17, v0  }
0xa2: {  	[sflag:s21] =	ssyncset.done $0x0  }
0xa3: {  	[sflag:s21] =	ssyncadd.s32 $0xFFFF8000;
	vm5 =	vlt.s32 v17, v19  }
0xa4: {  	[hbm4b:s5+s1] =	stream.linear.scatter [tilespmem:s23], [sflag:$0x1], $0x8000, $0x38;
	v17 =	vsel vm5, v17, v19;
	[tilespmem:$0x11000] =	vst v63  }
0xa5: {  	_ =	swait.ge [sflag:s21], $0x8000;
	v19 =	vperm.xlane v17, v1  }
0xa6: {  	s31 =	simm.s32 $0x200;
	[sflag:s21] =	ssyncset.done $0x0  }
0xa7: {  	s26 =	sand.u32 $0x3F0, s31;
	[sflag:s21] =	ssyncadd.s32 $0xFFFF8000;
	vm0 =	vlt.s32 v17, v19  }
0xa8: {  	v23 =	vld [tilespmem:s26+$0x0];
	v17 =	vsel vm0, v17, v19  }
0xa9: {  	v19 =	vperm.xlane v17, v2;
	_ =	sdelay $0x1  }
0xaa: {  	vm0 =	vlt.s32 v17, v19  }
0xab: {  	v62 =	vmov s1;
	v17 =	vsel vm0, v17, v19  }
0xac: {  	v14 =	vadd.f32 $1.000000000e+00, v14;
	v19 =	vperm.xlane v23, v62;
	v23 =	vperm.xlane v17, v3  }
0xad: {  	v63 =	vadd.f32 $1.000000000e+00, v16;
	vm6 =	vle.f32 v20, $0.0e+00;
	v20 =	vadd.f32 $1.000000000e+00, v13  }
0xae: {  	v13 =	vadd.f32 $1.000000000e+00, v18;
	vm8 =	vgt.f32 v19, $1.000000010e-01;
	vm7 =	vlt.s32 v17, v23  }
0xaf: {  	vm0 =	vmor vm8, vm6;
	v16 =	vsel vm7, v17, v23;
	v17 =	vmax.f32 v19, $1.000000010e-01  }
0xb0: {  	s31 =	scvt.s32.f32 s31;
	vm1 =	veq.s32 v16, v4;
	vm9 =	veq.s32 v16, v7;
	vm10 =	veq.s32 v16, v6  }
0xb1: {  	vm11 =	veq.s32 v16, v5;
	vm1 =	vmand vm1, vm0;
	vm2 =	vmand vm9, vm0  }
0xb2: {  	vm3 =	vmand vm10, vm0;
	vm0 =	vmand vm11, vm0;
	v8 =	vsel vm1, s31, v8  }
0xb3: {  	v15 =	vsel vm2, v17, v15;
	v13 =	vsel vm2, $0x3F800000, v13;
	v11 =	vsel vm1, v17, v11  }
0xb4: {  	v16 =	vsel vm1, $0x3F800000, v20;
	v23 =	vsel vm3, v17, v12;
	v18 =	vmul.f32 $8.999999760e-01, v11  }
0xb5: {  	v10 =	vsel vm0, v17, v10;
	v19 =	vsel vm3, $0x3F800000, v14;
	vm13 =	vgt.f32 v16, $5.000000000e+01  }
0xb6: {  	s25 =	simm.s32 $0x1020;
	v20 =	vmul.f32 $8.999999760e-01, v15;
	vm12 =	vgt.f32 v13, $5.000000000e+01;
	v12 =	vsel vm13, v18, v11  }
0xb7: {  	s26 =	simm.s32 $0x9020;
	v14 =	vmul.f32 $8.999999760e-01, v10;
	v18 =	vsel vm0, $0x3F800000, v63;
	v11 =	vmul.f32 $8.999999760e-01, v23;
	[tilespmem:s25+$0xFFFFFFE0] =	vst v12  }
0xb8: {  	vm14 =	vgt.f32 v19, $5.000000000e+01;
	v17 =	vsel vm12, v20, v15;
	vm15 =	vgt.f32 v18, $5.000000000e+01;
	[tilespmem:s26+$0xFFFFFFE0] =	vst v8  }
0xb9: {  	v9 =	vsel vm2, s31, v9;
	v15 =	vsel vm14, v11, v23;
	v14 =	vsel vm15, v14, v10;
	[tilespmem:s25+$0xFFFFFFF0] =	vst v17  }
0xba: {  	v10 =	vmin.f32 v12, v17;
	v11 =	vmin.f32 v15, v14;
	[tilespmem:s26+$0xFFFFFFF0] =	vst v9  }
0xbb: {  	v20 =	vmin.f32 v10, v11;
	v11 =	vsel vm3, s31, v21;
	[tilespmem:s25+$0x0] =	vst v15  }
0xbc: {  	s28 =	simm.s32 $0x1;
	s30 =	simm.s32 $0x2;
	s29 =	simm.s32 $0x9020;
	v10 =	vsel vm0, s31, v22;
	v21 =	vperm.xlane v20, v0;
	[tilespmem:s26+$0x0] =	vst v11  }
.LBB2_5:
0xbd: {  	p0 =	sne.s32 s30, $0x1FF;
	[tilespmem:s25+$0x10] =	vst v14;
	s25 =	sadd.s32 $0x40, s25;
	s26 =	sadd.s32 $0x40, s26  }
0xbe: {  	s0 =	smov.u32 s30;
	s30 =	sadd.s32 $0x1, s30;
	v20 =	vmin.f32 v20, v21;
	[tilespmem:s29+$0x10] =	vst v10;
	s29 =	smov.u32 s26  }
0xbf: {  	v21 =	vperm.xlane v20, v1;
	_ =	sdelay $0x1  }
0xc0: {  	v20 =	vmin.f32 v20, v21  }
0xc1: {  	v21 =	vperm.xlane v20, v2;
	_ =	sdelay $0x1  }
0xc2: {  	v20 =	vmin.f32 v20, v21  }
0xc3: {  	v21 =	vperm.xlane v20, v3;
	_ =	sdelay $0x1  }
0xc4: {  	v20 =	vmin.f32 v20, v21  }
0xc5: {  	vm1 =	veq.f32 v15, v20;
	vm2 =	veq.f32 v14, v20;
	vm0 =	vle.f32 v20, $0.0e+00  }
0xc6: {  	v21 =	vnsel vm2, $0x40, v5  }
0xc7: {  	vm2 =	veq.f32 v17, v20;
	v21 =	vsel vm1, v6, v21  }
0xc8: {  	vm1 =	veq.f32 v12, v20;
	v20 =	vsel vm2, v7, v21  }
0xc9: {  	v20 =	vsel vm1, v4, v20  }
0xca: {  	v21 =	vperm.xlane v20, v0;
	_ =	sdelay $0x1  }
0xcb: {  	vm1 =	vlt.s32 v20, v21  }
0xcc: {  	v20 =	vsel vm1, v20, v21  }
0xcd: {  	v21 =	vperm.xlane v20, v1  }
0xce: {  	s1 =	sadd.s32 $0x200, s28  }
0xcf: {  	s31 =	sand.u32 $0x3F0, s1;
	vm1 =	vlt.s32 v20, v21  }
0xd0: {  	v22 =	vld [tilespmem:s31+$0x0];
	v20 =	vsel vm1, v20, v21  }
0xd1: {  	v21 =	vperm.xlane v20, v2;
	_ =	sdelay $0x1  }
0xd2: {  	vm1 =	vlt.s32 v20, v21  }
0xd3: {  	v23 =	vmov s28;
	s28 =	smov.u32 s0;
	v20 =	vsel vm1, v20, v21  }
0xd4: {  	v19 =	vadd.f32 $1.000000000e+00, v19;
	v21 =	vperm.xlane v22, v23;
	v22 =	vperm.xlane v20, v3  }
0xd5: {  	v16 =	vadd.f32 $1.000000000e+00, v16;
	v18 =	vadd.f32 $1.000000000e+00, v18  }
0xd6: {  	v13 =	vadd.f32 $1.000000000e+00, v13;
	vm1 =	vlt.s32 v20, v22;
	vm2 =	vgt.f32 v21, $1.000000010e-01  }
0xd7: {  	v21 =	vmax.f32 v21, $1.000000010e-01;
	v20 =	vsel vm1, v20, v22;
	vm1 =	vmor vm2, vm0  }
0xd8: {  	s0 =	scvt.s32.f32 s1;
	vm0 =	veq.s32 v20, v4;
	vm2 =	veq.s32 v20, v7;
	vm3 =	veq.s32 v20, v6  }
0xd9: {  	vm4 =	vmand vm0, vm1;
	vm0 =	vmand vm2, vm1;
	vm2 =	veq.s32 v20, v5  }
0xda: {  	v8 =	vsel vm4, s0, v8;
	v17 =	vsel vm0, v21, v17;
	v13 =	vsel vm0, $0x3F800000, v13  }
0xdb: {  	v12 =	vsel vm4, v21, v12;
	v16 =	vsel vm4, $0x3F800000, v16;
	v20 =	vmul.f32 $8.999999760e-01, v17  }
0xdc: {  	vm3 =	vmand vm3, vm1;
	v22 =	vmul.f32 $8.999999760e-01, v12;
	vm4 =	vgt.f32 v13, $5.000000000e+01  }
0xdd: {  	v15 =	vsel vm3, v21, v15;
	vm1 =	vmand vm2, vm1;
	vm5 =	vgt.f32 v16, $5.000000000e+01  }
0xde: {  	v14 =	vsel vm1, v21, v14;
	v18 =	vsel vm1, $0x3F800000, v18;
	v12 =	vsel vm5, v22, v12  }
0xdf: {  	v19 =	vsel vm3, $0x3F800000, v19;
	v21 =	vmul.f32 $8.999999760e-01, v15;
	v22 =	vmul.f32 $8.999999760e-01, v14;
	[tilespmem:s25+$0xFFFFFFE0] =	vst v12  }
.Ltmp2:
0xe0: {  	vm2 =	vgt.f32 v19, $5.000000000e+01;
	v17 =	vsel vm4, v20, v17;
	vm4 =	vgt.f32 v18, $5.000000000e+01;
	[tilespmem:s26+$0xFFFFFFE0] =	vst v8;
	(pc) =	sbr.rel @p0 .LBB2_5-.Ltmp2, $4  }
0xe1: {  	v9 =	vsel vm0, s0, v9;
	v15 =	vsel vm2, v21, v15;
	v14 =	vsel vm4, v22, v14;
	[tilespmem:s25+$0xFFFFFFF0] =	vst v17  }
0xe2: {  	v10 =	vsel vm1, s0, v10;
	v20 =	vmin.f32 v12, v17;
	v21 =	vmin.f32 v15, v14;
	[tilespmem:s26+$0xFFFFFFF0] =	vst v9  }
0xe3: {  	v11 =	vsel vm3, s0, v11;
	v20 =	vmin.f32 v20, v21;
	[tilespmem:s25+$0x0] =	vst v15  }
0xe4: {  	v21 =	vperm.xlane v20, v0;
	[tilespmem:s26+$0x0] =	vst v11  }
0xe5: {  	_ = 	snop  }
0xe6: {  	v20 =	vmin.f32 v20, v21  }
0xe7: {  	v21 =	vperm.xlane v20, v1;
	_ =	sdelay $0x1  }
0xe8: {  	v20 =	vmin.f32 v20, v21  }
0xe9: {  	v21 =	vperm.xlane v20, v2;
	_ =	sdelay $0x1  }
0xea: {  	v20 =	vmin.f32 v20, v21  }
0xeb: {  	v21 =	vperm.xlane v20, v3;
	_ =	sdelay $0x1  }
0xec: {  	v20 =	vmin.f32 v20, v21  }
0xed: {  	vm0 =	veq.f32 v14, v20  }
0xee: {  	vm1 =	veq.f32 v15, v20;
	v21 =	vnsel vm0, $0x40, v5  }
0xef: {  	vm10 =	veq.f32 v17, v20;
	v21 =	vsel vm1, v6, v21  }
0xf0: {  	vm11 =	veq.f32 v12, v20;
	v21 =	vsel vm10, v7, v21  }
0xf1: {  	v21 =	vsel vm11, v4, v21  }
0xf2: {  	v22 =	vperm.xlane v21, v0;
	_ =	sdelay $0x1  }
0xf3: {  	vm12 =	vlt.s32 v21, v22  }
0xf4: {  	v21 =	vsel vm12, v21, v22  }
0xf5: {  	v22 =	vperm.xlane v21, v1;
	_ =	sdelay $0x1  }
0xf6: {  	[tilespmem:s25+$0x10] =	vst v14;
	s0 =	sadd.s32 $0x200, s28;
	vm0 =	vlt.s32 v21, v22  }
0xf7: {  	[tilespmem:s29+$0x10] =	vst v10;
	s1 =	sand.u32 $0x3F0, s0;
	v21 =	vsel vm0, v21, v22  }
0xf8: {  	v22 =	vld [tilespmem:s1+$0x0];
	v23 =	vperm.xlane v21, v2;
	_ =	sdelay $0x1  }
0xf9: {  	vm0 =	vlt.s32 v21, v23  }
0xfa: {  	v21 =	vsel vm0, v21, v23  }
0xfb: {  	v23 =	vmov s28;
	v24 =	vperm.xlane v21, v3  }
0xfc: {  	v19 =	vadd.f32 $1.000000000e+00, v19;
	vm13 =	vle.f32 v20, $0.0e+00;
	v20 =	vperm.xlane v22, v23  }
0xfd: {  	v16 =	vadd.f32 $1.000000000e+00, v16;
	v18 =	vadd.f32 $1.000000000e+00, v18;
	vm14 =	vlt.s32 v21, v24  }
0xfe: {  	v13 =	vadd.f32 $1.000000000e+00, v13;
	vm2 =	vgt.f32 v20, $1.000000010e-01;
	v21 =	vsel vm14, v21, v24  }
0xff: {  	v20 =	vmax.f32 v20, $1.000000010e-01;
	vm15 =	vmor vm2, vm13;
	vm9 =	veq.s32 v21, v7  }
0x100: {  	vm10 =	veq.s32 v21, v4;
	vm3 =	veq.s32 v21, v6;
	vm4 =	veq.s32 v21, v5  }
0x101: {  	vm0 =	vmand vm9, vm15;
	vm2 =	vmand vm10, vm15;
	vm3 =	vmand vm3, vm15  }
0x102: {  	vm1 =	vmand vm4, vm15;
	v17 =	vsel vm0, v20, v17;
	v13 =	vsel vm0, $0x3F800000, v13  }
0x103: {  	v12 =	vsel vm2, v20, v12;
	v16 =	vsel vm2, $0x3F800000, v16;
	v15 =	vsel vm3, v20, v15  }
0x104: {  	v14 =	vsel vm1, v20, v14;
	v18 =	vsel vm1, $0x3F800000, v18;
	v19 =	vsel vm3, $0x3F800000, v19  }
0x105: {  	v21 =	vmul.f32 $8.999999760e-01, v17;
	v22 =	vmul.f32 $8.999999760e-01, v12;
	vm5 =	vgt.f32 v13, $5.000000000e+01  }
0x106: {  	vm6 =	vgt.f32 v16, $5.000000000e+01;
	v20 =	vmul.f32 $8.999999760e-01, v15;
	v23 =	vmul.f32 $8.999999760e-01, v14  }
0x107: {  	vm11 =	vgt.f32 v19, $5.000000000e+01;
	vm12 =	vgt.f32 v18, $5.000000000e+01;
	v12 =	vsel vm6, v22, v12  }
0x108: {  	v17 =	vsel vm5, v21, v17;
	v15 =	vsel vm11, v20, v15;
	v14 =	vsel vm12, v23, v14  }
0x109: {  	v20 =	vmin.f32 v12, v17;
	v21 =	vmin.f32 v15, v14  }
0x10a: {  	v20 =	vmin.f32 v20, v21  }
0x10b: {  	v21 =	vperm.xlane v20, v0;
	_ =	sdelay $0x1  }
0x10c: {  	v20 =	vmin.f32 v20, v21  }
0x10d: {  	v21 =	vperm.xlane v20, v1;
	_ =	sdelay $0x1  }
0x10e: {  	v20 =	vmin.f32 v20, v21  }
0x10f: {  	s0 =	scvt.s32.f32 s0;
	v21 =	vperm.xlane v20, v2  }
0x110: {  	s25 =	sadd.s32 $0x40, s25  }
0x111: {  	s31 =	sadd.s32 $0x40, s26;
	v8 =	vsel vm2, s0, v8;
	[tilespmem:s25+$0xFFFFFFE0] =	vst v12;
	v20 =	vmin.f32 v20, v21  }
0x112: {  	[tilespmem:s31+$0xFFFFFFE0] =	vst v8;
	v21 =	vperm.xlane v20, v3  }
0x113: {  	v9 =	vsel vm0, s0, v9;
	[tilespmem:s25+$0xFFFFFFF0] =	vst v17  }
0x114: {  	[tilespmem:s31+$0xFFFFFFF0] =	vst v9;
	v20 =	vmin.f32 v20, v21  }
0x115: {  	v11 =	vsel vm3, s0, v11;
	[tilespmem:s25+$0x0] =	vst v15;
	vm13 =	veq.f32 v14, v20  }
0x116: {  	[tilespmem:s31+$0x0] =	vst v11;
	vm14 =	veq.f32 v15, v20;
	v21 =	vnsel vm13, $0x40, v5  }
0x117: {  	v10 =	vsel vm1, s0, v10;
	[tilespmem:s25+$0x10] =	vst v14;
	vm15 =	veq.f32 v17, v20;
	v21 =	vsel vm14, v6, v21  }
0x118: {  	s1 =	simm.s32 $0x0;
	[tilespmem:s31+$0x10] =	vst v10;
	vm4 =	veq.f32 v12, v20;
	v21 =	vsel vm15, v7, v21  }
0x119: {  	[hbm4b:s7+s1] =	stream.linear.scatter [tilespmem:s22], [sflag:$0x1], $0x8000, $0x38;
	v21 =	vsel vm4, v4, v21;
	[tilespmem:$0x11000] =	vst v63  }
0x11a: {  	_ =	swait.ge [sflag:s21], $0x8000;
	v22 =	vperm.xlane v21, v0  }
0x11b: {  	[sflag:s21] =	ssyncset.done $0x0  }
0x11c: {  	[sflag:s21] =	ssyncadd.s32 $0xFFFF8000;
	vm5 =	vlt.s32 v21, v22  }
0x11d: {  	[hbm4b:s8+s1] =	stream.linear.scatter [tilespmem:s23], [sflag:$0x1], $0x8000, $0x38;
	v21 =	vsel vm5, v21, v22;
	[tilespmem:$0x11000] =	vst v63  }
0x11e: {  	_ =	swait.ge [sflag:s21], $0x8000;
	v22 =	vperm.xlane v21, v1  }
0x11f: {  	s31 =	simm.s32 $0x400;
	[sflag:s21] =	ssyncset.done $0x0  }
0x120: {  	s26 =	sand.u32 $0x5F0, s31;
	[sflag:s21] =	ssyncadd.s32 $0xFFFF8000;
	vm0 =	vlt.s32 v21, v22  }
0x121: {  	v23 =	vld [tilespmem:s26+$0x0];
	v21 =	vsel vm0, v21, v22  }
0x122: {  	v22 =	vperm.xlane v21, v2;
	_ =	sdelay $0x1  }
0x123: {  	vm0 =	vlt.s32 v21, v22  }
0x124: {  	v19 =	vadd.f32 $1.000000000e+00, v19;
	v21 =	vsel vm0, v21, v22;
	v22 =	vmov s1  }
0x125: {  	v16 =	vadd.f32 $1.000000000e+00, v16;
	v22 =	vperm.xlane v23, v22;
	v23 =	vperm.xlane v21, v3  }
0x126: {  	v18 =	vadd.f32 $1.000000000e+00, v18;
	v13 =	vadd.f32 $1.000000000e+00, v13  }
0x127: {  	vm6 =	vle.f32 v20, $0.0e+00;
	vm7 =	vlt.s32 v21, v23;
	vm8 =	vgt.f32 v22, $1.000000010e-01  }
0x128: {  	v20 =	vsel vm7, v21, v23;
	vm0 =	vmor vm8, vm6;
	v21 =	vmax.f32 v22, $1.000000010e-01  }
0x129: {  	s31 =	scvt.s32.f32 s31;
	vm1 =	veq.s32 v20, v4;
	vm9 =	veq.s32 v20, v7;
	vm10 =	veq.s32 v20, v6  }
0x12a: {  	vm11 =	veq.s32 v20, v5;
	vm1 =	vmand vm1, vm0;
	vm2 =	vmand vm9, vm0  }
0x12b: {  	vm3 =	vmand vm10, vm0;
	vm0 =	vmand vm11, vm0;
	v8 =	vsel vm1, s31, v8  }
0x12c: {  	v17 =	vsel vm2, v21, v17;
	v13 =	vsel vm2, $0x3F800000, v13;
	v12 =	vsel vm1, v21, v12  }
0x12d: {  	v16 =	vsel vm1, $0x3F800000, v16;
	v15 =	vsel vm3, v21, v15;
	v22 =	vmul.f32 $8.999999760e-01, v12  }
0x12e: {  	v14 =	vsel vm0, v21, v14;
	v18 =	vsel vm0, $0x3F800000, v18;
	vm13 =	vgt.f32 v16, $5.000000000e+01  }
0x12f: {  	s25 =	simm.s32 $0x1020;
	v19 =	vsel vm3, $0x3F800000, v19;
	v20 =	vmul.f32 $8.999999760e-01, v17;
	v12 =	vsel vm13, v22, v12  }
0x130: {  	s26 =	simm.s32 $0x9020;
	vm12 =	vgt.f32 v13, $5.000000000e+01;
	v21 =	vmul.f32 $8.999999760e-01, v15;
	v22 =	vmul.f32 $8.999999760e-01, v14;
	[tilespmem:s25+$0xFFFFFFE0] =	vst v12  }
0x131: {  	vm14 =	vgt.f32 v19, $5.000000000e+01;
	vm15 =	vgt.f32 v18, $5.000000000e+01;
	v17 =	vsel vm12, v20, v17;
	[tilespmem:s26+$0xFFFFFFE0] =	vst v8  }
0x132: {  	v9 =	vsel vm2, s31, v9;
	v15 =	vsel vm14, v21, v15;
	v14 =	vsel vm15, v22, v14;
	[tilespmem:s25+$0xFFFFFFF0] =	vst v17  }
0x133: {  	v20 =	vmin.f32 v12, v17;
	v21 =	vmin.f32 v15, v14;
	[tilespmem:s26+$0xFFFFFFF0] =	vst v9  }
0x134: {  	v11 =	vsel vm3, s31, v11;
	v20 =	vmin.f32 v20, v21;
	[tilespmem:s25+$0x0] =	vst v15  }
0x135: {  	s30 =	simm.s32 $0x2;
	s29 =	simm.s32 $0x9020;
	s28 =	simm.s32 $0x1;
	v10 =	vsel vm0, s31, v10;
	v21 =	vperm.xlane v20, v0;
	[tilespmem:s26+$0x0] =	vst v11  }
.LBB2_7:
0x136: {  	p0 =	sne.s32 s30, $0x1FF;
	[tilespmem:s25+$0x10] =	vst v14;
	s25 =	sadd.s32 $0x40, s25;
	s26 =	sadd.s32 $0x40, s26  }
0x137: {  	s0 =	smov.u32 s30;
	s30 =	sadd.s32 $0x1, s30;
	v20 =	vmin.f32 v20, v21;
	[tilespmem:s29+$0x10] =	vst v10;
	s29 =	smov.u32 s26  }
0x138: {  	v21 =	vperm.xlane v20, v1;
	_ =	sdelay $0x1  }
0x139: {  	v20 =	vmin.f32 v20, v21  }
0x13a: {  	v21 =	vperm.xlane v20, v2;
	_ =	sdelay $0x1  }
0x13b: {  	v20 =	vmin.f32 v20, v21  }
0x13c: {  	v21 =	vperm.xlane v20, v3;
	_ =	sdelay $0x1  }
0x13d: {  	v20 =	vmin.f32 v20, v21  }
0x13e: {  	vm1 =	veq.f32 v15, v20;
	vm2 =	veq.f32 v14, v20;
	vm0 =	vle.f32 v20, $0.0e+00  }
0x13f: {  	v21 =	vnsel vm2, $0x40, v5  }
0x140: {  	vm2 =	veq.f32 v17, v20;
	v21 =	vsel vm1, v6, v21  }
0x141: {  	vm1 =	veq.f32 v12, v20;
	v20 =	vsel vm2, v7, v21  }
0x142: {  	v20 =	vsel vm1, v4, v20  }
0x143: {  	v21 =	vperm.xlane v20, v0;
	_ =	sdelay $0x1  }
0x144: {  	vm1 =	vlt.s32 v20, v21  }
0x145: {  	v20 =	vsel vm1, v20, v21  }
0x146: {  	v21 =	vperm.xlane v20, v1  }
0x147: {  	s1 =	sadd.s32 $0x400, s28  }
0x148: {  	s31 =	sand.u32 $0x5F0, s1;
	vm1 =	vlt.s32 v20, v21  }
0x149: {  	v22 =	vld [tilespmem:s31+$0x0];
	v20 =	vsel vm1, v20, v21  }
0x14a: {  	v21 =	vperm.xlane v20, v2;
	_ =	sdelay $0x1  }
0x14b: {  	vm1 =	vlt.s32 v20, v21  }
0x14c: {  	v23 =	vmov s28;
	s28 =	smov.u32 s0;
	v20 =	vsel vm1, v20, v21  }
0x14d: {  	v19 =	vadd.f32 $1.000000000e+00, v19;
	v21 =	vperm.xlane v22, v23;
	v22 =	vperm.xlane v20, v3  }
0x14e: {  	v16 =	vadd.f32 $1.000000000e+00, v16;
	v18 =	vadd.f32 $1.000000000e+00, v18  }
0x14f: {  	v13 =	vadd.f32 $1.000000000e+00, v13;
	vm1 =	vlt.s32 v20, v22;
	vm2 =	vgt.f32 v21, $1.000000010e-01  }
0x150: {  	v21 =	vmax.f32 v21, $1.000000010e-01;
	v20 =	vsel vm1, v20, v22;
	vm1 =	vmor vm2, vm0  }
0x151: {  	s0 =	scvt.s32.f32 s1;
	vm0 =	veq.s32 v20, v4;
	vm2 =	veq.s32 v20, v7;
	vm3 =	veq.s32 v20, v6  }
0x152: {  	vm4 =	vmand vm0, vm1;
	vm0 =	vmand vm2, vm1;
	vm2 =	veq.s32 v20, v5  }
0x153: {  	v8 =	vsel vm4, s0, v8;
	v17 =	vsel vm0, v21, v17;
	v13 =	vsel vm0, $0x3F800000, v13  }
0x154: {  	v12 =	vsel vm4, v21, v12;
	v16 =	vsel vm4, $0x3F800000, v16;
	v20 =	vmul.f32 $8.999999760e-01, v17  }
0x155: {  	vm3 =	vmand vm3, vm1;
	v22 =	vmul.f32 $8.999999760e-01, v12;
	vm4 =	vgt.f32 v13, $5.000000000e+01  }
0x156: {  	v15 =	vsel vm3, v21, v15;
	vm1 =	vmand vm2, vm1;
	vm5 =	vgt.f32 v16, $5.000000000e+01  }
0x157: {  	v14 =	vsel vm1, v21, v14;
	v18 =	vsel vm1, $0x3F800000, v18;
	v12 =	vsel vm5, v22, v12  }
0x158: {  	v19 =	vsel vm3, $0x3F800000, v19;
	v21 =	vmul.f32 $8.999999760e-01, v15;
	v22 =	vmul.f32 $8.999999760e-01, v14;
	[tilespmem:s25+$0xFFFFFFE0] =	vst v12  }
.Ltmp3:
0x159: {  	vm2 =	vgt.f32 v19, $5.000000000e+01;
	v17 =	vsel vm4, v20, v17;
	vm4 =	vgt.f32 v18, $5.000000000e+01;
	[tilespmem:s26+$0xFFFFFFE0] =	vst v8;
	(pc) =	sbr.rel @p0 .LBB2_7-.Ltmp3, $4  }
0x15a: {  	v9 =	vsel vm0, s0, v9;
	v15 =	vsel vm2, v21, v15;
	v14 =	vsel vm4, v22, v14;
	[tilespmem:s25+$0xFFFFFFF0] =	vst v17  }
0x15b: {  	v10 =	vsel vm1, s0, v10;
	v20 =	vmin.f32 v12, v17;
	v21 =	vmin.f32 v15, v14;
	[tilespmem:s26+$0xFFFFFFF0] =	vst v9  }
0x15c: {  	v11 =	vsel vm3, s0, v11;
	v20 =	vmin.f32 v20, v21;
	[tilespmem:s25+$0x0] =	vst v15  }
0x15d: {  	v21 =	vperm.xlane v20, v0;
	[tilespmem:s26+$0x0] =	vst v11  }
0x15e: {  	_ = 	snop  }
0x15f: {  	v20 =	vmin.f32 v20, v21  }
0x160: {  	v21 =	vperm.xlane v20, v1;
	_ =	sdelay $0x1  }
0x161: {  	v20 =	vmin.f32 v20, v21  }
0x162: {  	v21 =	vperm.xlane v20, v2;
	_ =	sdelay $0x1  }
0x163: {  	v20 =	vmin.f32 v20, v21  }
0x164: {  	v21 =	vperm.xlane v20, v3;
	_ =	sdelay $0x1  }
0x165: {  	v20 =	vmin.f32 v20, v21  }
0x166: {  	vm0 =	veq.f32 v14, v20  }
0x167: {  	vm1 =	veq.f32 v15, v20;
	v21 =	vnsel vm0, $0x40, v5  }
0x168: {  	vm10 =	veq.f32 v17, v20;
	v21 =	vsel vm1, v6, v21  }
0x169: {  	vm11 =	veq.f32 v12, v20;
	v21 =	vsel vm10, v7, v21  }
0x16a: {  	v21 =	vsel vm11, v4, v21  }
0x16b: {  	v22 =	vperm.xlane v21, v0;
	_ =	sdelay $0x1  }
0x16c: {  	vm12 =	vlt.s32 v21, v22  }
0x16d: {  	v21 =	vsel vm12, v21, v22  }
0x16e: {  	v22 =	vperm.xlane v21, v1;
	_ =	sdelay $0x1  }
0x16f: {  	[tilespmem:s25+$0x10] =	vst v14;
	s0 =	sadd.s32 $0x400, s28;
	vm0 =	vlt.s32 v21, v22  }
0x170: {  	[tilespmem:s29+$0x10] =	vst v10;
	s1 =	sand.u32 $0x5F0, s0;
	v21 =	vsel vm0, v21, v22  }
0x171: {  	v22 =	vld [tilespmem:s1+$0x0];
	v23 =	vperm.xlane v21, v2;
	_ =	sdelay $0x1  }
0x172: {  	vm0 =	vlt.s32 v21, v23  }
0x173: {  	v21 =	vsel vm0, v21, v23  }
0x174: {  	v23 =	vmov s28;
	v24 =	vperm.xlane v21, v3  }
0x175: {  	v19 =	vadd.f32 $1.000000000e+00, v19;
	vm13 =	vle.f32 v20, $0.0e+00;
	v20 =	vperm.xlane v22, v23  }
0x176: {  	v16 =	vadd.f32 $1.000000000e+00, v16;
	v18 =	vadd.f32 $1.000000000e+00, v18;
	vm14 =	vlt.s32 v21, v24  }
0x177: {  	v13 =	vadd.f32 $1.000000000e+00, v13;
	vm2 =	vgt.f32 v20, $1.000000010e-01;
	v21 =	vsel vm14, v21, v24  }
0x178: {  	v20 =	vmax.f32 v20, $1.000000010e-01;
	vm15 =	vmor vm2, vm13;
	vm9 =	veq.s32 v21, v7  }
0x179: {  	vm10 =	veq.s32 v21, v4;
	vm3 =	veq.s32 v21, v6;
	vm4 =	veq.s32 v21, v5  }
0x17a: {  	vm0 =	vmand vm9, vm15;
	vm2 =	vmand vm10, vm15;
	vm3 =	vmand vm3, vm15  }
0x17b: {  	vm1 =	vmand vm4, vm15;
	v17 =	vsel vm0, v20, v17;
	v13 =	vsel vm0, $0x3F800000, v13  }
0x17c: {  	v12 =	vsel vm2, v20, v12;
	v16 =	vsel vm2, $0x3F800000, v16;
	v15 =	vsel vm3, v20, v15  }
0x17d: {  	v14 =	vsel vm1, v20, v14;
	v18 =	vsel vm1, $0x3F800000, v18;
	v19 =	vsel vm3, $0x3F800000, v19  }
0x17e: {  	v21 =	vmul.f32 $8.999999760e-01, v17;
	v22 =	vmul.f32 $8.999999760e-01, v12;
	vm5 =	vgt.f32 v13, $5.000000000e+01  }
0x17f: {  	vm6 =	vgt.f32 v16, $5.000000000e+01;
	v20 =	vmul.f32 $8.999999760e-01, v15;
	v23 =	vmul.f32 $8.999999760e-01, v14  }
0x180: {  	vm11 =	vgt.f32 v19, $5.000000000e+01;
	vm12 =	vgt.f32 v18, $5.000000000e+01;
	v12 =	vsel vm6, v22, v12  }
0x181: {  	v17 =	vsel vm5, v21, v17;
	v15 =	vsel vm11, v20, v15;
	v14 =	vsel vm12, v23, v14  }
0x182: {  	v20 =	vmin.f32 v12, v17;
	v21 =	vmin.f32 v15, v14  }
0x183: {  	v20 =	vmin.f32 v20, v21  }
0x184: {  	v21 =	vperm.xlane v20, v0;
	_ =	sdelay $0x1  }
0x185: {  	v20 =	vmin.f32 v20, v21  }
0x186: {  	v21 =	vperm.xlane v20, v1;
	_ =	sdelay $0x1  }
0x187: {  	v20 =	vmin.f32 v20, v21  }
0x188: {  	s0 =	scvt.s32.f32 s0;
	v21 =	vperm.xlane v20, v2  }
0x189: {  	s25 =	sadd.s32 $0x40, s25  }
0x18a: {  	s31 =	sadd.s32 $0x40, s26;
	v8 =	vsel vm2, s0, v8;
	[tilespmem:s25+$0xFFFFFFE0] =	vst v12;
	v20 =	vmin.f32 v20, v21  }
0x18b: {  	[tilespmem:s31+$0xFFFFFFE0] =	vst v8;
	v21 =	vperm.xlane v20, v3  }
0x18c: {  	v9 =	vsel vm0, s0, v9;
	[tilespmem:s25+$0xFFFFFFF0] =	vst v17  }
0x18d: {  	[tilespmem:s31+$0xFFFFFFF0] =	vst v9;
	v20 =	vmin.f32 v20, v21  }
0x18e: {  	v11 =	vsel vm3, s0, v11;
	[tilespmem:s25+$0x0] =	vst v15;
	vm13 =	veq.f32 v14, v20  }
0x18f: {  	[tilespmem:s31+$0x0] =	vst v11;
	vm14 =	veq.f32 v15, v20;
	v21 =	vnsel vm13, $0x40, v5  }
0x190: {  	v10 =	vsel vm1, s0, v10;
	[tilespmem:s25+$0x10] =	vst v14;
	vm15 =	veq.f32 v17, v20;
	v21 =	vsel vm14, v6, v21  }
0x191: {  	s1 =	simm.s32 $0x0;
	[tilespmem:s31+$0x10] =	vst v10;
	vm4 =	veq.f32 v12, v20;
	v21 =	vsel vm15, v7, v21  }
0x192: {  	[hbm4b:s9+s1] =	stream.linear.scatter [tilespmem:s22], [sflag:$0x1], $0x8000, $0x38;
	v21 =	vsel vm4, v4, v21;
	[tilespmem:$0x11000] =	vst v63  }
0x193: {  	_ =	swait.ge [sflag:s21], $0x8000;
	v22 =	vperm.xlane v21, v0  }
0x194: {  	[sflag:s21] =	ssyncset.done $0x0  }
0x195: {  	[sflag:s21] =	ssyncadd.s32 $0xFFFF8000;
	vm5 =	vlt.s32 v21, v22  }
0x196: {  	[hbm4b:s10+s1] =	stream.linear.scatter [tilespmem:s23], [sflag:$0x1], $0x8000, $0x38;
	v21 =	vsel vm5, v21, v22;
	[tilespmem:$0x11000] =	vst v63  }
0x197: {  	_ =	swait.ge [sflag:s21], $0x8000;
	v22 =	vperm.xlane v21, v1  }
0x198: {  	s31 =	simm.s32 $0x600;
	[sflag:s21] =	ssyncset.done $0x0  }
0x199: {  	s26 =	sand.u32 $0x7F0, s31;
	[sflag:s21] =	ssyncadd.s32 $0xFFFF8000;
	vm0 =	vlt.s32 v21, v22  }
0x19a: {  	v23 =	vld [tilespmem:s26+$0x0];
	v21 =	vsel vm0, v21, v22  }
0x19b: {  	v22 =	vperm.xlane v21, v2;
	_ =	sdelay $0x1  }
0x19c: {  	vm0 =	vlt.s32 v21, v22  }
0x19d: {  	v19 =	vadd.f32 $1.000000000e+00, v19;
	v21 =	vsel vm0, v21, v22;
	v22 =	vmov s1  }
0x19e: {  	v16 =	vadd.f32 $1.000000000e+00, v16;
	v22 =	vperm.xlane v23, v22;
	v23 =	vperm.xlane v21, v3  }
0x19f: {  	v18 =	vadd.f32 $1.000000000e+00, v18;
	v13 =	vadd.f32 $1.000000000e+00, v13  }
0x1a0: {  	vm6 =	vle.f32 v20, $0.0e+00;
	vm7 =	vlt.s32 v21, v23;
	vm8 =	vgt.f32 v22, $1.000000010e-01  }
0x1a1: {  	v20 =	vsel vm7, v21, v23;
	vm0 =	vmor vm8, vm6;
	v21 =	vmax.f32 v22, $1.000000010e-01  }
0x1a2: {  	s31 =	scvt.s32.f32 s31;
	vm1 =	veq.s32 v20, v4;
	vm9 =	veq.s32 v20, v7;
	vm10 =	veq.s32 v20, v6  }
0x1a3: {  	vm11 =	veq.s32 v20, v5;
	vm1 =	vmand vm1, vm0;
	vm2 =	vmand vm9, vm0  }
0x1a4: {  	vm3 =	vmand vm10, vm0;
	vm0 =	vmand vm11, vm0;
	v8 =	vsel vm1, s31, v8  }
0x1a5: {  	v17 =	vsel vm2, v21, v17;
	v13 =	vsel vm2, $0x3F800000, v13;
	v12 =	vsel vm1, v21, v12  }
0x1a6: {  	v16 =	vsel vm1, $0x3F800000, v16;
	v15 =	vsel vm3, v21, v15;
	v22 =	vmul.f32 $8.999999760e-01, v12  }
0x1a7: {  	v14 =	vsel vm0, v21, v14;
	v18 =	vsel vm0, $0x3F800000, v18;
	vm13 =	vgt.f32 v16, $5.000000000e+01  }
0x1a8: {  	s25 =	simm.s32 $0x1020;
	v19 =	vsel vm3, $0x3F800000, v19;
	v20 =	vmul.f32 $8.999999760e-01, v17;
	v12 =	vsel vm13, v22, v12  }
0x1a9: {  	s26 =	simm.s32 $0x9020;
	vm12 =	vgt.f32 v13, $5.000000000e+01;
	v21 =	vmul.f32 $8.999999760e-01, v15;
	v22 =	vmul.f32 $8.999999760e-01, v14;
	[tilespmem:s25+$0xFFFFFFE0] =	vst v12  }
0x1aa: {  	vm14 =	vgt.f32 v19, $5.000000000e+01;
	vm15 =	vgt.f32 v18, $5.000000000e+01;
	v17 =	vsel vm12, v20, v17;
	[tilespmem:s26+$0xFFFFFFE0] =	vst v8  }
0x1ab: {  	v9 =	vsel vm2, s31, v9;
	v15 =	vsel vm14, v21, v15;
	v14 =	vsel vm15, v22, v14;
	[tilespmem:s25+$0xFFFFFFF0] =	vst v17  }
0x1ac: {  	v20 =	vmin.f32 v12, v17;
	v21 =	vmin.f32 v15, v14;
	[tilespmem:s26+$0xFFFFFFF0] =	vst v9  }
0x1ad: {  	v11 =	vsel vm3, s31, v11;
	v20 =	vmin.f32 v20, v21;
	[tilespmem:s25+$0x0] =	vst v15  }
0x1ae: {  	s30 =	simm.s32 $0x2;
	s29 =	simm.s32 $0x9020;
	s28 =	simm.s32 $0x1;
	v10 =	vsel vm0, s31, v10;
	v21 =	vperm.xlane v20, v0;
	[tilespmem:s26+$0x0] =	vst v11  }
.LBB2_9:
0x1af: {  	p0 =	sne.s32 s30, $0x1FF;
	[tilespmem:s25+$0x10] =	vst v14;
	s25 =	sadd.s32 $0x40, s25;
	s26 =	sadd.s32 $0x40, s26  }
0x1b0: {  	s0 =	smov.u32 s30;
	s30 =	sadd.s32 $0x1, s30;
	v20 =	vmin.f32 v20, v21;
	[tilespmem:s29+$0x10] =	vst v10;
	s29 =	smov.u32 s26  }
0x1b1: {  	v21 =	vperm.xlane v20, v1;
	_ =	sdelay $0x1  }
0x1b2: {  	v20 =	vmin.f32 v20, v21  }
0x1b3: {  	v21 =	vperm.xlane v20, v2;
	_ =	sdelay $0x1  }
0x1b4: {  	v20 =	vmin.f32 v20, v21  }
0x1b5: {  	v21 =	vperm.xlane v20, v3;
	_ =	sdelay $0x1  }
0x1b6: {  	v20 =	vmin.f32 v20, v21  }
0x1b7: {  	vm1 =	veq.f32 v15, v20;
	vm2 =	veq.f32 v14, v20;
	vm0 =	vle.f32 v20, $0.0e+00  }
0x1b8: {  	v21 =	vnsel vm2, $0x40, v5  }
0x1b9: {  	vm2 =	veq.f32 v17, v20;
	v21 =	vsel vm1, v6, v21  }
0x1ba: {  	vm1 =	veq.f32 v12, v20;
	v20 =	vsel vm2, v7, v21  }
0x1bb: {  	v20 =	vsel vm1, v4, v20  }
0x1bc: {  	v21 =	vperm.xlane v20, v0;
	_ =	sdelay $0x1  }
0x1bd: {  	vm1 =	vlt.s32 v20, v21  }
0x1be: {  	v20 =	vsel vm1, v20, v21  }
0x1bf: {  	v21 =	vperm.xlane v20, v1  }
0x1c0: {  	s1 =	sadd.s32 $0x600, s28  }
0x1c1: {  	s31 =	sand.u32 $0x7F0, s1;
	vm1 =	vlt.s32 v20, v21  }
0x1c2: {  	v22 =	vld [tilespmem:s31+$0x0];
	v20 =	vsel vm1, v20, v21  }
0x1c3: {  	v21 =	vperm.xlane v20, v2;
	_ =	sdelay $0x1  }
0x1c4: {  	vm1 =	vlt.s32 v20, v21  }
0x1c5: {  	v23 =	vmov s28;
	s28 =	smov.u32 s0;
	v20 =	vsel vm1, v20, v21  }
0x1c6: {  	v19 =	vadd.f32 $1.000000000e+00, v19;
	v21 =	vperm.xlane v22, v23;
	v22 =	vperm.xlane v20, v3  }
0x1c7: {  	v16 =	vadd.f32 $1.000000000e+00, v16;
	v18 =	vadd.f32 $1.000000000e+00, v18  }
0x1c8: {  	v13 =	vadd.f32 $1.000000000e+00, v13;
	vm1 =	vlt.s32 v20, v22;
	vm2 =	vgt.f32 v21, $1.000000010e-01  }
0x1c9: {  	v21 =	vmax.f32 v21, $1.000000010e-01;
	v20 =	vsel vm1, v20, v22;
	vm1 =	vmor vm2, vm0  }
0x1ca: {  	s0 =	scvt.s32.f32 s1;
	vm0 =	veq.s32 v20, v4;
	vm2 =	veq.s32 v20, v7;
	vm3 =	veq.s32 v20, v6  }
0x1cb: {  	vm4 =	vmand vm0, vm1;
	vm0 =	vmand vm2, vm1;
	vm2 =	veq.s32 v20, v5  }
0x1cc: {  	v8 =	vsel vm4, s0, v8;
	v17 =	vsel vm0, v21, v17;
	v13 =	vsel vm0, $0x3F800000, v13  }
0x1cd: {  	v12 =	vsel vm4, v21, v12;
	v16 =	vsel vm4, $0x3F800000, v16;
	v20 =	vmul.f32 $8.999999760e-01, v17  }
0x1ce: {  	vm3 =	vmand vm3, vm1;
	v22 =	vmul.f32 $8.999999760e-01, v12;
	vm4 =	vgt.f32 v13, $5.000000000e+01  }
0x1cf: {  	v15 =	vsel vm3, v21, v15;
	vm1 =	vmand vm2, vm1;
	vm5 =	vgt.f32 v16, $5.000000000e+01  }
0x1d0: {  	v14 =	vsel vm1, v21, v14;
	v18 =	vsel vm1, $0x3F800000, v18;
	v12 =	vsel vm5, v22, v12  }
0x1d1: {  	v19 =	vsel vm3, $0x3F800000, v19;
	v21 =	vmul.f32 $8.999999760e-01, v15;
	v22 =	vmul.f32 $8.999999760e-01, v14;
	[tilespmem:s25+$0xFFFFFFE0] =	vst v12  }
.Ltmp4:
0x1d2: {  	vm2 =	vgt.f32 v19, $5.000000000e+01;
	v17 =	vsel vm4, v20, v17;
	vm4 =	vgt.f32 v18, $5.000000000e+01;
	[tilespmem:s26+$0xFFFFFFE0] =	vst v8;
	(pc) =	sbr.rel @p0 .LBB2_9-.Ltmp4, $4  }
0x1d3: {  	v9 =	vsel vm0, s0, v9;
	v15 =	vsel vm2, v21, v15;
	v14 =	vsel vm4, v22, v14;
	[tilespmem:s25+$0xFFFFFFF0] =	vst v17  }
0x1d4: {  	v10 =	vsel vm1, s0, v10;
	v20 =	vmin.f32 v12, v17;
	v21 =	vmin.f32 v15, v14;
	[tilespmem:s26+$0xFFFFFFF0] =	vst v9  }
0x1d5: {  	v11 =	vsel vm3, s0, v11;
	v20 =	vmin.f32 v20, v21;
	[tilespmem:s25+$0x0] =	vst v15  }
0x1d6: {  	v21 =	vperm.xlane v20, v0;
	[tilespmem:s26+$0x0] =	vst v11  }
0x1d7: {  	_ = 	snop  }
0x1d8: {  	v20 =	vmin.f32 v20, v21  }
0x1d9: {  	v21 =	vperm.xlane v20, v1;
	_ =	sdelay $0x1  }
0x1da: {  	v20 =	vmin.f32 v20, v21  }
0x1db: {  	v21 =	vperm.xlane v20, v2;
	_ =	sdelay $0x1  }
0x1dc: {  	v20 =	vmin.f32 v20, v21  }
0x1dd: {  	v21 =	vperm.xlane v20, v3;
	_ =	sdelay $0x1  }
0x1de: {  	v20 =	vmin.f32 v20, v21  }
0x1df: {  	vm0 =	veq.f32 v14, v20  }
0x1e0: {  	vm1 =	veq.f32 v15, v20;
	v21 =	vnsel vm0, $0x40, v5  }
0x1e1: {  	vm10 =	veq.f32 v17, v20;
	v21 =	vsel vm1, v6, v21  }
0x1e2: {  	vm11 =	veq.f32 v12, v20;
	v21 =	vsel vm10, v7, v21  }
0x1e3: {  	v21 =	vsel vm11, v4, v21  }
0x1e4: {  	v22 =	vperm.xlane v21, v0;
	_ =	sdelay $0x1  }
0x1e5: {  	vm12 =	vlt.s32 v21, v22  }
0x1e6: {  	v21 =	vsel vm12, v21, v22  }
0x1e7: {  	v22 =	vperm.xlane v21, v1;
	_ =	sdelay $0x1  }
0x1e8: {  	[tilespmem:s25+$0x10] =	vst v14;
	s0 =	sadd.s32 $0x600, s28;
	vm0 =	vlt.s32 v21, v22  }
0x1e9: {  	[tilespmem:s29+$0x10] =	vst v10;
	s1 =	sand.u32 $0x7F0, s0;
	v21 =	vsel vm0, v21, v22  }
0x1ea: {  	v22 =	vld [tilespmem:s1+$0x0];
	v23 =	vperm.xlane v21, v2;
	_ =	sdelay $0x1  }
0x1eb: {  	vm0 =	vlt.s32 v21, v23  }
0x1ec: {  	v21 =	vsel vm0, v21, v23  }
0x1ed: {  	v23 =	vmov s28;
	v24 =	vperm.xlane v21, v3  }
0x1ee: {  	v19 =	vadd.f32 $1.000000000e+00, v19;
	vm13 =	vle.f32 v20, $0.0e+00;
	v20 =	vperm.xlane v22, v23  }
0x1ef: {  	v16 =	vadd.f32 $1.000000000e+00, v16;
	v18 =	vadd.f32 $1.000000000e+00, v18;
	vm14 =	vlt.s32 v21, v24  }
0x1f0: {  	v13 =	vadd.f32 $1.000000000e+00, v13;
	vm2 =	vgt.f32 v20, $1.000000010e-01;
	v21 =	vsel vm14, v21, v24  }
0x1f1: {  	v20 =	vmax.f32 v20, $1.000000010e-01;
	vm15 =	vmor vm2, vm13;
	vm9 =	veq.s32 v21, v7  }
0x1f2: {  	vm10 =	veq.s32 v21, v4;
	vm3 =	veq.s32 v21, v6;
	vm4 =	veq.s32 v21, v5  }
0x1f3: {  	vm0 =	vmand vm9, vm15;
	vm2 =	vmand vm10, vm15;
	vm3 =	vmand vm3, vm15  }
0x1f4: {  	vm1 =	vmand vm4, vm15;
	v17 =	vsel vm0, v20, v17;
	v13 =	vsel vm0, $0x3F800000, v13  }
0x1f5: {  	v12 =	vsel vm2, v20, v12;
	v16 =	vsel vm2, $0x3F800000, v16;
	v15 =	vsel vm3, v20, v15  }
0x1f6: {  	v14 =	vsel vm1, v20, v14;
	v18 =	vsel vm1, $0x3F800000, v18;
	v19 =	vsel vm3, $0x3F800000, v19  }
0x1f7: {  	v21 =	vmul.f32 $8.999999760e-01, v17;
	v22 =	vmul.f32 $8.999999760e-01, v12;
	vm5 =	vgt.f32 v13, $5.000000000e+01  }
0x1f8: {  	vm6 =	vgt.f32 v16, $5.000000000e+01;
	v20 =	vmul.f32 $8.999999760e-01, v15;
	v23 =	vmul.f32 $8.999999760e-01, v14  }
0x1f9: {  	vm11 =	vgt.f32 v19, $5.000000000e+01;
	vm12 =	vgt.f32 v18, $5.000000000e+01;
	v12 =	vsel vm6, v22, v12  }
0x1fa: {  	v17 =	vsel vm5, v21, v17;
	v15 =	vsel vm11, v20, v15;
	v14 =	vsel vm12, v23, v14  }
0x1fb: {  	v20 =	vmin.f32 v12, v17;
	v21 =	vmin.f32 v15, v14  }
0x1fc: {  	v20 =	vmin.f32 v20, v21  }
0x1fd: {  	v21 =	vperm.xlane v20, v0;
	_ =	sdelay $0x1  }
0x1fe: {  	v20 =	vmin.f32 v20, v21  }
0x1ff: {  	v21 =	vperm.xlane v20, v1;
	_ =	sdelay $0x1  }
0x200: {  	v20 =	vmin.f32 v20, v21  }
0x201: {  	s0 =	scvt.s32.f32 s0;
	v21 =	vperm.xlane v20, v2  }
0x202: {  	s25 =	sadd.s32 $0x40, s25  }
0x203: {  	s31 =	sadd.s32 $0x40, s26;
	v8 =	vsel vm2, s0, v8;
	[tilespmem:s25+$0xFFFFFFE0] =	vst v12;
	v20 =	vmin.f32 v20, v21  }
0x204: {  	[tilespmem:s31+$0xFFFFFFE0] =	vst v8;
	v21 =	vperm.xlane v20, v3  }
0x205: {  	v9 =	vsel vm0, s0, v9;
	[tilespmem:s25+$0xFFFFFFF0] =	vst v17  }
0x206: {  	[tilespmem:s31+$0xFFFFFFF0] =	vst v9;
	v20 =	vmin.f32 v20, v21  }
0x207: {  	v11 =	vsel vm3, s0, v11;
	[tilespmem:s25+$0x0] =	vst v15;
	vm13 =	veq.f32 v14, v20  }
0x208: {  	[tilespmem:s31+$0x0] =	vst v11;
	vm14 =	veq.f32 v15, v20;
	v21 =	vnsel vm13, $0x40, v5  }
0x209: {  	v10 =	vsel vm1, s0, v10;
	[tilespmem:s25+$0x10] =	vst v14;
	vm15 =	veq.f32 v17, v20;
	v21 =	vsel vm14, v6, v21  }
0x20a: {  	s1 =	simm.s32 $0x0;
	[tilespmem:s31+$0x10] =	vst v10;
	vm4 =	veq.f32 v12, v20;
	v21 =	vsel vm15, v7, v21  }
0x20b: {  	[hbm4b:s11+s1] =	stream.linear.scatter [tilespmem:s22], [sflag:$0x1], $0x8000, $0x38;
	v21 =	vsel vm4, v4, v21;
	[tilespmem:$0x11000] =	vst v63  }
0x20c: {  	_ =	swait.ge [sflag:s21], $0x8000;
	v22 =	vperm.xlane v21, v0  }
0x20d: {  	[sflag:s21] =	ssyncset.done $0x0  }
0x20e: {  	[sflag:s21] =	ssyncadd.s32 $0xFFFF8000;
	vm5 =	vlt.s32 v21, v22  }
0x20f: {  	[hbm4b:s12+s1] =	stream.linear.scatter [tilespmem:s23], [sflag:$0x1], $0x8000, $0x38;
	v21 =	vsel vm5, v21, v22;
	[tilespmem:$0x11000] =	vst v63  }
0x210: {  	_ =	swait.ge [sflag:s21], $0x8000;
	v22 =	vperm.xlane v21, v1  }
0x211: {  	s31 =	simm.s32 $0x800;
	[sflag:s21] =	ssyncset.done $0x0  }
0x212: {  	s26 =	sand.u32 $0x9F0, s31;
	[sflag:s21] =	ssyncadd.s32 $0xFFFF8000;
	vm0 =	vlt.s32 v21, v22  }
0x213: {  	v23 =	vld [tilespmem:s26+$0x0];
	v21 =	vsel vm0, v21, v22  }
0x214: {  	v22 =	vperm.xlane v21, v2;
	_ =	sdelay $0x1  }
0x215: {  	vm0 =	vlt.s32 v21, v22  }
0x216: {  	v19 =	vadd.f32 $1.000000000e+00, v19;
	v21 =	vsel vm0, v21, v22;
	v22 =	vmov s1  }
0x217: {  	v16 =	vadd.f32 $1.000000000e+00, v16;
	v22 =	vperm.xlane v23, v22;
	v23 =	vperm.xlane v21, v3  }
0x218: {  	v18 =	vadd.f32 $1.000000000e+00, v18;
	v13 =	vadd.f32 $1.000000000e+00, v13  }
0x219: {  	vm6 =	vle.f32 v20, $0.0e+00;
	vm7 =	vlt.s32 v21, v23;
	vm8 =	vgt.f32 v22, $1.000000010e-01  }
0x21a: {  	v20 =	vsel vm7, v21, v23;
	vm0 =	vmor vm8, vm6;
	v21 =	vmax.f32 v22, $1.000000010e-01  }
0x21b: {  	s31 =	scvt.s32.f32 s31;
	vm1 =	veq.s32 v20, v4;
	vm9 =	veq.s32 v20, v7;
	vm10 =	veq.s32 v20, v6  }
0x21c: {  	vm11 =	veq.s32 v20, v5;
	vm1 =	vmand vm1, vm0;
	vm2 =	vmand vm9, vm0  }
0x21d: {  	vm3 =	vmand vm10, vm0;
	vm0 =	vmand vm11, vm0;
	v8 =	vsel vm1, s31, v8  }
0x21e: {  	v17 =	vsel vm2, v21, v17;
	v13 =	vsel vm2, $0x3F800000, v13;
	v12 =	vsel vm1, v21, v12  }
0x21f: {  	v16 =	vsel vm1, $0x3F800000, v16;
	v15 =	vsel vm3, v21, v15;
	v22 =	vmul.f32 $8.999999760e-01, v12  }
0x220: {  	v14 =	vsel vm0, v21, v14;
	v18 =	vsel vm0, $0x3F800000, v18;
	vm13 =	vgt.f32 v16, $5.000000000e+01  }
0x221: {  	s25 =	simm.s32 $0x1020;
	v19 =	vsel vm3, $0x3F800000, v19;
	v20 =	vmul.f32 $8.999999760e-01, v17;
	v12 =	vsel vm13, v22, v12  }
0x222: {  	s26 =	simm.s32 $0x9020;
	vm12 =	vgt.f32 v13, $5.000000000e+01;
	v21 =	vmul.f32 $8.999999760e-01, v15;
	v22 =	vmul.f32 $8.999999760e-01, v14;
	[tilespmem:s25+$0xFFFFFFE0] =	vst v12  }
0x223: {  	vm14 =	vgt.f32 v19, $5.000000000e+01;
	vm15 =	vgt.f32 v18, $5.000000000e+01;
	v17 =	vsel vm12, v20, v17;
	[tilespmem:s26+$0xFFFFFFE0] =	vst v8  }
0x224: {  	v9 =	vsel vm2, s31, v9;
	v15 =	vsel vm14, v21, v15;
	v14 =	vsel vm15, v22, v14;
	[tilespmem:s25+$0xFFFFFFF0] =	vst v17  }
0x225: {  	v20 =	vmin.f32 v12, v17;
	v21 =	vmin.f32 v15, v14;
	[tilespmem:s26+$0xFFFFFFF0] =	vst v9  }
0x226: {  	v11 =	vsel vm3, s31, v11;
	v20 =	vmin.f32 v20, v21;
	[tilespmem:s25+$0x0] =	vst v15  }
0x227: {  	s30 =	simm.s32 $0x2;
	s29 =	simm.s32 $0x9020;
	s28 =	simm.s32 $0x1;
	v10 =	vsel vm0, s31, v10;
	v21 =	vperm.xlane v20, v0;
	[tilespmem:s26+$0x0] =	vst v11  }
.LBB2_11:
0x228: {  	p0 =	sne.s32 s30, $0x1FF;
	[tilespmem:s25+$0x10] =	vst v14;
	s25 =	sadd.s32 $0x40, s25;
	s26 =	sadd.s32 $0x40, s26  }
0x229: {  	s0 =	smov.u32 s30;
	s30 =	sadd.s32 $0x1, s30;
	v20 =	vmin.f32 v20, v21;
	[tilespmem:s29+$0x10] =	vst v10;
	s29 =	smov.u32 s26  }
0x22a: {  	v21 =	vperm.xlane v20, v1;
	_ =	sdelay $0x1  }
0x22b: {  	v20 =	vmin.f32 v20, v21  }
0x22c: {  	v21 =	vperm.xlane v20, v2;
	_ =	sdelay $0x1  }
0x22d: {  	v20 =	vmin.f32 v20, v21  }
0x22e: {  	v21 =	vperm.xlane v20, v3;
	_ =	sdelay $0x1  }
0x22f: {  	v20 =	vmin.f32 v20, v21  }
0x230: {  	vm1 =	veq.f32 v15, v20;
	vm2 =	veq.f32 v14, v20;
	vm0 =	vle.f32 v20, $0.0e+00  }
0x231: {  	v21 =	vnsel vm2, $0x40, v5  }
0x232: {  	vm2 =	veq.f32 v17, v20;
	v21 =	vsel vm1, v6, v21  }
0x233: {  	vm1 =	veq.f32 v12, v20;
	v20 =	vsel vm2, v7, v21  }
0x234: {  	v20 =	vsel vm1, v4, v20  }
0x235: {  	v21 =	vperm.xlane v20, v0;
	_ =	sdelay $0x1  }
0x236: {  	vm1 =	vlt.s32 v20, v21  }
0x237: {  	v20 =	vsel vm1, v20, v21  }
0x238: {  	v21 =	vperm.xlane v20, v1  }
0x239: {  	s1 =	sadd.s32 $0x800, s28  }
0x23a: {  	s31 =	sand.u32 $0x9F0, s1;
	vm1 =	vlt.s32 v20, v21  }
0x23b: {  	v22 =	vld [tilespmem:s31+$0x0];
	v20 =	vsel vm1, v20, v21  }
0x23c: {  	v21 =	vperm.xlane v20, v2;
	_ =	sdelay $0x1  }
0x23d: {  	vm1 =	vlt.s32 v20, v21  }
0x23e: {  	v23 =	vmov s28;
	s28 =	smov.u32 s0;
	v20 =	vsel vm1, v20, v21  }
0x23f: {  	v19 =	vadd.f32 $1.000000000e+00, v19;
	v21 =	vperm.xlane v22, v23;
	v22 =	vperm.xlane v20, v3  }
0x240: {  	v16 =	vadd.f32 $1.000000000e+00, v16;
	v18 =	vadd.f32 $1.000000000e+00, v18  }
0x241: {  	v13 =	vadd.f32 $1.000000000e+00, v13;
	vm1 =	vlt.s32 v20, v22;
	vm2 =	vgt.f32 v21, $1.000000010e-01  }
0x242: {  	v21 =	vmax.f32 v21, $1.000000010e-01;
	v20 =	vsel vm1, v20, v22;
	vm1 =	vmor vm2, vm0  }
0x243: {  	s0 =	scvt.s32.f32 s1;
	vm0 =	veq.s32 v20, v4;
	vm2 =	veq.s32 v20, v7;
	vm3 =	veq.s32 v20, v6  }
0x244: {  	vm4 =	vmand vm0, vm1;
	vm0 =	vmand vm2, vm1;
	vm2 =	veq.s32 v20, v5  }
0x245: {  	v8 =	vsel vm4, s0, v8;
	v17 =	vsel vm0, v21, v17;
	v13 =	vsel vm0, $0x3F800000, v13  }
0x246: {  	v12 =	vsel vm4, v21, v12;
	v16 =	vsel vm4, $0x3F800000, v16;
	v20 =	vmul.f32 $8.999999760e-01, v17  }
0x247: {  	vm3 =	vmand vm3, vm1;
	v22 =	vmul.f32 $8.999999760e-01, v12;
	vm4 =	vgt.f32 v13, $5.000000000e+01  }
0x248: {  	v15 =	vsel vm3, v21, v15;
	vm1 =	vmand vm2, vm1;
	vm5 =	vgt.f32 v16, $5.000000000e+01  }
0x249: {  	v14 =	vsel vm1, v21, v14;
	v18 =	vsel vm1, $0x3F800000, v18;
	v12 =	vsel vm5, v22, v12  }
0x24a: {  	v19 =	vsel vm3, $0x3F800000, v19;
	v21 =	vmul.f32 $8.999999760e-01, v15;
	v22 =	vmul.f32 $8.999999760e-01, v14;
	[tilespmem:s25+$0xFFFFFFE0] =	vst v12  }
.Ltmp5:
0x24b: {  	vm2 =	vgt.f32 v19, $5.000000000e+01;
	v17 =	vsel vm4, v20, v17;
	vm4 =	vgt.f32 v18, $5.000000000e+01;
	[tilespmem:s26+$0xFFFFFFE0] =	vst v8;
	(pc) =	sbr.rel @p0 .LBB2_11-.Ltmp5, $4  }
0x24c: {  	v9 =	vsel vm0, s0, v9;
	v15 =	vsel vm2, v21, v15;
	v14 =	vsel vm4, v22, v14;
	[tilespmem:s25+$0xFFFFFFF0] =	vst v17  }
0x24d: {  	v10 =	vsel vm1, s0, v10;
	v20 =	vmin.f32 v12, v17;
	v21 =	vmin.f32 v15, v14;
	[tilespmem:s26+$0xFFFFFFF0] =	vst v9  }
0x24e: {  	v11 =	vsel vm3, s0, v11;
	v20 =	vmin.f32 v20, v21;
	[tilespmem:s25+$0x0] =	vst v15  }
0x24f: {  	v21 =	vperm.xlane v20, v0;
	[tilespmem:s26+$0x0] =	vst v11  }
0x250: {  	_ = 	snop  }
0x251: {  	v20 =	vmin.f32 v20, v21  }
0x252: {  	v21 =	vperm.xlane v20, v1;
	_ =	sdelay $0x1  }
0x253: {  	v20 =	vmin.f32 v20, v21  }
0x254: {  	v21 =	vperm.xlane v20, v2;
	_ =	sdelay $0x1  }
0x255: {  	v20 =	vmin.f32 v20, v21  }
0x256: {  	v21 =	vperm.xlane v20, v3;
	_ =	sdelay $0x1  }
0x257: {  	v20 =	vmin.f32 v20, v21  }
0x258: {  	vm0 =	veq.f32 v14, v20  }
0x259: {  	vm1 =	veq.f32 v15, v20;
	v21 =	vnsel vm0, $0x40, v5  }
0x25a: {  	vm10 =	veq.f32 v17, v20;
	v21 =	vsel vm1, v6, v21  }
0x25b: {  	vm11 =	veq.f32 v12, v20;
	v21 =	vsel vm10, v7, v21  }
0x25c: {  	v21 =	vsel vm11, v4, v21  }
0x25d: {  	v22 =	vperm.xlane v21, v0;
	_ =	sdelay $0x1  }
0x25e: {  	vm12 =	vlt.s32 v21, v22  }
0x25f: {  	v21 =	vsel vm12, v21, v22  }
0x260: {  	v22 =	vperm.xlane v21, v1;
	_ =	sdelay $0x1  }
0x261: {  	[tilespmem:s25+$0x10] =	vst v14;
	s0 =	sadd.s32 $0x800, s28;
	vm0 =	vlt.s32 v21, v22  }
0x262: {  	[tilespmem:s29+$0x10] =	vst v10;
	s1 =	sand.u32 $0x9F0, s0;
	v21 =	vsel vm0, v21, v22  }
0x263: {  	v22 =	vld [tilespmem:s1+$0x0];
	v23 =	vperm.xlane v21, v2;
	_ =	sdelay $0x1  }
0x264: {  	vm0 =	vlt.s32 v21, v23  }
0x265: {  	v21 =	vsel vm0, v21, v23  }
0x266: {  	v23 =	vmov s28;
	v24 =	vperm.xlane v21, v3  }
0x267: {  	v19 =	vadd.f32 $1.000000000e+00, v19;
	vm13 =	vle.f32 v20, $0.0e+00;
	v20 =	vperm.xlane v22, v23  }
0x268: {  	v16 =	vadd.f32 $1.000000000e+00, v16;
	v18 =	vadd.f32 $1.000000000e+00, v18;
	vm14 =	vlt.s32 v21, v24  }
0x269: {  	v13 =	vadd.f32 $1.000000000e+00, v13;
	vm2 =	vgt.f32 v20, $1.000000010e-01;
	v21 =	vsel vm14, v21, v24  }
0x26a: {  	v20 =	vmax.f32 v20, $1.000000010e-01;
	vm15 =	vmor vm2, vm13;
	vm9 =	veq.s32 v21, v7  }
0x26b: {  	vm10 =	veq.s32 v21, v4;
	vm3 =	veq.s32 v21, v6;
	vm4 =	veq.s32 v21, v5  }
0x26c: {  	vm0 =	vmand vm9, vm15;
	vm2 =	vmand vm10, vm15;
	vm3 =	vmand vm3, vm15  }
0x26d: {  	vm1 =	vmand vm4, vm15;
	v17 =	vsel vm0, v20, v17;
	v13 =	vsel vm0, $0x3F800000, v13  }
0x26e: {  	v12 =	vsel vm2, v20, v12;
	v16 =	vsel vm2, $0x3F800000, v16;
	v15 =	vsel vm3, v20, v15  }
0x26f: {  	v14 =	vsel vm1, v20, v14;
	v18 =	vsel vm1, $0x3F800000, v18;
	v19 =	vsel vm3, $0x3F800000, v19  }
0x270: {  	v21 =	vmul.f32 $8.999999760e-01, v17;
	v22 =	vmul.f32 $8.999999760e-01, v12;
	vm5 =	vgt.f32 v13, $5.000000000e+01  }
0x271: {  	vm6 =	vgt.f32 v16, $5.000000000e+01;
	v20 =	vmul.f32 $8.999999760e-01, v15;
	v23 =	vmul.f32 $8.999999760e-01, v14  }
0x272: {  	vm11 =	vgt.f32 v19, $5.000000000e+01;
	vm12 =	vgt.f32 v18, $5.000000000e+01;
	v12 =	vsel vm6, v22, v12  }
0x273: {  	v17 =	vsel vm5, v21, v17;
	v15 =	vsel vm11, v20, v15;
	v14 =	vsel vm12, v23, v14  }
0x274: {  	v20 =	vmin.f32 v12, v17;
	v21 =	vmin.f32 v15, v14  }
0x275: {  	v20 =	vmin.f32 v20, v21  }
0x276: {  	v21 =	vperm.xlane v20, v0;
	_ =	sdelay $0x1  }
0x277: {  	v20 =	vmin.f32 v20, v21  }
0x278: {  	v21 =	vperm.xlane v20, v1;
	_ =	sdelay $0x1  }
0x279: {  	v20 =	vmin.f32 v20, v21  }
0x27a: {  	s0 =	scvt.s32.f32 s0;
	v21 =	vperm.xlane v20, v2  }
0x27b: {  	s25 =	sadd.s32 $0x40, s25  }
0x27c: {  	s31 =	sadd.s32 $0x40, s26;
	v8 =	vsel vm2, s0, v8;
	[tilespmem:s25+$0xFFFFFFE0] =	vst v12;
	v20 =	vmin.f32 v20, v21  }
0x27d: {  	[tilespmem:s31+$0xFFFFFFE0] =	vst v8;
	v21 =	vperm.xlane v20, v3  }
0x27e: {  	v9 =	vsel vm0, s0, v9;
	[tilespmem:s25+$0xFFFFFFF0] =	vst v17  }
0x27f: {  	[tilespmem:s31+$0xFFFFFFF0] =	vst v9;
	v20 =	vmin.f32 v20, v21  }
0x280: {  	v11 =	vsel vm3, s0, v11;
	[tilespmem:s25+$0x0] =	vst v15;
	vm13 =	veq.f32 v14, v20  }
0x281: {  	[tilespmem:s31+$0x0] =	vst v11;
	vm14 =	veq.f32 v15, v20;
	v21 =	vnsel vm13, $0x40, v5  }
0x282: {  	v10 =	vsel vm1, s0, v10;
	[tilespmem:s25+$0x10] =	vst v14;
	vm15 =	veq.f32 v17, v20;
	v21 =	vsel vm14, v6, v21  }
0x283: {  	s1 =	simm.s32 $0x0;
	[tilespmem:s31+$0x10] =	vst v10;
	vm4 =	veq.f32 v12, v20;
	v21 =	vsel vm15, v7, v21  }
0x284: {  	[hbm4b:s13+s1] =	stream.linear.scatter [tilespmem:s22], [sflag:$0x1], $0x8000, $0x38;
	v21 =	vsel vm4, v4, v21;
	[tilespmem:$0x11000] =	vst v63  }
0x285: {  	_ =	swait.ge [sflag:s21], $0x8000;
	v22 =	vperm.xlane v21, v0  }
0x286: {  	[sflag:s21] =	ssyncset.done $0x0  }
0x287: {  	[sflag:s21] =	ssyncadd.s32 $0xFFFF8000;
	vm5 =	vlt.s32 v21, v22  }
0x288: {  	[hbm4b:s14+s1] =	stream.linear.scatter [tilespmem:s23], [sflag:$0x1], $0x8000, $0x38;
	v21 =	vsel vm5, v21, v22;
	[tilespmem:$0x11000] =	vst v63  }
0x289: {  	_ =	swait.ge [sflag:s21], $0x8000;
	v22 =	vperm.xlane v21, v1  }
0x28a: {  	s31 =	simm.s32 $0xA00;
	[sflag:s21] =	ssyncset.done $0x0  }
0x28b: {  	s26 =	sand.u32 $0xBF0, s31;
	[sflag:s21] =	ssyncadd.s32 $0xFFFF8000;
	vm0 =	vlt.s32 v21, v22  }
0x28c: {  	v23 =	vld [tilespmem:s26+$0x0];
	v21 =	vsel vm0, v21, v22  }
0x28d: {  	v22 =	vperm.xlane v21, v2;
	_ =	sdelay $0x1  }
0x28e: {  	vm0 =	vlt.s32 v21, v22  }
0x28f: {  	v19 =	vadd.f32 $1.000000000e+00, v19;
	v21 =	vsel vm0, v21, v22;
	v22 =	vmov s1  }
0x290: {  	v16 =	vadd.f32 $1.000000000e+00, v16;
	v22 =	vperm.xlane v23, v22;
	v23 =	vperm.xlane v21, v3  }
0x291: {  	v18 =	vadd.f32 $1.000000000e+00, v18;
	v13 =	vadd.f32 $1.000000000e+00, v13  }
0x292: {  	vm6 =	vle.f32 v20, $0.0e+00;
	vm7 =	vlt.s32 v21, v23;
	vm8 =	vgt.f32 v22, $1.000000010e-01  }
0x293: {  	v20 =	vsel vm7, v21, v23;
	vm0 =	vmor vm8, vm6;
	v21 =	vmax.f32 v22, $1.000000010e-01  }
0x294: {  	s31 =	scvt.s32.f32 s31;
	vm1 =	veq.s32 v20, v4;
	vm9 =	veq.s32 v20, v7;
	vm10 =	veq.s32 v20, v6  }
0x295: {  	vm11 =	veq.s32 v20, v5;
	vm1 =	vmand vm1, vm0;
	vm2 =	vmand vm9, vm0  }
0x296: {  	vm3 =	vmand vm10, vm0;
	vm0 =	vmand vm11, vm0;
	v8 =	vsel vm1, s31, v8  }
0x297: {  	v17 =	vsel vm2, v21, v17;
	v13 =	vsel vm2, $0x3F800000, v13;
	v12 =	vsel vm1, v21, v12  }
0x298: {  	v16 =	vsel vm1, $0x3F800000, v16;
	v15 =	vsel vm3, v21, v15;
	v22 =	vmul.f32 $8.999999760e-01, v12  }
0x299: {  	v14 =	vsel vm0, v21, v14;
	v18 =	vsel vm0, $0x3F800000, v18;
	vm13 =	vgt.f32 v16, $5.000000000e+01  }
0x29a: {  	s25 =	simm.s32 $0x1020;
	v19 =	vsel vm3, $0x3F800000, v19;
	v20 =	vmul.f32 $8.999999760e-01, v17;
	v12 =	vsel vm13, v22, v12  }
0x29b: {  	s26 =	simm.s32 $0x9020;
	vm12 =	vgt.f32 v13, $5.000000000e+01;
	v21 =	vmul.f32 $8.999999760e-01, v15;
	v22 =	vmul.f32 $8.999999760e-01, v14;
	[tilespmem:s25+$0xFFFFFFE0] =	vst v12  }
0x29c: {  	vm14 =	vgt.f32 v19, $5.000000000e+01;
	vm15 =	vgt.f32 v18, $5.000000000e+01;
	v17 =	vsel vm12, v20, v17;
	[tilespmem:s26+$0xFFFFFFE0] =	vst v8  }
0x29d: {  	v9 =	vsel vm2, s31, v9;
	v15 =	vsel vm14, v21, v15;
	v14 =	vsel vm15, v22, v14;
	[tilespmem:s25+$0xFFFFFFF0] =	vst v17  }
0x29e: {  	v20 =	vmin.f32 v12, v17;
	v21 =	vmin.f32 v15, v14;
	[tilespmem:s26+$0xFFFFFFF0] =	vst v9  }
0x29f: {  	v11 =	vsel vm3, s31, v11;
	v20 =	vmin.f32 v20, v21;
	[tilespmem:s25+$0x0] =	vst v15  }
0x2a0: {  	s30 =	simm.s32 $0x2;
	s29 =	simm.s32 $0x9020;
	s28 =	simm.s32 $0x1;
	v10 =	vsel vm0, s31, v10;
	v21 =	vperm.xlane v20, v0;
	[tilespmem:s26+$0x0] =	vst v11  }
.LBB2_13:
0x2a1: {  	p0 =	sne.s32 s30, $0x1FF;
	[tilespmem:s25+$0x10] =	vst v14;
	s25 =	sadd.s32 $0x40, s25;
	s26 =	sadd.s32 $0x40, s26  }
0x2a2: {  	s0 =	smov.u32 s30;
	s30 =	sadd.s32 $0x1, s30;
	v20 =	vmin.f32 v20, v21;
	[tilespmem:s29+$0x10] =	vst v10;
	s29 =	smov.u32 s26  }
0x2a3: {  	v21 =	vperm.xlane v20, v1;
	_ =	sdelay $0x1  }
0x2a4: {  	v20 =	vmin.f32 v20, v21  }
0x2a5: {  	v21 =	vperm.xlane v20, v2;
	_ =	sdelay $0x1  }
0x2a6: {  	v20 =	vmin.f32 v20, v21  }
0x2a7: {  	v21 =	vperm.xlane v20, v3;
	_ =	sdelay $0x1  }
0x2a8: {  	v20 =	vmin.f32 v20, v21  }
0x2a9: {  	vm1 =	veq.f32 v15, v20;
	vm2 =	veq.f32 v14, v20;
	vm0 =	vle.f32 v20, $0.0e+00  }
0x2aa: {  	v21 =	vnsel vm2, $0x40, v5  }
0x2ab: {  	vm2 =	veq.f32 v17, v20;
	v21 =	vsel vm1, v6, v21  }
0x2ac: {  	vm1 =	veq.f32 v12, v20;
	v20 =	vsel vm2, v7, v21  }
0x2ad: {  	v20 =	vsel vm1, v4, v20  }
0x2ae: {  	v21 =	vperm.xlane v20, v0;
	_ =	sdelay $0x1  }
0x2af: {  	vm1 =	vlt.s32 v20, v21  }
0x2b0: {  	v20 =	vsel vm1, v20, v21  }
0x2b1: {  	v21 =	vperm.xlane v20, v1  }
0x2b2: {  	s1 =	sadd.s32 $0xA00, s28  }
0x2b3: {  	s31 =	sand.u32 $0xBF0, s1;
	vm1 =	vlt.s32 v20, v21  }
0x2b4: {  	v22 =	vld [tilespmem:s31+$0x0];
	v20 =	vsel vm1, v20, v21  }
0x2b5: {  	v21 =	vperm.xlane v20, v2;
	_ =	sdelay $0x1  }
0x2b6: {  	vm1 =	vlt.s32 v20, v21  }
0x2b7: {  	v23 =	vmov s28;
	s28 =	smov.u32 s0;
	v20 =	vsel vm1, v20, v21  }
0x2b8: {  	v19 =	vadd.f32 $1.000000000e+00, v19;
	v21 =	vperm.xlane v22, v23;
	v22 =	vperm.xlane v20, v3  }
0x2b9: {  	v16 =	vadd.f32 $1.000000000e+00, v16;
	v18 =	vadd.f32 $1.000000000e+00, v18  }
0x2ba: {  	v13 =	vadd.f32 $1.000000000e+00, v13;
	vm1 =	vlt.s32 v20, v22;
	vm2 =	vgt.f32 v21, $1.000000010e-01  }
0x2bb: {  	v21 =	vmax.f32 v21, $1.000000010e-01;
	v20 =	vsel vm1, v20, v22;
	vm1 =	vmor vm2, vm0  }
0x2bc: {  	s0 =	scvt.s32.f32 s1;
	vm0 =	veq.s32 v20, v4;
	vm2 =	veq.s32 v20, v7;
	vm3 =	veq.s32 v20, v6  }
0x2bd: {  	vm4 =	vmand vm0, vm1;
	vm0 =	vmand vm2, vm1;
	vm2 =	veq.s32 v20, v5  }
0x2be: {  	v8 =	vsel vm4, s0, v8;
	v17 =	vsel vm0, v21, v17;
	v13 =	vsel vm0, $0x3F800000, v13  }
0x2bf: {  	v12 =	vsel vm4, v21, v12;
	v16 =	vsel vm4, $0x3F800000, v16;
	v20 =	vmul.f32 $8.999999760e-01, v17  }
0x2c0: {  	vm3 =	vmand vm3, vm1;
	v22 =	vmul.f32 $8.999999760e-01, v12;
	vm4 =	vgt.f32 v13, $5.000000000e+01  }
0x2c1: {  	v15 =	vsel vm3, v21, v15;
	vm1 =	vmand vm2, vm1;
	vm5 =	vgt.f32 v16, $5.000000000e+01  }
0x2c2: {  	v14 =	vsel vm1, v21, v14;
	v18 =	vsel vm1, $0x3F800000, v18;
	v12 =	vsel vm5, v22, v12  }
0x2c3: {  	v19 =	vsel vm3, $0x3F800000, v19;
	v21 =	vmul.f32 $8.999999760e-01, v15;
	v22 =	vmul.f32 $8.999999760e-01, v14;
	[tilespmem:s25+$0xFFFFFFE0] =	vst v12  }
.Ltmp6:
0x2c4: {  	vm2 =	vgt.f32 v19, $5.000000000e+01;
	v17 =	vsel vm4, v20, v17;
	vm4 =	vgt.f32 v18, $5.000000000e+01;
	[tilespmem:s26+$0xFFFFFFE0] =	vst v8;
	(pc) =	sbr.rel @p0 .LBB2_13-.Ltmp6, $4  }
0x2c5: {  	v9 =	vsel vm0, s0, v9;
	v15 =	vsel vm2, v21, v15;
	v14 =	vsel vm4, v22, v14;
	[tilespmem:s25+$0xFFFFFFF0] =	vst v17  }
0x2c6: {  	v10 =	vsel vm1, s0, v10;
	v20 =	vmin.f32 v12, v17;
	v21 =	vmin.f32 v15, v14;
	[tilespmem:s26+$0xFFFFFFF0] =	vst v9  }
0x2c7: {  	v11 =	vsel vm3, s0, v11;
	v20 =	vmin.f32 v20, v21;
	[tilespmem:s25+$0x0] =	vst v15  }
0x2c8: {  	v21 =	vperm.xlane v20, v0;
	[tilespmem:s26+$0x0] =	vst v11  }
0x2c9: {  	_ = 	snop  }
0x2ca: {  	v20 =	vmin.f32 v20, v21  }
0x2cb: {  	v21 =	vperm.xlane v20, v1;
	_ =	sdelay $0x1  }
0x2cc: {  	v20 =	vmin.f32 v20, v21  }
0x2cd: {  	v21 =	vperm.xlane v20, v2;
	_ =	sdelay $0x1  }
0x2ce: {  	v20 =	vmin.f32 v20, v21  }
0x2cf: {  	v21 =	vperm.xlane v20, v3;
	_ =	sdelay $0x1  }
0x2d0: {  	v20 =	vmin.f32 v20, v21  }
0x2d1: {  	vm0 =	veq.f32 v14, v20  }
0x2d2: {  	vm1 =	veq.f32 v15, v20;
	v21 =	vnsel vm0, $0x40, v5  }
0x2d3: {  	vm10 =	veq.f32 v17, v20;
	v21 =	vsel vm1, v6, v21  }
0x2d4: {  	vm11 =	veq.f32 v12, v20;
	v21 =	vsel vm10, v7, v21  }
0x2d5: {  	v21 =	vsel vm11, v4, v21  }
0x2d6: {  	v22 =	vperm.xlane v21, v0;
	_ =	sdelay $0x1  }
0x2d7: {  	vm12 =	vlt.s32 v21, v22  }
0x2d8: {  	v21 =	vsel vm12, v21, v22  }
0x2d9: {  	v22 =	vperm.xlane v21, v1;
	_ =	sdelay $0x1  }
0x2da: {  	[tilespmem:s25+$0x10] =	vst v14;
	s0 =	sadd.s32 $0xA00, s28;
	vm0 =	vlt.s32 v21, v22  }
0x2db: {  	[tilespmem:s29+$0x10] =	vst v10;
	s1 =	sand.u32 $0xBF0, s0;
	v21 =	vsel vm0, v21, v22  }
0x2dc: {  	v22 =	vld [tilespmem:s1+$0x0];
	v23 =	vperm.xlane v21, v2;
	_ =	sdelay $0x1  }
0x2dd: {  	vm0 =	vlt.s32 v21, v23  }
0x2de: {  	v21 =	vsel vm0, v21, v23  }
0x2df: {  	v23 =	vmov s28;
	v24 =	vperm.xlane v21, v3  }
0x2e0: {  	v19 =	vadd.f32 $1.000000000e+00, v19;
	vm13 =	vle.f32 v20, $0.0e+00;
	v20 =	vperm.xlane v22, v23  }
0x2e1: {  	v16 =	vadd.f32 $1.000000000e+00, v16;
	v18 =	vadd.f32 $1.000000000e+00, v18;
	vm14 =	vlt.s32 v21, v24  }
0x2e2: {  	v13 =	vadd.f32 $1.000000000e+00, v13;
	vm2 =	vgt.f32 v20, $1.000000010e-01;
	v21 =	vsel vm14, v21, v24  }
0x2e3: {  	v20 =	vmax.f32 v20, $1.000000010e-01;
	vm15 =	vmor vm2, vm13;
	vm9 =	veq.s32 v21, v7  }
0x2e4: {  	vm10 =	veq.s32 v21, v4;
	vm3 =	veq.s32 v21, v6;
	vm4 =	veq.s32 v21, v5  }
0x2e5: {  	vm0 =	vmand vm9, vm15;
	vm2 =	vmand vm10, vm15;
	vm3 =	vmand vm3, vm15  }
0x2e6: {  	vm1 =	vmand vm4, vm15;
	v17 =	vsel vm0, v20, v17;
	v13 =	vsel vm0, $0x3F800000, v13  }
0x2e7: {  	v12 =	vsel vm2, v20, v12;
	v16 =	vsel vm2, $0x3F800000, v16;
	v15 =	vsel vm3, v20, v15  }
0x2e8: {  	v14 =	vsel vm1, v20, v14;
	v18 =	vsel vm1, $0x3F800000, v18;
	v19 =	vsel vm3, $0x3F800000, v19  }
0x2e9: {  	v21 =	vmul.f32 $8.999999760e-01, v17;
	v22 =	vmul.f32 $8.999999760e-01, v12;
	vm5 =	vgt.f32 v13, $5.000000000e+01  }
0x2ea: {  	vm6 =	vgt.f32 v16, $5.000000000e+01;
	v20 =	vmul.f32 $8.999999760e-01, v15;
	v23 =	vmul.f32 $8.999999760e-01, v14  }
0x2eb: {  	vm11 =	vgt.f32 v19, $5.000000000e+01;
	vm12 =	vgt.f32 v18, $5.000000000e+01;
	v12 =	vsel vm6, v22, v12  }
0x2ec: {  	v17 =	vsel vm5, v21, v17;
	v15 =	vsel vm11, v20, v15;
	v14 =	vsel vm12, v23, v14  }
0x2ed: {  	v20 =	vmin.f32 v12, v17;
	v21 =	vmin.f32 v15, v14  }
0x2ee: {  	v20 =	vmin.f32 v20, v21  }
0x2ef: {  	v21 =	vperm.xlane v20, v0;
	_ =	sdelay $0x1  }
0x2f0: {  	v20 =	vmin.f32 v20, v21  }
0x2f1: {  	v21 =	vperm.xlane v20, v1;
	_ =	sdelay $0x1  }
0x2f2: {  	v20 =	vmin.f32 v20, v21  }
0x2f3: {  	s0 =	scvt.s32.f32 s0;
	v21 =	vperm.xlane v20, v2  }
0x2f4: {  	s25 =	sadd.s32 $0x40, s25  }
0x2f5: {  	s31 =	sadd.s32 $0x40, s26;
	v8 =	vsel vm2, s0, v8;
	[tilespmem:s25+$0xFFFFFFE0] =	vst v12;
	v20 =	vmin.f32 v20, v21  }
0x2f6: {  	[tilespmem:s31+$0xFFFFFFE0] =	vst v8;
	v21 =	vperm.xlane v20, v3  }
0x2f7: {  	v9 =	vsel vm0, s0, v9;
	[tilespmem:s25+$0xFFFFFFF0] =	vst v17  }
0x2f8: {  	[tilespmem:s31+$0xFFFFFFF0] =	vst v9;
	v20 =	vmin.f32 v20, v21  }
0x2f9: {  	v11 =	vsel vm3, s0, v11;
	[tilespmem:s25+$0x0] =	vst v15;
	vm13 =	veq.f32 v14, v20  }
0x2fa: {  	[tilespmem:s31+$0x0] =	vst v11;
	vm14 =	veq.f32 v15, v20;
	v21 =	vnsel vm13, $0x40, v5  }
0x2fb: {  	v10 =	vsel vm1, s0, v10;
	[tilespmem:s25+$0x10] =	vst v14;
	vm15 =	veq.f32 v17, v20;
	v21 =	vsel vm14, v6, v21  }
0x2fc: {  	s1 =	simm.s32 $0x0;
	[tilespmem:s31+$0x10] =	vst v10;
	vm4 =	veq.f32 v12, v20;
	v21 =	vsel vm15, v7, v21  }
0x2fd: {  	[hbm4b:s15+s1] =	stream.linear.scatter [tilespmem:s22], [sflag:$0x1], $0x8000, $0x38;
	v21 =	vsel vm4, v4, v21;
	[tilespmem:$0x11000] =	vst v63  }
0x2fe: {  	_ =	swait.ge [sflag:s21], $0x8000;
	v22 =	vperm.xlane v21, v0  }
0x2ff: {  	[sflag:s21] =	ssyncset.done $0x0  }
0x300: {  	[sflag:s21] =	ssyncadd.s32 $0xFFFF8000;
	vm5 =	vlt.s32 v21, v22  }
0x301: {  	[hbm4b:s16+s1] =	stream.linear.scatter [tilespmem:s23], [sflag:$0x1], $0x8000, $0x38;
	v21 =	vsel vm5, v21, v22;
	[tilespmem:$0x11000] =	vst v63  }
0x302: {  	_ =	swait.ge [sflag:s21], $0x8000;
	v22 =	vperm.xlane v21, v1  }
0x303: {  	s31 =	simm.s32 $0xC00;
	[sflag:s21] =	ssyncset.done $0x0  }
0x304: {  	s26 =	sand.u32 $0xDF0, s31;
	[sflag:s21] =	ssyncadd.s32 $0xFFFF8000;
	vm0 =	vlt.s32 v21, v22  }
0x305: {  	v23 =	vld [tilespmem:s26+$0x0];
	v21 =	vsel vm0, v21, v22  }
0x306: {  	v22 =	vperm.xlane v21, v2;
	_ =	sdelay $0x1  }
0x307: {  	vm0 =	vlt.s32 v21, v22  }
0x308: {  	v19 =	vadd.f32 $1.000000000e+00, v19;
	v21 =	vsel vm0, v21, v22;
	v22 =	vmov s1  }
0x309: {  	v16 =	vadd.f32 $1.000000000e+00, v16;
	v22 =	vperm.xlane v23, v22;
	v23 =	vperm.xlane v21, v3  }
0x30a: {  	v18 =	vadd.f32 $1.000000000e+00, v18;
	v13 =	vadd.f32 $1.000000000e+00, v13  }
0x30b: {  	vm6 =	vle.f32 v20, $0.0e+00;
	vm7 =	vlt.s32 v21, v23;
	vm8 =	vgt.f32 v22, $1.000000010e-01  }
0x30c: {  	v20 =	vsel vm7, v21, v23;
	vm0 =	vmor vm8, vm6;
	v21 =	vmax.f32 v22, $1.000000010e-01  }
0x30d: {  	s31 =	scvt.s32.f32 s31;
	vm1 =	veq.s32 v20, v4;
	vm9 =	veq.s32 v20, v7;
	vm10 =	veq.s32 v20, v6  }
0x30e: {  	vm11 =	veq.s32 v20, v5;
	vm1 =	vmand vm1, vm0;
	vm2 =	vmand vm9, vm0  }
0x30f: {  	vm3 =	vmand vm10, vm0;
	vm0 =	vmand vm11, vm0;
	v8 =	vsel vm1, s31, v8  }
0x310: {  	v17 =	vsel vm2, v21, v17;
	v13 =	vsel vm2, $0x3F800000, v13;
	v12 =	vsel vm1, v21, v12  }
0x311: {  	v16 =	vsel vm1, $0x3F800000, v16;
	v15 =	vsel vm3, v21, v15;
	v22 =	vmul.f32 $8.999999760e-01, v12  }
0x312: {  	v14 =	vsel vm0, v21, v14;
	v18 =	vsel vm0, $0x3F800000, v18;
	vm13 =	vgt.f32 v16, $5.000000000e+01  }
0x313: {  	s25 =	simm.s32 $0x1020;
	v19 =	vsel vm3, $0x3F800000, v19;
	v20 =	vmul.f32 $8.999999760e-01, v17;
	v12 =	vsel vm13, v22, v12  }
0x314: {  	s26 =	simm.s32 $0x9020;
	vm12 =	vgt.f32 v13, $5.000000000e+01;
	v21 =	vmul.f32 $8.999999760e-01, v15;
	v22 =	vmul.f32 $8.999999760e-01, v14;
	[tilespmem:s25+$0xFFFFFFE0] =	vst v12  }
0x315: {  	vm14 =	vgt.f32 v19, $5.000000000e+01;
	vm15 =	vgt.f32 v18, $5.000000000e+01;
	v17 =	vsel vm12, v20, v17;
	[tilespmem:s26+$0xFFFFFFE0] =	vst v8  }
0x316: {  	v9 =	vsel vm2, s31, v9;
	v15 =	vsel vm14, v21, v15;
	v14 =	vsel vm15, v22, v14;
	[tilespmem:s25+$0xFFFFFFF0] =	vst v17  }
0x317: {  	v20 =	vmin.f32 v12, v17;
	v21 =	vmin.f32 v15, v14;
	[tilespmem:s26+$0xFFFFFFF0] =	vst v9  }
0x318: {  	v11 =	vsel vm3, s31, v11;
	v20 =	vmin.f32 v20, v21;
	[tilespmem:s25+$0x0] =	vst v15  }
0x319: {  	s30 =	simm.s32 $0x2;
	s29 =	simm.s32 $0x9020;
	s28 =	simm.s32 $0x1;
	v10 =	vsel vm0, s31, v10;
	v21 =	vperm.xlane v20, v0;
	[tilespmem:s26+$0x0] =	vst v11  }
.LBB2_15:
0x31a: {  	p0 =	sne.s32 s30, $0x1FF;
	[tilespmem:s25+$0x10] =	vst v14;
	s25 =	sadd.s32 $0x40, s25;
	s26 =	sadd.s32 $0x40, s26  }
0x31b: {  	s0 =	smov.u32 s30;
	s30 =	sadd.s32 $0x1, s30;
	v20 =	vmin.f32 v20, v21;
	[tilespmem:s29+$0x10] =	vst v10;
	s29 =	smov.u32 s26  }
0x31c: {  	v21 =	vperm.xlane v20, v1;
	_ =	sdelay $0x1  }
0x31d: {  	v20 =	vmin.f32 v20, v21  }
0x31e: {  	v21 =	vperm.xlane v20, v2;
	_ =	sdelay $0x1  }
0x31f: {  	v20 =	vmin.f32 v20, v21  }
0x320: {  	v21 =	vperm.xlane v20, v3;
	_ =	sdelay $0x1  }
0x321: {  	v20 =	vmin.f32 v20, v21  }
0x322: {  	vm1 =	veq.f32 v15, v20;
	vm2 =	veq.f32 v14, v20;
	vm0 =	vle.f32 v20, $0.0e+00  }
0x323: {  	v21 =	vnsel vm2, $0x40, v5  }
0x324: {  	vm2 =	veq.f32 v17, v20;
	v21 =	vsel vm1, v6, v21  }
0x325: {  	vm1 =	veq.f32 v12, v20;
	v20 =	vsel vm2, v7, v21  }
0x326: {  	v20 =	vsel vm1, v4, v20  }
0x327: {  	v21 =	vperm.xlane v20, v0;
	_ =	sdelay $0x1  }
0x328: {  	vm1 =	vlt.s32 v20, v21  }
0x329: {  	v20 =	vsel vm1, v20, v21  }
0x32a: {  	v21 =	vperm.xlane v20, v1  }
0x32b: {  	s1 =	sadd.s32 $0xC00, s28  }
0x32c: {  	s31 =	sand.u32 $0xDF0, s1;
	vm1 =	vlt.s32 v20, v21  }
0x32d: {  	v22 =	vld [tilespmem:s31+$0x0];
	v20 =	vsel vm1, v20, v21  }
0x32e: {  	v21 =	vperm.xlane v20, v2;
	_ =	sdelay $0x1  }
0x32f: {  	vm1 =	vlt.s32 v20, v21  }
0x330: {  	v23 =	vmov s28;
	s28 =	smov.u32 s0;
	v20 =	vsel vm1, v20, v21  }
0x331: {  	v19 =	vadd.f32 $1.000000000e+00, v19;
	v21 =	vperm.xlane v22, v23;
	v22 =	vperm.xlane v20, v3  }
0x332: {  	v16 =	vadd.f32 $1.000000000e+00, v16;
	v18 =	vadd.f32 $1.000000000e+00, v18  }
0x333: {  	v13 =	vadd.f32 $1.000000000e+00, v13;
	vm1 =	vlt.s32 v20, v22;
	vm2 =	vgt.f32 v21, $1.000000010e-01  }
0x334: {  	v21 =	vmax.f32 v21, $1.000000010e-01;
	v20 =	vsel vm1, v20, v22;
	vm1 =	vmor vm2, vm0  }
0x335: {  	s0 =	scvt.s32.f32 s1;
	vm0 =	veq.s32 v20, v4;
	vm2 =	veq.s32 v20, v7;
	vm3 =	veq.s32 v20, v6  }
0x336: {  	vm4 =	vmand vm0, vm1;
	vm0 =	vmand vm2, vm1;
	vm2 =	veq.s32 v20, v5  }
0x337: {  	v8 =	vsel vm4, s0, v8;
	v17 =	vsel vm0, v21, v17;
	v13 =	vsel vm0, $0x3F800000, v13  }
0x338: {  	v12 =	vsel vm4, v21, v12;
	v16 =	vsel vm4, $0x3F800000, v16;
	v20 =	vmul.f32 $8.999999760e-01, v17  }
0x339: {  	vm3 =	vmand vm3, vm1;
	v22 =	vmul.f32 $8.999999760e-01, v12;
	vm4 =	vgt.f32 v13, $5.000000000e+01  }
0x33a: {  	v15 =	vsel vm3, v21, v15;
	vm1 =	vmand vm2, vm1;
	vm5 =	vgt.f32 v16, $5.000000000e+01  }
0x33b: {  	v14 =	vsel vm1, v21, v14;
	v18 =	vsel vm1, $0x3F800000, v18;
	v12 =	vsel vm5, v22, v12  }
0x33c: {  	v19 =	vsel vm3, $0x3F800000, v19;
	v21 =	vmul.f32 $8.999999760e-01, v15;
	v22 =	vmul.f32 $8.999999760e-01, v14;
	[tilespmem:s25+$0xFFFFFFE0] =	vst v12  }
.Ltmp7:
0x33d: {  	vm2 =	vgt.f32 v19, $5.000000000e+01;
	v17 =	vsel vm4, v20, v17;
	vm4 =	vgt.f32 v18, $5.000000000e+01;
	[tilespmem:s26+$0xFFFFFFE0] =	vst v8;
	(pc) =	sbr.rel @p0 .LBB2_15-.Ltmp7, $4  }
0x33e: {  	v9 =	vsel vm0, s0, v9;
	v15 =	vsel vm2, v21, v15;
	v14 =	vsel vm4, v22, v14;
	[tilespmem:s25+$0xFFFFFFF0] =	vst v17  }
0x33f: {  	v10 =	vsel vm1, s0, v10;
	v20 =	vmin.f32 v12, v17;
	v21 =	vmin.f32 v15, v14;
	[tilespmem:s26+$0xFFFFFFF0] =	vst v9  }
0x340: {  	v11 =	vsel vm3, s0, v11;
	v20 =	vmin.f32 v20, v21;
	[tilespmem:s25+$0x0] =	vst v15  }
0x341: {  	v21 =	vperm.xlane v20, v0;
	[tilespmem:s26+$0x0] =	vst v11  }
0x342: {  	_ = 	snop  }
0x343: {  	v20 =	vmin.f32 v20, v21  }
0x344: {  	v21 =	vperm.xlane v20, v1;
	_ =	sdelay $0x1  }
0x345: {  	v20 =	vmin.f32 v20, v21  }
0x346: {  	v21 =	vperm.xlane v20, v2;
	_ =	sdelay $0x1  }
0x347: {  	v20 =	vmin.f32 v20, v21  }
0x348: {  	v21 =	vperm.xlane v20, v3;
	_ =	sdelay $0x1  }
0x349: {  	v20 =	vmin.f32 v20, v21  }
0x34a: {  	vm0 =	veq.f32 v14, v20  }
0x34b: {  	vm1 =	veq.f32 v15, v20;
	v21 =	vnsel vm0, $0x40, v5  }
0x34c: {  	vm10 =	veq.f32 v17, v20;
	v21 =	vsel vm1, v6, v21  }
0x34d: {  	vm11 =	veq.f32 v12, v20;
	v21 =	vsel vm10, v7, v21  }
0x34e: {  	v21 =	vsel vm11, v4, v21  }
0x34f: {  	v22 =	vperm.xlane v21, v0;
	_ =	sdelay $0x1  }
0x350: {  	vm12 =	vlt.s32 v21, v22  }
0x351: {  	v21 =	vsel vm12, v21, v22  }
0x352: {  	v22 =	vperm.xlane v21, v1;
	_ =	sdelay $0x1  }
0x353: {  	[tilespmem:s25+$0x10] =	vst v14;
	s0 =	sadd.s32 $0xC00, s28;
	vm0 =	vlt.s32 v21, v22  }
0x354: {  	[tilespmem:s29+$0x10] =	vst v10;
	s1 =	sand.u32 $0xDF0, s0;
	v21 =	vsel vm0, v21, v22  }
0x355: {  	v22 =	vld [tilespmem:s1+$0x0];
	v23 =	vperm.xlane v21, v2;
	_ =	sdelay $0x1  }
0x356: {  	vm0 =	vlt.s32 v21, v23  }
0x357: {  	v21 =	vsel vm0, v21, v23  }
0x358: {  	v23 =	vmov s28;
	v24 =	vperm.xlane v21, v3  }
0x359: {  	v19 =	vadd.f32 $1.000000000e+00, v19;
	vm13 =	vle.f32 v20, $0.0e+00;
	v20 =	vperm.xlane v22, v23  }
0x35a: {  	v16 =	vadd.f32 $1.000000000e+00, v16;
	v18 =	vadd.f32 $1.000000000e+00, v18;
	vm14 =	vlt.s32 v21, v24  }
0x35b: {  	v13 =	vadd.f32 $1.000000000e+00, v13;
	vm2 =	vgt.f32 v20, $1.000000010e-01;
	v21 =	vsel vm14, v21, v24  }
0x35c: {  	v20 =	vmax.f32 v20, $1.000000010e-01;
	vm15 =	vmor vm2, vm13;
	vm9 =	veq.s32 v21, v7  }
0x35d: {  	vm10 =	veq.s32 v21, v4;
	vm3 =	veq.s32 v21, v6;
	vm4 =	veq.s32 v21, v5  }
0x35e: {  	vm0 =	vmand vm9, vm15;
	vm2 =	vmand vm10, vm15;
	vm3 =	vmand vm3, vm15  }
0x35f: {  	vm1 =	vmand vm4, vm15;
	v17 =	vsel vm0, v20, v17;
	v13 =	vsel vm0, $0x3F800000, v13  }
0x360: {  	v12 =	vsel vm2, v20, v12;
	v16 =	vsel vm2, $0x3F800000, v16;
	v15 =	vsel vm3, v20, v15  }
0x361: {  	v14 =	vsel vm1, v20, v14;
	v18 =	vsel vm1, $0x3F800000, v18;
	v19 =	vsel vm3, $0x3F800000, v19  }
0x362: {  	v21 =	vmul.f32 $8.999999760e-01, v17;
	v22 =	vmul.f32 $8.999999760e-01, v12;
	vm5 =	vgt.f32 v13, $5.000000000e+01  }
0x363: {  	vm6 =	vgt.f32 v16, $5.000000000e+01;
	v20 =	vmul.f32 $8.999999760e-01, v15;
	v23 =	vmul.f32 $8.999999760e-01, v14  }
0x364: {  	vm11 =	vgt.f32 v19, $5.000000000e+01;
	vm12 =	vgt.f32 v18, $5.000000000e+01;
	v12 =	vsel vm6, v22, v12  }
0x365: {  	v17 =	vsel vm5, v21, v17;
	v15 =	vsel vm11, v20, v15;
	v20 =	vsel vm12, v23, v14  }
0x366: {  	v14 =	vmin.f32 v12, v17;
	v21 =	vmin.f32 v15, v20  }
0x367: {  	v14 =	vmin.f32 v14, v21  }
0x368: {  	v21 =	vperm.xlane v14, v0;
	_ =	sdelay $0x1  }
0x369: {  	v14 =	vmin.f32 v14, v21  }
0x36a: {  	v21 =	vperm.xlane v14, v1;
	_ =	sdelay $0x1  }
0x36b: {  	v14 =	vmin.f32 v14, v21  }
0x36c: {  	s0 =	scvt.s32.f32 s0;
	v21 =	vperm.xlane v14, v2  }
0x36d: {  	s25 =	sadd.s32 $0x40, s25  }
0x36e: {  	s31 =	sadd.s32 $0x40, s26;
	v8 =	vsel vm2, s0, v8;
	[tilespmem:s25+$0xFFFFFFE0] =	vst v12;
	v14 =	vmin.f32 v14, v21  }
0x36f: {  	[tilespmem:s31+$0xFFFFFFE0] =	vst v8;
	v21 =	vperm.xlane v14, v3  }
0x370: {  	v9 =	vsel vm0, s0, v9;
	[tilespmem:s25+$0xFFFFFFF0] =	vst v17  }
0x371: {  	[tilespmem:s31+$0xFFFFFFF0] =	vst v9;
	v14 =	vmin.f32 v14, v21  }
0x372: {  	v11 =	vsel vm3, s0, v11;
	[tilespmem:s25+$0x0] =	vst v15;
	vm13 =	veq.f32 v20, v14  }
0x373: {  	[tilespmem:s31+$0x0] =	vst v11;
	vm14 =	veq.f32 v15, v14;
	v21 =	vnsel vm13, $0x40, v5  }
0x374: {  	v10 =	vsel vm1, s0, v10;
	[tilespmem:s25+$0x10] =	vst v20;
	vm15 =	veq.f32 v17, v14;
	v21 =	vsel vm14, v6, v21  }
0x375: {  	s1 =	simm.s32 $0x0;
	[tilespmem:s31+$0x10] =	vst v10;
	vm4 =	veq.f32 v12, v14;
	v21 =	vsel vm15, v7, v21  }
0x376: {  	[hbm4b:s17+s1] =	stream.linear.scatter [tilespmem:s22], [sflag:$0x1], $0x8000, $0x38;
	v21 =	vsel vm4, v4, v21;
	[tilespmem:$0x11000] =	vst v63  }
0x377: {  	_ =	swait.ge [sflag:s21], $0x8000;
	v22 =	vperm.xlane v21, v0  }
0x378: {  	[sflag:s21] =	ssyncset.done $0x0  }
0x379: {  	[sflag:s21] =	ssyncadd.s32 $0xFFFF8000;
	vm5 =	vlt.s32 v21, v22  }
0x37a: {  	[hbm4b:s18+s1] =	stream.linear.scatter [tilespmem:s23], [sflag:$0x1], $0x8000, $0x38;
	v21 =	vsel vm5, v21, v22;
	[tilespmem:$0x11000] =	vst v63  }
0x37b: {  	_ =	swait.ge [sflag:s21], $0x8000;
	v22 =	vperm.xlane v21, v1  }
0x37c: {  	s31 =	simm.s32 $0xE00;
	[sflag:s21] =	ssyncset.done $0x0  }
0x37d: {  	s26 =	sand.u32 $0xFF0, s31;
	[sflag:s21] =	ssyncadd.s32 $0xFFFF8000;
	vm0 =	vlt.s32 v21, v22  }
0x37e: {  	v23 =	vld [tilespmem:s26+$0x0];
	v21 =	vsel vm0, v21, v22  }
0x37f: {  	v22 =	vperm.xlane v21, v2;
	_ =	sdelay $0x1  }
0x380: {  	vm0 =	vlt.s32 v21, v22  }
0x381: {  	v19 =	vadd.f32 $1.000000000e+00, v19;
	v21 =	vsel vm0, v21, v22;
	v22 =	vmov s1  }
0x382: {  	v16 =	vadd.f32 $1.000000000e+00, v16;
	v22 =	vperm.xlane v23, v22;
	v23 =	vperm.xlane v21, v3  }
0x383: {  	v18 =	vadd.f32 $1.000000000e+00, v18;
	v13 =	vadd.f32 $1.000000000e+00, v13  }
0x384: {  	vm6 =	vle.f32 v14, $0.0e+00;
	vm7 =	vlt.s32 v21, v23;
	vm8 =	vgt.f32 v22, $1.000000010e-01  }
0x385: {  	v14 =	vsel vm7, v21, v23;
	vm0 =	vmor vm8, vm6;
	v21 =	vmax.f32 v22, $1.000000010e-01  }
0x386: {  	s31 =	scvt.s32.f32 s31;
	vm1 =	veq.s32 v14, v4;
	vm9 =	veq.s32 v14, v7;
	vm10 =	veq.s32 v14, v6  }
0x387: {  	vm11 =	veq.s32 v14, v5;
	vm1 =	vmand vm1, vm0;
	vm2 =	vmand vm9, vm0  }
0x388: {  	vm3 =	vmand vm10, vm0;
	vm0 =	vmand vm11, vm0;
	v8 =	vsel vm1, s31, v8  }
0x389: {  	v22 =	vsel vm2, v21, v17;
	v14 =	vsel vm2, $0x3F800000, v13;
	v12 =	vsel vm1, v21, v12  }
0x38a: {  	v17 =	vsel vm1, $0x3F800000, v16;
	v15 =	vsel vm3, v21, v15;
	v13 =	vmul.f32 $8.999999760e-01, v12  }
0x38b: {  	v18 =	vsel vm0, $0x3F800000, v18;
	v19 =	vsel vm3, $0x3F800000, v19;
	vm13 =	vgt.f32 v17, $5.000000000e+01  }
0x38c: {  	s25 =	simm.s32 $0x1020;
	v16 =	vmul.f32 $8.999999760e-01, v22;
	v13 =	vsel vm13, v13, v12;
	v12 =	vsel vm0, v21, v20  }
0x38d: {  	s26 =	simm.s32 $0x9020;
	vm12 =	vgt.f32 v14, $5.000000000e+01;
	v20 =	vmul.f32 $8.999999760e-01, v15;
	[tilespmem:s25+$0xFFFFFFE0] =	vst v13;
	v21 =	vmul.f32 $8.999999760e-01, v12  }
0x38e: {  	vm14 =	vgt.f32 v19, $5.000000000e+01;
	vm15 =	vgt.f32 v18, $5.000000000e+01;
	v16 =	vsel vm12, v16, v22;
	[tilespmem:s26+$0xFFFFFFE0] =	vst v8  }
0x38f: {  	v9 =	vsel vm2, s31, v9;
	v15 =	vsel vm14, v20, v15;
	[tilespmem:s25+$0xFFFFFFF0] =	vst v16;
	v12 =	vsel vm15, v21, v12  }
0x390: {  	v20 =	vmin.f32 v13, v16;
	v21 =	vmin.f32 v15, v12;
	[tilespmem:s26+$0xFFFFFFF0] =	vst v9  }
0x391: {  	v11 =	vsel vm3, s31, v11;
	v20 =	vmin.f32 v20, v21;
	[tilespmem:s25+$0x0] =	vst v15  }
0x392: {  	s30 =	simm.s32 $0x2;
	s29 =	simm.s32 $0x9020;
	s28 =	simm.s32 $0x1;
	v10 =	vsel vm0, s31, v10;
	v21 =	vperm.xlane v20, v0;
	[tilespmem:s26+$0x0] =	vst v11  }
.LBB2_17:
0x393: {  	p0 =	sne.s32 s30, $0x1FF;
	[tilespmem:s25+$0x10] =	vst v12;
	s25 =	sadd.s32 $0x40, s25;
	s26 =	sadd.s32 $0x40, s26  }
0x394: {  	s0 =	smov.u32 s30;
	s30 =	sadd.s32 $0x1, s30;
	v20 =	vmin.f32 v20, v21;
	[tilespmem:s29+$0x10] =	vst v10;
	s29 =	smov.u32 s26  }
0x395: {  	v21 =	vperm.xlane v20, v1;
	_ =	sdelay $0x1  }
0x396: {  	v20 =	vmin.f32 v20, v21  }
0x397: {  	v21 =	vperm.xlane v20, v2;
	_ =	sdelay $0x1  }
0x398: {  	v20 =	vmin.f32 v20, v21  }
0x399: {  	v21 =	vperm.xlane v20, v3;
	_ =	sdelay $0x1  }
0x39a: {  	v20 =	vmin.f32 v20, v21  }
0x39b: {  	vm1 =	veq.f32 v15, v20;
	vm2 =	veq.f32 v12, v20;
	vm0 =	vle.f32 v20, $0.0e+00  }
0x39c: {  	v21 =	vnsel vm2, $0x40, v5  }
0x39d: {  	vm2 =	veq.f32 v16, v20;
	v21 =	vsel vm1, v6, v21  }
0x39e: {  	vm1 =	veq.f32 v13, v20;
	v20 =	vsel vm2, v7, v21  }
0x39f: {  	v20 =	vsel vm1, v4, v20  }
0x3a0: {  	v21 =	vperm.xlane v20, v0;
	_ =	sdelay $0x1  }
0x3a1: {  	vm1 =	vlt.s32 v20, v21  }
0x3a2: {  	v20 =	vsel vm1, v20, v21  }
0x3a3: {  	v21 =	vperm.xlane v20, v1  }
0x3a4: {  	s1 =	sadd.s32 $0xE00, s28  }
0x3a5: {  	s31 =	sand.u32 $0xFF0, s1;
	vm1 =	vlt.s32 v20, v21  }
0x3a6: {  	v22 =	vld [tilespmem:s31+$0x0];
	v20 =	vsel vm1, v20, v21  }
0x3a7: {  	v21 =	vperm.xlane v20, v2;
	_ =	sdelay $0x1  }
0x3a8: {  	vm1 =	vlt.s32 v20, v21  }
0x3a9: {  	v23 =	vmov s28;
	s28 =	smov.u32 s0;
	v20 =	vsel vm1, v20, v21  }
0x3aa: {  	v19 =	vadd.f32 $1.000000000e+00, v19;
	v21 =	vperm.xlane v22, v23;
	v22 =	vperm.xlane v20, v3  }
0x3ab: {  	v17 =	vadd.f32 $1.000000000e+00, v17;
	v18 =	vadd.f32 $1.000000000e+00, v18  }
0x3ac: {  	v14 =	vadd.f32 $1.000000000e+00, v14;
	vm1 =	vlt.s32 v20, v22;
	vm2 =	vgt.f32 v21, $1.000000010e-01  }
0x3ad: {  	v21 =	vmax.f32 v21, $1.000000010e-01;
	v20 =	vsel vm1, v20, v22;
	vm1 =	vmor vm2, vm0  }
0x3ae: {  	s0 =	scvt.s32.f32 s1;
	vm0 =	veq.s32 v20, v4;
	vm2 =	veq.s32 v20, v7;
	vm3 =	veq.s32 v20, v6  }
0x3af: {  	vm4 =	vmand vm0, vm1;
	vm0 =	vmand vm2, vm1;
	vm2 =	veq.s32 v20, v5  }
0x3b0: {  	v8 =	vsel vm4, s0, v8;
	v16 =	vsel vm0, v21, v16;
	v14 =	vsel vm0, $0x3F800000, v14  }
0x3b1: {  	v13 =	vsel vm4, v21, v13;
	v17 =	vsel vm4, $0x3F800000, v17;
	v20 =	vmul.f32 $8.999999760e-01, v16  }
0x3b2: {  	vm3 =	vmand vm3, vm1;
	v22 =	vmul.f32 $8.999999760e-01, v13;
	vm4 =	vgt.f32 v14, $5.000000000e+01  }
0x3b3: {  	v15 =	vsel vm3, v21, v15;
	vm1 =	vmand vm2, vm1;
	vm5 =	vgt.f32 v17, $5.000000000e+01  }
0x3b4: {  	v12 =	vsel vm1, v21, v12;
	v18 =	vsel vm1, $0x3F800000, v18;
	v13 =	vsel vm5, v22, v13  }
0x3b5: {  	v19 =	vsel vm3, $0x3F800000, v19;
	v21 =	vmul.f32 $8.999999760e-01, v15;
	v22 =	vmul.f32 $8.999999760e-01, v12;
	[tilespmem:s25+$0xFFFFFFE0] =	vst v13  }
.Ltmp8:
0x3b6: {  	vm2 =	vgt.f32 v19, $5.000000000e+01;
	v16 =	vsel vm4, v20, v16;
	vm4 =	vgt.f32 v18, $5.000000000e+01;
	[tilespmem:s26+$0xFFFFFFE0] =	vst v8;
	(pc) =	sbr.rel @p0 .LBB2_17-.Ltmp8, $4  }
0x3b7: {  	v9 =	vsel vm0, s0, v9;
	v15 =	vsel vm2, v21, v15;
	v12 =	vsel vm4, v22, v12;
	[tilespmem:s25+$0xFFFFFFF0] =	vst v16  }
0x3b8: {  	v10 =	vsel vm1, s0, v10;
	v20 =	vmin.f32 v13, v16;
	v21 =	vmin.f32 v15, v12;
	[tilespmem:s26+$0xFFFFFFF0] =	vst v9  }
0x3b9: {  	v11 =	vsel vm3, s0, v11;
	v20 =	vmin.f32 v20, v21;
	[tilespmem:s25+$0x0] =	vst v15  }
0x3ba: {  	v21 =	vperm.xlane v20, v0;
	[tilespmem:s26+$0x0] =	vst v11  }
0x3bb: {  	_ = 	snop  }
0x3bc: {  	v20 =	vmin.f32 v20, v21  }
0x3bd: {  	v21 =	vperm.xlane v20, v1;
	_ =	sdelay $0x1  }
0x3be: {  	v20 =	vmin.f32 v20, v21  }
0x3bf: {  	v21 =	vperm.xlane v20, v2;
	_ =	sdelay $0x1  }
0x3c0: {  	v20 =	vmin.f32 v20, v21  }
0x3c1: {  	v21 =	vperm.xlane v20, v3;
	_ =	sdelay $0x1  }
0x3c2: {  	v20 =	vmin.f32 v20, v21  }
0x3c3: {  	vm0 =	veq.f32 v12, v20  }
0x3c4: {  	vm1 =	veq.f32 v15, v20;
	v51 =	vnsel vm0, $0x40, v5  }
0x3c5: {  	vm7 =	veq.f32 v16, v20;
	v21 =	vsel vm1, v6, v51  }
0x3c6: {  	vm8 =	veq.f32 v13, v20;
	v21 =	vsel vm7, v7, v21  }
0x3c7: {  	v21 =	vsel vm8, v4, v21  }
0x3c8: {  	v22 =	vperm.xlane v21, v0;
	_ =	sdelay $0x1  }
0x3c9: {  	vm9 =	vlt.s32 v21, v22  }
0x3ca: {  	v21 =	vsel vm9, v21, v22  }
0x3cb: {  	v22 =	vperm.xlane v21, v1;
	_ =	sdelay $0x1  }
0x3cc: {  	[tilespmem:s25+$0x10] =	vst v12;
	s0 =	sadd.s32 $0xE00, s28;
	vm0 =	vlt.s32 v21, v22  }
0x3cd: {  	[tilespmem:s29+$0x10] =	vst v10;
	s1 =	sand.u32 $0xFF0, s0;
	v21 =	vsel vm0, v21, v22  }
0x3ce: {  	v52 =	vld [tilespmem:s1+$0x0];
	v23 =	vperm.xlane v21, v2;
	_ =	sdelay $0x1  }
0x3cf: {  	vm0 =	vlt.s32 v21, v23  }
0x3d0: {  	v21 =	vsel vm0, v21, v23  }
0x3d1: {  	v53 =	vmov s28;
	v24 =	vperm.xlane v21, v3  }
0x3d2: {  	v19 =	vadd.f32 $1.000000000e+00, v19;
	v17 =	vadd.f32 $1.000000000e+00, v17;
	v54 =	vperm.xlane v52, v53  }
0x3d3: {  	v18 =	vadd.f32 $1.000000000e+00, v18;
	v14 =	vadd.f32 $1.000000000e+00, v14;
	vm11 =	vlt.s32 v21, v24  }
0x3d4: {  	vm2 =	vgt.f32 v54, $1.000000010e-01;
	vm10 =	vle.f32 v20, $0.0e+00;
	v21 =	vsel vm11, v21, v24  }
0x3d5: {  	v20 =	vmax.f32 v54, $1.000000010e-01;
	vm0 =	vmor vm2, vm10;
	vm1 =	veq.s32 v21, v4  }
0x3d6: {  	vm12 =	veq.s32 v21, v7;
	vm3 =	veq.s32 v21, v6;
	vm1 =	vmand vm1, vm0  }
0x3d7: {  	s0 =	scvt.s32.f32 s0;
	vm4 =	veq.s32 v21, v5;
	vm2 =	vmand vm12, vm0;
	v55 =	vsel vm1, v20, v13  }
0x3d8: {  	vm3 =	vmand vm3, vm0;
	v17 =	vsel vm1, $0x3F800000, v17;
	v56 =	vmul.f32 $8.999999760e-01, v55  }
0x3d9: {  	v8 =	vsel vm1, s0, v8;
	v57 =	vsel vm2, v20, v16;
	vm1 =	vgt.f32 v17, $5.000000000e+01  }
0x3da: {  	s30 =	sadd.s32 $0x40, s25;
	v14 =	vsel vm2, $0x3F800000, v14;
	v58 =	vmul.f32 $8.999999760e-01, v57;
	v13 =	vsel vm1, v56, v55  }
0x3db: {  	s31 =	sadd.s32 $0x40, s26;
	vm0 =	vmand vm4, vm0;
	v59 =	vsel vm3, v20, v15;
	vm13 =	vgt.f32 v14, $5.000000000e+01;
	[tilespmem:s30+$0xFFFFFFE0] =	vst v13  }
0x3dc: {  	v60 =	vsel vm3, $0x3F800000, v19;
	v15 =	vmul.f32 $8.999999760e-01, v59;
	[tilespmem:s31+$0xFFFFFFE0] =	vst v8;
	v8 =	vsel vm13, v58, v57  }
0x3dd: {  	v61 =	vsel vm0, v20, v12;
	v9 =	vsel vm2, s0, v9;
	vm14 =	vgt.f32 v60, $5.000000000e+01;
	[tilespmem:s30+$0xFFFFFFF0] =	vst v8  }
0x3de: {  	v62 =	vmul.f32 $8.999999760e-01, v61;
	v14 =	vsel vm14, v15, v59;
	v8 =	vsel vm0, $0x3F800000, v18;
	[tilespmem:s31+$0xFFFFFFF0] =	vst v9  }
0x3df: {  	vm15 =	vgt.f32 v8, $5.000000000e+01;
	v8 =	vsel vm3, s0, v11;
	[tilespmem:s30+$0x0] =	vst v14  }
0x3e0: {  	v63 =	vsel vm15, v62, v61;
	[tilespmem:s31+$0x0] =	vst v8  }
0x3e1: {  	v8 =	vsel vm0, s0, v10;
	[tilespmem:s30+$0x10] =	vst v63  }
0x3e2: {  	[tilespmem:s31+$0x10] =	vst v8  }
0x3e3: {  	[hbm4b:s19+s2] =	stream.linear.scatter [tilespmem:s22], [sflag:$0x1], $0x8000, $0x38;
	[tilespmem:$0x11000] =	vst v63  }
0x3e4: {  	s24 =	sadd.s32 $0x1, s24;
	_ =	swait.ge [sflag:s21], $0x8000  }
0x3e5: {  	p0 =	sne.s32 s24, s6;
	[sflag:s21] =	ssyncset.done $0x0  }
.Ltmp9:
0x3e6: {  	[sflag:s21] =	ssyncadd.s32 $0xFFFF8000;
	(pc) =	sbr.rel @p0 .LBB2_2-.Ltmp9, $4  }
0x3e7: {  	[hbm4b:s20+s2] =	stream.linear.scatter [tilespmem:s23], [sflag:$0x1], $0x8000, $0x38;
	[tilespmem:$0x11000] =	vst v63  }
0x3e8: {  	_ =	swait.ge [sflag:s21], $0x8000  }
0x3e9: {  	[sflag:s21] =	ssyncset.done $0x0  }
0x3ea: {  	[sflag:s21] =	ssyncadd.s32 $0xFFFF8000  }
.LBB2_19:
0x3eb: {  	_ =	sfence.sel $0x180000  }
0x3ec: {  	[bflag:$0x0] =	sbarrier.arrive $0xFFFF  }
0x3ed: {  	_ =	strace $0x90000047  }
0x3ee: {  	s0 =	stileid.u32;
	[bflag:$0x2] =	sbarrier.arrive $0xFFFF  }
0x3ef: {  	p0 =	sne.s32 s0, $0x0;
	s0 =	rddreg [dreg:$0x1]  }
0x3f0: {  	s0 =	sadd.s32 @!p0 $0x100000, s0  }
0x3f1: {  	[sflag:s0] =	ssyncadd.tile.s32 @!p0 $0x1;
	_ =	shalt  }
.Lfunc_end2:
_tile_overlayer_lowered:
.L_overlay_start_2:
0x3f2: {  	(tag) =	ssettag $0x2  }
0x3f3: {  	s0 =	rddreg [dreg:$0x0];
	s2 =	stileid.u32  }
0x3f4: {  	s1 =	rddreg [dreg:$0x1];
	p0 =	sne.s32 s2, $0x0  }
0x3f5: {  	s3 =	rddreg [dreg:$0x2];
	[bflag:$0x3] =	sbarrier.arrive $0xFFFF;
	s2 =	simm.s32 @!p0 $0x1C01  }
0x3f6: {  	[timem:s3], [sflag:s2] =	dma.local @!p0 [hbm:s0], s1  }
0x3f7: {  	s0 =	simm.s32 @!p0 $0x1  }
0x3f8: {  	_ =	swait.ge @!p0 [sflag:s0], s1  }
0x3f9: {  	s1 =	ssub.s32 @!p0 $0x0, s1;
	[sflag:s0] =	ssyncset.done @!p0 $0x0  }
0x3fa: {  	[sflag:s0] =	ssyncadd.s32 @!p0 s1  }
0x3fb: {  	[bflag:$0x3] =	sbarrier.arrive $0xFFFF  }
0x3fc: {  	_ =	shalt  }

</sc_bundles>
